<compile_context>
chip_gen: v7x
topology: tpu7x:2x2x1
jax: 0.10.2.dev20260603
libtpu: 0.0.44.dev20260713+nightly
codegen_flags: <defaults>
</compile_context>

<pallas_src>
import functools

import jax
import jax.numpy as jnp
import numpy as np
from jax.experimental import pallas as pl
from jax.experimental.pallas import tpu as pltpu

_POINT_NUM = 32768
_F = 200000
_FT = 512
_FPAD = 200192
_NFT = _FPAD // _FT
_PBLK = 2048
_PT = 16

_U = np.uint32
_TINY = np.float32(1.1754943508222875e-38)


def _rotl(x, r):
    return jax.lax.shift_left(x, _U(r)) | jax.lax.shift_right_logical(x, _U(32 - r))


def _threefry_pre(k1, k2, x0, x1):
    ks2 = k1 ^ k2 ^ _U(0x1BD11BDA)
    rot = ((13, 15, 26, 6), (17, 29, 16, 24))
    sched = ((0, k2, ks2, 1), (1, ks2, k1, 2), (0, k1, k2, 3),
             (1, k2, ks2, 4), (0, ks2, k1, 5))
    for rsel, ka, kb, inc in sched:
        for r in rot[rsel]:
            x0 = x0 + x1
            x1 = _rotl(x1, r)
            x1 = x0 ^ x1
        x0 = x0 + ka
        x1 = x1 + (kb + _U(inc))
    return x0, x1


def _bits_to_unit(bits):
    fb = jax.lax.shift_right_logical(bits, _U(9)) | _U(0x3F800000)
    return jax.lax.bitcast_convert_type(fb, jnp.float32) - jnp.float32(1.0)


def _argmax_kernel(keys_ref, logits_ref, oidx_ref):
    b = pl.program_id(0)
    pblk = pl.program_id(1)
    k1 = keys_ref[b, 0].astype(jnp.uint32)
    k2 = keys_ref[b, 1].astype(jnp.uint32)

    f_lane = jax.lax.broadcasted_iota(jnp.int32, (_PT, _FT), 1)
    p_sub = jax.lax.broadcasted_iota(jnp.int32, (_PT, _FT), 0)
    p_cross = (1 << 32) // _F + 1

    def pg_body(pg, _):
        p_abs = pblk * _PBLK + pg * _PT + p_sub
        pf_lo = (p_abs * _F).astype(jnp.uint32)
        base0 = (p_abs >= p_cross).astype(jnp.uint32) + k1
        base0c = base0 + _U(1)
        pfl = pf_lo + f_lane.astype(jnp.uint32)

        def ft_body(ft, carry):
            runval, runft = carry
            n_lo = pfl + _U(_FT) * ft.astype(jnp.uint32)
            x0 = jnp.where(n_lo < pf_lo, base0c, base0)
            x1 = n_lo + k2
            o0, o1 = _threefry_pre(k1, k2, x0, x1)
            bits = o0 ^ o1
            u = jnp.maximum(_bits_to_unit(bits), _TINY)
            lg = logits_ref[0, 0, pl.ds(ft * _FT, _FT)].reshape(1, _FT)
            v = lg - jnp.log(-jnp.log(u))
            upd = v > runval
            return (jnp.where(upd, v, runval), jnp.where(upd, ft, runft))

        init = (jnp.full((_PT, _FT), -3.4e38, jnp.float32),
                jnp.zeros((_PT, _FT), jnp.int32))
        runval, runft = jax.lax.fori_loop(0, _NFT, ft_body, init, unroll=17)
        runidx = runft * _FT + f_lane
        rowmax = jnp.max(runval, axis=1, keepdims=True)
        masked = jnp.where(runval == rowmax, runidx, jnp.int32(0x7FFFFFFF))
        rowidx = jnp.min(masked, axis=1, keepdims=True)
        oidx_ref[0, pl.ds(pg * _PT, _PT), :] = rowidx
        return 0

    jax.lax.fori_loop(0, _PBLK // _PT, pg_body, 0)


def _categorical_argmax(keys_i32, logits_padded):
    B = logits_padded.shape[0]
    out = pl.pallas_call(
        _argmax_kernel,
        grid=(B, _POINT_NUM // _PBLK),
        in_specs=[
            pl.BlockSpec(memory_space=pltpu.SMEM),
            pl.BlockSpec((1, 1, _FPAD), lambda b, p: (b, 0, 0)),
        ],
        out_specs=pl.BlockSpec((1, _PBLK, 1), lambda b, p: (b, p, 0)),
        out_shape=jax.ShapeDtypeStruct((B, _POINT_NUM, 1), jnp.int32),
    )(keys_i32, logits_padded.reshape(B, 1, _FPAD))
    return out[:, :, 0]


def _combine_kernel(a_ref, b_ref, c_ref, w1_ref, w2_ref, w3_ref, o_ref):
    o_ref[...] = (a_ref[...] * w1_ref[...] + b_ref[...] * w2_ref[...]
                  + c_ref[...] * w3_ref[...])


def _sample_shard(vb, faces_batch, ki_data, ke1_data, ke2_data):
    B = vb.shape[0]
    ke1 = jax.random.wrap_key_data(
        jax.lax.bitcast_convert_type(ke1_data, jnp.uint32), impl="threefry2x32")
    ke2 = jax.random.wrap_key_data(
        jax.lax.bitcast_convert_type(ke2_data, jnp.uint32), impl="threefry2x32")

    def mesh_logits(vertices, faces):
        triangles = jnp.take(vertices, faces, axis=0)
        vec1 = triangles[:, 1, :] - triangles[:, 0, :]
        vec2 = triangles[:, 2, :] - triangles[:, 0, :]
        areas = jnp.linalg.norm(jnp.cross(vec1, vec2, axis=-1), axis=1) / 2.0
        return triangles, jnp.log(areas + 1e-12)

    triangles, logits = jax.vmap(mesh_logits)(vb, faces_batch)
    logits_padded = jnp.concatenate(
        [logits, jnp.full((B, _FPAD - _F), -1e30, jnp.float32)], axis=1)

    idx = _categorical_argmax(ki_data, logits_padded)

    st = jax.vmap(lambda t, i: jnp.take(t, i, axis=0))(triangles, idx)

    eps1 = jax.vmap(lambda k: jax.random.uniform(
        k, (_POINT_NUM,), dtype=jnp.float32))(ke1)
    eps2 = jax.vmap(lambda k: jax.random.uniform(
        k, (_POINT_NUM,), dtype=jnp.float32))(ke2)
    sqrt_e1 = jnp.sqrt(eps1)
    w1 = 1.0 - sqrt_e1
    w2 = (1.0 - eps2) * sqrt_e1
    w3 = eps2 * sqrt_e1

    N = B * _POINT_NUM
    a = st[:, :, 0, :].reshape(N, 3).T
    b = st[:, :, 1, :].reshape(N, 3).T
    c = st[:, :, 2, :].reshape(N, 3).T
    CH = 8192
    spec3 = pl.BlockSpec((3, CH), lambda i: (0, i))
    spec1 = pl.BlockSpec((1, CH), lambda i: (0, i))
    out = pl.pallas_call(
        _combine_kernel,
        grid=(N // CH,),
        in_specs=[spec3, spec3, spec3, spec1, spec1, spec1],
        out_specs=spec3,
        out_shape=jax.ShapeDtypeStruct((3, N), jnp.float32),
    )(a, b, c, w1.reshape(1, N), w2.reshape(1, N), w3.reshape(1, N))
    return out.T.reshape(B, _POINT_NUM, 3)


def kernel(vertices_batch, faces_batch):
    vb = vertices_batch.astype(jnp.float32)
    B = vb.shape[0]
    keys = jax.random.split(jax.random.key(42), B)
    trio = jax.vmap(lambda k: jax.random.split(k, 3))(keys)
    ki, ke1, ke2 = trio[:, 0], trio[:, 1], trio[:, 2]
    ki_data = jax.lax.bitcast_convert_type(
        jax.random.key_data(ki), jnp.int32)
    ke1_data = jax.lax.bitcast_convert_type(jax.random.key_data(ke1), jnp.int32)
    ke2_data = jax.lax.bitcast_convert_type(jax.random.key_data(ke2), jnp.int32)

    devs = jax.devices()
    nd = 1
    for d in (8, 4, 2):
        if len(devs) >= d and B % d == 0:
            nd = d
            break
    if nd == 1:
        return _sample_shard(vb, faces_batch, ki_data, ke1_data, ke2_data)
    mesh = jax.sharding.Mesh(np.array(devs[:nd]), ("d",))
    spec = jax.sharding.PartitionSpec("d")
    return jax.shard_map(
        _sample_shard, mesh=mesh,
        in_specs=(spec, spec, spec, spec, spec),
        out_specs=spec, check_vma=False,
    )(vb, faces_batch, ki_data, ke1_data, ke2_data)

# --- scband reference (transcript-rebuilt; emitter-appended) ---
"""Pipeline reference for scband-point-sampler-46282567582275 (READ-ONLY COPY).

The authoritative reference and input builder live on the scoring server;
editing this copy changes nothing except your own understanding.
"""

import jax, jax.numpy as jnp
import numpy as np

POINT_NUM = 32768
B, V, F = 8, 100000, 200000


def setup_inputs(seed: int = 0) -> dict:
    key = jax.random.key(seed)
    k1, k2 = jax.random.split(key)
    vertices_batch = jax.random.normal(k1, (B, V, 3), dtype=jnp.float32)
    faces_batch = jax.random.randint(k2, (B, F, 3), 0, V).astype(jnp.int64)
    return {"vertices_batch": vertices_batch, "faces_batch": faces_batch}


def _per_mesh(vertices, faces, key):
    # gather triangle vertices: [F, 3, 3]
    triangles = jnp.take(vertices, faces, axis=0)
    vec1 = triangles[:, 1, :] - triangles[:, 0, :]
    vec2 = triangles[:, 2, :] - triangles[:, 0, :]
    areas = jnp.linalg.norm(jnp.cross(vec1, vec2, axis=-1), axis=1) / 2.0
    logits = jnp.log(areas + 1e-12)
    ki, ke1, ke2 = jax.random.split(key, 3)
    # categorical sampling proportional to triangle areas
    indices = jax.random.categorical(ki, logits, shape=(POINT_NUM,))
    samples_triangles = jnp.take(triangles, indices, axis=0)  # [P, 3, 3]
    epsilon1 = jax.random.uniform(ke1, (POINT_NUM,), dtype=jnp.float32)
    epsilon2 = jax.random.uniform(ke2, (POINT_NUM,), dtype=jnp.float32)
    sqrt_e1 = jnp.sqrt(epsilon1)
    w1 = 1.0 - sqrt_e1
    w2 = (1.0 - epsilon2) * sqrt_e1
    w3 = epsilon2 * sqrt_e1
    w = jnp.stack([w1, w2, w3], axis=0).transpose(1, 0).reshape(POINT_NUM, 3, 1)
    return jnp.sum(samples_triangles * w, axis=1)


def reference(vertices_batch, faces_batch):
    vb = vertices_batch.astype(jnp.float32)
    fb = faces_batch
    keys = jax.random.split(jax.random.key(42), vb.shape[0])
    return jax.vmap(_per_mesh)(vb, fb, keys)

if __name__ == "__main__":
    import jax
    _d = setup_inputs()
    print(jax.jit(kernel)(*tuple(_d.values())))

</pallas_src>

<mosaic_0001>
module attributes {stable_mosaic.version = 14 : i64} {
  func.func @_argmax_kernel(%arg0: i32, %arg1: i32, %arg2: memref<8x2xi32, #tpu.memory_space<smem>>, %arg3: memref<1x1x200192xf32, #tpu.memory_space<vmem>>, %arg4: memref<1x2048x1xi32, #tpu.memory_space<vmem>>) attributes {dimension_semantics = [#tpu.dimension_semantics<arbitrary>, #tpu.dimension_semantics<arbitrary>], iteration_bounds = array<i64: 8, 16>, scalar_prefetch = 0 : i64, scratch_operands = 0 : i64, tpu.core_type = #tpu.core_type<tc>, window_params = [{transform_indices = @transform_0, window_bounds = array<i64: 8, 2>}, {transform_indices = @transform_1, window_bounds = array<i64: 1, 1, 200192>}, {transform_indices = @transform_2, window_bounds = array<i64: 1, 2048, 1>}]} {
    %get3A = arith.index_cast %arg0 : i32 to index
    %get3A_0 = arith.constant 0 : index
    %get3A_1 = memref.load %arg2[%get3A, %get3A_0] : memref<8x2xi32, #tpu.memory_space<smem>>
    %get3A_2 = arith.index_cast %arg0 : i32 to index
    %get3A_3 = arith.constant 1 : index
    %get3A_4 = memref.load %arg2[%get3A_2, %get3A_3] : memref<8x2xi32, #tpu.memory_space<smem>>
    %iota3A = tpu.iota {dimensions = array<i32: 1>} : vector<16x512xi32>
    %iota3A_5 = tpu.iota {dimensions = array<i32: 0>} : vector<16x512xi32>
    %scan3A = arith.constant 0 : i32
    %scan3A_6 = arith.constant 128 : i32
    %scan3A_7 = arith.addi %scan3A, %scan3A_6 : i32
    %scan3A_8 = arith.constant 1 : i32
    scf.for %scan3A_10 = %scan3A to %scan3A_7 step %scan3A_8  : i32 {
      %mul3A = arith.constant 2048 : i32
      %mul3A_11 = arith.muli %arg1, %mul3A : i32
      %mul3A_12 = arith.constant 16 : i32
      %mul3A_13 = arith.muli %scan3A_10, %mul3A_12 : i32
      %add3A = arith.addi %mul3A_11, %mul3A_13 : i32
      %add3A_14 = vector.broadcast %add3A : i32 to vector<16x512xi32>
      %add3A_15 = arith.addi %add3A_14, %iota3A_5 : vector<16x512xi32>
      %mul3A_16 = arith.constant 200000 : i32
      %mul3A_17 = vector.broadcast %mul3A_16 : i32 to vector<16x512xi32>
      %mul3A_18 = arith.muli %add3A_15, %mul3A_17 : vector<16x512xi32>
      %ge3A = arith.constant 21475 : i32
      %ge3A_19 = vector.broadcast %ge3A : i32 to vector<16x512xi32>
      %ge3A_20 = arith.cmpi sge, %add3A_15, %ge3A_19 : vector<16x512xi32>
      %convert_element_type3A = arith.extui %ge3A_20 : vector<16x512xi1> to vector<16x512xi32>
      %add3A_21 = vector.broadcast %get3A_1 : i32 to vector<16x512xi32>
      %add3A_22 = arith.addi %convert_element_type3A, %add3A_21 : vector<16x512xi32>
      %add3A_23 = arith.constant 1 : i32
      %add3A_24 = vector.broadcast %add3A_23 : i32 to vector<16x512xi32>
      %add3A_25 = arith.addi %add3A_22, %add3A_24 : vector<16x512xi32>
      %add3A_26 = arith.addi %mul3A_18, %iota3A : vector<16x512xi32>
      %broadcast_in_dim3A = arith.constant -3.400000e+38 : f32
      %broadcast_in_dim3A_27 = vector.broadcast %broadcast_in_dim3A : f32 to vector<16x512xf32>
      %broadcast_in_dim3A_28 = arith.constant 0 : i32
      %broadcast_in_dim3A_29 = vector.broadcast %broadcast_in_dim3A_28 : i32 to vector<16x512xi32>
      %scan3A_30 = arith.constant 0 : i32
      %scan3A_31 = arith.constant 391 : i32
      %scan3A_32 = arith.addi %scan3A_30, %scan3A_31 : i32
      %scan3A_33 = arith.constant 17 : i32
      %scan3A_34:2 = scf.for %scan3A_53 = %scan3A_30 to %scan3A_32 step %scan3A_33 iter_args(%scan3A_54 = %broadcast_in_dim3A_27, %scan3A_55 = %broadcast_in_dim3A_29) -> (vector<16x512xf32>, vector<16x512xi32>)  : i32 {
        %mul3A_56 = arith.constant 512 : i32
        %mul3A_57 = arith.muli %mul3A_56, %scan3A_53 : i32
        %add3A_58 = vector.broadcast %mul3A_57 : i32 to vector<16x512xi32>
        %add3A_59 = arith.addi %add3A_26, %add3A_58 : vector<16x512xi32>
        %lt3A = arith.cmpi ult, %add3A_59, %mul3A_18 : vector<16x512xi32>
        %select_n3A_60 = arith.select %lt3A, %add3A_25, %add3A_22 : vector<16x512xi1>, vector<16x512xi32>
        %add3A_61 = vector.broadcast %get3A_4 : i32 to vector<16x512xi32>
        %add3A_62 = arith.addi %add3A_59, %add3A_61 : vector<16x512xi32>
        %xor3A = arith.xori %get3A_1, %get3A_4 : i32
        %xor3A_63 = arith.constant 466688986 : i32
        %xor3A_64 = arith.xori %xor3A, %xor3A_63 : i32
        %add3A_65 = arith.addi %select_n3A_60, %add3A_62 : vector<16x512xi32>
        %shift_left3A = arith.constant 13 : i32
        %shift_left3A_66 = vector.broadcast %shift_left3A : i32 to vector<16x512xi32>
        %shift_left3A_67 = arith.shli %add3A_62, %shift_left3A_66 : vector<16x512xi32>
        %shift_right_logical3A = arith.constant 19 : i32
        %shift_right_logical3A_68 = vector.broadcast %shift_right_logical3A : i32 to vector<16x512xi32>
        %shift_right_logical3A_69 = arith.shrui %add3A_62, %shift_right_logical3A_68 : vector<16x512xi32>
        %or3A = arith.ori %shift_left3A_67, %shift_right_logical3A_69 : vector<16x512xi32>
        %xor3A_70 = arith.xori %add3A_65, %or3A : vector<16x512xi32>
        %add3A_71 = arith.addi %add3A_65, %xor3A_70 : vector<16x512xi32>
        %shift_left3A_72 = arith.constant 15 : i32
        %shift_left3A_73 = vector.broadcast %shift_left3A_72 : i32 to vector<16x512xi32>
        %shift_left3A_74 = arith.shli %xor3A_70, %shift_left3A_73 : vector<16x512xi32>
        %shift_right_logical3A_75 = arith.constant 17 : i32
        %shift_right_logical3A_76 = vector.broadcast %shift_right_logical3A_75 : i32 to vector<16x512xi32>
        %shift_right_logical3A_77 = arith.shrui %xor3A_70, %shift_right_logical3A_76 : vector<16x512xi32>
        %or3A_78 = arith.ori %shift_left3A_74, %shift_right_logical3A_77 : vector<16x512xi32>
        %xor3A_79 = arith.xori %add3A_71, %or3A_78 : vector<16x512xi32>
        %add3A_80 = arith.addi %add3A_71, %xor3A_79 : vector<16x512xi32>
        %shift_left3A_81 = arith.constant 26 : i32
        %shift_left3A_82 = vector.broadcast %shift_left3A_81 : i32 to vector<16x512xi32>
        %shift_left3A_83 = arith.shli %xor3A_79, %shift_left3A_82 : vector<16x512xi32>
        %shift_right_logical3A_84 = arith.constant 6 : i32
        %shift_right_logical3A_85 = vector.broadcast %shift_right_logical3A_84 : i32 to vector<16x512xi32>
        %shift_right_logical3A_86 = arith.shrui %xor3A_79, %shift_right_logical3A_85 : vector<16x512xi32>
        %or3A_87 = arith.ori %shift_left3A_83, %shift_right_logical3A_86 : vector<16x512xi32>
        %xor3A_88 = arith.xori %add3A_80, %or3A_87 : vector<16x512xi32>
        %add3A_89 = arith.addi %add3A_80, %xor3A_88 : vector<16x512xi32>
        %shift_left3A_90 = arith.constant 6 : i32
        %shift_left3A_91 = vector.broadcast %shift_left3A_90 : i32 to vector<16x512xi32>
        %shift_left3A_92 = arith.shli %xor3A_88, %shift_left3A_91 : vector<16x512xi32>
        %shift_right_logical3A_93 = arith.constant 26 : i32
        %shift_right_logical3A_94 = vector.broadcast %shift_right_logical3A_93 : i32 to vector<16x512xi32>
        %shift_right_logical3A_95 = arith.shrui %xor3A_88, %shift_right_logical3A_94 : vector<16x512xi32>
        %or3A_96 = arith.ori %shift_left3A_92, %shift_right_logical3A_95 : vector<16x512xi32>
        %xor3A_97 = arith.xori %add3A_89, %or3A_96 : vector<16x512xi32>
        %add3A_98 = vector.broadcast %get3A_4 : i32 to vector<16x512xi32>
        %add3A_99 = arith.addi %add3A_89, %add3A_98 : vector<16x512xi32>
        %add3A_100 = arith.constant 1 : i32
        %add3A_101 = arith.addi %xor3A_64, %add3A_100 : i32
        %add3A_102 = vector.broadcast %add3A_101 : i32 to vector<16x512xi32>
        %add3A_103 = arith.addi %xor3A_97, %add3A_102 : vector<16x512xi32>
        %add3A_104 = arith.addi %add3A_99, %add3A_103 : vector<16x512xi32>
        %shift_left3A_105 = arith.constant 17 : i32
        %shift_left3A_106 = vector.broadcast %shift_left3A_105 : i32 to vector<16x512xi32>
        %shift_left3A_107 = arith.shli %add3A_103, %shift_left3A_106 : vector<16x512xi32>
        %shift_right_logical3A_108 = arith.constant 15 : i32
        %shift_right_logical3A_109 = vector.broadcast %shift_right_logical3A_108 : i32 to vector<16x512xi32>
        %shift_right_logical3A_110 = arith.shrui %add3A_103, %shift_right_logical3A_109 : vector<16x512xi32>
        %or3A_111 = arith.ori %shift_left3A_107, %shift_right_logical3A_110 : vector<16x512xi32>
        %xor3A_112 = arith.xori %add3A_104, %or3A_111 : vector<16x512xi32>
        %add3A_113 = arith.addi %add3A_104, %xor3A_112 : vector<16x512xi32>
        %shift_left3A_114 = arith.constant 29 : i32
        %shift_left3A_115 = vector.broadcast %shift_left3A_114 : i32 to vector<16x512xi32>
        %shift_left3A_116 = arith.shli %xor3A_112, %shift_left3A_115 : vector<16x512xi32>
        %shift_right_logical3A_117 = arith.constant 3 : i32
        %shift_right_logical3A_118 = vector.broadcast %shift_right_logical3A_117 : i32 to vector<16x512xi32>
        %shift_right_logical3A_119 = arith.shrui %xor3A_112, %shift_right_logical3A_118 : vector<16x512xi32>
        %or3A_120 = arith.ori %shift_left3A_116, %shift_right_logical3A_119 : vector<16x512xi32>
        %xor3A_121 = arith.xori %add3A_113, %or3A_120 : vector<16x512xi32>
        %add3A_122 = arith.addi %add3A_113, %xor3A_121 : vector<16x512xi32>
        %shift_left3A_123 = arith.constant 16 : i32
        %shift_left3A_124 = vector.broadcast %shift_left3A_123 : i32 to vector<16x512xi32>
        %shift_left3A_125 = arith.shli %xor3A_121, %shift_left3A_124 : vector<16x512xi32>
        %shift_right_logical3A_126 = arith.constant 16 : i32
        %shift_right_logical3A_127 = vector.broadcast %shift_right_logical3A_126 : i32 to vector<16x512xi32>
        %shift_right_logical3A_128 = arith.shrui %xor3A_121, %shift_right_logical3A_127 : vector<16x512xi32>
        %or3A_129 = arith.ori %shift_left3A_125, %shift_right_logical3A_128 : vector<16x512xi32>
        %xor3A_130 = arith.xori %add3A_122, %or3A_129 : vector<16x512xi32>
        %add3A_131 = arith.addi %add3A_122, %xor3A_130 : vector<16x512xi32>
        %shift_left3A_132 = arith.constant 24 : i32
        %shift_left3A_133 = vector.broadcast %shift_left3A_132 : i32 to vector<16x512xi32>
        %shift_left3A_134 = arith.shli %xor3A_130, %shift_left3A_133 : vector<16x512xi32>
        %shift_right_logical3A_135 = arith.constant 8 : i32
        %shift_right_logical3A_136 = vector.broadcast %shift_right_logical3A_135 : i32 to vector<16x512xi32>
        %shift_right_logical3A_137 = arith.shrui %xor3A_130, %shift_right_logical3A_136 : vector<16x512xi32>
        %or3A_138 = arith.ori %shift_left3A_134, %shift_right_logical3A_137 : vector<16x512xi32>
        %xor3A_139 = arith.xori %add3A_131, %or3A_138 : vector<16x512xi32>
        %add3A_140 = vector.broadcast %xor3A_64 : i32 to vector<16x512xi32>
        %add3A_141 = arith.addi %add3A_131, %add3A_140 : vector<16x512xi32>
        %add3A_142 = arith.constant 2 : i32
        %add3A_143 = arith.addi %get3A_1, %add3A_142 : i32
        %add3A_144 = vector.broadcast %add3A_143 : i32 to vector<16x512xi32>
        %add3A_145 = arith.addi %xor3A_139, %add3A_144 : vector<16x512xi32>
        %add3A_146 = arith.addi %add3A_141, %add3A_145 : vector<16x512xi32>
        %shift_left3A_147 = arith.constant 13 : i32
        %shift_left3A_148 = vector.broadcast %shift_left3A_147 : i32 to vector<16x512xi32>
        %shift_left3A_149 = arith.shli %add3A_145, %shift_left3A_148 : vector<16x512xi32>
        %shift_right_logical3A_150 = arith.constant 19 : i32
        %shift_right_logical3A_151 = vector.broadcast %shift_right_logical3A_150 : i32 to vector<16x512xi32>
        %shift_right_logical3A_152 = arith.shrui %add3A_145, %shift_right_logical3A_151 : vector<16x512xi32>
        %or3A_153 = arith.ori %shift_left3A_149, %shift_right_logical3A_152 : vector<16x512xi32>
        %xor3A_154 = arith.xori %add3A_146, %or3A_153 : vector<16x512xi32>
        %add3A_155 = arith.addi %add3A_146, %xor3A_154 : vector<16x512xi32>
        %shift_left3A_156 = arith.constant 15 : i32
        %shift_left3A_157 = vector.broadcast %shift_left3A_156 : i32 to vector<16x512xi32>
        %shift_left3A_158 = arith.shli %xor3A_154, %shift_left3A_157 : vector<16x512xi32>
        %shift_right_logical3A_159 = arith.constant 17 : i32
        %shift_right_logical3A_160 = vector.broadcast %shift_right_logical3A_159 : i32 to vector<16x512xi32>
        %shift_right_logical3A_161 = arith.shrui %xor3A_154, %shift_right_logical3A_160 : vector<16x512xi32>
        %or3A_162 = arith.ori %shift_left3A_158, %shift_right_logical3A_161 : vector<16x512xi32>
        %xor3A_163 = arith.xori %add3A_155, %or3A_162 : vector<16x512xi32>
        %add3A_164 = arith.addi %add3A_155, %xor3A_163 : vector<16x512xi32>
        %shift_left3A_165 = arith.constant 26 : i32
        %shift_left3A_166 = vector.broadcast %shift_left3A_165 : i32 to vector<16x512xi32>
        %shift_left3A_167 = arith.shli %xor3A_163, %shift_left3A_166 : vector<16x512xi32>
        %shift_right_logical3A_168 = arith.constant 6 : i32
        %shift_right_logical3A_169 = vector.broadcast %shift_right_logical3A_168 : i32 to vector<16x512xi32>
        %shift_right_logical3A_170 = arith.shrui %xor3A_163, %shift_right_logical3A_169 : vector<16x512xi32>
        %or3A_171 = arith.ori %shift_left3A_167, %shift_right_logical3A_170 : vector<16x512xi32>
        %xor3A_172 = arith.xori %add3A_164, %or3A_171 : vector<16x512xi32>
        %add3A_173 = arith.addi %add3A_164, %xor3A_172 : vector<16x512xi32>
        %shift_left3A_174 = arith.constant 6 : i32
        %shift_left3A_175 = vector.broadcast %shift_left3A_174 : i32 to vector<16x512xi32>
        %shift_left3A_176 = arith.shli %xor3A_172, %shift_left3A_175 : vector<16x512xi32>
        %shift_right_logical3A_177 = arith.constant 26 : i32
        %shift_right_logical3A_178 = vector.broadcast %shift_right_logical3A_177 : i32 to vector<16x512xi32>
        %shift_right_logical3A_179 = arith.shrui %xor3A_172, %shift_right_logical3A_178 : vector<16x512xi32>
        %or3A_180 = arith.ori %shift_left3A_176, %shift_right_logical3A_179 : vector<16x512xi32>
        %xor3A_181 = arith.xori %add3A_173, %or3A_180 : vector<16x512xi32>
        %add3A_182 = vector.broadcast %get3A_1 : i32 to vector<16x512xi32>
        %add3A_183 = arith.addi %add3A_173, %add3A_182 : vector<16x512xi32>
        %add3A_184 = arith.constant 3 : i32
        %add3A_185 = arith.addi %get3A_4, %add3A_184 : i32
        %add3A_186 = vector.broadcast %add3A_185 : i32 to vector<16x512xi32>
        %add3A_187 = arith.addi %xor3A_181, %add3A_186 : vector<16x512xi32>
        %add3A_188 = arith.addi %add3A_183, %add3A_187 : vector<16x512xi32>
        %shift_left3A_189 = arith.constant 17 : i32
        %shift_left3A_190 = vector.broadcast %shift_left3A_189 : i32 to vector<16x512xi32>
        %shift_left3A_191 = arith.shli %add3A_187, %shift_left3A_190 : vector<16x512xi32>
        %shift_right_logical3A_192 = arith.constant 15 : i32
        %shift_right_logical3A_193 = vector.broadcast %shift_right_logical3A_192 : i32 to vector<16x512xi32>
        %shift_right_logical3A_194 = arith.shrui %add3A_187, %shift_right_logical3A_193 : vector<16x512xi32>
        %or3A_195 = arith.ori %shift_left3A_191, %shift_right_logical3A_194 : vector<16x512xi32>
        %xor3A_196 = arith.xori %add3A_188, %or3A_195 : vector<16x512xi32>
        %add3A_197 = arith.addi %add3A_188, %xor3A_196 : vector<16x512xi32>
        %shift_left3A_198 = arith.constant 29 : i32
        %shift_left3A_199 = vector.broadcast %shift_left3A_198 : i32 to vector<16x512xi32>
        %shift_left3A_200 = arith.shli %xor3A_196, %shift_left3A_199 : vector<16x512xi32>
        %shift_right_logical3A_201 = arith.constant 3 : i32
        %shift_right_logical3A_202 = vector.broadcast %shift_right_logical3A_201 : i32 to vector<16x512xi32>
        %shift_right_logical3A_203 = arith.shrui %xor3A_196, %shift_right_logical3A_202 : vector<16x512xi32>
        %or3A_204 = arith.ori %shift_left3A_200, %shift_right_logical3A_203 : vector<16x512xi32>
        %xor3A_205 = arith.xori %add3A_197, %or3A_204 : vector<16x512xi32>
        %add3A_206 = arith.addi %add3A_197, %xor3A_205 : vector<16x512xi32>
        %shift_left3A_207 = arith.constant 16 : i32
        %shift_left3A_208 = vector.broadcast %shift_left3A_207 : i32 to vector<16x512xi32>
        %shift_left3A_209 = arith.shli %xor3A_205, %shift_left3A_208 : vector<16x512xi32>
        %shift_right_logical3A_210 = arith.constant 16 : i32
        %shift_right_logical3A_211 = vector.broadcast %shift_right_logical3A_210 : i32 to vector<16x512xi32>
        %shift_right_logical3A_212 = arith.shrui %xor3A_205, %shift_right_logical3A_211 : vector<16x512xi32>
        %or3A_213 = arith.ori %shift_left3A_209, %shift_right_logical3A_212 : vector<16x512xi32>
        %xor3A_214 = arith.xori %add3A_206, %or3A_213 : vector<16x512xi32>
        %add3A_215 = arith.addi %add3A_206, %xor3A_214 : vector<16x512xi32>
        %shift_left3A_216 = arith.constant 24 : i32
        %shift_left3A_217 = vector.broadcast %shift_left3A_216 : i32 to vector<16x512xi32>
        %shift_left3A_218 = arith.shli %xor3A_214, %shift_left3A_217 : vector<16x512xi32>
        %shift_right_logical3A_219 = arith.constant 8 : i32
        %shift_right_logical3A_220 = vector.broadcast %shift_right_logical3A_219 : i32 to vector<16x512xi32>
        %shift_right_logical3A_221 = arith.shrui %xor3A_214, %shift_right_logical3A_220 : vector<16x512xi32>
        %or3A_222 = arith.ori %shift_left3A_218, %shift_right_logical3A_221 : vector<16x512xi32>
        %xor3A_223 = arith.xori %add3A_215, %or3A_222 : vector<16x512xi32>
        %add3A_224 = vector.broadcast %get3A_4 : i32 to vector<16x512xi32>
        %add3A_225 = arith.addi %add3A_215, %add3A_224 : vector<16x512xi32>
        %add3A_226 = arith.constant 4 : i32
        %add3A_227 = arith.addi %xor3A_64, %add3A_226 : i32
        %add3A_228 = vector.broadcast %add3A_227 : i32 to vector<16x512xi32>
        %add3A_229 = arith.addi %xor3A_223, %add3A_228 : vector<16x512xi32>
        %add3A_230 = arith.addi %add3A_225, %add3A_229 : vector<16x512xi32>
        %shift_left3A_231 = arith.constant 13 : i32
        %shift_left3A_232 = vector.broadcast %shift_left3A_231 : i32 to vector<16x512xi32>
        %shift_left3A_233 = arith.shli %add3A_229, %shift_left3A_232 : vector<16x512xi32>
        %shift_right_logical3A_234 = arith.constant 19 : i32
        %shift_right_logical3A_235 = vector.broadcast %shift_right_logical3A_234 : i32 to vector<16x512xi32>
        %shift_right_logical3A_236 = arith.shrui %add3A_229, %shift_right_logical3A_235 : vector<16x512xi32>
        %or3A_237 = arith.ori %shift_left3A_233, %shift_right_logical3A_236 : vector<16x512xi32>
        %xor3A_238 = arith.xori %add3A_230, %or3A_237 : vector<16x512xi32>
        %add3A_239 = arith.addi %add3A_230, %xor3A_238 : vector<16x512xi32>
        %shift_left3A_240 = arith.constant 15 : i32
        %shift_left3A_241 = vector.broadcast %shift_left3A_240 : i32 to vector<16x512xi32>
        %shift_left3A_242 = arith.shli %xor3A_238, %shift_left3A_241 : vector<16x512xi32>
        %shift_right_logical3A_243 = arith.constant 17 : i32
        %shift_right_logical3A_244 = vector.broadcast %shift_right_logical3A_243 : i32 to vector<16x512xi32>
        %shift_right_logical3A_245 = arith.shrui %xor3A_238, %shift_right_logical3A_244 : vector<16x512xi32>
        %or3A_246 = arith.ori %shift_left3A_242, %shift_right_logical3A_245 : vector<16x512xi32>
        %xor3A_247 = arith.xori %add3A_239, %or3A_246 : vector<16x512xi32>
        %add3A_248 = arith.addi %add3A_239, %xor3A_247 : vector<16x512xi32>
        %shift_left3A_249 = arith.constant 26 : i32
        %shift_left3A_250 = vector.broadcast %shift_left3A_249 : i32 to vector<16x512xi32>
        %shift_left3A_251 = arith.shli %xor3A_247, %shift_left3A_250 : vector<16x512xi32>
        %shift_right_logical3A_252 = arith.constant 6 : i32
        %shift_right_logical3A_253 = vector.broadcast %shift_right_logical3A_252 : i32 to vector<16x512xi32>
        %shift_right_logical3A_254 = arith.shrui %xor3A_247, %shift_right_logical3A_253 : vector<16x512xi32>
        %or3A_255 = arith.ori %shift_left3A_251, %shift_right_logical3A_254 : vector<16x512xi32>
        %xor3A_256 = arith.xori %add3A_248, %or3A_255 : vector<16x512xi32>
        %add3A_257 = arith.addi %add3A_248, %xor3A_256 : vector<16x512xi32>
        %shift_left3A_258 = arith.constant 6 : i32
        %shift_left3A_259 = vector.broadcast %shift_left3A_258 : i32 to vector<16x512xi32>
        %shift_left3A_260 = arith.shli %xor3A_256, %shift_left3A_259 : vector<16x512xi32>
        %shift_right_logical3A_261 = arith.constant 26 : i32
        %shift_right_logical3A_262 = vector.broadcast %shift_right_logical3A_261 : i32 to vector<16x512xi32>
        %shift_right_logical3A_263 = arith.shrui %xor3A_256, %shift_right_logical3A_262 : vector<16x512xi32>
        %or3A_264 = arith.ori %shift_left3A_260, %shift_right_logical3A_263 : vector<16x512xi32>
        %xor3A_265 = arith.xori %add3A_257, %or3A_264 : vector<16x512xi32>
        %add3A_266 = vector.broadcast %xor3A_64 : i32 to vector<16x512xi32>
        %add3A_267 = arith.addi %add3A_257, %add3A_266 : vector<16x512xi32>
        %add3A_268 = arith.constant 5 : i32
        %add3A_269 = arith.addi %get3A_1, %add3A_268 : i32
        %add3A_270 = vector.broadcast %add3A_269 : i32 to vector<16x512xi32>
        %add3A_271 = arith.addi %xor3A_265, %add3A_270 : vector<16x512xi32>
        %xor3A_272 = arith.xori %add3A_267, %add3A_271 : vector<16x512xi32>
        %shift_right_logical3A_273 = arith.constant 9 : i32
        %shift_right_logical3A_274 = vector.broadcast %shift_right_logical3A_273 : i32 to vector<16x512xi32>
        %shift_right_logical3A_275 = arith.shrui %xor3A_272, %shift_right_logical3A_274 : vector<16x512xi32>
        %or3A_276 = arith.constant 1065353216 : i32
        %or3A_277 = vector.broadcast %or3A_276 : i32 to vector<16x512xi32>
        %or3A_278 = arith.ori %shift_right_logical3A_275, %or3A_277 : vector<16x512xi32>
        %bitcast_convert_type3A = tpu.bitcast %or3A_278 : vector<16x512xi32> -> vector<16x512xf32>
        %sub3A = arith.constant 1.000000e+00 : f32
        %sub3A_279 = vector.broadcast %sub3A : f32 to vector<16x512xf32>
        %sub3A_280 = arith.subf %bitcast_convert_type3A, %sub3A_279 : vector<16x512xf32>
        %max3A = arith.constant 1.17549435E-38 : f32
        %max3A_281 = vector.broadcast %max3A : f32 to vector<16x512xf32>
        %max3A_282 = arith.maximumf %sub3A_280, %max3A_281 : vector<16x512xf32>
        %mul3A_283 = arith.constant 512 : i32
        %mul3A_284 = arith.muli %scan3A_53, %mul3A_283 : i32
        %get3A_285 = arith.constant 0 : index
        %get3A_286 = arith.constant 0 : index
        %get3A_287 = arith.index_cast %mul3A_284 : i32 to index
        %get3A_288 = vector.load %arg3[%get3A_285, %get3A_286, %get3A_287] : memref<1x1x200192xf32, #tpu.memory_space<vmem>>, vector<1x1x512xf32>
        %get3A_289 = vector.shape_cast %get3A_288 : vector<1x1x512xf32> to vector<512xf32>
        %reshape3A = vector.shape_cast %get3A_289 : vector<512xf32> to vector<1x512xf32>
        %log3A = math.log %max3A_282 : vector<16x512xf32>
        %neg3A = arith.constant 0.000000e+00 : f32
        %neg3A_290 = vector.broadcast %neg3A : f32 to vector<16x512xf32>
        %neg3A_291 = arith.subf %neg3A_290, %log3A : vector<16x512xf32>
        %log3A_292 = math.log %neg3A_291 : vector<16x512xf32>
        %sub3A_293 = vector.broadcast %reshape3A : vector<1x512xf32> to vector<16x512xf32>
        %sub3A_294 = arith.subf %sub3A_293, %log3A_292 : vector<16x512xf32>
        %gt3A = arith.cmpf ogt, %sub3A_294, %scan3A_54 : vector<16x512xf32>
        %select_n3A_295 = arith.select %gt3A, %sub3A_294, %scan3A_54 : vector<16x512xi1>, vector<16x512xf32>
        %broadcast_in_dim3A_296 = vector.broadcast %scan3A_53 : i32 to vector<16x512xi32>
        %select_n3A_297 = arith.select %gt3A, %broadcast_in_dim3A_296, %scan3A_55 : vector<16x512xi1>, vector<16x512xi32>
        %scan3A_298 = arith.constant 1 : i32
        %scan3A_299 = arith.addi %scan3A_53, %scan3A_298 : i32
        %mul3A_300 = arith.constant 512 : i32
        %mul3A_301 = arith.muli %mul3A_300, %scan3A_299 : i32
        %add3A_302 = vector.broadcast %mul3A_301 : i32 to vector<16x512xi32>
        %add3A_303 = arith.addi %add3A_26, %add3A_302 : vector<16x512xi32>
        %lt3A_304 = arith.cmpi ult, %add3A_303, %mul3A_18 : vector<16x512xi32>
        %select_n3A_305 = arith.select %lt3A_304, %add3A_25, %add3A_22 : vector<16x512xi1>, vector<16x512xi32>
        %add3A_306 = vector.broadcast %get3A_4 : i32 to vector<16x512xi32>
        %add3A_307 = arith.addi %add3A_303, %add3A_306 : vector<16x512xi32>
        %xor3A_308 = arith.xori %get3A_1, %get3A_4 : i32
        %xor3A_309 = arith.constant 466688986 : i32
        %xor3A_310 = arith.xori %xor3A_308, %xor3A_309 : i32
        %add3A_311 = arith.addi %select_n3A_305, %add3A_307 : vector<16x512xi32>
        %shift_left3A_312 = arith.constant 13 : i32
        %shift_left3A_313 = vector.broadcast %shift_left3A_312 : i32 to vector<16x512xi32>
        %shift_left3A_314 = arith.shli %add3A_307, %shift_left3A_313 : vector<16x512xi32>
        %shift_right_logical3A_315 = arith.constant 19 : i32
        %shift_right_logical3A_316 = vector.broadcast %shift_right_logical3A_315 : i32 to vector<16x512xi32>
        %shift_right_logical3A_317 = arith.shrui %add3A_307, %shift_right_logical3A_316 : vector<16x512xi32>
        %or3A_318 = arith.ori %shift_left3A_314, %shift_right_logical3A_317 : vector<16x512xi32>
        %xor3A_319 = arith.xori %add3A_311, %or3A_318 : vector<16x512xi32>
        %add3A_320 = arith.addi %add3A_311, %xor3A_319 : vector<16x512xi32>
        %shift_left3A_321 = arith.constant 15 : i32
        %shift_left3A_322 = vector.broadcast %shift_left3A_321 : i32 to vector<16x512xi32>
        %shift_left3A_323 = arith.shli %xor3A_319, %shift_left3A_322 : vector<16x512xi32>
        %shift_right_logical3A_324 = arith.constant 17 : i32
        %shift_right_logical3A_325 = vector.broadcast %shift_right_logical3A_324 : i32 to vector<16x512xi32>
        %shift_right_logical3A_326 = arith.shrui %xor3A_319, %shift_right_logical3A_325 : vector<16x512xi32>
        %or3A_327 = arith.ori %shift_left3A_323, %shift_right_logical3A_326 : vector<16x512xi32>
        %xor3A_328 = arith.xori %add3A_320, %or3A_327 : vector<16x512xi32>
        %add3A_329 = arith.addi %add3A_320, %xor3A_328 : vector<16x512xi32>
        %shift_left3A_330 = arith.constant 26 : i32
        %shift_left3A_331 = vector.broadcast %shift_left3A_330 : i32 to vector<16x512xi32>
        %shift_left3A_332 = arith.shli %xor3A_328, %shift_left3A_331 : vector<16x512xi32>
        %shift_right_logical3A_333 = arith.constant 6 : i32
        %shift_right_logical3A_334 = vector.broadcast %shift_right_logical3A_333 : i32 to vector<16x512xi32>
        %shift_right_logical3A_335 = arith.shrui %xor3A_328, %shift_right_logical3A_334 : vector<16x512xi32>
        %or3A_336 = arith.ori %shift_left3A_332, %shift_right_logical3A_335 : vector<16x512xi32>
        %xor3A_337 = arith.xori %add3A_329, %or3A_336 : vector<16x512xi32>
        %add3A_338 = arith.addi %add3A_329, %xor3A_337 : vector<16x512xi32>
        %shift_left3A_339 = arith.constant 6 : i32
        %shift_left3A_340 = vector.broadcast %shift_left3A_339 : i32 to vector<16x512xi32>
        %shift_left3A_341 = arith.shli %xor3A_337, %shift_left3A_340 : vector<16x512xi32>
        %shift_right_logical3A_342 = arith.constant 26 : i32
        %shift_right_logical3A_343 = vector.broadcast %shift_right_logical3A_342 : i32 to vector<16x512xi32>
        %shift_right_logical3A_344 = arith.shrui %xor3A_337, %shift_right_logical3A_343 : vector<16x512xi32>
        %or3A_345 = arith.ori %shift_left3A_341, %shift_right_logical3A_344 : vector<16x512xi32>
        %xor3A_346 = arith.xori %add3A_338, %or3A_345 : vector<16x512xi32>
        %add3A_347 = vector.broadcast %get3A_4 : i32 to vector<16x512xi32>
        %add3A_348 = arith.addi %add3A_338, %add3A_347 : vector<16x512xi32>
        %add3A_349 = arith.constant 1 : i32
        %add3A_350 = arith.addi %xor3A_310, %add3A_349 : i32
        %add3A_351 = vector.broadcast %add3A_350 : i32 to vector<16x512xi32>
        %add3A_352 = arith.addi %xor3A_346, %add3A_351 : vector<16x512xi32>
        %add3A_353 = arith.addi %add3A_348, %add3A_352 : vector<16x512xi32>
        %shift_left3A_354 = arith.constant 17 : i32
        %shift_left3A_355 = vector.broadcast %shift_left3A_354 : i32 to vector<16x512xi32>
        %shift_left3A_356 = arith.shli %add3A_352, %shift_left3A_355 : vector<16x512xi32>
        %shift_right_logical3A_357 = arith.constant 15 : i32
        %shift_right_logical3A_358 = vector.broadcast %shift_right_logical3A_357 : i32 to vector<16x512xi32>
        %shift_right_logical3A_359 = arith.shrui %add3A_352, %shift_right_logical3A_358 : vector<16x512xi32>
        %or3A_360 = arith.ori %shift_left3A_356, %shift_right_logical3A_359 : vector<16x512xi32>
        %xor3A_361 = arith.xori %add3A_353, %or3A_360 : vector<16x512xi32>
        %add3A_362 = arith.addi %add3A_353, %xor3A_361 : vector<16x512xi32>
        %shift_left3A_363 = arith.constant 29 : i32
        %shift_left3A_364 = vector.broadcast %shift_left3A_363 : i32 to vector<16x512xi32>
        %shift_left3A_365 = arith.shli %xor3A_361, %shift_left3A_364 : vector<16x512xi32>
        %shift_right_logical3A_366 = arith.constant 3 : i32
        %shift_right_logical3A_367 = vector.broadcast %shift_right_logical3A_366 : i32 to vector<16x512xi32>
        %shift_right_logical3A_368 = arith.shrui %xor3A_361, %shift_right_logical3A_367 : vector<16x512xi32>
        %or3A_369 = arith.ori %shift_left3A_365, %shift_right_logical3A_368 : vector<16x512xi32>
        %xor3A_370 = arith.xori %add3A_362, %or3A_369 : vector<16x512xi32>
        %add3A_371 = arith.addi %add3A_362, %xor3A_370 : vector<16x512xi32>
        %shift_left3A_372 = arith.constant 16 : i32
        %shift_left3A_373 = vector.broadcast %shift_left3A_372 : i32 to vector<16x512xi32>
        %shift_left3A_374 = arith.shli %xor3A_370, %shift_left3A_373 : vector<16x512xi32>
        %shift_right_logical3A_375 = arith.constant 16 : i32
        %shift_right_logical3A_376 = vector.broadcast %shift_right_logical3A_375 : i32 to vector<16x512xi32>
        %shift_right_logical3A_377 = arith.shrui %xor3A_370, %shift_right_logical3A_376 : vector<16x512xi32>
        %or3A_378 = arith.ori %shift_left3A_374, %shift_right_logical3A_377 : vector<16x512xi32>
        %xor3A_379 = arith.xori %add3A_371, %or3A_378 : vector<16x512xi32>
        %add3A_380 = arith.addi %add3A_371, %xor3A_379 : vector<16x512xi32>
        %shift_left3A_381 = arith.constant 24 : i32
        %shift_left3A_382 = vector.broadcast %shift_left3A_381 : i32 to vector<16x512xi32>
        %shift_left3A_383 = arith.shli %xor3A_379, %shift_left3A_382 : vector<16x512xi32>
        %shift_right_logical3A_384 = arith.constant 8 : i32
        %shift_right_logical3A_385 = vector.broadcast %shift_right_logical3A_384 : i32 to vector<16x512xi32>
        %shift_right_logical3A_386 = arith.shrui %xor3A_379, %shift_right_logical3A_385 : vector<16x512xi32>
        %or3A_387 = arith.ori %shift_left3A_383, %shift_right_logical3A_386 : vector<16x512xi32>
        %xor3A_388 = arith.xori %add3A_380, %or3A_387 : vector<16x512xi32>
        %add3A_389 = vector.broadcast %xor3A_310 : i32 to vector<16x512xi32>
        %add3A_390 = arith.addi %add3A_380, %add3A_389 : vector<16x512xi32>
        %add3A_391 = arith.constant 2 : i32
        %add3A_392 = arith.addi %get3A_1, %add3A_391 : i32
        %add3A_393 = vector.broadcast %add3A_392 : i32 to vector<16x512xi32>
        %add3A_394 = arith.addi %xor3A_388, %add3A_393 : vector<16x512xi32>
        %add3A_395 = arith.addi %add3A_390, %add3A_394 : vector<16x512xi32>
        %shift_left3A_396 = arith.constant 13 : i32
        %shift_left3A_397 = vector.broadcast %shift_left3A_396 : i32 to vector<16x512xi32>
        %shift_left3A_398 = arith.shli %add3A_394, %shift_left3A_397 : vector<16x512xi32>
        %shift_right_logical3A_399 = arith.constant 19 : i32
        %shift_right_logical3A_400 = vector.broadcast %shift_right_logical3A_399 : i32 to vector<16x512xi32>
        %shift_right_logical3A_401 = arith.shrui %add3A_394, %shift_right_logical3A_400 : vector<16x512xi32>
        %or3A_402 = arith.ori %shift_left3A_398, %shift_right_logical3A_401 : vector<16x512xi32>
        %xor3A_403 = arith.xori %add3A_395, %or3A_402 : vector<16x512xi32>
        %add3A_404 = arith.addi %add3A_395, %xor3A_403 : vector<16x512xi32>
        %shift_left3A_405 = arith.constant 15 : i32
        %shift_left3A_406 = vector.broadcast %shift_left3A_405 : i32 to vector<16x512xi32>
        %shift_left3A_407 = arith.shli %xor3A_403, %shift_left3A_406 : vector<16x512xi32>
        %shift_right_logical3A_408 = arith.constant 17 : i32
        %shift_right_logical3A_409 = vector.broadcast %shift_right_logical3A_408 : i32 to vector<16x512xi32>
        %shift_right_logical3A_410 = arith.shrui %xor3A_403, %shift_right_logical3A_409 : vector<16x512xi32>
        %or3A_411 = arith.ori %shift_left3A_407, %shift_right_logical3A_410 : vector<16x512xi32>
        %xor3A_412 = arith.xori %add3A_404, %or3A_411 : vector<16x512xi32>
        %add3A_413 = arith.addi %add3A_404, %xor3A_412 : vector<16x512xi32>
        %shift_left3A_414 = arith.constant 26 : i32
        %shift_left3A_415 = vector.broadcast %shift_left3A_414 : i32 to vector<16x512xi32>
        %shift_left3A_416 = arith.shli %xor3A_412, %shift_left3A_415 : vector<16x512xi32>
        %shift_right_logical3A_417 = arith.constant 6 : i32
        %shift_right_logical3A_418 = vector.broadcast %shift_right_logical3A_417 : i32 to vector<16x512xi32>
        %shift_right_logical3A_419 = arith.shrui %xor3A_412, %shift_right_logical3A_418 : vector<16x512xi32>
        %or3A_420 = arith.ori %shift_left3A_416, %shift_right_logical3A_419 : vector<16x512xi32>
        %xor3A_421 = arith.xori %add3A_413, %or3A_420 : vector<16x512xi32>
        %add3A_422 = arith.addi %add3A_413, %xor3A_421 : vector<16x512xi32>
        %shift_left3A_423 = arith.constant 6 : i32
        %shift_left3A_424 = vector.broadcast %shift_left3A_423 : i32 to vector<16x512xi32>
        %shift_left3A_425 = arith.shli %xor3A_421, %shift_left3A_424 : vector<16x512xi32>
        %shift_right_logical3A_426 = arith.constant 26 : i32
        %shift_right_logical3A_427 = vector.broadcast %shift_right_logical3A_426 : i32 to vector<16x512xi32>
        %shift_right_logical3A_428 = arith.shrui %xor3A_421, %shift_right_logical3A_427 : vector<16x512xi32>
        %or3A_429 = arith.ori %shift_left3A_425, %shift_right_logical3A_428 : vector<16x512xi32>
        %xor3A_430 = arith.xori %add3A_422, %or3A_429 : vector<16x512xi32>
        %add3A_431 = vector.broadcast %get3A_1 : i32 to vector<16x512xi32>
        %add3A_432 = arith.addi %add3A_422, %add3A_431 : vector<16x512xi32>
        %add3A_433 = arith.constant 3 : i32
        %add3A_434 = arith.addi %get3A_4, %add3A_433 : i32
        %add3A_435 = vector.broadcast %add3A_434 : i32 to vector<16x512xi32>
        %add3A_436 = arith.addi %xor3A_430, %add3A_435 : vector<16x512xi32>
        %add3A_437 = arith.addi %add3A_432, %add3A_436 : vector<16x512xi32>
        %shift_left3A_438 = arith.constant 17 : i32
        %shift_left3A_439 = vector.broadcast %shift_left3A_438 : i32 to vector<16x512xi32>
        %shift_left3A_440 = arith.shli %add3A_436, %shift_left3A_439 : vector<16x512xi32>
        %shift_right_logical3A_441 = arith.constant 15 : i32
        %shift_right_logical3A_442 = vector.broadcast %shift_right_logical3A_441 : i32 to vector<16x512xi32>
        %shift_right_logical3A_443 = arith.shrui %add3A_436, %shift_right_logical3A_442 : vector<16x512xi32>
        %or3A_444 = arith.ori %shift_left3A_440, %shift_right_logical3A_443 : vector<16x512xi32>
        %xor3A_445 = arith.xori %add3A_437, %or3A_444 : vector<16x512xi32>
        %add3A_446 = arith.addi %add3A_437, %xor3A_445 : vector<16x512xi32>
        %shift_left3A_447 = arith.constant 29 : i32
        %shift_left3A_448 = vector.broadcast %shift_left3A_447 : i32 to vector<16x512xi32>
        %shift_left3A_449 = arith.shli %xor3A_445, %shift_left3A_448 : vector<16x512xi32>
        %shift_right_logical3A_450 = arith.constant 3 : i32
        %shift_right_logical3A_451 = vector.broadcast %shift_right_logical3A_450 : i32 to vector<16x512xi32>
        %shift_right_logical3A_452 = arith.shrui %xor3A_445, %shift_right_logical3A_451 : vector<16x512xi32>
        %or3A_453 = arith.ori %shift_left3A_449, %shift_right_logical3A_452 : vector<16x512xi32>
        %xor3A_454 = arith.xori %add3A_446, %or3A_453 : vector<16x512xi32>
        %add3A_455 = arith.addi %add3A_446, %xor3A_454 : vector<16x512xi32>
        %shift_left3A_456 = arith.constant 16 : i32
        %shift_left3A_457 = vector.broadcast %shift_left3A_456 : i32 to vector<16x512xi32>
        %shift_left3A_458 = arith.shli %xor3A_454, %shift_left3A_457 : vector<16x512xi32>
        %shift_right_logical3A_459 = arith.constant 16 : i32
        %shift_right_logical3A_460 = vector.broadcast %shift_right_logical3A_459 : i32 to vector<16x512xi32>
        %shift_right_logical3A_461 = arith.shrui %xor3A_454, %shift_right_logical3A_460 : vector<16x512xi32>
        %or3A_462 = arith.ori %shift_left3A_458, %shift_right_logical3A_461 : vector<16x512xi32>
        %xor3A_463 = arith.xori %add3A_455, %or3A_462 : vector<16x512xi32>
        %add3A_464 = arith.addi %add3A_455, %xor3A_463 : vector<16x512xi32>
        %shift_left3A_465 = arith.constant 24 : i32
        %shift_left3A_466 = vector.broadcast %shift_left3A_465 : i32 to vector<16x512xi32>
        %shift_left3A_467 = arith.shli %xor3A_463, %shift_left3A_466 : vector<16x512xi32>
        %shift_right_logical3A_468 = arith.constant 8 : i32
        %shift_right_logical3A_469 = vector.broadcast %shift_right_logical3A_468 : i32 to vector<16x512xi32>
        %shift_right_logical3A_470 = arith.shrui %xor3A_463, %shift_right_logical3A_469 : vector<16x512xi32>
        %or3A_471 = arith.ori %shift_left3A_467, %shift_right_logical3A_470 : vector<16x512xi32>
        %xor3A_472 = arith.xori %add3A_464, %or3A_471 : vector<16x512xi32>
        %add3A_473 = vector.broadcast %get3A_4 : i32 to vector<16x512xi32>
        %add3A_474 = arith.addi %add3A_464, %add3A_473 : vector<16x512xi32>
        %add3A_475 = arith.constant 4 : i32
        %add3A_476 = arith.addi %xor3A_310, %add3A_475 : i32
        %add3A_477 = vector.broadcast %add3A_476 : i32 to vector<16x512xi32>
        %add3A_478 = arith.addi %xor3A_472, %add3A_477 : vector<16x512xi32>
        %add3A_479 = arith.addi %add3A_474, %add3A_478 : vector<16x512xi32>
        %shift_left3A_480 = arith.constant 13 : i32
        %shift_left3A_481 = vector.broadcast %shift_left3A_480 : i32 to vector<16x512xi32>
        %shift_left3A_482 = arith.shli %add3A_478, %shift_left3A_481 : vector<16x512xi32>
        %shift_right_logical3A_483 = arith.constant 19 : i32
        %shift_right_logical3A_484 = vector.broadcast %shift_right_logical3A_483 : i32 to vector<16x512xi32>
        %shift_right_logical3A_485 = arith.shrui %add3A_478, %shift_right_logical3A_484 : vector<16x512xi32>
        %or3A_486 = arith.ori %shift_left3A_482, %shift_right_logical3A_485 : vector<16x512xi32>
        %xor3A_487 = arith.xori %add3A_479, %or3A_486 : vector<16x512xi32>
        %add3A_488 = arith.addi %add3A_479, %xor3A_487 : vector<16x512xi32>
        %shift_left3A_489 = arith.constant 15 : i32
        %shift_left3A_490 = vector.broadcast %shift_left3A_489 : i32 to vector<16x512xi32>
        %shift_left3A_491 = arith.shli %xor3A_487, %shift_left3A_490 : vector<16x512xi32>
        %shift_right_logical3A_492 = arith.constant 17 : i32
        %shift_right_logical3A_493 = vector.broadcast %shift_right_logical3A_492 : i32 to vector<16x512xi32>
        %shift_right_logical3A_494 = arith.shrui %xor3A_487, %shift_right_logical3A_493 : vector<16x512xi32>
        %or3A_495 = arith.ori %shift_left3A_491, %shift_right_logical3A_494 : vector<16x512xi32>
        %xor3A_496 = arith.xori %add3A_488, %or3A_495 : vector<16x512xi32>
        %add3A_497 = arith.addi %add3A_488, %xor3A_496 : vector<16x512xi32>
        %shift_left3A_498 = arith.constant 26 : i32
        %shift_left3A_499 = vector.broadcast %shift_left3A_498 : i32 to vector<16x512xi32>
        %shift_left3A_500 = arith.shli %xor3A_496, %shift_left3A_499 : vector<16x512xi32>
        %shift_right_logical3A_501 = arith.constant 6 : i32
        %shift_right_logical3A_502 = vector.broadcast %shift_right_logical3A_501 : i32 to vector<16x512xi32>
        %shift_right_logical3A_503 = arith.shrui %xor3A_496, %shift_right_logical3A_502 : vector<16x512xi32>
        %or3A_504 = arith.ori %shift_left3A_500, %shift_right_logical3A_503 : vector<16x512xi32>
        %xor3A_505 = arith.xori %add3A_497, %or3A_504 : vector<16x512xi32>
        %add3A_506 = arith.addi %add3A_497, %xor3A_505 : vector<16x512xi32>
        %shift_left3A_507 = arith.constant 6 : i32
        %shift_left3A_508 = vector.broadcast %shift_left3A_507 : i32 to vector<16x512xi32>
        %shift_left3A_509 = arith.shli %xor3A_505, %shift_left3A_508 : vector<16x512xi32>
        %shift_right_logical3A_510 = arith.constant 26 : i32
        %shift_right_logical3A_511 = vector.broadcast %shift_right_logical3A_510 : i32 to vector<16x512xi32>
        %shift_right_logical3A_512 = arith.shrui %xor3A_505, %shift_right_logical3A_511 : vector<16x512xi32>
        %or3A_513 = arith.ori %shift_left3A_509, %shift_right_logical3A_512 : vector<16x512xi32>
        %xor3A_514 = arith.xori %add3A_506, %or3A_513 : vector<16x512xi32>
        %add3A_515 = vector.broadcast %xor3A_310 : i32 to vector<16x512xi32>
        %add3A_516 = arith.addi %add3A_506, %add3A_515 : vector<16x512xi32>
        %add3A_517 = arith.constant 5 : i32
        %add3A_518 = arith.addi %get3A_1, %add3A_517 : i32
        %add3A_519 = vector.broadcast %add3A_518 : i32 to vector<16x512xi32>
        %add3A_520 = arith.addi %xor3A_514, %add3A_519 : vector<16x512xi32>
        %xor3A_521 = arith.xori %add3A_516, %add3A_520 : vector<16x512xi32>
        %shift_right_logical3A_522 = arith.constant 9 : i32
        %shift_right_logical3A_523 = vector.broadcast %shift_right_logical3A_522 : i32 to vector<16x512xi32>
        %shift_right_logical3A_524 = arith.shrui %xor3A_521, %shift_right_logical3A_523 : vector<16x512xi32>
        %or3A_525 = arith.constant 1065353216 : i32
        %or3A_526 = vector.broadcast %or3A_525 : i32 to vector<16x512xi32>
        %or3A_527 = arith.ori %shift_right_logical3A_524, %or3A_526 : vector<16x512xi32>
        %bitcast_convert_type3A_528 = tpu.bitcast %or3A_527 : vector<16x512xi32> -> vector<16x512xf32>
        %sub3A_529 = arith.constant 1.000000e+00 : f32
        %sub3A_530 = vector.broadcast %sub3A_529 : f32 to vector<16x512xf32>
        %sub3A_531 = arith.subf %bitcast_convert_type3A_528, %sub3A_530 : vector<16x512xf32>
        %max3A_532 = arith.constant 1.17549435E-38 : f32
        %max3A_533 = vector.broadcast %max3A_532 : f32 to vector<16x512xf32>
        %max3A_534 = arith.maximumf %sub3A_531, %max3A_533 : vector<16x512xf32>
        %mul3A_535 = arith.constant 512 : i32
        %mul3A_536 = arith.muli %scan3A_299, %mul3A_535 : i32
        %get3A_537 = arith.constant 0 : index
        %get3A_538 = arith.constant 0 : index
        %get3A_539 = arith.index_cast %mul3A_536 : i32 to index
        %get3A_540 = vector.load %arg3[%get3A_537, %get3A_538, %get3A_539] : memref<1x1x200192xf32, #tpu.memory_space<vmem>>, vector<1x1x512xf32>
        %get3A_541 = vector.shape_cast %get3A_540 : vector<1x1x512xf32> to vector<512xf32>
        %reshape3A_542 = vector.shape_cast %get3A_541 : vector<512xf32> to vector<1x512xf32>
        %log3A_543 = math.log %max3A_534 : vector<16x512xf32>
        %neg3A_544 = arith.constant 0.000000e+00 : f32
        %neg3A_545 = vector.broadcast %neg3A_544 : f32 to vector<16x512xf32>
        %neg3A_546 = arith.subf %neg3A_545, %log3A_543 : vector<16x512xf32>
        %log3A_547 = math.log %neg3A_546 : vector<16x512xf32>
        %sub3A_548 = vector.broadcast %reshape3A_542 : vector<1x512xf32> to vector<16x512xf32>
        %sub3A_549 = arith.subf %sub3A_548, %log3A_547 : vector<16x512xf32>
        %gt3A_550 = arith.cmpf ogt, %sub3A_549, %select_n3A_295 : vector<16x512xf32>
        %select_n3A_551 = arith.select %gt3A_550, %sub3A_549, %select_n3A_295 : vector<16x512xi1>, vector<16x512xf32>
        %broadcast_in_dim3A_552 = vector.broadcast %scan3A_299 : i32 to vector<16x512xi32>
        %select_n3A_553 = arith.select %gt3A_550, %broadcast_in_dim3A_552, %select_n3A_297 : vector<16x512xi1>, vector<16x512xi32>
        %scan3A_554 = arith.constant 2 : i32
        %scan3A_555 = arith.addi %scan3A_53, %scan3A_554 : i32
        %mul3A_556 = arith.constant 512 : i32
        %mul3A_557 = arith.muli %mul3A_556, %scan3A_555 : i32
        %add3A_558 = vector.broadcast %mul3A_557 : i32 to vector<16x512xi32>
        %add3A_559 = arith.addi %add3A_26, %add3A_558 : vector<16x512xi32>
        %lt3A_560 = arith.cmpi ult, %add3A_559, %mul3A_18 : vector<16x512xi32>
        %select_n3A_561 = arith.select %lt3A_560, %add3A_25, %add3A_22 : vector<16x512xi1>, vector<16x512xi32>
        %add3A_562 = vector.broadcast %get3A_4 : i32 to vector<16x512xi32>
        %add3A_563 = arith.addi %add3A_559, %add3A_562 : vector<16x512xi32>
        %xor3A_564 = arith.xori %get3A_1, %get3A_4 : i32
        %xor3A_565 = arith.constant 466688986 : i32
        %xor3A_566 = arith.xori %xor3A_564, %xor3A_565 : i32
        %add3A_567 = arith.addi %select_n3A_561, %add3A_563 : vector<16x512xi32>
        %shift_left3A_568 = arith.constant 13 : i32
        %shift_left3A_569 = vector.broadcast %shift_left3A_568 : i32 to vector<16x512xi32>
        %shift_left3A_570 = arith.shli %add3A_563, %shift_left3A_569 : vector<16x512xi32>
        %shift_right_logical3A_571 = arith.constant 19 : i32
        %shift_right_logical3A_572 = vector.broadcast %shift_right_logical3A_571 : i32 to vector<16x512xi32>
        %shift_right_logical3A_573 = arith.shrui %add3A_563, %shift_right_logical3A_572 : vector<16x512xi32>
        %or3A_574 = arith.ori %shift_left3A_570, %shift_right_logical3A_573 : vector<16x512xi32>
        %xor3A_575 = arith.xori %add3A_567, %or3A_574 : vector<16x512xi32>
        %add3A_576 = arith.addi %add3A_567, %xor3A_575 : vector<16x512xi32>
        %shift_left3A_577 = arith.constant 15 : i32
        %shift_left3A_578 = vector.broadcast %shift_left3A_577 : i32 to vector<16x512xi32>
        %shift_left3A_579 = arith.shli %xor3A_575, %shift_left3A_578 : vector<16x512xi32>
        %shift_right_logical3A_580 = arith.constant 17 : i32
        %shift_right_logical3A_581 = vector.broadcast %shift_right_logical3A_580 : i32 to vector<16x512xi32>
        %shift_right_logical3A_582 = arith.shrui %xor3A_575, %shift_right_logical3A_581 : vector<16x512xi32>
        %or3A_583 = arith.ori %shift_left3A_579, %shift_right_logical3A_582 : vector<16x512xi32>
        %xor3A_584 = arith.xori %add3A_576, %or3A_583 : vector<16x512xi32>
        %add3A_585 = arith.addi %add3A_576, %xor3A_584 : vector<16x512xi32>
        %shift_left3A_586 = arith.constant 26 : i32
        %shift_left3A_587 = vector.broadcast %shift_left3A_586 : i32 to vector<16x512xi32>
        %shift_left3A_588 = arith.shli %xor3A_584, %shift_left3A_587 : vector<16x512xi32>
        %shift_right_logical3A_589 = arith.constant 6 : i32
        %shift_right_logical3A_590 = vector.broadcast %shift_right_logical3A_589 : i32 to vector<16x512xi32>
        %shift_right_logical3A_591 = arith.shrui %xor3A_584, %shift_right_logical3A_590 : vector<16x512xi32>
        %or3A_592 = arith.ori %shift_left3A_588, %shift_right_logical3A_591 : vector<16x512xi32>
        %xor3A_593 = arith.xori %add3A_585, %or3A_592 : vector<16x512xi32>
        %add3A_594 = arith.addi %add3A_585, %xor3A_593 : vector<16x512xi32>
        %shift_left3A_595 = arith.constant 6 : i32
        %shift_left3A_596 = vector.broadcast %shift_left3A_595 : i32 to vector<16x512xi32>
        %shift_left3A_597 = arith.shli %xor3A_593, %shift_left3A_596 : vector<16x512xi32>
        %shift_right_logical3A_598 = arith.constant 26 : i32
        %shift_right_logical3A_599 = vector.broadcast %shift_right_logical3A_598 : i32 to vector<16x512xi32>
        %shift_right_logical3A_600 = arith.shrui %xor3A_593, %shift_right_logical3A_599 : vector<16x512xi32>
        %or3A_601 = arith.ori %shift_left3A_597, %shift_right_logical3A_600 : vector<16x512xi32>
        %xor3A_602 = arith.xori %add3A_594, %or3A_601 : vector<16x512xi32>
        %add3A_603 = vector.broadcast %get3A_4 : i32 to vector<16x512xi32>
        %add3A_604 = arith.addi %add3A_594, %add3A_603 : vector<16x512xi32>
        %add3A_605 = arith.constant 1 : i32
        %add3A_606 = arith.addi %xor3A_566, %add3A_605 : i32
        %add3A_607 = vector.broadcast %add3A_606 : i32 to vector<16x512xi32>
        %add3A_608 = arith.addi %xor3A_602, %add3A_607 : vector<16x512xi32>
        %add3A_609 = arith.addi %add3A_604, %add3A_608 : vector<16x512xi32>
        %shift_left3A_610 = arith.constant 17 : i32
        %shift_left3A_611 = vector.broadcast %shift_left3A_610 : i32 to vector<16x512xi32>
        %shift_left3A_612 = arith.shli %add3A_608, %shift_left3A_611 : vector<16x512xi32>
        %shift_right_logical3A_613 = arith.constant 15 : i32
        %shift_right_logical3A_614 = vector.broadcast %shift_right_logical3A_613 : i32 to vector<16x512xi32>
        %shift_right_logical3A_615 = arith.shrui %add3A_608, %shift_right_logical3A_614 : vector<16x512xi32>
        %or3A_616 = arith.ori %shift_left3A_612, %shift_right_logical3A_615 : vector<16x512xi32>
        %xor3A_617 = arith.xori %add3A_609, %or3A_616 : vector<16x512xi32>
        %add3A_618 = arith.addi %add3A_609, %xor3A_617 : vector<16x512xi32>
        %shift_left3A_619 = arith.constant 29 : i32
        %shift_left3A_620 = vector.broadcast %shift_left3A_619 : i32 to vector<16x512xi32>
        %shift_left3A_621 = arith.shli %xor3A_617, %shift_left3A_620 : vector<16x512xi32>
        %shift_right_logical3A_622 = arith.constant 3 : i32
        %shift_right_logical3A_623 = vector.broadcast %shift_right_logical3A_622 : i32 to vector<16x512xi32>
        %shift_right_logical3A_624 = arith.shrui %xor3A_617, %shift_right_logical3A_623 : vector<16x512xi32>
        %or3A_625 = arith.ori %shift_left3A_621, %shift_right_logical3A_624 : vector<16x512xi32>
        %xor3A_626 = arith.xori %add3A_618, %or3A_625 : vector<16x512xi32>
        %add3A_627 = arith.addi %add3A_618, %xor3A_626 : vector<16x512xi32>
        %shift_left3A_628 = arith.constant 16 : i32
        %shift_left3A_629 = vector.broadcast %shift_left3A_628 : i32 to vector<16x512xi32>
        %shift_left3A_630 = arith.shli %xor3A_626, %shift_left3A_629 : vector<16x512xi32>
        %shift_right_logical3A_631 = arith.constant 16 : i32
        %shift_right_logical3A_632 = vector.broadcast %shift_right_logical3A_631 : i32 to vector<16x512xi32>
        %shift_right_logical3A_633 = arith.shrui %xor3A_626, %shift_right_logical3A_632 : vector<16x512xi32>
        %or3A_634 = arith.ori %shift_left3A_630, %shift_right_logical3A_633 : vector<16x512xi32>
        %xor3A_635 = arith.xori %add3A_627, %or3A_634 : vector<16x512xi32>
        %add3A_636 = arith.addi %add3A_627, %xor3A_635 : vector<16x512xi32>
        %shift_left3A_637 = arith.constant 24 : i32
        %shift_left3A_638 = vector.broadcast %shift_left3A_637 : i32 to vector<16x512xi32>
        %shift_left3A_639 = arith.shli %xor3A_635, %shift_left3A_638 : vector<16x512xi32>
        %shift_right_logical3A_640 = arith.constant 8 : i32
        %shift_right_logical3A_641 = vector.broadcast %shift_right_logical3A_640 : i32 to vector<16x512xi32>
        %shift_right_logical3A_642 = arith.shrui %xor3A_635, %shift_right_logical3A_641 : vector<16x512xi32>
        %or3A_643 = arith.ori %shift_left3A_639, %shift_right_logical3A_642 : vector<16x512xi32>
        %xor3A_644 = arith.xori %add3A_636, %or3A_643 : vector<16x512xi32>
        %add3A_645 = vector.broadcast %xor3A_566 : i32 to vector<16x512xi32>
        %add3A_646 = arith.addi %add3A_636, %add3A_645 : vector<16x512xi32>
        %add3A_647 = arith.constant 2 : i32
        %add3A_648 = arith.addi %get3A_1, %add3A_647 : i32
        %add3A_649 = vector.broadcast %add3A_648 : i32 to vector<16x512xi32>
        %add3A_650 = arith.addi %xor3A_644, %add3A_649 : vector<16x512xi32>
        %add3A_651 = arith.addi %add3A_646, %add3A_650 : vector<16x512xi32>
        %shift_left3A_652 = arith.constant 13 : i32
        %shift_left3A_653 = vector.broadcast %shift_left3A_652 : i32 to vector<16x512xi32>
        %shift_left3A_654 = arith.shli %add3A_650, %shift_left3A_653 : vector<16x512xi32>
        %shift_right_logical3A_655 = arith.constant 19 : i32
        %shift_right_logical3A_656 = vector.broadcast %shift_right_logical3A_655 : i32 to vector<16x512xi32>
        %shift_right_logical3A_657 = arith.shrui %add3A_650, %shift_right_logical3A_656 : vector<16x512xi32>
        %or3A_658 = arith.ori %shift_left3A_654, %shift_right_logical3A_657 : vector<16x512xi32>
        %xor3A_659 = arith.xori %add3A_651, %or3A_658 : vector<16x512xi32>
        %add3A_660 = arith.addi %add3A_651, %xor3A_659 : vector<16x512xi32>
        %shift_left3A_661 = arith.constant 15 : i32
        %shift_left3A_662 = vector.broadcast %shift_left3A_661 : i32 to vector<16x512xi32>
        %shift_left3A_663 = arith.shli %xor3A_659, %shift_left3A_662 : vector<16x512xi32>
        %shift_right_logical3A_664 = arith.constant 17 : i32
        %shift_right_logical3A_665 = vector.broadcast %shift_right_logical3A_664 : i32 to vector<16x512xi32>
        %shift_right_logical3A_666 = arith.shrui %xor3A_659, %shift_right_logical3A_665 : vector<16x512xi32>
        %or3A_667 = arith.ori %shift_left3A_663, %shift_right_logical3A_666 : vector<16x512xi32>
        %xor3A_668 = arith.xori %add3A_660, %or3A_667 : vector<16x512xi32>
        %add3A_669 = arith.addi %add3A_660, %xor3A_668 : vector<16x512xi32>
        %shift_left3A_670 = arith.constant 26 : i32
        %shift_left3A_671 = vector.broadcast %shift_left3A_670 : i32 to vector<16x512xi32>
        %shift_left3A_672 = arith.shli %xor3A_668, %shift_left3A_671 : vector<16x512xi32>
        %shift_right_logical3A_673 = arith.constant 6 : i32
        %shift_right_logical3A_674 = vector.broadcast %shift_right_logical3A_673 : i32 to vector<16x512xi32>
        %shift_right_logical3A_675 = arith.shrui %xor3A_668, %shift_right_logical3A_674 : vector<16x512xi32>
        %or3A_676 = arith.ori %shift_left3A_672, %shift_right_logical3A_675 : vector<16x512xi32>
        %xor3A_677 = arith.xori %add3A_669, %or3A_676 : vector<16x512xi32>
        %add3A_678 = arith.addi %add3A_669, %xor3A_677 : vector<16x512xi32>
        %shift_left3A_679 = arith.constant 6 : i32
        %shift_left3A_680 = vector.broadcast %shift_left3A_679 : i32 to vector<16x512xi32>
        %shift_left3A_681 = arith.shli %xor3A_677, %shift_left3A_680 : vector<16x512xi32>
        %shift_right_logical3A_682 = arith.constant 26 : i32
        %shift_right_logical3A_683 = vector.broadcast %shift_right_logical3A_682 : i32 to vector<16x512xi32>
        %shift_right_logical3A_684 = arith.shrui %xor3A_677, %shift_right_logical3A_683 : vector<16x512xi32>
        %or3A_685 = arith.ori %shift_left3A_681, %shift_right_logical3A_684 : vector<16x512xi32>
        %xor3A_686 = arith.xori %add3A_678, %or3A_685 : vector<16x512xi32>
        %add3A_687 = vector.broadcast %get3A_1 : i32 to vector<16x512xi32>
        %add3A_688 = arith.addi %add3A_678, %add3A_687 : vector<16x512xi32>
        %add3A_689 = arith.constant 3 : i32
        %add3A_690 = arith.addi %get3A_4, %add3A_689 : i32
        %add3A_691 = vector.broadcast %add3A_690 : i32 to vector<16x512xi32>
        %add3A_692 = arith.addi %xor3A_686, %add3A_691 : vector<16x512xi32>
        %add3A_693 = arith.addi %add3A_688, %add3A_692 : vector<16x512xi32>
        %shift_left3A_694 = arith.constant 17 : i32
        %shift_left3A_695 = vector.broadcast %shift_left3A_694 : i32 to vector<16x512xi32>
        %shift_left3A_696 = arith.shli %add3A_692, %shift_left3A_695 : vector<16x512xi32>
        %shift_right_logical3A_697 = arith.constant 15 : i32
        %shift_right_logical3A_698 = vector.broadcast %shift_right_logical3A_697 : i32 to vector<16x512xi32>
        %shift_right_logical3A_699 = arith.shrui %add3A_692, %shift_right_logical3A_698 : vector<16x512xi32>
        %or3A_700 = arith.ori %shift_left3A_696, %shift_right_logical3A_699 : vector<16x512xi32>
        %xor3A_701 = arith.xori %add3A_693, %or3A_700 : vector<16x512xi32>
        %add3A_702 = arith.addi %add3A_693, %xor3A_701 : vector<16x512xi32>
        %shift_left3A_703 = arith.constant 29 : i32
        %shift_left3A_704 = vector.broadcast %shift_left3A_703 : i32 to vector<16x512xi32>
        %shift_left3A_705 = arith.shli %xor3A_701, %shift_left3A_704 : vector<16x512xi32>
        %shift_right_logical3A_706 = arith.constant 3 : i32
        %shift_right_logical3A_707 = vector.broadcast %shift_right_logical3A_706 : i32 to vector<16x512xi32>
        %shift_right_logical3A_708 = arith.shrui %xor3A_701, %shift_right_logical3A_707 : vector<16x512xi32>
        %or3A_709 = arith.ori %shift_left3A_705, %shift_right_logical3A_708 : vector<16x512xi32>
        %xor3A_710 = arith.xori %add3A_702, %or3A_709 : vector<16x512xi32>
        %add3A_711 = arith.addi %add3A_702, %xor3A_710 : vector<16x512xi32>
        %shift_left3A_712 = arith.constant 16 : i32
        %shift_left3A_713 = vector.broadcast %shift_left3A_712 : i32 to vector<16x512xi32>
        %shift_left3A_714 = arith.shli %xor3A_710, %shift_left3A_713 : vector<16x512xi32>
        %shift_right_logical3A_715 = arith.constant 16 : i32
        %shift_right_logical3A_716 = vector.broadcast %shift_right_logical3A_715 : i32 to vector<16x512xi32>
        %shift_right_logical3A_717 = arith.shrui %xor3A_710, %shift_right_logical3A_716 : vector<16x512xi32>
        %or3A_718 = arith.ori %shift_left3A_714, %shift_right_logical3A_717 : vector<16x512xi32>
        %xor3A_719 = arith.xori %add3A_711, %or3A_718 : vector<16x512xi32>
        %add3A_720 = arith.addi %add3A_711, %xor3A_719 : vector<16x512xi32>
        %shift_left3A_721 = arith.constant 24 : i32
        %shift_left3A_722 = vector.broadcast %shift_left3A_721 : i32 to vector<16x512xi32>
        %shift_left3A_723 = arith.shli %xor3A_719, %shift_left3A_722 : vector<16x512xi32>
        %shift_right_logical3A_724 = arith.constant 8 : i32
        %shift_right_logical3A_725 = vector.broadcast %shift_right_logical3A_724 : i32 to vector<16x512xi32>
        %shift_right_logical3A_726 = arith.shrui %xor3A_719, %shift_right_logical3A_725 : vector<16x512xi32>
        %or3A_727 = arith.ori %shift_left3A_723, %shift_right_logical3A_726 : vector<16x512xi32>
        %xor3A_728 = arith.xori %add3A_720, %or3A_727 : vector<16x512xi32>
        %add3A_729 = vector.broadcast %get3A_4 : i32 to vector<16x512xi32>
        %add3A_730 = arith.addi %add3A_720, %add3A_729 : vector<16x512xi32>
        %add3A_731 = arith.constant 4 : i32
        %add3A_732 = arith.addi %xor3A_566, %add3A_731 : i32
        %add3A_733 = vector.broadcast %add3A_732 : i32 to vector<16x512xi32>
        %add3A_734 = arith.addi %xor3A_728, %add3A_733 : vector<16x512xi32>
        %add3A_735 = arith.addi %add3A_730, %add3A_734 : vector<16x512xi32>
        %shift_left3A_736 = arith.constant 13 : i32
        %shift_left3A_737 = vector.broadcast %shift_left3A_736 : i32 to vector<16x512xi32>
        %shift_left3A_738 = arith.shli %add3A_734, %shift_left3A_737 : vector<16x512xi32>
        %shift_right_logical3A_739 = arith.constant 19 : i32
        %shift_right_logical3A_740 = vector.broadcast %shift_right_logical3A_739 : i32 to vector<16x512xi32>
        %shift_right_logical3A_741 = arith.shrui %add3A_734, %shift_right_logical3A_740 : vector<16x512xi32>
        %or3A_742 = arith.ori %shift_left3A_738, %shift_right_logical3A_741 : vector<16x512xi32>
        %xor3A_743 = arith.xori %add3A_735, %or3A_742 : vector<16x512xi32>
        %add3A_744 = arith.addi %add3A_735, %xor3A_743 : vector<16x512xi32>
        %shift_left3A_745 = arith.constant 15 : i32
        %shift_left3A_746 = vector.broadcast %shift_left3A_745 : i32 to vector<16x512xi32>
        %shift_left3A_747 = arith.shli %xor3A_743, %shift_left3A_746 : vector<16x512xi32>
        %shift_right_logical3A_748 = arith.constant 17 : i32
        %shift_right_logical3A_749 = vector.broadcast %shift_right_logical3A_748 : i32 to vector<16x512xi32>
        %shift_right_logical3A_750 = arith.shrui %xor3A_743, %shift_right_logical3A_749 : vector<16x512xi32>
        %or3A_751 = arith.ori %shift_left3A_747, %shift_right_logical3A_750 : vector<16x512xi32>
        %xor3A_752 = arith.xori %add3A_744, %or3A_751 : vector<16x512xi32>
        %add3A_753 = arith.addi %add3A_744, %xor3A_752 : vector<16x512xi32>
        %shift_left3A_754 = arith.constant 26 : i32
        %shift_left3A_755 = vector.broadcast %shift_left3A_754 : i32 to vector<16x512xi32>
        %shift_left3A_756 = arith.shli %xor3A_752, %shift_left3A_755 : vector<16x512xi32>
        %shift_right_logical3A_757 = arith.constant 6 : i32
        %shift_right_logical3A_758 = vector.broadcast %shift_right_logical3A_757 : i32 to vector<16x512xi32>
        %shift_right_logical3A_759 = arith.shrui %xor3A_752, %shift_right_logical3A_758 : vector<16x512xi32>
        %or3A_760 = arith.ori %shift_left3A_756, %shift_right_logical3A_759 : vector<16x512xi32>
        %xor3A_761 = arith.xori %add3A_753, %or3A_760 : vector<16x512xi32>
        %add3A_762 = arith.addi %add3A_753, %xor3A_761 : vector<16x512xi32>
        %shift_left3A_763 = arith.constant 6 : i32
        %shift_left3A_764 = vector.broadcast %shift_left3A_763 : i32 to vector<16x512xi32>
        %shift_left3A_765 = arith.shli %xor3A_761, %shift_left3A_764 : vector<16x512xi32>
        %shift_right_logical3A_766 = arith.constant 26 : i32
        %shift_right_logical3A_767 = vector.broadcast %shift_right_logical3A_766 : i32 to vector<16x512xi32>
        %shift_right_logical3A_768 = arith.shrui %xor3A_761, %shift_right_logical3A_767 : vector<16x512xi32>
        %or3A_769 = arith.ori %shift_left3A_765, %shift_right_logical3A_768 : vector<16x512xi32>
        %xor3A_770 = arith.xori %add3A_762, %or3A_769 : vector<16x512xi32>
        %add3A_771 = vector.broadcast %xor3A_566 : i32 to vector<16x512xi32>
        %add3A_772 = arith.addi %add3A_762, %add3A_771 : vector<16x512xi32>
        %add3A_773 = arith.constant 5 : i32
        %add3A_774 = arith.addi %get3A_1, %add3A_773 : i32
        %add3A_775 = vector.broadcast %add3A_774 : i32 to vector<16x512xi32>
        %add3A_776 = arith.addi %xor3A_770, %add3A_775 : vector<16x512xi32>
        %xor3A_777 = arith.xori %add3A_772, %add3A_776 : vector<16x512xi32>
        %shift_right_logical3A_778 = arith.constant 9 : i32
        %shift_right_logical3A_779 = vector.broadcast %shift_right_logical3A_778 : i32 to vector<16x512xi32>
        %shift_right_logical3A_780 = arith.shrui %xor3A_777, %shift_right_logical3A_779 : vector<16x512xi32>
        %or3A_781 = arith.constant 1065353216 : i32
        %or3A_782 = vector.broadcast %or3A_781 : i32 to vector<16x512xi32>
        %or3A_783 = arith.ori %shift_right_logical3A_780, %or3A_782 : vector<16x512xi32>
        %bitcast_convert_type3A_784 = tpu.bitcast %or3A_783 : vector<16x512xi32> -> vector<16x512xf32>
        %sub3A_785 = arith.constant 1.000000e+00 : f32
        %sub3A_786 = vector.broadcast %sub3A_785 : f32 to vector<16x512xf32>
        %sub3A_787 = arith.subf %bitcast_convert_type3A_784, %sub3A_786 : vector<16x512xf32>
        %max3A_788 = arith.constant 1.17549435E-38 : f32
        %max3A_789 = vector.broadcast %max3A_788 : f32 to vector<16x512xf32>
        %max3A_790 = arith.maximumf %sub3A_787, %max3A_789 : vector<16x512xf32>
        %mul3A_791 = arith.constant 512 : i32
        %mul3A_792 = arith.muli %scan3A_555, %mul3A_791 : i32
        %get3A_793 = arith.constant 0 : index
        %get3A_794 = arith.constant 0 : index
        %get3A_795 = arith.index_cast %mul3A_792 : i32 to index
        %get3A_796 = vector.load %arg3[%get3A_793, %get3A_794, %get3A_795] : memref<1x1x200192xf32, #tpu.memory_space<vmem>>, vector<1x1x512xf32>
        %get3A_797 = vector.shape_cast %get3A_796 : vector<1x1x512xf32> to vector<512xf32>
        %reshape3A_798 = vector.shape_cast %get3A_797 : vector<512xf32> to vector<1x512xf32>
        %log3A_799 = math.log %max3A_790 : vector<16x512xf32>
        %neg3A_800 = arith.constant 0.000000e+00 : f32
        %neg3A_801 = vector.broadcast %neg3A_800 : f32 to vector<16x512xf32>
        %neg3A_802 = arith.subf %neg3A_801, %log3A_799 : vector<16x512xf32>
        %log3A_803 = math.log %neg3A_802 : vector<16x512xf32>
        %sub3A_804 = vector.broadcast %reshape3A_798 : vector<1x512xf32> to vector<16x512xf32>
        %sub3A_805 = arith.subf %sub3A_804, %log3A_803 : vector<16x512xf32>
        %gt3A_806 = arith.cmpf ogt, %sub3A_805, %select_n3A_551 : vector<16x512xf32>
        %select_n3A_807 = arith.select %gt3A_806, %sub3A_805, %select_n3A_551 : vector<16x512xi1>, vector<16x512xf32>
        %broadcast_in_dim3A_808 = vector.broadcast %scan3A_555 : i32 to vector<16x512xi32>
        %select_n3A_809 = arith.select %gt3A_806, %broadcast_in_dim3A_808, %select_n3A_553 : vector<16x512xi1>, vector<16x512xi32>
        %scan3A_810 = arith.constant 3 : i32
        %scan3A_811 = arith.addi %scan3A_53, %scan3A_810 : i32
        %mul3A_812 = arith.constant 512 : i32
        %mul3A_813 = arith.muli %mul3A_812, %scan3A_811 : i32
        %add3A_814 = vector.broadcast %mul3A_813 : i32 to vector<16x512xi32>
        %add3A_815 = arith.addi %add3A_26, %add3A_814 : vector<16x512xi32>
        %lt3A_816 = arith.cmpi ult, %add3A_815, %mul3A_18 : vector<16x512xi32>
        %select_n3A_817 = arith.select %lt3A_816, %add3A_25, %add3A_22 : vector<16x512xi1>, vector<16x512xi32>
        %add3A_818 = vector.broadcast %get3A_4 : i32 to vector<16x512xi32>
        %add3A_819 = arith.addi %add3A_815, %add3A_818 : vector<16x512xi32>
        %xor3A_820 = arith.xori %get3A_1, %get3A_4 : i32
        %xor3A_821 = arith.constant 466688986 : i32
        %xor3A_822 = arith.xori %xor3A_820, %xor3A_821 : i32
        %add3A_823 = arith.addi %select_n3A_817, %add3A_819 : vector<16x512xi32>
        %shift_left3A_824 = arith.constant 13 : i32
        %shift_left3A_825 = vector.broadcast %shift_left3A_824 : i32 to vector<16x512xi32>
        %shift_left3A_826 = arith.shli %add3A_819, %shift_left3A_825 : vector<16x512xi32>
        %shift_right_logical3A_827 = arith.constant 19 : i32
        %shift_right_logical3A_828 = vector.broadcast %shift_right_logical3A_827 : i32 to vector<16x512xi32>
        %shift_right_logical3A_829 = arith.shrui %add3A_819, %shift_right_logical3A_828 : vector<16x512xi32>
        %or3A_830 = arith.ori %shift_left3A_826, %shift_right_logical3A_829 : vector<16x512xi32>
        %xor3A_831 = arith.xori %add3A_823, %or3A_830 : vector<16x512xi32>
        %add3A_832 = arith.addi %add3A_823, %xor3A_831 : vector<16x512xi32>
        %shift_left3A_833 = arith.constant 15 : i32
        %shift_left3A_834 = vector.broadcast %shift_left3A_833 : i32 to vector<16x512xi32>
        %shift_left3A_835 = arith.shli %xor3A_831, %shift_left3A_834 : vector<16x512xi32>
        %shift_right_logical3A_836 = arith.constant 17 : i32
        %shift_right_logical3A_837 = vector.broadcast %shift_right_logical3A_836 : i32 to vector<16x512xi32>
        %shift_right_logical3A_838 = arith.shrui %xor3A_831, %shift_right_logical3A_837 : vector<16x512xi32>
        %or3A_839 = arith.ori %shift_left3A_835, %shift_right_logical3A_838 : vector<16x512xi32>
        %xor3A_840 = arith.xori %add3A_832, %or3A_839 : vector<16x512xi32>
        %add3A_841 = arith.addi %add3A_832, %xor3A_840 : vector<16x512xi32>
        %shift_left3A_842 = arith.constant 26 : i32
        %shift_left3A_843 = vector.broadcast %shift_left3A_842 : i32 to vector<16x512xi32>
        %shift_left3A_844 = arith.shli %xor3A_840, %shift_left3A_843 : vector<16x512xi32>
        %shift_right_logical3A_845 = arith.constant 6 : i32
        %shift_right_logical3A_846 = vector.broadcast %shift_right_logical3A_845 : i32 to vector<16x512xi32>
        %shift_right_logical3A_847 = arith.shrui %xor3A_840, %shift_right_logical3A_846 : vector<16x512xi32>
        %or3A_848 = arith.ori %shift_left3A_844, %shift_right_logical3A_847 : vector<16x512xi32>
        %xor3A_849 = arith.xori %add3A_841, %or3A_848 : vector<16x512xi32>
        %add3A_850 = arith.addi %add3A_841, %xor3A_849 : vector<16x512xi32>
        %shift_left3A_851 = arith.constant 6 : i32
        %shift_left3A_852 = vector.broadcast %shift_left3A_851 : i32 to vector<16x512xi32>
        %shift_left3A_853 = arith.shli %xor3A_849, %shift_left3A_852 : vector<16x512xi32>
        %shift_right_logical3A_854 = arith.constant 26 : i32
        %shift_right_logical3A_855 = vector.broadcast %shift_right_logical3A_854 : i32 to vector<16x512xi32>
        %shift_right_logical3A_856 = arith.shrui %xor3A_849, %shift_right_logical3A_855 : vector<16x512xi32>
        %or3A_857 = arith.ori %shift_left3A_853, %shift_right_logical3A_856 : vector<16x512xi32>
        %xor3A_858 = arith.xori %add3A_850, %or3A_857 : vector<16x512xi32>
        %add3A_859 = vector.broadcast %get3A_4 : i32 to vector<16x512xi32>
        %add3A_860 = arith.addi %add3A_850, %add3A_859 : vector<16x512xi32>
        %add3A_861 = arith.constant 1 : i32
        %add3A_862 = arith.addi %xor3A_822, %add3A_861 : i32
        %add3A_863 = vector.broadcast %add3A_862 : i32 to vector<16x512xi32>
        %add3A_864 = arith.addi %xor3A_858, %add3A_863 : vector<16x512xi32>
        %add3A_865 = arith.addi %add3A_860, %add3A_864 : vector<16x512xi32>
        %shift_left3A_866 = arith.constant 17 : i32
        %shift_left3A_867 = vector.broadcast %shift_left3A_866 : i32 to vector<16x512xi32>
        %shift_left3A_868 = arith.shli %add3A_864, %shift_left3A_867 : vector<16x512xi32>
        %shift_right_logical3A_869 = arith.constant 15 : i32
        %shift_right_logical3A_870 = vector.broadcast %shift_right_logical3A_869 : i32 to vector<16x512xi32>
        %shift_right_logical3A_871 = arith.shrui %add3A_864, %shift_right_logical3A_870 : vector<16x512xi32>
        %or3A_872 = arith.ori %shift_left3A_868, %shift_right_logical3A_871 : vector<16x512xi32>
        %xor3A_873 = arith.xori %add3A_865, %or3A_872 : vector<16x512xi32>
        %add3A_874 = arith.addi %add3A_865, %xor3A_873 : vector<16x512xi32>
        %shift_left3A_875 = arith.constant 29 : i32
        %shift_left3A_876 = vector.broadcast %shift_left3A_875 : i32 to vector<16x512xi32>
        %shift_left3A_877 = arith.shli %xor3A_873, %shift_left3A_876 : vector<16x512xi32>
        %shift_right_logical3A_878 = arith.constant 3 : i32
        %shift_right_logical3A_879 = vector.broadcast %shift_right_logical3A_878 : i32 to vector<16x512xi32>
        %shift_right_logical3A_880 = arith.shrui %xor3A_873, %shift_right_logical3A_879 : vector<16x512xi32>
        %or3A_881 = arith.ori %shift_left3A_877, %shift_right_logical3A_880 : vector<16x512xi32>
        %xor3A_882 = arith.xori %add3A_874, %or3A_881 : vector<16x512xi32>
        %add3A_883 = arith.addi %add3A_874, %xor3A_882 : vector<16x512xi32>
        %shift_left3A_884 = arith.constant 16 : i32
        %shift_left3A_885 = vector.broadcast %shift_left3A_884 : i32 to vector<16x512xi32>
        %shift_left3A_886 = arith.shli %xor3A_882, %shift_left3A_885 : vector<16x512xi32>
        %shift_right_logical3A_887 = arith.constant 16 : i32
        %shift_right_logical3A_888 = vector.broadcast %shift_right_logical3A_887 : i32 to vector<16x512xi32>
        %shift_right_logical3A_889 = arith.shrui %xor3A_882, %shift_right_logical3A_888 : vector<16x512xi32>
        %or3A_890 = arith.ori %shift_left3A_886, %shift_right_logical3A_889 : vector<16x512xi32>
        %xor3A_891 = arith.xori %add3A_883, %or3A_890 : vector<16x512xi32>
        %add3A_892 = arith.addi %add3A_883, %xor3A_891 : vector<16x512xi32>
        %shift_left3A_893 = arith.constant 24 : i32
        %shift_left3A_894 = vector.broadcast %shift_left3A_893 : i32 to vector<16x512xi32>
        %shift_left3A_895 = arith.shli %xor3A_891, %shift_left3A_894 : vector<16x512xi32>
        %shift_right_logical3A_896 = arith.constant 8 : i32
        %shift_right_logical3A_897 = vector.broadcast %shift_right_logical3A_896 : i32 to vector<16x512xi32>
        %shift_right_logical3A_898 = arith.shrui %xor3A_891, %shift_right_logical3A_897 : vector<16x512xi32>
        %or3A_899 = arith.ori %shift_left3A_895, %shift_right_logical3A_898 : vector<16x512xi32>
        %xor3A_900 = arith.xori %add3A_892, %or3A_899 : vector<16x512xi32>
        %add3A_901 = vector.broadcast %xor3A_822 : i32 to vector<16x512xi32>
        %add3A_902 = arith.addi %add3A_892, %add3A_901 : vector<16x512xi32>
        %add3A_903 = arith.constant 2 : i32
        %add3A_904 = arith.addi %get3A_1, %add3A_903 : i32
        %add3A_905 = vector.broadcast %add3A_904 : i32 to vector<16x512xi32>
        %add3A_906 = arith.addi %xor3A_900, %add3A_905 : vector<16x512xi32>
        %add3A_907 = arith.addi %add3A_902, %add3A_906 : vector<16x512xi32>
        %shift_left3A_908 = arith.constant 13 : i32
        %shift_left3A_909 = vector.broadcast %shift_left3A_908 : i32 to vector<16x512xi32>
        %shift_left3A_910 = arith.shli %add3A_906, %shift_left3A_909 : vector<16x512xi32>
        %shift_right_logical3A_911 = arith.constant 19 : i32
        %shift_right_logical3A_912 = vector.broadcast %shift_right_logical3A_911 : i32 to vector<16x512xi32>
        %shift_right_logical3A_913 = arith.shrui %add3A_906, %shift_right_logical3A_912 : vector<16x512xi32>
        %or3A_914 = arith.ori %shift_left3A_910, %shift_right_logical3A_913 : vector<16x512xi32>
        %xor3A_915 = arith.xori %add3A_907, %or3A_914 : vector<16x512xi32>
        %add3A_916 = arith.addi %add3A_907, %xor3A_915 : vector<16x512xi32>
        %shift_left3A_917 = arith.constant 15 : i32
        %shift_left3A_918 = vector.broadcast %shift_left3A_917 : i32 to vector<16x512xi32>
        %shift_left3A_919 = arith.shli %xor3A_915, %shift_left3A_918 : vector<16x512xi32>
        %shift_right_logical3A_920 = arith.constant 17 : i32
        %shift_right_logical3A_921 = vector.broadcast %shift_right_logical3A_920 : i32 to vector<16x512xi32>
        %shift_right_logical3A_922 = arith.shrui %xor3A_915, %shift_right_logical3A_921 : vector<16x512xi32>
        %or3A_923 = arith.ori %shift_left3A_919, %shift_right_logical3A_922 : vector<16x512xi32>
        %xor3A_924 = arith.xori %add3A_916, %or3A_923 : vector<16x512xi32>
        %add3A_925 = arith.addi %add3A_916, %xor3A_924 : vector<16x512xi32>
        %shift_left3A_926 = arith.constant 26 : i32
        %shift_left3A_927 = vector.broadcast %shift_left3A_926 : i32 to vector<16x512xi32>
        %shift_left3A_928 = arith.shli %xor3A_924, %shift_left3A_927 : vector<16x512xi32>
        %shift_right_logical3A_929 = arith.constant 6 : i32
        %shift_right_logical3A_930 = vector.broadcast %shift_right_logical3A_929 : i32 to vector<16x512xi32>
        %shift_right_logical3A_931 = arith.shrui %xor3A_924, %shift_right_logical3A_930 : vector<16x512xi32>
        %or3A_932 = arith.ori %shift_left3A_928, %shift_right_logical3A_931 : vector<16x512xi32>
        %xor3A_933 = arith.xori %add3A_925, %or3A_932 : vector<16x512xi32>
        %add3A_934 = arith.addi %add3A_925, %xor3A_933 : vector<16x512xi32>
        %shift_left3A_935 = arith.constant 6 : i32
        %shift_left3A_936 = vector.broadcast %shift_left3A_935 : i32 to vector<16x512xi32>
        %shift_left3A_937 = arith.shli %xor3A_933, %shift_left3A_936 : vector<16x512xi32>
        %shift_right_logical3A_938 = arith.constant 26 : i32
        %shift_right_logical3A_939 = vector.broadcast %shift_right_logical3A_938 : i32 to vector<16x512xi32>
        %shift_right_logical3A_940 = arith.shrui %xor3A_933, %shift_right_logical3A_939 : vector<16x512xi32>
        %or3A_941 = arith.ori %shift_left3A_937, %shift_right_logical3A_940 : vector<16x512xi32>
        %xor3A_942 = arith.xori %add3A_934, %or3A_941 : vector<16x512xi32>
        %add3A_943 = vector.broadcast %get3A_1 : i32 to vector<16x512xi32>
        %add3A_944 = arith.addi %add3A_934, %add3A_943 : vector<16x512xi32>
        %add3A_945 = arith.constant 3 : i32
        %add3A_946 = arith.addi %get3A_4, %add3A_945 : i32
        %add3A_947 = vector.broadcast %add3A_946 : i32 to vector<16x512xi32>
        %add3A_948 = arith.addi %xor3A_942, %add3A_947 : vector<16x512xi32>
        %add3A_949 = arith.addi %add3A_944, %add3A_948 : vector<16x512xi32>
        %shift_left3A_950 = arith.constant 17 : i32
        %shift_left3A_951 = vector.broadcast %shift_left3A_950 : i32 to vector<16x512xi32>
        %shift_left3A_952 = arith.shli %add3A_948, %shift_left3A_951 : vector<16x512xi32>
        %shift_right_logical3A_953 = arith.constant 15 : i32
        %shift_right_logical3A_954 = vector.broadcast %shift_right_logical3A_953 : i32 to vector<16x512xi32>
        %shift_right_logical3A_955 = arith.shrui %add3A_948, %shift_right_logical3A_954 : vector<16x512xi32>
        %or3A_956 = arith.ori %shift_left3A_952, %shift_right_logical3A_955 : vector<16x512xi32>
        %xor3A_957 = arith.xori %add3A_949, %or3A_956 : vector<16x512xi32>
        %add3A_958 = arith.addi %add3A_949, %xor3A_957 : vector<16x512xi32>
        %shift_left3A_959 = arith.constant 29 : i32
        %shift_left3A_960 = vector.broadcast %shift_left3A_959 : i32 to vector<16x512xi32>
        %shift_left3A_961 = arith.shli %xor3A_957, %shift_left3A_960 : vector<16x512xi32>
        %shift_right_logical3A_962 = arith.constant 3 : i32
        %shift_right_logical3A_963 = vector.broadcast %shift_right_logical3A_962 : i32 to vector<16x512xi32>
        %shift_right_logical3A_964 = arith.shrui %xor3A_957, %shift_right_logical3A_963 : vector<16x512xi32>
        %or3A_965 = arith.ori %shift_left3A_961, %shift_right_logical3A_964 : vector<16x512xi32>
        %xor3A_966 = arith.xori %add3A_958, %or3A_965 : vector<16x512xi32>
        %add3A_967 = arith.addi %add3A_958, %xor3A_966 : vector<16x512xi32>
        %shift_left3A_968 = arith.constant 16 : i32
        %shift_left3A_969 = vector.broadcast %shift_left3A_968 : i32 to vector<16x512xi32>
        %shift_left3A_970 = arith.shli %xor3A_966, %shift_left3A_969 : vector<16x512xi32>
        %shift_right_logical3A_971 = arith.constant 16 : i32
        %shift_right_logical3A_972 = vector.broadcast %shift_right_logical3A_971 : i32 to vector<16x512xi32>
        %shift_right_logical3A_973 = arith.shrui %xor3A_966, %shift_right_logical3A_972 : vector<16x512xi32>
        %or3A_974 = arith.ori %shift_left3A_970, %shift_right_logical3A_973 : vector<16x512xi32>
        %xor3A_975 = arith.xori %add3A_967, %or3A_974 : vector<16x512xi32>
        %add3A_976 = arith.addi %add3A_967, %xor3A_975 : vector<16x512xi32>
        %shift_left3A_977 = arith.constant 24 : i32
        %shift_left3A_978 = vector.broadcast %shift_left3A_977 : i32 to vector<16x512xi32>
        %shift_left3A_979 = arith.shli %xor3A_975, %shift_left3A_978 : vector<16x512xi32>
        %shift_right_logical3A_980 = arith.constant 8 : i32
        %shift_right_logical3A_981 = vector.broadcast %shift_right_logical3A_980 : i32 to vector<16x512xi32>
        %shift_right_logical3A_982 = arith.shrui %xor3A_975, %shift_right_logical3A_981 : vector<16x512xi32>
        %or3A_983 = arith.ori %shift_left3A_979, %shift_right_logical3A_982 : vector<16x512xi32>
        %xor3A_984 = arith.xori %add3A_976, %or3A_983 : vector<16x512xi32>
        %add3A_985 = vector.broadcast %get3A_4 : i32 to vector<16x512xi32>
        %add3A_986 = arith.addi %add3A_976, %add3A_985 : vector<16x512xi32>
        %add3A_987 = arith.constant 4 : i32
        %add3A_988 = arith.addi %xor3A_822, %add3A_987 : i32
        %add3A_989 = vector.broadcast %add3A_988 : i32 to vector<16x512xi32>
        %add3A_990 = arith.addi %xor3A_984, %add3A_989 : vector<16x512xi32>
        %add3A_991 = arith.addi %add3A_986, %add3A_990 : vector<16x512xi32>
        %shift_left3A_992 = arith.constant 13 : i32
        %shift_left3A_993 = vector.broadcast %shift_left3A_992 : i32 to vector<16x512xi32>
        %shift_left3A_994 = arith.shli %add3A_990, %shift_left3A_993 : vector<16x512xi32>
        %shift_right_logical3A_995 = arith.constant 19 : i32
        %shift_right_logical3A_996 = vector.broadcast %shift_right_logical3A_995 : i32 to vector<16x512xi32>
        %shift_right_logical3A_997 = arith.shrui %add3A_990, %shift_right_logical3A_996 : vector<16x512xi32>
        %or3A_998 = arith.ori %shift_left3A_994, %shift_right_logical3A_997 : vector<16x512xi32>
        %xor3A_999 = arith.xori %add3A_991, %or3A_998 : vector<16x512xi32>
        %add3A_1000 = arith.addi %add3A_991, %xor3A_999 : vector<16x512xi32>
        %shift_left3A_1001 = arith.constant 15 : i32
        %shift_left3A_1002 = vector.broadcast %shift_left3A_1001 : i32 to vector<16x512xi32>
        %shift_left3A_1003 = arith.shli %xor3A_999, %shift_left3A_1002 : vector<16x512xi32>
        %shift_right_logical3A_1004 = arith.constant 17 : i32
        %shift_right_logical3A_1005 = vector.broadcast %shift_right_logical3A_1004 : i32 to vector<16x512xi32>
        %shift_right_logical3A_1006 = arith.shrui %xor3A_999, %shift_right_logical3A_1005 : vector<16x512xi32>
        %or3A_1007 = arith.ori %shift_left3A_1003, %shift_right_logical3A_1006 : vector<16x512xi32>
        %xor3A_1008 = arith.xori %add3A_1000, %or3A_1007 : vector<16x512xi32>
        %add3A_1009 = arith.addi %add3A_1000, %xor3A_1008 : vector<16x512xi32>
        %shift_left3A_1010 = arith.constant 26 : i32
        %shift_left3A_1011 = vector.broadcast %shift_left3A_1010 : i32 to vector<16x512xi32>
        %shift_left3A_1012 = arith.shli %xor3A_1008, %shift_left3A_1011 : vector<16x512xi32>
        %shift_right_logical3A_1013 = arith.constant 6 : i32
        %shift_right_logical3A_1014 = vector.broadcast %shift_right_logical3A_1013 : i32 to vector<16x512xi32>
        %shift_right_logical3A_1015 = arith.shrui %xor3A_1008, %shift_right_logical3A_1014 : vector<16x512xi32>
        %or3A_1016 = arith.ori %shift_left3A_1012, %shift_right_logical3A_1015 : vector<16x512xi32>
        %xor3A_1017 = arith.xori %add3A_1009, %or3A_1016 : vector<16x512xi32>
        %add3A_1018 = arith.addi %add3A_1009, %xor3A_1017 : vector<16x512xi32>
        %shift_left3A_1019 = arith.constant 6 : i32
        %shift_left3A_1020 = vector.broadcast %shift_left3A_1019 : i32 to vector<16x512xi32>
        %shift_left3A_1021 = arith.shli %xor3A_1017, %shift_left3A_1020 : vector<16x512xi32>
        %shift_right_logical3A_1022 = arith.constant 26 : i32
        %shift_right_logical3A_1023 = vector.broadcast %shift_right_logical3A_1022 : i32 to vector<16x512xi32>
        %shift_right_logical3A_1024 = arith.shrui %xor3A_1017, %shift_right_logical3A_1023 : vector<16x512xi32>
        %or3A_1025 = arith.ori %shift_left3A_1021, %shift_right_logical3A_1024 : vector<16x512xi32>
        %xor3A_1026 = arith.xori %add3A_1018, %or3A_1025 : vector<16x512xi32>
        %add3A_1027 = vector.broadcast %xor3A_822 : i32 to vector<16x512xi32>
        %add3A_1028 = arith.addi %add3A_1018, %add3A_1027 : vector<16x512xi32>
        %add3A_1029 = arith.constant 5 : i32
        %add3A_1030 = arith.addi %get3A_1, %add3A_1029 : i32
        %add3A_1031 = vector.broadcast %add3A_1030 : i32 to vector<16x512xi32>
        %add3A_1032 = arith.addi %xor3A_1026, %add3A_1031 : vector<16x512xi32>
        %xor3A_1033 = arith.xori %add3A_1028, %add3A_1032 : vector<16x512xi32>
        %shift_right_logical3A_1034 = arith.constant 9 : i32
        %shift_right_logical3A_1035 = vector.broadcast %shift_right_logical3A_1034 : i32 to vector<16x512xi32>
        %shift_right_logical3A_1036 = arith.shrui %xor3A_1033, %shift_right_logical3A_1035 : vector<16x512xi32>
        %or3A_1037 = arith.constant 1065353216 : i32
        %or3A_1038 = vector.broadcast %or3A_1037 : i32 to vector<16x512xi32>
        %or3A_1039 = arith.ori %shift_right_logical3A_1036, %or3A_1038 : vector<16x512xi32>
        %bitcast_convert_type3A_1040 = tpu.bitcast %or3A_1039 : vector<16x512xi32> -> vector<16x512xf32>
        %sub3A_1041 = arith.constant 1.000000e+00 : f32
        %sub3A_1042 = vector.broadcast %sub3A_1041 : f32 to vector<16x512xf32>
        %sub3A_1043 = arith.subf %bitcast_convert_type3A_1040, %sub3A_1042 : vector<16x512xf32>
        %max3A_1044 = arith.constant 1.17549435E-38 : f32
        %max3A_1045 = vector.broadcast %max3A_1044 : f32 to vector<16x512xf32>
        %max3A_1046 = arith.maximumf %sub3A_1043, %max3A_1045 : vector<16x512xf32>
        %mul3A_1047 = arith.constant 512 : i32
        %mul3A_1048 = arith.muli %scan3A_811, %mul3A_1047 : i32
        %get3A_1049 = arith.constant 0 : index
        %get3A_1050 = arith.constant 0 : index
        %get3A_1051 = arith.index_cast %mul3A_1048 : i32 to index
        %get3A_1052 = vector.load %arg3[%get3A_1049, %get3A_1050, %get3A_1051] : memref<1x1x200192xf32, #tpu.memory_space<vmem>>, vector<1x1x512xf32>
        %get3A_1053 = vector.shape_cast %get3A_1052 : vector<1x1x512xf32> to vector<512xf32>
        %reshape3A_1054 = vector.shape_cast %get3A_1053 : vector<512xf32> to vector<1x512xf32>
        %log3A_1055 = math.log %max3A_1046 : vector<16x512xf32>
        %neg3A_1056 = arith.constant 0.000000e+00 : f32
        %neg3A_1057 = vector.broadcast %neg3A_1056 : f32 to vector<16x512xf32>
        %neg3A_1058 = arith.subf %neg3A_1057, %log3A_1055 : vector<16x512xf32>
        %log3A_1059 = math.log %neg3A_1058 : vector<16x512xf32>
        %sub3A_1060 = vector.broadcast %reshape3A_1054 : vector<1x512xf32> to vector<16x512xf32>
        %sub3A_1061 = arith.subf %sub3A_1060, %log3A_1059 : vector<16x512xf32>
        %gt3A_1062 = arith.cmpf ogt, %sub3A_1061, %select_n3A_807 : vector<16x512xf32>
        %select_n3A_1063 = arith.select %gt3A_1062, %sub3A_1061, %select_n3A_807 : vector<16x512xi1>, vector<16x512xf32>
        %broadcast_in_dim3A_1064 = vector.broadcast %scan3A_811 : i32 to vector<16x512xi32>
        %select_n3A_1065 = arith.select %gt3A_1062, %broadcast_in_dim3A_1064, %select_n3A_809 : vector<16x512xi1>, vector<16x512xi32>
        %scan3A_1066 = arith.constant 4 : i32
        %scan3A_1067 = arith.addi %scan3A_53, %scan3A_1066 : i32
        %mul3A_1068 = arith.constant 512 : i32
        %mul3A_1069 = arith.muli %mul3A_1068, %scan3A_1067 : i32
        %add3A_1070 = vector.broadcast %mul3A_1069 : i32 to vector<16x512xi32>
        %add3A_1071 = arith.addi %add3A_26, %add3A_1070 : vector<16x512xi32>
        %lt3A_1072 = arith.cmpi ult, %add3A_1071, %mul3A_18 : vector<16x512xi32>
        %select_n3A_1073 = arith.select %lt3A_1072, %add3A_25, %add3A_22 : vector<16x512xi1>, vector<16x512xi32>
        %add3A_1074 = vector.broadcast %get3A_4 : i32 to vector<16x512xi32>
        %add3A_1075 = arith.addi %add3A_1071, %add3A_1074 : vector<16x512xi32>
        %xor3A_1076 = arith.xori %get3A_1, %get3A_4 : i32
        %xor3A_1077 = arith.constant 466688986 : i32
        %xor3A_1078 = arith.xori %xor3A_1076, %xor3A_1077 : i32
        %add3A_1079 = arith.addi %select_n3A_1073, %add3A_1075 : vector<16x512xi32>
        %shift_left3A_1080 = arith.constant 13 : i32
        %shift_left3A_1081 = vector.broadcast %shift_left3A_1080 : i32 to vector<16x512xi32>
        %shift_left3A_1082 = arith.shli %add3A_1075, %shift_left3A_1081 : vector<16x512xi32>
        %shift_right_logical3A_1083 = arith.constant 19 : i32
        %shift_right_logical3A_1084 = vector.broadcast %shift_right_logical3A_1083 : i32 to vector<16x512xi32>
        %shift_right_logical3A_1085 = arith.shrui %add3A_1075, %shift_right_logical3A_1084 : vector<16x512xi32>
        %or3A_1086 = arith.ori %shift_left3A_1082, %shift_right_logical3A_1085 : vector<16x512xi32>
        %xor3A_1087 = arith.xori %add3A_1079, %or3A_1086 : vector<16x512xi32>
        %add3A_1088 = arith.addi %add3A_1079, %xor3A_1087 : vector<16x512xi32>
        %shift_left3A_1089 = arith.constant 15 : i32
        %shift_left3A_1090 = vector.broadcast %shift_left3A_1089 : i32 to vector<16x512xi32>
        %shift_left3A_1091 = arith.shli %xor3A_1087, %shift_left3A_1090 : vector<16x512xi32>
        %shift_right_logical3A_1092 = arith.constant 17 : i32
        %shift_right_logical3A_1093 = vector.broadcast %shift_right_logical3A_1092 : i32 to vector<16x512xi32>
        %shift_right_logical3A_1094 = arith.shrui %xor3A_1087, %shift_right_logical3A_1093 : vector<16x512xi32>
        %or3A_1095 = arith.ori %shift_left3A_1091, %shift_right_logical3A_1094 : vector<16x512xi32>
        %xor3A_1096 = arith.xori %add3A_1088, %or3A_1095 : vector<16x512xi32>
        %add3A_1097 = arith.addi %add3A_1088, %xor3A_1096 : vector<16x512xi32>
        %shift_left3A_1098 = arith.constant 26 : i32
        %shift_left3A_1099 = vector.broadcast %shift_left3A_1098 : i32 to vector<16x512xi32>
        %shift_left3A_1100 = arith.shli %xor3A_1096, %shift_left3A_1099 : vector<16x512xi32>
        %shift_right_logical3A_1101 = arith.constant 6 : i32
        %shift_right_logical3A_1102 = vector.broadcast %shift_right_logical3A_1101 : i32 to vector<16x512xi32>
        %shift_right_logical3A_1103 = arith.shrui %xor3A_1096, %shift_right_logical3A_1102 : vector<16x512xi32>
        %or3A_1104 = arith.ori %shift_left3A_1100, %shift_right_logical3A_1103 : vector<16x512xi32>
        %xor3A_1105 = arith.xori %add3A_1097, %or3A_1104 : vector<16x512xi32>
        %add3A_1106 = arith.addi %add3A_1097, %xor3A_1105 : vector<16x512xi32>
        %shift_left3A_1107 = arith.constant 6 : i32
        %shift_left3A_1108 = vector.broadcast %shift_left3A_1107 : i32 to vector<16x512xi32>
        %shift_left3A_1109 = arith.shli %xor3A_1105, %shift_left3A_1108 : vector<16x512xi32>
        %shift_right_logical3A_1110 = arith.constant 26 : i32
        %shift_right_logical3A_1111 = vector.broadcast %shift_right_logical3A_1110 : i32 to vector<16x512xi32>
        %shift_right_logical3A_1112 = arith.shrui %xor3A_1105, %shift_right_logical3A_1111 : vector<16x512xi32>
        %or3A_1113 = arith.ori %shift_left3A_1109, %shift_right_logical3A_1112 : vector<16x512xi32>
        %xor3A_1114 = arith.xori %add3A_1106, %or3A_1113 : vector<16x512xi32>
        %add3A_1115 = vector.broadcast %get3A_4 : i32 to vector<16x512xi32>
        %add3A_1116 = arith.addi %add3A_1106, %add3A_1115 : vector<16x512xi32>
        %add3A_1117 = arith.constant 1 : i32
        %add3A_1118 = arith.addi %xor3A_1078, %add3A_1117 : i32
        %add3A_1119 = vector.broadcast %add3A_1118 : i32 to vector<16x512xi32>
        %add3A_1120 = arith.addi %xor3A_1114, %add3A_1119 : vector<16x512xi32>
        %add3A_1121 = arith.addi %add3A_1116, %add3A_1120 : vector<16x512xi32>
        %shift_left3A_1122 = arith.constant 17 : i32
        %shift_left3A_1123 = vector.broadcast %shift_left3A_1122 : i32 to vector<16x512xi32>
        %shift_left3A_1124 = arith.shli %add3A_1120, %shift_left3A_1123 : vector<16x512xi32>
        %shift_right_logical3A_1125 = arith.constant 15 : i32
        %shift_right_logical3A_1126 = vector.broadcast %shift_right_logical3A_1125 : i32 to vector<16x512xi32>
        %shift_right_logical3A_1127 = arith.shrui %add3A_1120, %shift_right_logical3A_1126 : vector<16x512xi32>
        %or3A_1128 = arith.ori %shift_left3A_1124, %shift_right_logical3A_1127 : vector<16x512xi32>
        %xor3A_1129 = arith.xori %add3A_1121, %or3A_1128 : vector<16x512xi32>
        %add3A_1130 = arith.addi %add3A_1121, %xor3A_1129 : vector<16x512xi32>
        %shift_left3A_1131 = arith.constant 29 : i32
        %shift_left3A_1132 = vector.broadcast %shift_left3A_1131 : i32 to vector<16x512xi32>
        %shift_left3A_1133 = arith.shli %xor3A_1129, %shift_left3A_1132 : vector<16x512xi32>
        %shift_right_logical3A_1134 = arith.constant 3 : i32
        %shift_right_logical3A_1135 = vector.broadcast %shift_right_logical3A_1134 : i32 to vector<16x512xi32>
        %shift_right_logical3A_1136 = arith.shrui %xor3A_1129, %shift_right_logical3A_1135 : vector<16x512xi32>
        %or3A_1137 = arith.ori %shift_left3A_1133, %shift_right_logical3A_1136 : vector<16x512xi32>
        %xor3A_1138 = arith.xori %add3A_1130, %or3A_1137 : vector<16x512xi32>
        %add3A_1139 = arith.addi %add3A_1130, %xor3A_1138 : vector<16x512xi32>
        %shift_left3A_1140 = arith.constant 16 : i32
        %shift_left3A_1141 = vector.broadcast %shift_left3A_1140 : i32 to vector<16x512xi32>
        %shift_left3A_1142 = arith.shli %xor3A_1138, %shift_left3A_1141 : vector<16x512xi32>
        %shift_right_logical3A_1143 = arith.constant 16 : i32
        %shift_right_logical3A_1144 = vector.broadcast %shift_right_logical3A_1143 : i32 to vector<16x512xi32>
        %shift_right_logical3A_1145 = arith.shrui %xor3A_1138, %shift_right_logical3A_1144 : vector<16x512xi32>
        %or3A_1146 = arith.ori %shift_left3A_1142, %shift_right_logical3A_1145 : vector<16x512xi32>
        %xor3A_1147 = arith.xori %add3A_1139, %or3A_1146 : vector<16x512xi32>
        %add3A_1148 = arith.addi %add3A_1139, %xor3A_1147 : vector<16x512xi32>
        %shift_left3A_1149 = arith.constant 24 : i32
        %shift_left3A_1150 = vector.broadcast %shift_left3A_1149 : i32 to vector<16x512xi32>
        %shift_left3A_1151 = arith.shli %xor3A_1147, %shift_left3A_1150 : vector<16x512xi32>
        %shift_right_logical3A_1152 = arith.constant 8 : i32
        %shift_right_logical3A_1153 = vector.broadcast %shift_right_logical3A_1152 : i32 to vector<16x512xi32>
        %shift_right_logical3A_1154 = arith.shrui %xor3A_1147, %shift_right_logical3A_1153 : vector<16x512xi32>
        %or3A_1155 = arith.ori %shift_left3A_1151, %shift_right_logical3A_1154 : vector<16x512xi32>
        %xor3A_1156 = arith.xori %add3A_1148, %or3A_1155 : vector<16x512xi32>
        %add3A_1157 = vector.broadcast %xor3A_1078 : i32 to vector<16x512xi32>
        %add3A_1158 = arith.addi %add3A_1148, %add3A_1157 : vector<16x512xi32>
        %add3A_1159 = arith.constant 2 : i32
        %add3A_1160 = arith.addi %get3A_1, %add3A_1159 : i32
        %add3A_1161 = vector.broadcast %add3A_1160 : i32 to vector<16x512xi32>
        %add3A_1162 = arith.addi %xor3A_1156, %add3A_1161 : vector<16x512xi32>
        %add3A_1163 = arith.addi %add3A_1158, %add3A_1162 : vector<16x512xi32>
        %shift_left3A_1164 = arith.constant 13 : i32
        %shift_left3A_1165 = vector.broadcast %shift_left3A_1164 : i32 to vector<16x512xi32>
        %shift_left3A_1166 = arith.shli %add3A_1162, %shift_left3A_1165 : vector<16x512xi32>
        %shift_right_logical3A_1167 = arith.constant 19 : i32
        %shift_right_logical3A_1168 = vector.broadcast %shift_right_logical3A_1167 : i32 to vector<16x512xi32>
        %shift_right_logical3A_1169 = arith.shrui %add3A_1162, %shift_right_logical3A_1168 : vector<16x512xi32>
        %or3A_1170 = arith.ori %shift_left3A_1166, %shift_right_logical3A_1169 : vector<16x512xi32>
        %xor3A_1171 = arith.xori %add3A_1163, %or3A_1170 : vector<16x512xi32>
        %add3A_1172 = arith.addi %add3A_1163, %xor3A_1171 : vector<16x512xi32>
        %shift_left3A_1173 = arith.constant 15 : i32
        %shift_left3A_1174 = vector.broadcast %shift_left3A_1173 : i32 to vector<16x512xi32>
        %shift_left3A_1175 = arith.shli %xor3A_1171, %shift_left3A_1174 : vector<16x512xi32>
        %shift_right_logical3A_1176 = arith.constant 17 : i32
        %shift_right_logical3A_1177 = vector.broadcast %shift_right_logical3A_1176 : i32 to vector<16x512xi32>
        %shift_right_logical3A_1178 = arith.shrui %xor3A_1171, %shift_right_logical3A_1177 : vector<16x512xi32>
        %or3A_1179 = arith.ori %shift_left3A_1175, %shift_right_logical3A_1178 : vector<16x512xi32>
        %xor3A_1180 = arith.xori %add3A_1172, %or3A_1179 : vector<16x512xi32>
        %add3A_1181 = arith.addi %add3A_1172, %xor3A_1180 : vector<16x512xi32>
        %shift_left3A_1182 = arith.constant 26 : i32
        %shift_left3A_1183 = vector.broadcast %shift_left3A_1182 : i32 to vector<16x512xi32>
        %shift_left3A_1184 = arith.shli %xor3A_1180, %shift_left3A_1183 : vector<16x512xi32>
        %shift_right_logical3A_1185 = arith.constant 6 : i32
        %shift_right_logical3A_1186 = vector.broadcast %shift_right_logical3A_1185 : i32 to vector<16x512xi32>
        %shift_right_logical3A_1187 = arith.shrui %xor3A_1180, %shift_right_logical3A_1186 : vector<16x512xi32>
        %or3A_1188 = arith.ori %shift_left3A_1184, %shift_right_logical3A_1187 : vector<16x512xi32>
        %xor3A_1189 = arith.xori %add3A_1181, %or3A_1188 : vector<16x512xi32>
        %add3A_1190 = arith.addi %add3A_1181, %xor3A_1189 : vector<16x512xi32>
        %shift_left3A_1191 = arith.constant 6 : i32
        %shift_left3A_1192 = vector.broadcast %shift_left3A_1191 : i32 to vector<16x512xi32>
        %shift_left3A_1193 = arith.shli %xor3A_1189, %shift_left3A_1192 : vector<16x512xi32>
        %shift_right_logical3A_1194 = arith.constant 26 : i32
        %shift_right_logical3A_1195 = vector.broadcast %shift_right_logical3A_1194 : i32 to vector<16x512xi32>
        %shift_right_logical3A_1196 = arith.shrui %xor3A_1189, %shift_right_logical3A_1195 : vector<16x512xi32>
        %or3A_1197 = arith.ori %shift_left3A_1193, %shift_right_logical3A_1196 : vector<16x512xi32>
        %xor3A_1198 = arith.xori %add3A_1190, %or3A_1197 : vector<16x512xi32>
        %add3A_1199 = vector.broadcast %get3A_1 : i32 to vector<16x512xi32>
        %add3A_1200 = arith.addi %add3A_1190, %add3A_1199 : vector<16x512xi32>
        %add3A_1201 = arith.constant 3 : i32
        %add3A_1202 = arith.addi %get3A_4, %add3A_1201 : i32
        %add3A_1203 = vector.broadcast %add3A_1202 : i32 to vector<16x512xi32>
        %add3A_1204 = arith.addi %xor3A_1198, %add3A_1203 : vector<16x512xi32>
        %add3A_1205 = arith.addi %add3A_1200, %add3A_1204 : vector<16x512xi32>
        %shift_left3A_1206 = arith.constant 17 : i32
        %shift_left3A_1207 = vector.broadcast %shift_left3A_1206 : i32 to vector<16x512xi32>
        %shift_left3A_1208 = arith.shli %add3A_1204, %shift_left3A_1207 : vector<16x512xi32>
        %shift_right_logical3A_1209 = arith.constant 15 : i32
        %shift_right_logical3A_1210 = vector.broadcast %shift_right_logical3A_1209 : i32 to vector<16x512xi32>
        %shift_right_logical3A_1211 = arith.shrui %add3A_1204, %shift_right_logical3A_1210 : vector<16x512xi32>
        %or3A_1212 = arith.ori %shift_left3A_1208, %shift_right_logical3A_1211 : vector<16x512xi32>
        %xor3A_1213 = arith.xori %add3A_1205, %or3A_1212 : vector<16x512xi32>
        %add3A_1214 = arith.addi %add3A_1205, %xor3A_1213 : vector<16x512xi32>
        %shift_left3A_1215 = arith.constant 29 : i32
        %shift_left3A_1216 = vector.broadcast %shift_left3A_1215 : i32 to vector<16x512xi32>
        %shift_left3A_1217 = arith.shli %xor3A_1213, %shift_left3A_1216 : vector<16x512xi32>
        %shift_right_logical3A_1218 = arith.constant 3 : i32
        %shift_right_logical3A_1219 = vector.broadcast %shift_right_logical3A_1218 : i32 to vector<16x512xi32>
        %shift_right_logical3A_1220 = arith.shrui %xor3A_1213, %shift_right_logical3A_1219 : vector<16x512xi32>
        %or3A_1221 = arith.ori %shift_left3A_1217, %shift_right_logical3A_1220 : vector<16x512xi32>
        %xor3A_1222 = arith.xori %add3A_1214, %or3A_1221 : vector<16x512xi32>
        %add3A_1223 = arith.addi %add3A_1214, %xor3A_1222 : vector<16x512xi32>
        %shift_left3A_1224 = arith.constant 16 : i32
        %shift_left3A_1225 = vector.broadcast %shift_left3A_1224 : i32 to vector<16x512xi32>
        %shift_left3A_1226 = arith.shli %xor3A_1222, %shift_left3A_1225 : vector<16x512xi32>
        %shift_right_logical3A_1227 = arith.constant 16 : i32
        %shift_right_logical3A_1228 = vector.broadcast %shift_right_logical3A_1227 : i32 to vector<16x512xi32>
        %shift_right_logical3A_1229 = arith.shrui %xor3A_1222, %shift_right_logical3A_1228 : vector<16x512xi32>
        %or3A_1230 = arith.ori %shift_left3A_1226, %shift_right_logical3A_1229 : vector<16x512xi32>
        %xor3A_1231 = arith.xori %add3A_1223, %or3A_1230 : vector<16x512xi32>
        %add3A_1232 = arith.addi %add3A_1223, %xor3A_1231 : vector<16x512xi32>
        %shift_left3A_1233 = arith.constant 24 : i32
        %shift_left3A_1234 = vector.broadcast %shift_left3A_1233 : i32 to vector<16x512xi32>
        %shift_left3A_1235 = arith.shli %xor3A_1231, %shift_left3A_1234 : vector<16x512xi32>
        %shift_right_logical3A_1236 = arith.constant 8 : i32
        %shift_right_logical3A_1237 = vector.broadcast %shift_right_logical3A_1236 : i32 to vector<16x512xi32>
        %shift_right_logical3A_1238 = arith.shrui %xor3A_1231, %shift_right_logical3A_1237 : vector<16x512xi32>
        %or3A_1239 = arith.ori %shift_left3A_1235, %shift_right_logical3A_1238 : vector<16x512xi32>
        %xor3A_1240 = arith.xori %add3A_1232, %or3A_1239 : vector<16x512xi32>
        %add3A_1241 = vector.broadcast %get3A_4 : i32 to vector<16x512xi32>
        %add3A_1242 = arith.addi %add3A_1232, %add3A_1241 : vector<16x512xi32>
        %add3A_1243 = arith.constant 4 : i32
        %add3A_1244 = arith.addi %xor3A_1078, %add3A_1243 : i32
        %add3A_1245 = vector.broadcast %add3A_1244 : i32 to vector<16x512xi32>
        %add3A_1246 = arith.addi %xor3A_1240, %add3A_1245 : vector<16x512xi32>
        %add3A_1247 = arith.addi %add3A_1242, %add3A_1246 : vector<16x512xi32>
        %shift_left3A_1248 = arith.constant 13 : i32
        %shift_left3A_1249 = vector.broadcast %shift_left3A_1248 : i32 to vector<16x512xi32>
        %shift_left3A_1250 = arith.shli %add3A_1246, %shift_left3A_1249 : vector<16x512xi32>
        %shift_right_logical3A_1251 = arith.constant 19 : i32
        %shift_right_logical3A_1252 = vector.broadcast %shift_right_logical3A_1251 : i32 to vector<16x512xi32>
        %shift_right_logical3A_1253 = arith.shrui %add3A_1246, %shift_right_logical3A_1252 : vector<16x512xi32>
        %or3A_1254 = arith.ori %shift_left3A_1250, %shift_right_logical3A_1253 : vector<16x512xi32>
        %xor3A_1255 = arith.xori %add3A_1247, %or3A_1254 : vector<16x512xi32>
        %add3A_1256 = arith.addi %add3A_1247, %xor3A_1255 : vector<16x512xi32>
        %shift_left3A_1257 = arith.constant 15 : i32
        %shift_left3A_1258 = vector.broadcast %shift_left3A_1257 : i32 to vector<16x512xi32>
        %shift_left3A_1259 = arith.shli %xor3A_1255, %shift_left3A_1258 : vector<16x512xi32>
        %shift_right_logical3A_1260 = arith.constant 17 : i32
        %shift_right_logical3A_1261 = vector.broadcast %shift_right_logical3A_1260 : i32 to vector<16x512xi32>
        %shift_right_logical3A_1262 = arith.shrui %xor3A_1255, %shift_right_logical3A_1261 : vector<16x512xi32>
        %or3A_1263 = arith.ori %shift_left3A_1259, %shift_right_logical3A_1262 : vector<16x512xi32>
        %xor3A_1264 = arith.xori %add3A_1256, %or3A_1263 : vector<16x512xi32>
        %add3A_1265 = arith.addi %add3A_1256, %xor3A_1264 : vector<16x512xi32>
        %shift_left3A_1266 = arith.constant 26 : i32
        %shift_left3A_1267 = vector.broadcast %shift_left3A_1266 : i32 to vector<16x512xi32>
        %shift_left3A_1268 = arith.shli %xor3A_1264, %shift_left3A_1267 : vector<16x512xi32>
        %shift_right_logical3A_1269 = arith.constant 6 : i32
        %shift_right_logical3A_1270 = vector.broadcast %shift_right_logical3A_1269 : i32 to vector<16x512xi32>
        %shift_right_logical3A_1271 = arith.shrui %xor3A_1264, %shift_right_logical3A_1270 : vector<16x512xi32>
        %or3A_1272 = arith.ori %shift_left3A_1268, %shift_right_logical3A_1271 : vector<16x512xi32>
        %xor3A_1273 = arith.xori %add3A_1265, %or3A_1272 : vector<16x512xi32>
        %add3A_1274 = arith.addi %add3A_1265, %xor3A_1273 : vector<16x512xi32>
        %shift_left3A_1275 = arith.constant 6 : i32
        %shift_left3A_1276 = vector.broadcast %shift_left3A_1275 : i32 to vector<16x512xi32>
        %shift_left3A_1277 = arith.shli %xor3A_1273, %shift_left3A_1276 : vector<16x512xi32>
        %shift_right_logical3A_1278 = arith.constant 26 : i32
        %shift_right_logical3A_1279 = vector.broadcast %shift_right_logical3A_1278 : i32 to vector<16x512xi32>
        %shift_right_logical3A_1280 = arith.shrui %xor3A_1273, %shift_right_logical3A_1279 : vector<16x512xi32>
        %or3A_1281 = arith.ori %shift_left3A_1277, %shift_right_logical3A_1280 : vector<16x512xi32>
        %xor3A_1282 = arith.xori %add3A_1274, %or3A_1281 : vector<16x512xi32>
        %add3A_1283 = vector.broadcast %xor3A_1078 : i32 to vector<16x512xi32>
        %add3A_1284 = arith.addi %add3A_1274, %add3A_1283 : vector<16x512xi32>
        %add3A_1285 = arith.constant 5 : i32
        %add3A_1286 = arith.addi %get3A_1, %add3A_1285 : i32
        %add3A_1287 = vector.broadcast %add3A_1286 : i32 to vector<16x512xi32>
        %add3A_1288 = arith.addi %xor3A_1282, %add3A_1287 : vector<16x512xi32>
        %xor3A_1289 = arith.xori %add3A_1284, %add3A_1288 : vector<16x512xi32>
        %shift_right_logical3A_1290 = arith.constant 9 : i32
        %shift_right_logical3A_1291 = vector.broadcast %shift_right_logical3A_1290 : i32 to vector<16x512xi32>
        %shift_right_logical3A_1292 = arith.shrui %xor3A_1289, %shift_right_logical3A_1291 : vector<16x512xi32>
        %or3A_1293 = arith.constant 1065353216 : i32
        %or3A_1294 = vector.broadcast %or3A_1293 : i32 to vector<16x512xi32>
        %or3A_1295 = arith.ori %shift_right_logical3A_1292, %or3A_1294 : vector<16x512xi32>
        %bitcast_convert_type3A_1296 = tpu.bitcast %or3A_1295 : vector<16x512xi32> -> vector<16x512xf32>
        %sub3A_1297 = arith.constant 1.000000e+00 : f32
        %sub3A_1298 = vector.broadcast %sub3A_1297 : f32 to vector<16x512xf32>
        %sub3A_1299 = arith.subf %bitcast_convert_type3A_1296, %sub3A_1298 : vector<16x512xf32>
        %max3A_1300 = arith.constant 1.17549435E-38 : f32
        %max3A_1301 = vector.broadcast %max3A_1300 : f32 to vector<16x512xf32>
        %max3A_1302 = arith.maximumf %sub3A_1299, %max3A_1301 : vector<16x512xf32>
        %mul3A_1303 = arith.constant 512 : i32
        %mul3A_1304 = arith.muli %scan3A_1067, %mul3A_1303 : i32
        %get3A_1305 = arith.constant 0 : index
        %get3A_1306 = arith.constant 0 : index
        %get3A_1307 = arith.index_cast %mul3A_1304 : i32 to index
        %get3A_1308 = vector.load %arg3[%get3A_1305, %get3A_1306, %get3A_1307] : memref<1x1x200192xf32, #tpu.memory_space<vmem>>, vector<1x1x512xf32>
        %get3A_1309 = vector.shape_cast %get3A_1308 : vector<1x1x512xf32> to vector<512xf32>
        %reshape3A_1310 = vector.shape_cast %get3A_1309 : vector<512xf32> to vector<1x512xf32>
        %log3A_1311 = math.log %max3A_1302 : vector<16x512xf32>
        %neg3A_1312 = arith.constant 0.000000e+00 : f32
        %neg3A_1313 = vector.broadcast %neg3A_1312 : f32 to vector<16x512xf32>
        %neg3A_1314 = arith.subf %neg3A_1313, %log3A_1311 : vector<16x512xf32>
        %log3A_1315 = math.log %neg3A_1314 : vector<16x512xf32>
        %sub3A_1316 = vector.broadcast %reshape3A_1310 : vector<1x512xf32> to vector<16x512xf32>
        %sub3A_1317 = arith.subf %sub3A_1316, %log3A_1315 : vector<16x512xf32>
        %gt3A_1318 = arith.cmpf ogt, %sub3A_1317, %select_n3A_1063 : vector<16x512xf32>
        %select_n3A_1319 = arith.select %gt3A_1318, %sub3A_1317, %select_n3A_1063 : vector<16x512xi1>, vector<16x512xf32>
        %broadcast_in_dim3A_1320 = vector.broadcast %scan3A_1067 : i32 to vector<16x512xi32>
        %select_n3A_1321 = arith.select %gt3A_1318, %broadcast_in_dim3A_1320, %select_n3A_1065 : vector<16x512xi1>, vector<16x512xi32>
        %scan3A_1322 = arith.constant 5 : i32
        %scan3A_1323 = arith.addi %scan3A_53, %scan3A_1322 : i32
        %mul3A_1324 = arith.constant 512 : i32
        %mul3A_1325 = arith.muli %mul3A_1324, %scan3A_1323 : i32
        %add3A_1326 = vector.broadcast %mul3A_1325 : i32 to vector<16x512xi32>
        %add3A_1327 = arith.addi %add3A_26, %add3A_1326 : vector<16x512xi32>
        %lt3A_1328 = arith.cmpi ult, %add3A_1327, %mul3A_18 : vector<16x512xi32>
        %select_n3A_1329 = arith.select %lt3A_1328, %add3A_25, %add3A_22 : vector<16x512xi1>, vector<16x512xi32>
        %add3A_1330 = vector.broadcast %get3A_4 : i32 to vector<16x512xi32>
        %add3A_1331 = arith.addi %add3A_1327, %add3A_1330 : vector<16x512xi32>
        %xor3A_1332 = arith.xori %get3A_1, %get3A_4 : i32
        %xor3A_1333 = arith.constant 466688986 : i32
        %xor3A_1334 = arith.xori %xor3A_1332, %xor3A_1333 : i32
        %add3A_1335 = arith.addi %select_n3A_1329, %add3A_1331 : vector<16x512xi32>
        %shift_left3A_1336 = arith.constant 13 : i32
        %shift_left3A_1337 = vector.broadcast %shift_left3A_1336 : i32 to vector<16x512xi32>
        %shift_left3A_1338 = arith.shli %add3A_1331, %shift_left3A_1337 : vector<16x512xi32>
        %shift_right_logical3A_1339 = arith.constant 19 : i32
        %shift_right_logical3A_1340 = vector.broadcast %shift_right_logical3A_1339 : i32 to vector<16x512xi32>
        %shift_right_logical3A_1341 = arith.shrui %add3A_1331, %shift_right_logical3A_1340 : vector<16x512xi32>
        %or3A_1342 = arith.ori %shift_left3A_1338, %shift_right_logical3A_1341 : vector<16x512xi32>
        %xor3A_1343 = arith.xori %add3A_1335, %or3A_1342 : vector<16x512xi32>
        %add3A_1344 = arith.addi %add3A_1335, %xor3A_1343 : vector<16x512xi32>
        %shift_left3A_1345 = arith.constant 15 : i32
        %shift_left3A_1346 = vector.broadcast %shift_left3A_1345 : i32 to vector<16x512xi32>
        %shift_left3A_1347 = arith.shli %xor3A_1343, %shift_left3A_1346 : vector<16x512xi32>
        %shift_right_logical3A_1348 = arith.constant 17 : i32
        %shift_right_logical3A_1349 = vector.broadcast %shift_right_logical3A_1348 : i32 to vector<16x512xi32>
        %shift_right_logical3A_1350 = arith.shrui %xor3A_1343, %shift_right_logical3A_1349 : vector<16x512xi32>
        %or3A_1351 = arith.ori %shift_left3A_1347, %shift_right_logical3A_1350 : vector<16x512xi32>
        %xor3A_1352 = arith.xori %add3A_1344, %or3A_1351 : vector<16x512xi32>
        %add3A_1353 = arith.addi %add3A_1344, %xor3A_1352 : vector<16x512xi32>
        %shift_left3A_1354 = arith.constant 26 : i32
        %shift_left3A_1355 = vector.broadcast %shift_left3A_1354 : i32 to vector<16x512xi32>
        %shift_left3A_1356 = arith.shli %xor3A_1352, %shift_left3A_1355 : vector<16x512xi32>
        %shift_right_logical3A_1357 = arith.constant 6 : i32
        %shift_right_logical3A_1358 = vector.broadcast %shift_right_logical3A_1357 : i32 to vector<16x512xi32>
        %shift_right_logical3A_1359 = arith.shrui %xor3A_1352, %shift_right_logical3A_1358 : vector<16x512xi32>
        %or3A_1360 = arith.ori %shift_left3A_1356, %shift_right_logical3A_1359 : vector<16x512xi32>
        %xor3A_1361 = arith.xori %add3A_1353, %or3A_1360 : vector<16x512xi32>
        %add3A_1362 = arith.addi %add3A_1353, %xor3A_1361 : vector<16x512xi32>
        %shift_left3A_1363 = arith.constant 6 : i32
        %shift_left3A_1364 = vector.broadcast %shift_left3A_1363 : i32 to vector<16x512xi32>
        %shift_left3A_1365 = arith.shli %xor3A_1361, %shift_left3A_1364 : vector<16x512xi32>
        %shift_right_logical3A_1366 = arith.constant 26 : i32
        %shift_right_logical3A_1367 = vector.broadcast %shift_right_logical3A_1366 : i32 to vector<16x512xi32>
        %shift_right_logical3A_1368 = arith.shrui %xor3A_1361, %shift_right_logical3A_1367 : vector<16x512xi32>
        %or3A_1369 = arith.ori %shift_left3A_1365, %shift_right_logical3A_1368 : vector<16x512xi32>
        %xor3A_1370 = arith.xori %add3A_1362, %or3A_1369 : vector<16x512xi32>
        %add3A_1371 = vector.broadcast %get3A_4 : i32 to vector<16x512xi32>
        %add3A_1372 = arith.addi %add3A_1362, %add3A_1371 : vector<16x512xi32>
        %add3A_1373 = arith.constant 1 : i32
        %add3A_1374 = arith.addi %xor3A_1334, %add3A_1373 : i32
        %add3A_1375 = vector.broadcast %add3A_1374 : i32 to vector<16x512xi32>
        %add3A_1376 = arith.addi %xor3A_1370, %add3A_1375 : vector<16x512xi32>
        %add3A_1377 = arith.addi %add3A_1372, %add3A_1376 : vector<16x512xi32>
        %shift_left3A_1378 = arith.constant 17 : i32
        %shift_left3A_1379 = vector.broadcast %shift_left3A_1378 : i32 to vector<16x512xi32>
        %shift_left3A_1380 = arith.shli %add3A_1376, %shift_left3A_1379 : vector<16x512xi32>
        %shift_right_logical3A_1381 = arith.constant 15 : i32
        %shift_right_logical3A_1382 = vector.broadcast %shift_right_logical3A_1381 : i32 to vector<16x512xi32>
        %shift_right_logical3A_1383 = arith.shrui %add3A_1376, %shift_right_logical3A_1382 : vector<16x512xi32>
        %or3A_1384 = arith.ori %shift_left3A_1380, %shift_right_logical3A_1383 : vector<16x512xi32>
        %xor3A_1385 = arith.xori %add3A_1377, %or3A_1384 : vector<16x512xi32>
        %add3A_1386 = arith.addi %add3A_1377, %xor3A_1385 : vector<16x512xi32>
        %shift_left3A_1387 = arith.constant 29 : i32
        %shift_left3A_1388 = vector.broadcast %shift_left3A_1387 : i32 to vector<16x512xi32>
        %shift_left3A_1389 = arith.shli %xor3A_1385, %shift_left3A_1388 : vector<16x512xi32>
        %shift_right_logical3A_1390 = arith.constant 3 : i32
        %shift_right_logical3A_1391 = vector.broadcast %shift_right_logical3A_1390 : i32 to vector<16x512xi32>
        %shift_right_logical3A_1392 = arith.shrui %xor3A_1385, %shift_right_logical3A_1391 : vector<16x512xi32>
        %or3A_1393 = arith.ori %shift_left3A_1389, %shift_right_logical3A_1392 : vector<16x512xi32>
        %xor3A_1394 = arith.xori %add3A_1386, %or3A_1393 : vector<16x512xi32>
        %add3A_1395 = arith.addi %add3A_1386, %xor3A_1394 : vector<16x512xi32>
        %shift_left3A_1396 = arith.constant 16 : i32
        %shift_left3A_1397 = vector.broadcast %shift_left3A_1396 : i32 to vector<16x512xi32>
        %shift_left3A_1398 = arith.shli %xor3A_1394, %shift_left3A_1397 : vector<16x512xi32>
        %shift_right_logical3A_1399 = arith.constant 16 : i32
        %shift_right_logical3A_1400 = vector.broadcast %shift_right_logical3A_1399 : i32 to vector<16x512xi32>
        %shift_right_logical3A_1401 = arith.shrui %xor3A_1394, %shift_right_logical3A_1400 : vector<16x512xi32>
        %or3A_1402 = arith.ori %shift_left3A_1398, %shift_right_logical3A_1401 : vector<16x512xi32>
        %xor3A_1403 = arith.xori %add3A_1395, %or3A_1402 : vector<16x512xi32>
        %add3A_1404 = arith.addi %add3A_1395, %xor3A_1403 : vector<16x512xi32>
        %shift_left3A_1405 = arith.constant 24 : i32
        %shift_left3A_1406 = vector.broadcast %shift_left3A_1405 : i32 to vector<16x512xi32>
        %shift_left3A_1407 = arith.shli %xor3A_1403, %shift_left3A_1406 : vector<16x512xi32>
        %shift_right_logical3A_1408 = arith.constant 8 : i32
        %shift_right_logical3A_1409 = vector.broadcast %shift_right_logical3A_1408 : i32 to vector<16x512xi32>
        %shift_right_logical3A_1410 = arith.shrui %xor3A_1403, %shift_right_logical3A_1409 : vector<16x512xi32>
        %or3A_1411 = arith.ori %shift_left3A_1407, %shift_right_logical3A_1410 : vector<16x512xi32>
        %xor3A_1412 = arith.xori %add3A_1404, %or3A_1411 : vector<16x512xi32>
        %add3A_1413 = vector.broadcast %xor3A_1334 : i32 to vector<16x512xi32>
        %add3A_1414 = arith.addi %add3A_1404, %add3A_1413 : vector<16x512xi32>
        %add3A_1415 = arith.constant 2 : i32
        %add3A_1416 = arith.addi %get3A_1, %add3A_1415 : i32
        %add3A_1417 = vector.broadcast %add3A_1416 : i32 to vector<16x512xi32>
        %add3A_1418 = arith.addi %xor3A_1412, %add3A_1417 : vector<16x512xi32>
        %add3A_1419 = arith.addi %add3A_1414, %add3A_1418 : vector<16x512xi32>
        %shift_left3A_1420 = arith.constant 13 : i32
        %shift_left3A_1421 = vector.broadcast %shift_left3A_1420 : i32 to vector<16x512xi32>
        %shift_left3A_1422 = arith.shli %add3A_1418, %shift_left3A_1421 : vector<16x512xi32>
        %shift_right_logical3A_1423 = arith.constant 19 : i32
        %shift_right_logical3A_1424 = vector.broadcast %shift_right_logical3A_1423 : i32 to vector<16x512xi32>
        %shift_right_logical3A_1425 = arith.shrui %add3A_1418, %shift_right_logical3A_1424 : vector<16x512xi32>
        %or3A_1426 = arith.ori %shift_left3A_1422, %shift_right_logical3A_1425 : vector<16x512xi32>
        %xor3A_1427 = arith.xori %add3A_1419, %or3A_1426 : vector<16x512xi32>
        %add3A_1428 = arith.addi %add3A_1419, %xor3A_1427 : vector<16x512xi32>
        %shift_left3A_1429 = arith.constant 15 : i32
        %shift_left3A_1430 = vector.broadcast %shift_left3A_1429 : i32 to vector<16x512xi32>
        %shift_left3A_1431 = arith.shli %xor3A_1427, %shift_left3A_1430 : vector<16x512xi32>
        %shift_right_logical3A_1432 = arith.constant 17 : i32
        %shift_right_logical3A_1433 = vector.broadcast %shift_right_logical3A_1432 : i32 to vector<16x512xi32>
        %shift_right_logical3A_1434 = arith.shrui %xor3A_1427, %shift_right_logical3A_1433 : vector<16x512xi32>
        %or3A_1435 = arith.ori %shift_left3A_1431, %shift_right_logical3A_1434 : vector<16x512xi32>
        %xor3A_1436 = arith.xori %add3A_1428, %or3A_1435 : vector<16x512xi32>
        %add3A_1437 = arith.addi %add3A_1428, %xor3A_1436 : vector<16x512xi32>
        %shift_left3A_1438 = arith.constant 26 : i32
        %shift_left3A_1439 = vector.broadcast %shift_left3A_1438 : i32 to vector<16x512xi32>
        %shift_left3A_1440 = arith.shli %xor3A_1436, %shift_left3A_1439 : vector<16x512xi32>
        %shift_right_logical3A_1441 = arith.constant 6 : i32
        %shift_right_logical3A_1442 = vector.broadcast %shift_right_logical3A_1441 : i32 to vector<16x512xi32>
        %shift_right_logical3A_1443 = arith.shrui %xor3A_1436, %shift_right_logical3A_1442 : vector<16x512xi32>
        %or3A_1444 = arith.ori %shift_left3A_1440, %shift_right_logical3A_1443 : vector<16x512xi32>
        %xor3A_1445 = arith.xori %add3A_1437, %or3A_1444 : vector<16x512xi32>
        %add3A_1446 = arith.addi %add3A_1437, %xor3A_1445 : vector<16x512xi32>
        %shift_left3A_1447 = arith.constant 6 : i32
        %shift_left3A_1448 = vector.broadcast %shift_left3A_1447 : i32 to vector<16x512xi32>
        %shift_left3A_1449 = arith.shli %xor3A_1445, %shift_left3A_1448 : vector<16x512xi32>
        %shift_right_logical3A_1450 = arith.constant 26 : i32
        %shift_right_logical3A_1451 = vector.broadcast %shift_right_logical3A_1450 : i32 to vector<16x512xi32>
        %shift_right_logical3A_1452 = arith.shrui %xor3A_1445, %shift_right_logical3A_1451 : vector<16x512xi32>
        %or3A_1453 = arith.ori %shift_left3A_1449, %shift_right_logical3A_1452 : vector<16x512xi32>
        %xor3A_1454 = arith.xori %add3A_1446, %or3A_1453 : vector<16x512xi32>
        %add3A_1455 = vector.broadcast %get3A_1 : i32 to vector<16x512xi32>
        %add3A_1456 = arith.addi %add3A_1446, %add3A_1455 : vector<16x512xi32>
        %add3A_1457 = arith.constant 3 : i32
        %add3A_1458 = arith.addi %get3A_4, %add3A_1457 : i32
        %add3A_1459 = vector.broadcast %add3A_1458 : i32 to vector<16x512xi32>
        %add3A_1460 = arith.addi %xor3A_1454, %add3A_1459 : vector<16x512xi32>
        %add3A_1461 = arith.addi %add3A_1456, %add3A_1460 : vector<16x512xi32>
        %shift_left3A_1462 = arith.constant 17 : i32
        %shift_left3A_1463 = vector.broadcast %shift_left3A_1462 : i32 to vector<16x512xi32>
        %shift_left3A_1464 = arith.shli %add3A_1460, %shift_left3A_1463 : vector<16x512xi32>
        %shift_right_logical3A_1465 = arith.constant 15 : i32
        %shift_right_logical3A_1466 = vector.broadcast %shift_right_logical3A_1465 : i32 to vector<16x512xi32>
        %shift_right_logical3A_1467 = arith.shrui %add3A_1460, %shift_right_logical3A_1466 : vector<16x512xi32>
        %or3A_1468 = arith.ori %shift_left3A_1464, %shift_right_logical3A_1467 : vector<16x512xi32>
        %xor3A_1469 = arith.xori %add3A_1461, %or3A_1468 : vector<16x512xi32>
        %add3A_1470 = arith.addi %add3A_1461, %xor3A_1469 : vector<16x512xi32>
        %shift_left3A_1471 = arith.constant 29 : i32
        %shift_left3A_1472 = vector.broadcast %shift_left3A_1471 : i32 to vector<16x512xi32>
        %shift_left3A_1473 = arith.shli %xor3A_1469, %shift_left3A_1472 : vector<16x512xi32>
        %shift_right_logical3A_1474 = arith.constant 3 : i32
        %shift_right_logical3A_1475 = vector.broadcast %shift_right_logical3A_1474 : i32 to vector<16x512xi32>
        %shift_right_logical3A_1476 = arith.shrui %xor3A_1469, %shift_right_logical3A_1475 : vector<16x512xi32>
        %or3A_1477 = arith.ori %shift_left3A_1473, %shift_right_logical3A_1476 : vector<16x512xi32>
        %xor3A_1478 = arith.xori %add3A_1470, %or3A_1477 : vector<16x512xi32>
        %add3A_1479 = arith.addi %add3A_1470, %xor3A_1478 : vector<16x512xi32>
        %shift_left3A_1480 = arith.constant 16 : i32
        %shift_left3A_1481 = vector.broadcast %shift_left3A_1480 : i32 to vector<16x512xi32>
        %shift_left3A_1482 = arith.shli %xor3A_1478, %shift_left3A_1481 : vector<16x512xi32>
        %shift_right_logical3A_1483 = arith.constant 16 : i32
        %shift_right_logical3A_1484 = vector.broadcast %shift_right_logical3A_1483 : i32 to vector<16x512xi32>
        %shift_right_logical3A_1485 = arith.shrui %xor3A_1478, %shift_right_logical3A_1484 : vector<16x512xi32>
        %or3A_1486 = arith.ori %shift_left3A_1482, %shift_right_logical3A_1485 : vector<16x512xi32>
        %xor3A_1487 = arith.xori %add3A_1479, %or3A_1486 : vector<16x512xi32>
        %add3A_1488 = arith.addi %add3A_1479, %xor3A_1487 : vector<16x512xi32>
        %shift_left3A_1489 = arith.constant 24 : i32
        %shift_left3A_1490 = vector.broadcast %shift_left3A_1489 : i32 to vector<16x512xi32>
        %shift_left3A_1491 = arith.shli %xor3A_1487, %shift_left3A_1490 : vector<16x512xi32>
        %shift_right_logical3A_1492 = arith.constant 8 : i32
        %shift_right_logical3A_1493 = vector.broadcast %shift_right_logical3A_1492 : i32 to vector<16x512xi32>
        %shift_right_logical3A_1494 = arith.shrui %xor3A_1487, %shift_right_logical3A_1493 : vector<16x512xi32>
        %or3A_1495 = arith.ori %shift_left3A_1491, %shift_right_logical3A_1494 : vector<16x512xi32>
        %xor3A_1496 = arith.xori %add3A_1488, %or3A_1495 : vector<16x512xi32>
        %add3A_1497 = vector.broadcast %get3A_4 : i32 to vector<16x512xi32>
        %add3A_1498 = arith.addi %add3A_1488, %add3A_1497 : vector<16x512xi32>
        %add3A_1499 = arith.constant 4 : i32
        %add3A_1500 = arith.addi %xor3A_1334, %add3A_1499 : i32
        %add3A_1501 = vector.broadcast %add3A_1500 : i32 to vector<16x512xi32>
        %add3A_1502 = arith.addi %xor3A_1496, %add3A_1501 : vector<16x512xi32>
        %add3A_1503 = arith.addi %add3A_1498, %add3A_1502 : vector<16x512xi32>
        %shift_left3A_1504 = arith.constant 13 : i32
        %shift_left3A_1505 = vector.broadcast %shift_left3A_1504 : i32 to vector<16x512xi32>
        %shift_left3A_1506 = arith.shli %add3A_1502, %shift_left3A_1505 : vector<16x512xi32>
        %shift_right_logical3A_1507 = arith.constant 19 : i32
        %shift_right_logical3A_1508 = vector.broadcast %shift_right_logical3A_1507 : i32 to vector<16x512xi32>
        %shift_right_logical3A_1509 = arith.shrui %add3A_1502, %shift_right_logical3A_1508 : vector<16x512xi32>
        %or3A_1510 = arith.ori %shift_left3A_1506, %shift_right_logical3A_1509 : vector<16x512xi32>
        %xor3A_1511 = arith.xori %add3A_1503, %or3A_1510 : vector<16x512xi32>
        %add3A_1512 = arith.addi %add3A_1503, %xor3A_1511 : vector<16x512xi32>
        %shift_left3A_1513 = arith.constant 15 : i32
        %shift_left3A_1514 = vector.broadcast %shift_left3A_1513 : i32 to vector<16x512xi32>
        %shift_left3A_1515 = arith.shli %xor3A_1511, %shift_left3A_1514 : vector<16x512xi32>
        %shift_right_logical3A_1516 = arith.constant 17 : i32
        %shift_right_logical3A_1517 = vector.broadcast %shift_right_logical3A_1516 : i32 to vector<16x512xi32>
        %shift_right_logical3A_1518 = arith.shrui %xor3A_1511, %shift_right_logical3A_1517 : vector<16x512xi32>
        %or3A_1519 = arith.ori %shift_left3A_1515, %shift_right_logical3A_1518 : vector<16x512xi32>
        %xor3A_1520 = arith.xori %add3A_1512, %or3A_1519 : vector<16x512xi32>
        %add3A_1521 = arith.addi %add3A_1512, %xor3A_1520 : vector<16x512xi32>
        %shift_left3A_1522 = arith.constant 26 : i32
        %shift_left3A_1523 = vector.broadcast %shift_left3A_1522 : i32 to vector<16x512xi32>
        %shift_left3A_1524 = arith.shli %xor3A_1520, %shift_left3A_1523 : vector<16x512xi32>
        %shift_right_logical3A_1525 = arith.constant 6 : i32
        %shift_right_logical3A_1526 = vector.broadcast %shift_right_logical3A_1525 : i32 to vector<16x512xi32>
        %shift_right_logical3A_1527 = arith.shrui %xor3A_1520, %shift_right_logical3A_1526 : vector<16x512xi32>
        %or3A_1528 = arith.ori %shift_left3A_1524, %shift_right_logical3A_1527 : vector<16x512xi32>
        %xor3A_1529 = arith.xori %add3A_1521, %or3A_1528 : vector<16x512xi32>
        %add3A_1530 = arith.addi %add3A_1521, %xor3A_1529 : vector<16x512xi32>
        %shift_left3A_1531 = arith.constant 6 : i32
        %shift_left3A_1532 = vector.broadcast %shift_left3A_1531 : i32 to vector<16x512xi32>
        %shift_left3A_1533 = arith.shli %xor3A_1529, %shift_left3A_1532 : vector<16x512xi32>
        %shift_right_logical3A_1534 = arith.constant 26 : i32
        %shift_right_logical3A_1535 = vector.broadcast %shift_right_logical3A_1534 : i32 to vector<16x512xi32>
        %shift_right_logical3A_1536 = arith.shrui %xor3A_1529, %shift_right_logical3A_1535 : vector<16x512xi32>
        %or3A_1537 = arith.ori %shift_left3A_1533, %shift_right_logical3A_1536 : vector<16x512xi32>
        %xor3A_1538 = arith.xori %add3A_1530, %or3A_1537 : vector<16x512xi32>
        %add3A_1539 = vector.broadcast %xor3A_1334 : i32 to vector<16x512xi32>
        %add3A_1540 = arith.addi %add3A_1530, %add3A_1539 : vector<16x512xi32>
        %add3A_1541 = arith.constant 5 : i32
        %add3A_1542 = arith.addi %get3A_1, %add3A_1541 : i32
        %add3A_1543 = vector.broadcast %add3A_1542 : i32 to vector<16x512xi32>
        %add3A_1544 = arith.addi %xor3A_1538, %add3A_1543 : vector<16x512xi32>
        %xor3A_1545 = arith.xori %add3A_1540, %add3A_1544 : vector<16x512xi32>
        %shift_right_logical3A_1546 = arith.constant 9 : i32
        %shift_right_logical3A_1547 = vector.broadcast %shift_right_logical3A_1546 : i32 to vector<16x512xi32>
        %shift_right_logical3A_1548 = arith.shrui %xor3A_1545, %shift_right_logical3A_1547 : vector<16x512xi32>
        %or3A_1549 = arith.constant 1065353216 : i32
        %or3A_1550 = vector.broadcast %or3A_1549 : i32 to vector<16x512xi32>
        %or3A_1551 = arith.ori %shift_right_logical3A_1548, %or3A_1550 : vector<16x512xi32>
        %bitcast_convert_type3A_1552 = tpu.bitcast %or3A_1551 : vector<16x512xi32> -> vector<16x512xf32>
        %sub3A_1553 = arith.constant 1.000000e+00 : f32
        %sub3A_1554 = vector.broadcast %sub3A_1553 : f32 to vector<16x512xf32>
        %sub3A_1555 = arith.subf %bitcast_convert_type3A_1552, %sub3A_1554 : vector<16x512xf32>
        %max3A_1556 = arith.constant 1.17549435E-38 : f32
        %max3A_1557 = vector.broadcast %max3A_1556 : f32 to vector<16x512xf32>
        %max3A_1558 = arith.maximumf %sub3A_1555, %max3A_1557 : vector<16x512xf32>
        %mul3A_1559 = arith.constant 512 : i32
        %mul3A_1560 = arith.muli %scan3A_1323, %mul3A_1559 : i32
        %get3A_1561 = arith.constant 0 : index
        %get3A_1562 = arith.constant 0 : index
        %get3A_1563 = arith.index_cast %mul3A_1560 : i32 to index
        %get3A_1564 = vector.load %arg3[%get3A_1561, %get3A_1562, %get3A_1563] : memref<1x1x200192xf32, #tpu.memory_space<vmem>>, vector<1x1x512xf32>
        %get3A_1565 = vector.shape_cast %get3A_1564 : vector<1x1x512xf32> to vector<512xf32>
        %reshape3A_1566 = vector.shape_cast %get3A_1565 : vector<512xf32> to vector<1x512xf32>
        %log3A_1567 = math.log %max3A_1558 : vector<16x512xf32>
        %neg3A_1568 = arith.constant 0.000000e+00 : f32
        %neg3A_1569 = vector.broadcast %neg3A_1568 : f32 to vector<16x512xf32>
        %neg3A_1570 = arith.subf %neg3A_1569, %log3A_1567 : vector<16x512xf32>
        %log3A_1571 = math.log %neg3A_1570 : vector<16x512xf32>
        %sub3A_1572 = vector.broadcast %reshape3A_1566 : vector<1x512xf32> to vector<16x512xf32>
        %sub3A_1573 = arith.subf %sub3A_1572, %log3A_1571 : vector<16x512xf32>
        %gt3A_1574 = arith.cmpf ogt, %sub3A_1573, %select_n3A_1319 : vector<16x512xf32>
        %select_n3A_1575 = arith.select %gt3A_1574, %sub3A_1573, %select_n3A_1319 : vector<16x512xi1>, vector<16x512xf32>
        %broadcast_in_dim3A_1576 = vector.broadcast %scan3A_1323 : i32 to vector<16x512xi32>
        %select_n3A_1577 = arith.select %gt3A_1574, %broadcast_in_dim3A_1576, %select_n3A_1321 : vector<16x512xi1>, vector<16x512xi32>
        %scan3A_1578 = arith.constant 6 : i32
        %scan3A_1579 = arith.addi %scan3A_53, %scan3A_1578 : i32
        %mul3A_1580 = arith.constant 512 : i32
        %mul3A_1581 = arith.muli %mul3A_1580, %scan3A_1579 : i32
        %add3A_1582 = vector.broadcast %mul3A_1581 : i32 to vector<16x512xi32>
        %add3A_1583 = arith.addi %add3A_26, %add3A_1582 : vector<16x512xi32>
        %lt3A_1584 = arith.cmpi ult, %add3A_1583, %mul3A_18 : vector<16x512xi32>
        %select_n3A_1585 = arith.select %lt3A_1584, %add3A_25, %add3A_22 : vector<16x512xi1>, vector<16x512xi32>
        %add3A_1586 = vector.broadcast %get3A_4 : i32 to vector<16x512xi32>
        %add3A_1587 = arith.addi %add3A_1583, %add3A_1586 : vector<16x512xi32>
        %xor3A_1588 = arith.xori %get3A_1, %get3A_4 : i32
        %xor3A_1589 = arith.constant 466688986 : i32
        %xor3A_1590 = arith.xori %xor3A_1588, %xor3A_1589 : i32
        %add3A_1591 = arith.addi %select_n3A_1585, %add3A_1587 : vector<16x512xi32>
        %shift_left3A_1592 = arith.constant 13 : i32
        %shift_left3A_1593 = vector.broadcast %shift_left3A_1592 : i32 to vector<16x512xi32>
        %shift_left3A_1594 = arith.shli %add3A_1587, %shift_left3A_1593 : vector<16x512xi32>
        %shift_right_logical3A_1595 = arith.constant 19 : i32
        %shift_right_logical3A_1596 = vector.broadcast %shift_right_logical3A_1595 : i32 to vector<16x512xi32>
        %shift_right_logical3A_1597 = arith.shrui %add3A_1587, %shift_right_logical3A_1596 : vector<16x512xi32>
        %or3A_1598 = arith.ori %shift_left3A_1594, %shift_right_logical3A_1597 : vector<16x512xi32>
        %xor3A_1599 = arith.xori %add3A_1591, %or3A_1598 : vector<16x512xi32>
        %add3A_1600 = arith.addi %add3A_1591, %xor3A_1599 : vector<16x512xi32>
        %shift_left3A_1601 = arith.constant 15 : i32
        %shift_left3A_1602 = vector.broadcast %shift_left3A_1601 : i32 to vector<16x512xi32>
        %shift_left3A_1603 = arith.shli %xor3A_1599, %shift_left3A_1602 : vector<16x512xi32>
        %shift_right_logical3A_1604 = arith.constant 17 : i32
        %shift_right_logical3A_1605 = vector.broadcast %shift_right_logical3A_1604 : i32 to vector<16x512xi32>
        %shift_right_logical3A_1606 = arith.shrui %xor3A_1599, %shift_right_logical3A_1605 : vector<16x512xi32>
        %or3A_1607 = arith.ori %shift_left3A_1603, %shift_right_logical3A_1606 : vector<16x512xi32>
        %xor3A_1608 = arith.xori %add3A_1600, %or3A_1607 : vector<16x512xi32>
        %add3A_1609 = arith.addi %add3A_1600, %xor3A_1608 : vector<16x512xi32>
        %shift_left3A_1610 = arith.constant 26 : i32
        %shift_left3A_1611 = vector.broadcast %shift_left3A_1610 : i32 to vector<16x512xi32>
        %shift_left3A_1612 = arith.shli %xor3A_1608, %shift_left3A_1611 : vector<16x512xi32>
        %shift_right_logical3A_1613 = arith.constant 6 : i32
        %shift_right_logical3A_1614 = vector.broadcast %shift_right_logical3A_1613 : i32 to vector<16x512xi32>
        %shift_right_logical3A_1615 = arith.shrui %xor3A_1608, %shift_right_logical3A_1614 : vector<16x512xi32>
        %or3A_1616 = arith.ori %shift_left3A_1612, %shift_right_logical3A_1615 : vector<16x512xi32>
        %xor3A_1617 = arith.xori %add3A_1609, %or3A_1616 : vector<16x512xi32>
        %add3A_1618 = arith.addi %add3A_1609, %xor3A_1617 : vector<16x512xi32>
        %shift_left3A_1619 = arith.constant 6 : i32
        %shift_left3A_1620 = vector.broadcast %shift_left3A_1619 : i32 to vector<16x512xi32>
        %shift_left3A_1621 = arith.shli %xor3A_1617, %shift_left3A_1620 : vector<16x512xi32>
        %shift_right_logical3A_1622 = arith.constant 26 : i32
        %shift_right_logical3A_1623 = vector.broadcast %shift_right_logical3A_1622 : i32 to vector<16x512xi32>
        %shift_right_logical3A_1624 = arith.shrui %xor3A_1617, %shift_right_logical3A_1623 : vector<16x512xi32>
        %or3A_1625 = arith.ori %shift_left3A_1621, %shift_right_logical3A_1624 : vector<16x512xi32>
        %xor3A_1626 = arith.xori %add3A_1618, %or3A_1625 : vector<16x512xi32>
        %add3A_1627 = vector.broadcast %get3A_4 : i32 to vector<16x512xi32>
        %add3A_1628 = arith.addi %add3A_1618, %add3A_1627 : vector<16x512xi32>
        %add3A_1629 = arith.constant 1 : i32
        %add3A_1630 = arith.addi %xor3A_1590, %add3A_1629 : i32
        %add3A_1631 = vector.broadcast %add3A_1630 : i32 to vector<16x512xi32>
        %add3A_1632 = arith.addi %xor3A_1626, %add3A_1631 : vector<16x512xi32>
        %add3A_1633 = arith.addi %add3A_1628, %add3A_1632 : vector<16x512xi32>
        %shift_left3A_1634 = arith.constant 17 : i32
        %shift_left3A_1635 = vector.broadcast %shift_left3A_1634 : i32 to vector<16x512xi32>
        %shift_left3A_1636 = arith.shli %add3A_1632, %shift_left3A_1635 : vector<16x512xi32>
        %shift_right_logical3A_1637 = arith.constant 15 : i32
        %shift_right_logical3A_1638 = vector.broadcast %shift_right_logical3A_1637 : i32 to vector<16x512xi32>
        %shift_right_logical3A_1639 = arith.shrui %add3A_1632, %shift_right_logical3A_1638 : vector<16x512xi32>
        %or3A_1640 = arith.ori %shift_left3A_1636, %shift_right_logical3A_1639 : vector<16x512xi32>
        %xor3A_1641 = arith.xori %add3A_1633, %or3A_1640 : vector<16x512xi32>
        %add3A_1642 = arith.addi %add3A_1633, %xor3A_1641 : vector<16x512xi32>
        %shift_left3A_1643 = arith.constant 29 : i32
        %shift_left3A_1644 = vector.broadcast %shift_left3A_1643 : i32 to vector<16x512xi32>
        %shift_left3A_1645 = arith.shli %xor3A_1641, %shift_left3A_1644 : vector<16x512xi32>
        %shift_right_logical3A_1646 = arith.constant 3 : i32
        %shift_right_logical3A_1647 = vector.broadcast %shift_right_logical3A_1646 : i32 to vector<16x512xi32>
        %shift_right_logical3A_1648 = arith.shrui %xor3A_1641, %shift_right_logical3A_1647 : vector<16x512xi32>
        %or3A_1649 = arith.ori %shift_left3A_1645, %shift_right_logical3A_1648 : vector<16x512xi32>
        %xor3A_1650 = arith.xori %add3A_1642, %or3A_1649 : vector<16x512xi32>
        %add3A_1651 = arith.addi %add3A_1642, %xor3A_1650 : vector<16x512xi32>
        %shift_left3A_1652 = arith.constant 16 : i32
        %shift_left3A_1653 = vector.broadcast %shift_left3A_1652 : i32 to vector<16x512xi32>
        %shift_left3A_1654 = arith.shli %xor3A_1650, %shift_left3A_1653 : vector<16x512xi32>
        %shift_right_logical3A_1655 = arith.constant 16 : i32
        %shift_right_logical3A_1656 = vector.broadcast %shift_right_logical3A_1655 : i32 to vector<16x512xi32>
        %shift_right_logical3A_1657 = arith.shrui %xor3A_1650, %shift_right_logical3A_1656 : vector<16x512xi32>
        %or3A_1658 = arith.ori %shift_left3A_1654, %shift_right_logical3A_1657 : vector<16x512xi32>
        %xor3A_1659 = arith.xori %add3A_1651, %or3A_1658 : vector<16x512xi32>
        %add3A_1660 = arith.addi %add3A_1651, %xor3A_1659 : vector<16x512xi32>
        %shift_left3A_1661 = arith.constant 24 : i32
        %shift_left3A_1662 = vector.broadcast %shift_left3A_1661 : i32 to vector<16x512xi32>
        %shift_left3A_1663 = arith.shli %xor3A_1659, %shift_left3A_1662 : vector<16x512xi32>
        %shift_right_logical3A_1664 = arith.constant 8 : i32
        %shift_right_logical3A_1665 = vector.broadcast %shift_right_logical3A_1664 : i32 to vector<16x512xi32>
        %shift_right_logical3A_1666 = arith.shrui %xor3A_1659, %shift_right_logical3A_1665 : vector<16x512xi32>
        %or3A_1667 = arith.ori %shift_left3A_1663, %shift_right_logical3A_1666 : vector<16x512xi32>
        %xor3A_1668 = arith.xori %add3A_1660, %or3A_1667 : vector<16x512xi32>
        %add3A_1669 = vector.broadcast %xor3A_1590 : i32 to vector<16x512xi32>
        %add3A_1670 = arith.addi %add3A_1660, %add3A_1669 : vector<16x512xi32>
        %add3A_1671 = arith.constant 2 : i32
        %add3A_1672 = arith.addi %get3A_1, %add3A_1671 : i32
        %add3A_1673 = vector.broadcast %add3A_1672 : i32 to vector<16x512xi32>
        %add3A_1674 = arith.addi %xor3A_1668, %add3A_1673 : vector<16x512xi32>
        %add3A_1675 = arith.addi %add3A_1670, %add3A_1674 : vector<16x512xi32>
        %shift_left3A_1676 = arith.constant 13 : i32
        %shift_left3A_1677 = vector.broadcast %shift_left3A_1676 : i32 to vector<16x512xi32>
        %shift_left3A_1678 = arith.shli %add3A_1674, %shift_left3A_1677 : vector<16x512xi32>
        %shift_right_logical3A_1679 = arith.constant 19 : i32
        %shift_right_logical3A_1680 = vector.broadcast %shift_right_logical3A_1679 : i32 to vector<16x512xi32>
        %shift_right_logical3A_1681 = arith.shrui %add3A_1674, %shift_right_logical3A_1680 : vector<16x512xi32>
        %or3A_1682 = arith.ori %shift_left3A_1678, %shift_right_logical3A_1681 : vector<16x512xi32>
        %xor3A_1683 = arith.xori %add3A_1675, %or3A_1682 : vector<16x512xi32>
        %add3A_1684 = arith.addi %add3A_1675, %xor3A_1683 : vector<16x512xi32>
        %shift_left3A_1685 = arith.constant 15 : i32
        %shift_left3A_1686 = vector.broadcast %shift_left3A_1685 : i32 to vector<16x512xi32>
        %shift_left3A_1687 = arith.shli %xor3A_1683, %shift_left3A_1686 : vector<16x512xi32>
        %shift_right_logical3A_1688 = arith.constant 17 : i32
        %shift_right_logical3A_1689 = vector.broadcast %shift_right_logical3A_1688 : i32 to vector<16x512xi32>
        %shift_right_logical3A_1690 = arith.shrui %xor3A_1683, %shift_right_logical3A_1689 : vector<16x512xi32>
        %or3A_1691 = arith.ori %shift_left3A_1687, %shift_right_logical3A_1690 : vector<16x512xi32>
        %xor3A_1692 = arith.xori %add3A_1684, %or3A_1691 : vector<16x512xi32>
        %add3A_1693 = arith.addi %add3A_1684, %xor3A_1692 : vector<16x512xi32>
        %shift_left3A_1694 = arith.constant 26 : i32
        %shift_left3A_1695 = vector.broadcast %shift_left3A_1694 : i32 to vector<16x512xi32>
        %shift_left3A_1696 = arith.shli %xor3A_1692, %shift_left3A_1695 : vector<16x512xi32>
        %shift_right_logical3A_1697 = arith.constant 6 : i32
        %shift_right_logical3A_1698 = vector.broadcast %shift_right_logical3A_1697 : i32 to vector<16x512xi32>
        %shift_right_logical3A_1699 = arith.shrui %xor3A_1692, %shift_right_logical3A_1698 : vector<16x512xi32>
        %or3A_1700 = arith.ori %shift_left3A_1696, %shift_right_logical3A_1699 : vector<16x512xi32>
        %xor3A_1701 = arith.xori %add3A_1693, %or3A_1700 : vector<16x512xi32>
        %add3A_1702 = arith.addi %add3A_1693, %xor3A_1701 : vector<16x512xi32>
        %shift_left3A_1703 = arith.constant 6 : i32
        %shift_left3A_1704 = vector.broadcast %shift_left3A_1703 : i32 to vector<16x512xi32>
        %shift_left3A_1705 = arith.shli %xor3A_1701, %shift_left3A_1704 : vector<16x512xi32>
        %shift_right_logical3A_1706 = arith.constant 26 : i32
        %shift_right_logical3A_1707 = vector.broadcast %shift_right_logical3A_1706 : i32 to vector<16x512xi32>
        %shift_right_logical3A_1708 = arith.shrui %xor3A_1701, %shift_right_logical3A_1707 : vector<16x512xi32>
        %or3A_1709 = arith.ori %shift_left3A_1705, %shift_right_logical3A_1708 : vector<16x512xi32>
        %xor3A_1710 = arith.xori %add3A_1702, %or3A_1709 : vector<16x512xi32>
        %add3A_1711 = vector.broadcast %get3A_1 : i32 to vector<16x512xi32>
        %add3A_1712 = arith.addi %add3A_1702, %add3A_1711 : vector<16x512xi32>
        %add3A_1713 = arith.constant 3 : i32
        %add3A_1714 = arith.addi %get3A_4, %add3A_1713 : i32
        %add3A_1715 = vector.broadcast %add3A_1714 : i32 to vector<16x512xi32>
        %add3A_1716 = arith.addi %xor3A_1710, %add3A_1715 : vector<16x512xi32>
        %add3A_1717 = arith.addi %add3A_1712, %add3A_1716 : vector<16x512xi32>
        %shift_left3A_1718 = arith.constant 17 : i32
        %shift_left3A_1719 = vector.broadcast %shift_left3A_1718 : i32 to vector<16x512xi32>
        %shift_left3A_1720 = arith.shli %add3A_1716, %shift_left3A_1719 : vector<16x512xi32>
        %shift_right_logical3A_1721 = arith.constant 15 : i32
        %shift_right_logical3A_1722 = vector.broadcast %shift_right_logical3A_1721 : i32 to vector<16x512xi32>
        %shift_right_logical3A_1723 = arith.shrui %add3A_1716, %shift_right_logical3A_1722 : vector<16x512xi32>
        %or3A_1724 = arith.ori %shift_left3A_1720, %shift_right_logical3A_1723 : vector<16x512xi32>
        %xor3A_1725 = arith.xori %add3A_1717, %or3A_1724 : vector<16x512xi32>
        %add3A_1726 = arith.addi %add3A_1717, %xor3A_1725 : vector<16x512xi32>
        %shift_left3A_1727 = arith.constant 29 : i32
        %shift_left3A_1728 = vector.broadcast %shift_left3A_1727 : i32 to vector<16x512xi32>
        %shift_left3A_1729 = arith.shli %xor3A_1725, %shift_left3A_1728 : vector<16x512xi32>
        %shift_right_logical3A_1730 = arith.constant 3 : i32
        %shift_right_logical3A_1731 = vector.broadcast %shift_right_logical3A_1730 : i32 to vector<16x512xi32>
        %shift_right_logical3A_1732 = arith.shrui %xor3A_1725, %shift_right_logical3A_1731 : vector<16x512xi32>
        %or3A_1733 = arith.ori %shift_left3A_1729, %shift_right_logical3A_1732 : vector<16x512xi32>
        %xor3A_1734 = arith.xori %add3A_1726, %or3A_1733 : vector<16x512xi32>
        %add3A_1735 = arith.addi %add3A_1726, %xor3A_1734 : vector<16x512xi32>
        %shift_left3A_1736 = arith.constant 16 : i32
        %shift_left3A_1737 = vector.broadcast %shift_left3A_1736 : i32 to vector<16x512xi32>
        %shift_left3A_1738 = arith.shli %xor3A_1734, %shift_left3A_1737 : vector<16x512xi32>
        %shift_right_logical3A_1739 = arith.constant 16 : i32
        %shift_right_logical3A_1740 = vector.broadcast %shift_right_logical3A_1739 : i32 to vector<16x512xi32>
        %shift_right_logical3A_1741 = arith.shrui %xor3A_1734, %shift_right_logical3A_1740 : vector<16x512xi32>
        %or3A_1742 = arith.ori %shift_left3A_1738, %shift_right_logical3A_1741 : vector<16x512xi32>
        %xor3A_1743 = arith.xori %add3A_1735, %or3A_1742 : vector<16x512xi32>
        %add3A_1744 = arith.addi %add3A_1735, %xor3A_1743 : vector<16x512xi32>
        %shift_left3A_1745 = arith.constant 24 : i32
        %shift_left3A_1746 = vector.broadcast %shift_left3A_1745 : i32 to vector<16x512xi32>
        %shift_left3A_1747 = arith.shli %xor3A_1743, %shift_left3A_1746 : vector<16x512xi32>
        %shift_right_logical3A_1748 = arith.constant 8 : i32
        %shift_right_logical3A_1749 = vector.broadcast %shift_right_logical3A_1748 : i32 to vector<16x512xi32>
        %shift_right_logical3A_1750 = arith.shrui %xor3A_1743, %shift_right_logical3A_1749 : vector<16x512xi32>
        %or3A_1751 = arith.ori %shift_left3A_1747, %shift_right_logical3A_1750 : vector<16x512xi32>
        %xor3A_1752 = arith.xori %add3A_1744, %or3A_1751 : vector<16x512xi32>
        %add3A_1753 = vector.broadcast %get3A_4 : i32 to vector<16x512xi32>
        %add3A_1754 = arith.addi %add3A_1744, %add3A_1753 : vector<16x512xi32>
        %add3A_1755 = arith.constant 4 : i32
        %add3A_1756 = arith.addi %xor3A_1590, %add3A_1755 : i32
        %add3A_1757 = vector.broadcast %add3A_1756 : i32 to vector<16x512xi32>
        %add3A_1758 = arith.addi %xor3A_1752, %add3A_1757 : vector<16x512xi32>
        %add3A_1759 = arith.addi %add3A_1754, %add3A_1758 : vector<16x512xi32>
        %shift_left3A_1760 = arith.constant 13 : i32
        %shift_left3A_1761 = vector.broadcast %shift_left3A_1760 : i32 to vector<16x512xi32>
        %shift_left3A_1762 = arith.shli %add3A_1758, %shift_left3A_1761 : vector<16x512xi32>
        %shift_right_logical3A_1763 = arith.constant 19 : i32
        %shift_right_logical3A_1764 = vector.broadcast %shift_right_logical3A_1763 : i32 to vector<16x512xi32>
        %shift_right_logical3A_1765 = arith.shrui %add3A_1758, %shift_right_logical3A_1764 : vector<16x512xi32>
        %or3A_1766 = arith.ori %shift_left3A_1762, %shift_right_logical3A_1765 : vector<16x512xi32>
        %xor3A_1767 = arith.xori %add3A_1759, %or3A_1766 : vector<16x512xi32>
        %add3A_1768 = arith.addi %add3A_1759, %xor3A_1767 : vector<16x512xi32>
        %shift_left3A_1769 = arith.constant 15 : i32
        %shift_left3A_1770 = vector.broadcast %shift_left3A_1769 : i32 to vector<16x512xi32>
        %shift_left3A_1771 = arith.shli %xor3A_1767, %shift_left3A_1770 : vector<16x512xi32>
        %shift_right_logical3A_1772 = arith.constant 17 : i32
        %shift_right_logical3A_1773 = vector.broadcast %shift_right_logical3A_1772 : i32 to vector<16x512xi32>
        %shift_right_logical3A_1774 = arith.shrui %xor3A_1767, %shift_right_logical3A_1773 : vector<16x512xi32>
        %or3A_1775 = arith.ori %shift_left3A_1771, %shift_right_logical3A_1774 : vector<16x512xi32>
        %xor3A_1776 = arith.xori %add3A_1768, %or3A_1775 : vector<16x512xi32>
        %add3A_1777 = arith.addi %add3A_1768, %xor3A_1776 : vector<16x512xi32>
        %shift_left3A_1778 = arith.constant 26 : i32
        %shift_left3A_1779 = vector.broadcast %shift_left3A_1778 : i32 to vector<16x512xi32>
        %shift_left3A_1780 = arith.shli %xor3A_1776, %shift_left3A_1779 : vector<16x512xi32>
        %shift_right_logical3A_1781 = arith.constant 6 : i32
        %shift_right_logical3A_1782 = vector.broadcast %shift_right_logical3A_1781 : i32 to vector<16x512xi32>
        %shift_right_logical3A_1783 = arith.shrui %xor3A_1776, %shift_right_logical3A_1782 : vector<16x512xi32>
        %or3A_1784 = arith.ori %shift_left3A_1780, %shift_right_logical3A_1783 : vector<16x512xi32>
        %xor3A_1785 = arith.xori %add3A_1777, %or3A_1784 : vector<16x512xi32>
        %add3A_1786 = arith.addi %add3A_1777, %xor3A_1785 : vector<16x512xi32>
        %shift_left3A_1787 = arith.constant 6 : i32
        %shift_left3A_1788 = vector.broadcast %shift_left3A_1787 : i32 to vector<16x512xi32>
        %shift_left3A_1789 = arith.shli %xor3A_1785, %shift_left3A_1788 : vector<16x512xi32>
        %shift_right_logical3A_1790 = arith.constant 26 : i32
        %shift_right_logical3A_1791 = vector.broadcast %shift_right_logical3A_1790 : i32 to vector<16x512xi32>
        %shift_right_logical3A_1792 = arith.shrui %xor3A_1785, %shift_right_logical3A_1791 : vector<16x512xi32>
        %or3A_1793 = arith.ori %shift_left3A_1789, %shift_right_logical3A_1792 : vector<16x512xi32>
        %xor3A_1794 = arith.xori %add3A_1786, %or3A_1793 : vector<16x512xi32>
        %add3A_1795 = vector.broadcast %xor3A_1590 : i32 to vector<16x512xi32>
        %add3A_1796 = arith.addi %add3A_1786, %add3A_1795 : vector<16x512xi32>
        %add3A_1797 = arith.constant 5 : i32
        %add3A_1798 = arith.addi %get3A_1, %add3A_1797 : i32
        %add3A_1799 = vector.broadcast %add3A_1798 : i32 to vector<16x512xi32>
        %add3A_1800 = arith.addi %xor3A_1794, %add3A_1799 : vector<16x512xi32>
        %xor3A_1801 = arith.xori %add3A_1796, %add3A_1800 : vector<16x512xi32>
        %shift_right_logical3A_1802 = arith.constant 9 : i32
        %shift_right_logical3A_1803 = vector.broadcast %shift_right_logical3A_1802 : i32 to vector<16x512xi32>
        %shift_right_logical3A_1804 = arith.shrui %xor3A_1801, %shift_right_logical3A_1803 : vector<16x512xi32>
        %or3A_1805 = arith.constant 1065353216 : i32
        %or3A_1806 = vector.broadcast %or3A_1805 : i32 to vector<16x512xi32>
        %or3A_1807 = arith.ori %shift_right_logical3A_1804, %or3A_1806 : vector<16x512xi32>
        %bitcast_convert_type3A_1808 = tpu.bitcast %or3A_1807 : vector<16x512xi32> -> vector<16x512xf32>
        %sub3A_1809 = arith.constant 1.000000e+00 : f32
        %sub3A_1810 = vector.broadcast %sub3A_1809 : f32 to vector<16x512xf32>
        %sub3A_1811 = arith.subf %bitcast_convert_type3A_1808, %sub3A_1810 : vector<16x512xf32>
        %max3A_1812 = arith.constant 1.17549435E-38 : f32
        %max3A_1813 = vector.broadcast %max3A_1812 : f32 to vector<16x512xf32>
        %max3A_1814 = arith.maximumf %sub3A_1811, %max3A_1813 : vector<16x512xf32>
        %mul3A_1815 = arith.constant 512 : i32
        %mul3A_1816 = arith.muli %scan3A_1579, %mul3A_1815 : i32
        %get3A_1817 = arith.constant 0 : index
        %get3A_1818 = arith.constant 0 : index
        %get3A_1819 = arith.index_cast %mul3A_1816 : i32 to index
        %get3A_1820 = vector.load %arg3[%get3A_1817, %get3A_1818, %get3A_1819] : memref<1x1x200192xf32, #tpu.memory_space<vmem>>, vector<1x1x512xf32>
        %get3A_1821 = vector.shape_cast %get3A_1820 : vector<1x1x512xf32> to vector<512xf32>
        %reshape3A_1822 = vector.shape_cast %get3A_1821 : vector<512xf32> to vector<1x512xf32>
        %log3A_1823 = math.log %max3A_1814 : vector<16x512xf32>
        %neg3A_1824 = arith.constant 0.000000e+00 : f32
        %neg3A_1825 = vector.broadcast %neg3A_1824 : f32 to vector<16x512xf32>
        %neg3A_1826 = arith.subf %neg3A_1825, %log3A_1823 : vector<16x512xf32>
        %log3A_1827 = math.log %neg3A_1826 : vector<16x512xf32>
        %sub3A_1828 = vector.broadcast %reshape3A_1822 : vector<1x512xf32> to vector<16x512xf32>
        %sub3A_1829 = arith.subf %sub3A_1828, %log3A_1827 : vector<16x512xf32>
        %gt3A_1830 = arith.cmpf ogt, %sub3A_1829, %select_n3A_1575 : vector<16x512xf32>
        %select_n3A_1831 = arith.select %gt3A_1830, %sub3A_1829, %select_n3A_1575 : vector<16x512xi1>, vector<16x512xf32>
        %broadcast_in_dim3A_1832 = vector.broadcast %scan3A_1579 : i32 to vector<16x512xi32>
        %select_n3A_1833 = arith.select %gt3A_1830, %broadcast_in_dim3A_1832, %select_n3A_1577 : vector<16x512xi1>, vector<16x512xi32>
        %scan3A_1834 = arith.constant 7 : i32
        %scan3A_1835 = arith.addi %scan3A_53, %scan3A_1834 : i32
        %mul3A_1836 = arith.constant 512 : i32
        %mul3A_1837 = arith.muli %mul3A_1836, %scan3A_1835 : i32
        %add3A_1838 = vector.broadcast %mul3A_1837 : i32 to vector<16x512xi32>
        %add3A_1839 = arith.addi %add3A_26, %add3A_1838 : vector<16x512xi32>
        %lt3A_1840 = arith.cmpi ult, %add3A_1839, %mul3A_18 : vector<16x512xi32>
        %select_n3A_1841 = arith.select %lt3A_1840, %add3A_25, %add3A_22 : vector<16x512xi1>, vector<16x512xi32>
        %add3A_1842 = vector.broadcast %get3A_4 : i32 to vector<16x512xi32>
        %add3A_1843 = arith.addi %add3A_1839, %add3A_1842 : vector<16x512xi32>
        %xor3A_1844 = arith.xori %get3A_1, %get3A_4 : i32
        %xor3A_1845 = arith.constant 466688986 : i32
        %xor3A_1846 = arith.xori %xor3A_1844, %xor3A_1845 : i32
        %add3A_1847 = arith.addi %select_n3A_1841, %add3A_1843 : vector<16x512xi32>
        %shift_left3A_1848 = arith.constant 13 : i32
        %shift_left3A_1849 = vector.broadcast %shift_left3A_1848 : i32 to vector<16x512xi32>
        %shift_left3A_1850 = arith.shli %add3A_1843, %shift_left3A_1849 : vector<16x512xi32>
        %shift_right_logical3A_1851 = arith.constant 19 : i32
        %shift_right_logical3A_1852 = vector.broadcast %shift_right_logical3A_1851 : i32 to vector<16x512xi32>
        %shift_right_logical3A_1853 = arith.shrui %add3A_1843, %shift_right_logical3A_1852 : vector<16x512xi32>
        %or3A_1854 = arith.ori %shift_left3A_1850, %shift_right_logical3A_1853 : vector<16x512xi32>
        %xor3A_1855 = arith.xori %add3A_1847, %or3A_1854 : vector<16x512xi32>
        %add3A_1856 = arith.addi %add3A_1847, %xor3A_1855 : vector<16x512xi32>
        %shift_left3A_1857 = arith.constant 15 : i32
        %shift_left3A_1858 = vector.broadcast %shift_left3A_1857 : i32 to vector<16x512xi32>
        %shift_left3A_1859 = arith.shli %xor3A_1855, %shift_left3A_1858 : vector<16x512xi32>
        %shift_right_logical3A_1860 = arith.constant 17 : i32
        %shift_right_logical3A_1861 = vector.broadcast %shift_right_logical3A_1860 : i32 to vector<16x512xi32>
        %shift_right_logical3A_1862 = arith.shrui %xor3A_1855, %shift_right_logical3A_1861 : vector<16x512xi32>
        %or3A_1863 = arith.ori %shift_left3A_1859, %shift_right_logical3A_1862 : vector<16x512xi32>
        %xor3A_1864 = arith.xori %add3A_1856, %or3A_1863 : vector<16x512xi32>
        %add3A_1865 = arith.addi %add3A_1856, %xor3A_1864 : vector<16x512xi32>
        %shift_left3A_1866 = arith.constant 26 : i32
        %shift_left3A_1867 = vector.broadcast %shift_left3A_1866 : i32 to vector<16x512xi32>
        %shift_left3A_1868 = arith.shli %xor3A_1864, %shift_left3A_1867 : vector<16x512xi32>
        %shift_right_logical3A_1869 = arith.constant 6 : i32
        %shift_right_logical3A_1870 = vector.broadcast %shift_right_logical3A_1869 : i32 to vector<16x512xi32>
        %shift_right_logical3A_1871 = arith.shrui %xor3A_1864, %shift_right_logical3A_1870 : vector<16x512xi32>
        %or3A_1872 = arith.ori %shift_left3A_1868, %shift_right_logical3A_1871 : vector<16x512xi32>
        %xor3A_1873 = arith.xori %add3A_1865, %or3A_1872 : vector<16x512xi32>
        %add3A_1874 = arith.addi %add3A_1865, %xor3A_1873 : vector<16x512xi32>
        %shift_left3A_1875 = arith.constant 6 : i32
        %shift_left3A_1876 = vector.broadcast %shift_left3A_1875 : i32 to vector<16x512xi32>
        %shift_left3A_1877 = arith.shli %xor3A_1873, %shift_left3A_1876 : vector<16x512xi32>
        %shift_right_logical3A_1878 = arith.constant 26 : i32
        %shift_right_logical3A_1879 = vector.broadcast %shift_right_logical3A_1878 : i32 to vector<16x512xi32>
        %shift_right_logical3A_1880 = arith.shrui %xor3A_1873, %shift_right_logical3A_1879 : vector<16x512xi32>
        %or3A_1881 = arith.ori %shift_left3A_1877, %shift_right_logical3A_1880 : vector<16x512xi32>
        %xor3A_1882 = arith.xori %add3A_1874, %or3A_1881 : vector<16x512xi32>
        %add3A_1883 = vector.broadcast %get3A_4 : i32 to vector<16x512xi32>
        %add3A_1884 = arith.addi %add3A_1874, %add3A_1883 : vector<16x512xi32>
        %add3A_1885 = arith.constant 1 : i32
        %add3A_1886 = arith.addi %xor3A_1846, %add3A_1885 : i32
        %add3A_1887 = vector.broadcast %add3A_1886 : i32 to vector<16x512xi32>
        %add3A_1888 = arith.addi %xor3A_1882, %add3A_1887 : vector<16x512xi32>
        %add3A_1889 = arith.addi %add3A_1884, %add3A_1888 : vector<16x512xi32>
        %shift_left3A_1890 = arith.constant 17 : i32
        %shift_left3A_1891 = vector.broadcast %shift_left3A_1890 : i32 to vector<16x512xi32>
        %shift_left3A_1892 = arith.shli %add3A_1888, %shift_left3A_1891 : vector<16x512xi32>
        %shift_right_logical3A_1893 = arith.constant 15 : i32
        %shift_right_logical3A_1894 = vector.broadcast %shift_right_logical3A_1893 : i32 to vector<16x512xi32>
        %shift_right_logical3A_1895 = arith.shrui %add3A_1888, %shift_right_logical3A_1894 : vector<16x512xi32>
        %or3A_1896 = arith.ori %shift_left3A_1892, %shift_right_logical3A_1895 : vector<16x512xi32>
        %xor3A_1897 = arith.xori %add3A_1889, %or3A_1896 : vector<16x512xi32>
        %add3A_1898 = arith.addi %add3A_1889, %xor3A_1897 : vector<16x512xi32>
        %shift_left3A_1899 = arith.constant 29 : i32
        %shift_left3A_1900 = vector.broadcast %shift_left3A_1899 : i32 to vector<16x512xi32>
        %shift_left3A_1901 = arith.shli %xor3A_1897, %shift_left3A_1900 : vector<16x512xi32>
        %shift_right_logical3A_1902 = arith.constant 3 : i32
        %shift_right_logical3A_1903 = vector.broadcast %shift_right_logical3A_1902 : i32 to vector<16x512xi32>
        %shift_right_logical3A_1904 = arith.shrui %xor3A_1897, %shift_right_logical3A_1903 : vector<16x512xi32>
        %or3A_1905 = arith.ori %shift_left3A_1901, %shift_right_logical3A_1904 : vector<16x512xi32>
        %xor3A_1906 = arith.xori %add3A_1898, %or3A_1905 : vector<16x512xi32>
        %add3A_1907 = arith.addi %add3A_1898, %xor3A_1906 : vector<16x512xi32>
        %shift_left3A_1908 = arith.constant 16 : i32
        %shift_left3A_1909 = vector.broadcast %shift_left3A_1908 : i32 to vector<16x512xi32>
        %shift_left3A_1910 = arith.shli %xor3A_1906, %shift_left3A_1909 : vector<16x512xi32>
        %shift_right_logical3A_1911 = arith.constant 16 : i32
        %shift_right_logical3A_1912 = vector.broadcast %shift_right_logical3A_1911 : i32 to vector<16x512xi32>
        %shift_right_logical3A_1913 = arith.shrui %xor3A_1906, %shift_right_logical3A_1912 : vector<16x512xi32>
        %or3A_1914 = arith.ori %shift_left3A_1910, %shift_right_logical3A_1913 : vector<16x512xi32>
        %xor3A_1915 = arith.xori %add3A_1907, %or3A_1914 : vector<16x512xi32>
        %add3A_1916 = arith.addi %add3A_1907, %xor3A_1915 : vector<16x512xi32>
        %shift_left3A_1917 = arith.constant 24 : i32
        %shift_left3A_1918 = vector.broadcast %shift_left3A_1917 : i32 to vector<16x512xi32>
        %shift_left3A_1919 = arith.shli %xor3A_1915, %shift_left3A_1918 : vector<16x512xi32>
        %shift_right_logical3A_1920 = arith.constant 8 : i32
        %shift_right_logical3A_1921 = vector.broadcast %shift_right_logical3A_1920 : i32 to vector<16x512xi32>
        %shift_right_logical3A_1922 = arith.shrui %xor3A_1915, %shift_right_logical3A_1921 : vector<16x512xi32>
        %or3A_1923 = arith.ori %shift_left3A_1919, %shift_right_logical3A_1922 : vector<16x512xi32>
        %xor3A_1924 = arith.xori %add3A_1916, %or3A_1923 : vector<16x512xi32>
        %add3A_1925 = vector.broadcast %xor3A_1846 : i32 to vector<16x512xi32>
        %add3A_1926 = arith.addi %add3A_1916, %add3A_1925 : vector<16x512xi32>
        %add3A_1927 = arith.constant 2 : i32
        %add3A_1928 = arith.addi %get3A_1, %add3A_1927 : i32
        %add3A_1929 = vector.broadcast %add3A_1928 : i32 to vector<16x512xi32>
        %add3A_1930 = arith.addi %xor3A_1924, %add3A_1929 : vector<16x512xi32>
        %add3A_1931 = arith.addi %add3A_1926, %add3A_1930 : vector<16x512xi32>
        %shift_left3A_1932 = arith.constant 13 : i32
        %shift_left3A_1933 = vector.broadcast %shift_left3A_1932 : i32 to vector<16x512xi32>
        %shift_left3A_1934 = arith.shli %add3A_1930, %shift_left3A_1933 : vector<16x512xi32>
        %shift_right_logical3A_1935 = arith.constant 19 : i32
        %shift_right_logical3A_1936 = vector.broadcast %shift_right_logical3A_1935 : i32 to vector<16x512xi32>
        %shift_right_logical3A_1937 = arith.shrui %add3A_1930, %shift_right_logical3A_1936 : vector<16x512xi32>
        %or3A_1938 = arith.ori %shift_left3A_1934, %shift_right_logical3A_1937 : vector<16x512xi32>
        %xor3A_1939 = arith.xori %add3A_1931, %or3A_1938 : vector<16x512xi32>
        %add3A_1940 = arith.addi %add3A_1931, %xor3A_1939 : vector<16x512xi32>
        %shift_left3A_1941 = arith.constant 15 : i32
        %shift_left3A_1942 = vector.broadcast %shift_left3A_1941 : i32 to vector<16x512xi32>
        %shift_left3A_1943 = arith.shli %xor3A_1939, %shift_left3A_1942 : vector<16x512xi32>
        %shift_right_logical3A_1944 = arith.constant 17 : i32
        %shift_right_logical3A_1945 = vector.broadcast %shift_right_logical3A_1944 : i32 to vector<16x512xi32>
        %shift_right_logical3A_1946 = arith.shrui %xor3A_1939, %shift_right_logical3A_1945 : vector<16x512xi32>
        %or3A_1947 = arith.ori %shift_left3A_1943, %shift_right_logical3A_1946 : vector<16x512xi32>
        %xor3A_1948 = arith.xori %add3A_1940, %or3A_1947 : vector<16x512xi32>
        %add3A_1949 = arith.addi %add3A_1940, %xor3A_1948 : vector<16x512xi32>
        %shift_left3A_1950 = arith.constant 26 : i32
        %shift_left3A_1951 = vector.broadcast %shift_left3A_1950 : i32 to vector<16x512xi32>
        %shift_left3A_1952 = arith.shli %xor3A_1948, %shift_left3A_1951 : vector<16x512xi32>
        %shift_right_logical3A_1953 = arith.constant 6 : i32
        %shift_right_logical3A_1954 = vector.broadcast %shift_right_logical3A_1953 : i32 to vector<16x512xi32>
        %shift_right_logical3A_1955 = arith.shrui %xor3A_1948, %shift_right_logical3A_1954 : vector<16x512xi32>
        %or3A_1956 = arith.ori %shift_left3A_1952, %shift_right_logical3A_1955 : vector<16x512xi32>
        %xor3A_1957 = arith.xori %add3A_1949, %or3A_1956 : vector<16x512xi32>
        %add3A_1958 = arith.addi %add3A_1949, %xor3A_1957 : vector<16x512xi32>
        %shift_left3A_1959 = arith.constant 6 : i32
        %shift_left3A_1960 = vector.broadcast %shift_left3A_1959 : i32 to vector<16x512xi32>
        %shift_left3A_1961 = arith.shli %xor3A_1957, %shift_left3A_1960 : vector<16x512xi32>
        %shift_right_logical3A_1962 = arith.constant 26 : i32
        %shift_right_logical3A_1963 = vector.broadcast %shift_right_logical3A_1962 : i32 to vector<16x512xi32>
        %shift_right_logical3A_1964 = arith.shrui %xor3A_1957, %shift_right_logical3A_1963 : vector<16x512xi32>
        %or3A_1965 = arith.ori %shift_left3A_1961, %shift_right_logical3A_1964 : vector<16x512xi32>
        %xor3A_1966 = arith.xori %add3A_1958, %or3A_1965 : vector<16x512xi32>
        %add3A_1967 = vector.broadcast %get3A_1 : i32 to vector<16x512xi32>
        %add3A_1968 = arith.addi %add3A_1958, %add3A_1967 : vector<16x512xi32>
        %add3A_1969 = arith.constant 3 : i32
        %add3A_1970 = arith.addi %get3A_4, %add3A_1969 : i32
        %add3A_1971 = vector.broadcast %add3A_1970 : i32 to vector<16x512xi32>
        %add3A_1972 = arith.addi %xor3A_1966, %add3A_1971 : vector<16x512xi32>
        %add3A_1973 = arith.addi %add3A_1968, %add3A_1972 : vector<16x512xi32>
        %shift_left3A_1974 = arith.constant 17 : i32
        %shift_left3A_1975 = vector.broadcast %shift_left3A_1974 : i32 to vector<16x512xi32>
        %shift_left3A_1976 = arith.shli %add3A_1972, %shift_left3A_1975 : vector<16x512xi32>
        %shift_right_logical3A_1977 = arith.constant 15 : i32
        %shift_right_logical3A_1978 = vector.broadcast %shift_right_logical3A_1977 : i32 to vector<16x512xi32>
        %shift_right_logical3A_1979 = arith.shrui %add3A_1972, %shift_right_logical3A_1978 : vector<16x512xi32>
        %or3A_1980 = arith.ori %shift_left3A_1976, %shift_right_logical3A_1979 : vector<16x512xi32>
        %xor3A_1981 = arith.xori %add3A_1973, %or3A_1980 : vector<16x512xi32>
        %add3A_1982 = arith.addi %add3A_1973, %xor3A_1981 : vector<16x512xi32>
        %shift_left3A_1983 = arith.constant 29 : i32
        %shift_left3A_1984 = vector.broadcast %shift_left3A_1983 : i32 to vector<16x512xi32>
        %shift_left3A_1985 = arith.shli %xor3A_1981, %shift_left3A_1984 : vector<16x512xi32>
        %shift_right_logical3A_1986 = arith.constant 3 : i32
        %shift_right_logical3A_1987 = vector.broadcast %shift_right_logical3A_1986 : i32 to vector<16x512xi32>
        %shift_right_logical3A_1988 = arith.shrui %xor3A_1981, %shift_right_logical3A_1987 : vector<16x512xi32>
        %or3A_1989 = arith.ori %shift_left3A_1985, %shift_right_logical3A_1988 : vector<16x512xi32>
        %xor3A_1990 = arith.xori %add3A_1982, %or3A_1989 : vector<16x512xi32>
        %add3A_1991 = arith.addi %add3A_1982, %xor3A_1990 : vector<16x512xi32>
        %shift_left3A_1992 = arith.constant 16 : i32
        %shift_left3A_1993 = vector.broadcast %shift_left3A_1992 : i32 to vector<16x512xi32>
        %shift_left3A_1994 = arith.shli %xor3A_1990, %shift_left3A_1993 : vector<16x512xi32>
        %shift_right_logical3A_1995 = arith.constant 16 : i32
        %shift_right_logical3A_1996 = vector.broadcast %shift_right_logical3A_1995 : i32 to vector<16x512xi32>
        %shift_right_logical3A_1997 = arith.shrui %xor3A_1990, %shift_right_logical3A_1996 : vector<16x512xi32>
        %or3A_1998 = arith.ori %shift_left3A_1994, %shift_right_logical3A_1997 : vector<16x512xi32>
        %xor3A_1999 = arith.xori %add3A_1991, %or3A_1998 : vector<16x512xi32>
        %add3A_2000 = arith.addi %add3A_1991, %xor3A_1999 : vector<16x512xi32>
        %shift_left3A_2001 = arith.constant 24 : i32
        %shift_left3A_2002 = vector.broadcast %shift_left3A_2001 : i32 to vector<16x512xi32>
        %shift_left3A_2003 = arith.shli %xor3A_1999, %shift_left3A_2002 : vector<16x512xi32>
        %shift_right_logical3A_2004 = arith.constant 8 : i32
        %shift_right_logical3A_2005 = vector.broadcast %shift_right_logical3A_2004 : i32 to vector<16x512xi32>
        %shift_right_logical3A_2006 = arith.shrui %xor3A_1999, %shift_right_logical3A_2005 : vector<16x512xi32>
        %or3A_2007 = arith.ori %shift_left3A_2003, %shift_right_logical3A_2006 : vector<16x512xi32>
        %xor3A_2008 = arith.xori %add3A_2000, %or3A_2007 : vector<16x512xi32>
        %add3A_2009 = vector.broadcast %get3A_4 : i32 to vector<16x512xi32>
        %add3A_2010 = arith.addi %add3A_2000, %add3A_2009 : vector<16x512xi32>
        %add3A_2011 = arith.constant 4 : i32
        %add3A_2012 = arith.addi %xor3A_1846, %add3A_2011 : i32
        %add3A_2013 = vector.broadcast %add3A_2012 : i32 to vector<16x512xi32>
        %add3A_2014 = arith.addi %xor3A_2008, %add3A_2013 : vector<16x512xi32>
        %add3A_2015 = arith.addi %add3A_2010, %add3A_2014 : vector<16x512xi32>
        %shift_left3A_2016 = arith.constant 13 : i32
        %shift_left3A_2017 = vector.broadcast %shift_left3A_2016 : i32 to vector<16x512xi32>
        %shift_left3A_2018 = arith.shli %add3A_2014, %shift_left3A_2017 : vector<16x512xi32>
        %shift_right_logical3A_2019 = arith.constant 19 : i32
        %shift_right_logical3A_2020 = vector.broadcast %shift_right_logical3A_2019 : i32 to vector<16x512xi32>
        %shift_right_logical3A_2021 = arith.shrui %add3A_2014, %shift_right_logical3A_2020 : vector<16x512xi32>
        %or3A_2022 = arith.ori %shift_left3A_2018, %shift_right_logical3A_2021 : vector<16x512xi32>
        %xor3A_2023 = arith.xori %add3A_2015, %or3A_2022 : vector<16x512xi32>
        %add3A_2024 = arith.addi %add3A_2015, %xor3A_2023 : vector<16x512xi32>
        %shift_left3A_2025 = arith.constant 15 : i32
        %shift_left3A_2026 = vector.broadcast %shift_left3A_2025 : i32 to vector<16x512xi32>
        %shift_left3A_2027 = arith.shli %xor3A_2023, %shift_left3A_2026 : vector<16x512xi32>
        %shift_right_logical3A_2028 = arith.constant 17 : i32
        %shift_right_logical3A_2029 = vector.broadcast %shift_right_logical3A_2028 : i32 to vector<16x512xi32>
        %shift_right_logical3A_2030 = arith.shrui %xor3A_2023, %shift_right_logical3A_2029 : vector<16x512xi32>
        %or3A_2031 = arith.ori %shift_left3A_2027, %shift_right_logical3A_2030 : vector<16x512xi32>
        %xor3A_2032 = arith.xori %add3A_2024, %or3A_2031 : vector<16x512xi32>
        %add3A_2033 = arith.addi %add3A_2024, %xor3A_2032 : vector<16x512xi32>
        %shift_left3A_2034 = arith.constant 26 : i32
        %shift_left3A_2035 = vector.broadcast %shift_left3A_2034 : i32 to vector<16x512xi32>
        %shift_left3A_2036 = arith.shli %xor3A_2032, %shift_left3A_2035 : vector<16x512xi32>
        %shift_right_logical3A_2037 = arith.constant 6 : i32
        %shift_right_logical3A_2038 = vector.broadcast %shift_right_logical3A_2037 : i32 to vector<16x512xi32>
        %shift_right_logical3A_2039 = arith.shrui %xor3A_2032, %shift_right_logical3A_2038 : vector<16x512xi32>
        %or3A_2040 = arith.ori %shift_left3A_2036, %shift_right_logical3A_2039 : vector<16x512xi32>
        %xor3A_2041 = arith.xori %add3A_2033, %or3A_2040 : vector<16x512xi32>
        %add3A_2042 = arith.addi %add3A_2033, %xor3A_2041 : vector<16x512xi32>
        %shift_left3A_2043 = arith.constant 6 : i32
        %shift_left3A_2044 = vector.broadcast %shift_left3A_2043 : i32 to vector<16x512xi32>
        %shift_left3A_2045 = arith.shli %xor3A_2041, %shift_left3A_2044 : vector<16x512xi32>
        %shift_right_logical3A_2046 = arith.constant 26 : i32
        %shift_right_logical3A_2047 = vector.broadcast %shift_right_logical3A_2046 : i32 to vector<16x512xi32>
        %shift_right_logical3A_2048 = arith.shrui %xor3A_2041, %shift_right_logical3A_2047 : vector<16x512xi32>
        %or3A_2049 = arith.ori %shift_left3A_2045, %shift_right_logical3A_2048 : vector<16x512xi32>
        %xor3A_2050 = arith.xori %add3A_2042, %or3A_2049 : vector<16x512xi32>
        %add3A_2051 = vector.broadcast %xor3A_1846 : i32 to vector<16x512xi32>
        %add3A_2052 = arith.addi %add3A_2042, %add3A_2051 : vector<16x512xi32>
        %add3A_2053 = arith.constant 5 : i32
        %add3A_2054 = arith.addi %get3A_1, %add3A_2053 : i32
        %add3A_2055 = vector.broadcast %add3A_2054 : i32 to vector<16x512xi32>
        %add3A_2056 = arith.addi %xor3A_2050, %add3A_2055 : vector<16x512xi32>
        %xor3A_2057 = arith.xori %add3A_2052, %add3A_2056 : vector<16x512xi32>
        %shift_right_logical3A_2058 = arith.constant 9 : i32
        %shift_right_logical3A_2059 = vector.broadcast %shift_right_logical3A_2058 : i32 to vector<16x512xi32>
        %shift_right_logical3A_2060 = arith.shrui %xor3A_2057, %shift_right_logical3A_2059 : vector<16x512xi32>
        %or3A_2061 = arith.constant 1065353216 : i32
        %or3A_2062 = vector.broadcast %or3A_2061 : i32 to vector<16x512xi32>
        %or3A_2063 = arith.ori %shift_right_logical3A_2060, %or3A_2062 : vector<16x512xi32>
        %bitcast_convert_type3A_2064 = tpu.bitcast %or3A_2063 : vector<16x512xi32> -> vector<16x512xf32>
        %sub3A_2065 = arith.constant 1.000000e+00 : f32
        %sub3A_2066 = vector.broadcast %sub3A_2065 : f32 to vector<16x512xf32>
        %sub3A_2067 = arith.subf %bitcast_convert_type3A_2064, %sub3A_2066 : vector<16x512xf32>
        %max3A_2068 = arith.constant 1.17549435E-38 : f32
        %max3A_2069 = vector.broadcast %max3A_2068 : f32 to vector<16x512xf32>
        %max3A_2070 = arith.maximumf %sub3A_2067, %max3A_2069 : vector<16x512xf32>
        %mul3A_2071 = arith.constant 512 : i32
        %mul3A_2072 = arith.muli %scan3A_1835, %mul3A_2071 : i32
        %get3A_2073 = arith.constant 0 : index
        %get3A_2074 = arith.constant 0 : index
        %get3A_2075 = arith.index_cast %mul3A_2072 : i32 to index
        %get3A_2076 = vector.load %arg3[%get3A_2073, %get3A_2074, %get3A_2075] : memref<1x1x200192xf32, #tpu.memory_space<vmem>>, vector<1x1x512xf32>
        %get3A_2077 = vector.shape_cast %get3A_2076 : vector<1x1x512xf32> to vector<512xf32>
        %reshape3A_2078 = vector.shape_cast %get3A_2077 : vector<512xf32> to vector<1x512xf32>
        %log3A_2079 = math.log %max3A_2070 : vector<16x512xf32>
        %neg3A_2080 = arith.constant 0.000000e+00 : f32
        %neg3A_2081 = vector.broadcast %neg3A_2080 : f32 to vector<16x512xf32>
        %neg3A_2082 = arith.subf %neg3A_2081, %log3A_2079 : vector<16x512xf32>
        %log3A_2083 = math.log %neg3A_2082 : vector<16x512xf32>
        %sub3A_2084 = vector.broadcast %reshape3A_2078 : vector<1x512xf32> to vector<16x512xf32>
        %sub3A_2085 = arith.subf %sub3A_2084, %log3A_2083 : vector<16x512xf32>
        %gt3A_2086 = arith.cmpf ogt, %sub3A_2085, %select_n3A_1831 : vector<16x512xf32>
        %select_n3A_2087 = arith.select %gt3A_2086, %sub3A_2085, %select_n3A_1831 : vector<16x512xi1>, vector<16x512xf32>
        %broadcast_in_dim3A_2088 = vector.broadcast %scan3A_1835 : i32 to vector<16x512xi32>
        %select_n3A_2089 = arith.select %gt3A_2086, %broadcast_in_dim3A_2088, %select_n3A_1833 : vector<16x512xi1>, vector<16x512xi32>
        %scan3A_2090 = arith.constant 8 : i32
        %scan3A_2091 = arith.addi %scan3A_53, %scan3A_2090 : i32
        %mul3A_2092 = arith.constant 512 : i32
        %mul3A_2093 = arith.muli %mul3A_2092, %scan3A_2091 : i32
        %add3A_2094 = vector.broadcast %mul3A_2093 : i32 to vector<16x512xi32>
        %add3A_2095 = arith.addi %add3A_26, %add3A_2094 : vector<16x512xi32>
        %lt3A_2096 = arith.cmpi ult, %add3A_2095, %mul3A_18 : vector<16x512xi32>
        %select_n3A_2097 = arith.select %lt3A_2096, %add3A_25, %add3A_22 : vector<16x512xi1>, vector<16x512xi32>
        %add3A_2098 = vector.broadcast %get3A_4 : i32 to vector<16x512xi32>
        %add3A_2099 = arith.addi %add3A_2095, %add3A_2098 : vector<16x512xi32>
        %xor3A_2100 = arith.xori %get3A_1, %get3A_4 : i32
        %xor3A_2101 = arith.constant 466688986 : i32
        %xor3A_2102 = arith.xori %xor3A_2100, %xor3A_2101 : i32
        %add3A_2103 = arith.addi %select_n3A_2097, %add3A_2099 : vector<16x512xi32>
        %shift_left3A_2104 = arith.constant 13 : i32
        %shift_left3A_2105 = vector.broadcast %shift_left3A_2104 : i32 to vector<16x512xi32>
        %shift_left3A_2106 = arith.shli %add3A_2099, %shift_left3A_2105 : vector<16x512xi32>
        %shift_right_logical3A_2107 = arith.constant 19 : i32
        %shift_right_logical3A_2108 = vector.broadcast %shift_right_logical3A_2107 : i32 to vector<16x512xi32>
        %shift_right_logical3A_2109 = arith.shrui %add3A_2099, %shift_right_logical3A_2108 : vector<16x512xi32>
        %or3A_2110 = arith.ori %shift_left3A_2106, %shift_right_logical3A_2109 : vector<16x512xi32>
        %xor3A_2111 = arith.xori %add3A_2103, %or3A_2110 : vector<16x512xi32>
        %add3A_2112 = arith.addi %add3A_2103, %xor3A_2111 : vector<16x512xi32>
        %shift_left3A_2113 = arith.constant 15 : i32
        %shift_left3A_2114 = vector.broadcast %shift_left3A_2113 : i32 to vector<16x512xi32>
        %shift_left3A_2115 = arith.shli %xor3A_2111, %shift_left3A_2114 : vector<16x512xi32>
        %shift_right_logical3A_2116 = arith.constant 17 : i32
        %shift_right_logical3A_2117 = vector.broadcast %shift_right_logical3A_2116 : i32 to vector<16x512xi32>
        %shift_right_logical3A_2118 = arith.shrui %xor3A_2111, %shift_right_logical3A_2117 : vector<16x512xi32>
        %or3A_2119 = arith.ori %shift_left3A_2115, %shift_right_logical3A_2118 : vector<16x512xi32>
        %xor3A_2120 = arith.xori %add3A_2112, %or3A_2119 : vector<16x512xi32>
        %add3A_2121 = arith.addi %add3A_2112, %xor3A_2120 : vector<16x512xi32>
        %shift_left3A_2122 = arith.constant 26 : i32
        %shift_left3A_2123 = vector.broadcast %shift_left3A_2122 : i32 to vector<16x512xi32>
        %shift_left3A_2124 = arith.shli %xor3A_2120, %shift_left3A_2123 : vector<16x512xi32>
        %shift_right_logical3A_2125 = arith.constant 6 : i32
        %shift_right_logical3A_2126 = vector.broadcast %shift_right_logical3A_2125 : i32 to vector<16x512xi32>
        %shift_right_logical3A_2127 = arith.shrui %xor3A_2120, %shift_right_logical3A_2126 : vector<16x512xi32>
        %or3A_2128 = arith.ori %shift_left3A_2124, %shift_right_logical3A_2127 : vector<16x512xi32>
        %xor3A_2129 = arith.xori %add3A_2121, %or3A_2128 : vector<16x512xi32>
        %add3A_2130 = arith.addi %add3A_2121, %xor3A_2129 : vector<16x512xi32>
        %shift_left3A_2131 = arith.constant 6 : i32
        %shift_left3A_2132 = vector.broadcast %shift_left3A_2131 : i32 to vector<16x512xi32>
        %shift_left3A_2133 = arith.shli %xor3A_2129, %shift_left3A_2132 : vector<16x512xi32>
        %shift_right_logical3A_2134 = arith.constant 26 : i32
        %shift_right_logical3A_2135 = vector.broadcast %shift_right_logical3A_2134 : i32 to vector<16x512xi32>
        %shift_right_logical3A_2136 = arith.shrui %xor3A_2129, %shift_right_logical3A_2135 : vector<16x512xi32>
        %or3A_2137 = arith.ori %shift_left3A_2133, %shift_right_logical3A_2136 : vector<16x512xi32>
        %xor3A_2138 = arith.xori %add3A_2130, %or3A_2137 : vector<16x512xi32>
        %add3A_2139 = vector.broadcast %get3A_4 : i32 to vector<16x512xi32>
        %add3A_2140 = arith.addi %add3A_2130, %add3A_2139 : vector<16x512xi32>
        %add3A_2141 = arith.constant 1 : i32
        %add3A_2142 = arith.addi %xor3A_2102, %add3A_2141 : i32
        %add3A_2143 = vector.broadcast %add3A_2142 : i32 to vector<16x512xi32>
        %add3A_2144 = arith.addi %xor3A_2138, %add3A_2143 : vector<16x512xi32>
        %add3A_2145 = arith.addi %add3A_2140, %add3A_2144 : vector<16x512xi32>
        %shift_left3A_2146 = arith.constant 17 : i32
        %shift_left3A_2147 = vector.broadcast %shift_left3A_2146 : i32 to vector<16x512xi32>
        %shift_left3A_2148 = arith.shli %add3A_2144, %shift_left3A_2147 : vector<16x512xi32>
        %shift_right_logical3A_2149 = arith.constant 15 : i32
        %shift_right_logical3A_2150 = vector.broadcast %shift_right_logical3A_2149 : i32 to vector<16x512xi32>
        %shift_right_logical3A_2151 = arith.shrui %add3A_2144, %shift_right_logical3A_2150 : vector<16x512xi32>
        %or3A_2152 = arith.ori %shift_left3A_2148, %shift_right_logical3A_2151 : vector<16x512xi32>
        %xor3A_2153 = arith.xori %add3A_2145, %or3A_2152 : vector<16x512xi32>
        %add3A_2154 = arith.addi %add3A_2145, %xor3A_2153 : vector<16x512xi32>
        %shift_left3A_2155 = arith.constant 29 : i32
        %shift_left3A_2156 = vector.broadcast %shift_left3A_2155 : i32 to vector<16x512xi32>
        %shift_left3A_2157 = arith.shli %xor3A_2153, %shift_left3A_2156 : vector<16x512xi32>
        %shift_right_logical3A_2158 = arith.constant 3 : i32
        %shift_right_logical3A_2159 = vector.broadcast %shift_right_logical3A_2158 : i32 to vector<16x512xi32>
        %shift_right_logical3A_2160 = arith.shrui %xor3A_2153, %shift_right_logical3A_2159 : vector<16x512xi32>
        %or3A_2161 = arith.ori %shift_left3A_2157, %shift_right_logical3A_2160 : vector<16x512xi32>
        %xor3A_2162 = arith.xori %add3A_2154, %or3A_2161 : vector<16x512xi32>
        %add3A_2163 = arith.addi %add3A_2154, %xor3A_2162 : vector<16x512xi32>
        %shift_left3A_2164 = arith.constant 16 : i32
        %shift_left3A_2165 = vector.broadcast %shift_left3A_2164 : i32 to vector<16x512xi32>
        %shift_left3A_2166 = arith.shli %xor3A_2162, %shift_left3A_2165 : vector<16x512xi32>
        %shift_right_logical3A_2167 = arith.constant 16 : i32
        %shift_right_logical3A_2168 = vector.broadcast %shift_right_logical3A_2167 : i32 to vector<16x512xi32>
        %shift_right_logical3A_2169 = arith.shrui %xor3A_2162, %shift_right_logical3A_2168 : vector<16x512xi32>
        %or3A_2170 = arith.ori %shift_left3A_2166, %shift_right_logical3A_2169 : vector<16x512xi32>
        %xor3A_2171 = arith.xori %add3A_2163, %or3A_2170 : vector<16x512xi32>
        %add3A_2172 = arith.addi %add3A_2163, %xor3A_2171 : vector<16x512xi32>
        %shift_left3A_2173 = arith.constant 24 : i32
        %shift_left3A_2174 = vector.broadcast %shift_left3A_2173 : i32 to vector<16x512xi32>
        %shift_left3A_2175 = arith.shli %xor3A_2171, %shift_left3A_2174 : vector<16x512xi32>
        %shift_right_logical3A_2176 = arith.constant 8 : i32
        %shift_right_logical3A_2177 = vector.broadcast %shift_right_logical3A_2176 : i32 to vector<16x512xi32>
        %shift_right_logical3A_2178 = arith.shrui %xor3A_2171, %shift_right_logical3A_2177 : vector<16x512xi32>
        %or3A_2179 = arith.ori %shift_left3A_2175, %shift_right_logical3A_2178 : vector<16x512xi32>
        %xor3A_2180 = arith.xori %add3A_2172, %or3A_2179 : vector<16x512xi32>
        %add3A_2181 = vector.broadcast %xor3A_2102 : i32 to vector<16x512xi32>
        %add3A_2182 = arith.addi %add3A_2172, %add3A_2181 : vector<16x512xi32>
        %add3A_2183 = arith.constant 2 : i32
        %add3A_2184 = arith.addi %get3A_1, %add3A_2183 : i32
        %add3A_2185 = vector.broadcast %add3A_2184 : i32 to vector<16x512xi32>
        %add3A_2186 = arith.addi %xor3A_2180, %add3A_2185 : vector<16x512xi32>
        %add3A_2187 = arith.addi %add3A_2182, %add3A_2186 : vector<16x512xi32>
        %shift_left3A_2188 = arith.constant 13 : i32
        %shift_left3A_2189 = vector.broadcast %shift_left3A_2188 : i32 to vector<16x512xi32>
        %shift_left3A_2190 = arith.shli %add3A_2186, %shift_left3A_2189 : vector<16x512xi32>
        %shift_right_logical3A_2191 = arith.constant 19 : i32
        %shift_right_logical3A_2192 = vector.broadcast %shift_right_logical3A_2191 : i32 to vector<16x512xi32>
        %shift_right_logical3A_2193 = arith.shrui %add3A_2186, %shift_right_logical3A_2192 : vector<16x512xi32>
        %or3A_2194 = arith.ori %shift_left3A_2190, %shift_right_logical3A_2193 : vector<16x512xi32>
        %xor3A_2195 = arith.xori %add3A_2187, %or3A_2194 : vector<16x512xi32>
        %add3A_2196 = arith.addi %add3A_2187, %xor3A_2195 : vector<16x512xi32>
        %shift_left3A_2197 = arith.constant 15 : i32
        %shift_left3A_2198 = vector.broadcast %shift_left3A_2197 : i32 to vector<16x512xi32>
        %shift_left3A_2199 = arith.shli %xor3A_2195, %shift_left3A_2198 : vector<16x512xi32>
        %shift_right_logical3A_2200 = arith.constant 17 : i32
        %shift_right_logical3A_2201 = vector.broadcast %shift_right_logical3A_2200 : i32 to vector<16x512xi32>
        %shift_right_logical3A_2202 = arith.shrui %xor3A_2195, %shift_right_logical3A_2201 : vector<16x512xi32>
        %or3A_2203 = arith.ori %shift_left3A_2199, %shift_right_logical3A_2202 : vector<16x512xi32>
        %xor3A_2204 = arith.xori %add3A_2196, %or3A_2203 : vector<16x512xi32>
        %add3A_2205 = arith.addi %add3A_2196, %xor3A_2204 : vector<16x512xi32>
        %shift_left3A_2206 = arith.constant 26 : i32
        %shift_left3A_2207 = vector.broadcast %shift_left3A_2206 : i32 to vector<16x512xi32>
        %shift_left3A_2208 = arith.shli %xor3A_2204, %shift_left3A_2207 : vector<16x512xi32>
        %shift_right_logical3A_2209 = arith.constant 6 : i32
        %shift_right_logical3A_2210 = vector.broadcast %shift_right_logical3A_2209 : i32 to vector<16x512xi32>
        %shift_right_logical3A_2211 = arith.shrui %xor3A_2204, %shift_right_logical3A_2210 : vector<16x512xi32>
        %or3A_2212 = arith.ori %shift_left3A_2208, %shift_right_logical3A_2211 : vector<16x512xi32>
        %xor3A_2213 = arith.xori %add3A_2205, %or3A_2212 : vector<16x512xi32>
        %add3A_2214 = arith.addi %add3A_2205, %xor3A_2213 : vector<16x512xi32>
        %shift_left3A_2215 = arith.constant 6 : i32
        %shift_left3A_2216 = vector.broadcast %shift_left3A_2215 : i32 to vector<16x512xi32>
        %shift_left3A_2217 = arith.shli %xor3A_2213, %shift_left3A_2216 : vector<16x512xi32>
        %shift_right_logical3A_2218 = arith.constant 26 : i32
        %shift_right_logical3A_2219 = vector.broadcast %shift_right_logical3A_2218 : i32 to vector<16x512xi32>
        %shift_right_logical3A_2220 = arith.shrui %xor3A_2213, %shift_right_logical3A_2219 : vector<16x512xi32>
        %or3A_2221 = arith.ori %shift_left3A_2217, %shift_right_logical3A_2220 : vector<16x512xi32>
        %xor3A_2222 = arith.xori %add3A_2214, %or3A_2221 : vector<16x512xi32>
        %add3A_2223 = vector.broadcast %get3A_1 : i32 to vector<16x512xi32>
        %add3A_2224 = arith.addi %add3A_2214, %add3A_2223 : vector<16x512xi32>
        %add3A_2225 = arith.constant 3 : i32
        %add3A_2226 = arith.addi %get3A_4, %add3A_2225 : i32
        %add3A_2227 = vector.broadcast %add3A_2226 : i32 to vector<16x512xi32>
        %add3A_2228 = arith.addi %xor3A_2222, %add3A_2227 : vector<16x512xi32>
        %add3A_2229 = arith.addi %add3A_2224, %add3A_2228 : vector<16x512xi32>
        %shift_left3A_2230 = arith.constant 17 : i32
        %shift_left3A_2231 = vector.broadcast %shift_left3A_2230 : i32 to vector<16x512xi32>
        %shift_left3A_2232 = arith.shli %add3A_2228, %shift_left3A_2231 : vector<16x512xi32>
        %shift_right_logical3A_2233 = arith.constant 15 : i32
        %shift_right_logical3A_2234 = vector.broadcast %shift_right_logical3A_2233 : i32 to vector<16x512xi32>
        %shift_right_logical3A_2235 = arith.shrui %add3A_2228, %shift_right_logical3A_2234 : vector<16x512xi32>
        %or3A_2236 = arith.ori %shift_left3A_2232, %shift_right_logical3A_2235 : vector<16x512xi32>
        %xor3A_2237 = arith.xori %add3A_2229, %or3A_2236 : vector<16x512xi32>
        %add3A_2238 = arith.addi %add3A_2229, %xor3A_2237 : vector<16x512xi32>
        %shift_left3A_2239 = arith.constant 29 : i32
        %shift_left3A_2240 = vector.broadcast %shift_left3A_2239 : i32 to vector<16x512xi32>
        %shift_left3A_2241 = arith.shli %xor3A_2237, %shift_left3A_2240 : vector<16x512xi32>
        %shift_right_logical3A_2242 = arith.constant 3 : i32
        %shift_right_logical3A_2243 = vector.broadcast %shift_right_logical3A_2242 : i32 to vector<16x512xi32>
        %shift_right_logical3A_2244 = arith.shrui %xor3A_2237, %shift_right_logical3A_2243 : vector<16x512xi32>
        %or3A_2245 = arith.ori %shift_left3A_2241, %shift_right_logical3A_2244 : vector<16x512xi32>
        %xor3A_2246 = arith.xori %add3A_2238, %or3A_2245 : vector<16x512xi32>
        %add3A_2247 = arith.addi %add3A_2238, %xor3A_2246 : vector<16x512xi32>
        %shift_left3A_2248 = arith.constant 16 : i32
        %shift_left3A_2249 = vector.broadcast %shift_left3A_2248 : i32 to vector<16x512xi32>
        %shift_left3A_2250 = arith.shli %xor3A_2246, %shift_left3A_2249 : vector<16x512xi32>
        %shift_right_logical3A_2251 = arith.constant 16 : i32
        %shift_right_logical3A_2252 = vector.broadcast %shift_right_logical3A_2251 : i32 to vector<16x512xi32>
        %shift_right_logical3A_2253 = arith.shrui %xor3A_2246, %shift_right_logical3A_2252 : vector<16x512xi32>
        %or3A_2254 = arith.ori %shift_left3A_2250, %shift_right_logical3A_2253 : vector<16x512xi32>
        %xor3A_2255 = arith.xori %add3A_2247, %or3A_2254 : vector<16x512xi32>
        %add3A_2256 = arith.addi %add3A_2247, %xor3A_2255 : vector<16x512xi32>
        %shift_left3A_2257 = arith.constant 24 : i32
        %shift_left3A_2258 = vector.broadcast %shift_left3A_2257 : i32 to vector<16x512xi32>
        %shift_left3A_2259 = arith.shli %xor3A_2255, %shift_left3A_2258 : vector<16x512xi32>
        %shift_right_logical3A_2260 = arith.constant 8 : i32
        %shift_right_logical3A_2261 = vector.broadcast %shift_right_logical3A_2260 : i32 to vector<16x512xi32>
        %shift_right_logical3A_2262 = arith.shrui %xor3A_2255, %shift_right_logical3A_2261 : vector<16x512xi32>
        %or3A_2263 = arith.ori %shift_left3A_2259, %shift_right_logical3A_2262 : vector<16x512xi32>
        %xor3A_2264 = arith.xori %add3A_2256, %or3A_2263 : vector<16x512xi32>
        %add3A_2265 = vector.broadcast %get3A_4 : i32 to vector<16x512xi32>
        %add3A_2266 = arith.addi %add3A_2256, %add3A_2265 : vector<16x512xi32>
        %add3A_2267 = arith.constant 4 : i32
        %add3A_2268 = arith.addi %xor3A_2102, %add3A_2267 : i32
        %add3A_2269 = vector.broadcast %add3A_2268 : i32 to vector<16x512xi32>
        %add3A_2270 = arith.addi %xor3A_2264, %add3A_2269 : vector<16x512xi32>
        %add3A_2271 = arith.addi %add3A_2266, %add3A_2270 : vector<16x512xi32>
        %shift_left3A_2272 = arith.constant 13 : i32
        %shift_left3A_2273 = vector.broadcast %shift_left3A_2272 : i32 to vector<16x512xi32>
        %shift_left3A_2274 = arith.shli %add3A_2270, %shift_left3A_2273 : vector<16x512xi32>
        %shift_right_logical3A_2275 = arith.constant 19 : i32
        %shift_right_logical3A_2276 = vector.broadcast %shift_right_logical3A_2275 : i32 to vector<16x512xi32>
        %shift_right_logical3A_2277 = arith.shrui %add3A_2270, %shift_right_logical3A_2276 : vector<16x512xi32>
        %or3A_2278 = arith.ori %shift_left3A_2274, %shift_right_logical3A_2277 : vector<16x512xi32>
        %xor3A_2279 = arith.xori %add3A_2271, %or3A_2278 : vector<16x512xi32>
        %add3A_2280 = arith.addi %add3A_2271, %xor3A_2279 : vector<16x512xi32>
        %shift_left3A_2281 = arith.constant 15 : i32
        %shift_left3A_2282 = vector.broadcast %shift_left3A_2281 : i32 to vector<16x512xi32>
        %shift_left3A_2283 = arith.shli %xor3A_2279, %shift_left3A_2282 : vector<16x512xi32>
        %shift_right_logical3A_2284 = arith.constant 17 : i32
        %shift_right_logical3A_2285 = vector.broadcast %shift_right_logical3A_2284 : i32 to vector<16x512xi32>
        %shift_right_logical3A_2286 = arith.shrui %xor3A_2279, %shift_right_logical3A_2285 : vector<16x512xi32>
        %or3A_2287 = arith.ori %shift_left3A_2283, %shift_right_logical3A_2286 : vector<16x512xi32>
        %xor3A_2288 = arith.xori %add3A_2280, %or3A_2287 : vector<16x512xi32>
        %add3A_2289 = arith.addi %add3A_2280, %xor3A_2288 : vector<16x512xi32>
        %shift_left3A_2290 = arith.constant 26 : i32
        %shift_left3A_2291 = vector.broadcast %shift_left3A_2290 : i32 to vector<16x512xi32>
        %shift_left3A_2292 = arith.shli %xor3A_2288, %shift_left3A_2291 : vector<16x512xi32>
        %shift_right_logical3A_2293 = arith.constant 6 : i32
        %shift_right_logical3A_2294 = vector.broadcast %shift_right_logical3A_2293 : i32 to vector<16x512xi32>
        %shift_right_logical3A_2295 = arith.shrui %xor3A_2288, %shift_right_logical3A_2294 : vector<16x512xi32>
        %or3A_2296 = arith.ori %shift_left3A_2292, %shift_right_logical3A_2295 : vector<16x512xi32>
        %xor3A_2297 = arith.xori %add3A_2289, %or3A_2296 : vector<16x512xi32>
        %add3A_2298 = arith.addi %add3A_2289, %xor3A_2297 : vector<16x512xi32>
        %shift_left3A_2299 = arith.constant 6 : i32
        %shift_left3A_2300 = vector.broadcast %shift_left3A_2299 : i32 to vector<16x512xi32>
        %shift_left3A_2301 = arith.shli %xor3A_2297, %shift_left3A_2300 : vector<16x512xi32>
        %shift_right_logical3A_2302 = arith.constant 26 : i32
        %shift_right_logical3A_2303 = vector.broadcast %shift_right_logical3A_2302 : i32 to vector<16x512xi32>
        %shift_right_logical3A_2304 = arith.shrui %xor3A_2297, %shift_right_logical3A_2303 : vector<16x512xi32>
        %or3A_2305 = arith.ori %shift_left3A_2301, %shift_right_logical3A_2304 : vector<16x512xi32>
        %xor3A_2306 = arith.xori %add3A_2298, %or3A_2305 : vector<16x512xi32>
        %add3A_2307 = vector.broadcast %xor3A_2102 : i32 to vector<16x512xi32>
        %add3A_2308 = arith.addi %add3A_2298, %add3A_2307 : vector<16x512xi32>
        %add3A_2309 = arith.constant 5 : i32
        %add3A_2310 = arith.addi %get3A_1, %add3A_2309 : i32
        %add3A_2311 = vector.broadcast %add3A_2310 : i32 to vector<16x512xi32>
        %add3A_2312 = arith.addi %xor3A_2306, %add3A_2311 : vector<16x512xi32>
        %xor3A_2313 = arith.xori %add3A_2308, %add3A_2312 : vector<16x512xi32>
        %shift_right_logical3A_2314 = arith.constant 9 : i32
        %shift_right_logical3A_2315 = vector.broadcast %shift_right_logical3A_2314 : i32 to vector<16x512xi32>
        %shift_right_logical3A_2316 = arith.shrui %xor3A_2313, %shift_right_logical3A_2315 : vector<16x512xi32>
        %or3A_2317 = arith.constant 1065353216 : i32
        %or3A_2318 = vector.broadcast %or3A_2317 : i32 to vector<16x512xi32>
        %or3A_2319 = arith.ori %shift_right_logical3A_2316, %or3A_2318 : vector<16x512xi32>
        %bitcast_convert_type3A_2320 = tpu.bitcast %or3A_2319 : vector<16x512xi32> -> vector<16x512xf32>
        %sub3A_2321 = arith.constant 1.000000e+00 : f32
        %sub3A_2322 = vector.broadcast %sub3A_2321 : f32 to vector<16x512xf32>
        %sub3A_2323 = arith.subf %bitcast_convert_type3A_2320, %sub3A_2322 : vector<16x512xf32>
        %max3A_2324 = arith.constant 1.17549435E-38 : f32
        %max3A_2325 = vector.broadcast %max3A_2324 : f32 to vector<16x512xf32>
        %max3A_2326 = arith.maximumf %sub3A_2323, %max3A_2325 : vector<16x512xf32>
        %mul3A_2327 = arith.constant 512 : i32
        %mul3A_2328 = arith.muli %scan3A_2091, %mul3A_2327 : i32
        %get3A_2329 = arith.constant 0 : index
        %get3A_2330 = arith.constant 0 : index
        %get3A_2331 = arith.index_cast %mul3A_2328 : i32 to index
        %get3A_2332 = vector.load %arg3[%get3A_2329, %get3A_2330, %get3A_2331] : memref<1x1x200192xf32, #tpu.memory_space<vmem>>, vector<1x1x512xf32>
        %get3A_2333 = vector.shape_cast %get3A_2332 : vector<1x1x512xf32> to vector<512xf32>
        %reshape3A_2334 = vector.shape_cast %get3A_2333 : vector<512xf32> to vector<1x512xf32>
        %log3A_2335 = math.log %max3A_2326 : vector<16x512xf32>
        %neg3A_2336 = arith.constant 0.000000e+00 : f32
        %neg3A_2337 = vector.broadcast %neg3A_2336 : f32 to vector<16x512xf32>
        %neg3A_2338 = arith.subf %neg3A_2337, %log3A_2335 : vector<16x512xf32>
        %log3A_2339 = math.log %neg3A_2338 : vector<16x512xf32>
        %sub3A_2340 = vector.broadcast %reshape3A_2334 : vector<1x512xf32> to vector<16x512xf32>
        %sub3A_2341 = arith.subf %sub3A_2340, %log3A_2339 : vector<16x512xf32>
        %gt3A_2342 = arith.cmpf ogt, %sub3A_2341, %select_n3A_2087 : vector<16x512xf32>
        %select_n3A_2343 = arith.select %gt3A_2342, %sub3A_2341, %select_n3A_2087 : vector<16x512xi1>, vector<16x512xf32>
        %broadcast_in_dim3A_2344 = vector.broadcast %scan3A_2091 : i32 to vector<16x512xi32>
        %select_n3A_2345 = arith.select %gt3A_2342, %broadcast_in_dim3A_2344, %select_n3A_2089 : vector<16x512xi1>, vector<16x512xi32>
        %scan3A_2346 = arith.constant 9 : i32
        %scan3A_2347 = arith.addi %scan3A_53, %scan3A_2346 : i32
        %mul3A_2348 = arith.constant 512 : i32
        %mul3A_2349 = arith.muli %mul3A_2348, %scan3A_2347 : i32
        %add3A_2350 = vector.broadcast %mul3A_2349 : i32 to vector<16x512xi32>
        %add3A_2351 = arith.addi %add3A_26, %add3A_2350 : vector<16x512xi32>
        %lt3A_2352 = arith.cmpi ult, %add3A_2351, %mul3A_18 : vector<16x512xi32>
        %select_n3A_2353 = arith.select %lt3A_2352, %add3A_25, %add3A_22 : vector<16x512xi1>, vector<16x512xi32>
        %add3A_2354 = vector.broadcast %get3A_4 : i32 to vector<16x512xi32>
        %add3A_2355 = arith.addi %add3A_2351, %add3A_2354 : vector<16x512xi32>
        %xor3A_2356 = arith.xori %get3A_1, %get3A_4 : i32
        %xor3A_2357 = arith.constant 466688986 : i32
        %xor3A_2358 = arith.xori %xor3A_2356, %xor3A_2357 : i32
        %add3A_2359 = arith.addi %select_n3A_2353, %add3A_2355 : vector<16x512xi32>
        %shift_left3A_2360 = arith.constant 13 : i32
        %shift_left3A_2361 = vector.broadcast %shift_left3A_2360 : i32 to vector<16x512xi32>
        %shift_left3A_2362 = arith.shli %add3A_2355, %shift_left3A_2361 : vector<16x512xi32>
        %shift_right_logical3A_2363 = arith.constant 19 : i32
        %shift_right_logical3A_2364 = vector.broadcast %shift_right_logical3A_2363 : i32 to vector<16x512xi32>
        %shift_right_logical3A_2365 = arith.shrui %add3A_2355, %shift_right_logical3A_2364 : vector<16x512xi32>
        %or3A_2366 = arith.ori %shift_left3A_2362, %shift_right_logical3A_2365 : vector<16x512xi32>
        %xor3A_2367 = arith.xori %add3A_2359, %or3A_2366 : vector<16x512xi32>
        %add3A_2368 = arith.addi %add3A_2359, %xor3A_2367 : vector<16x512xi32>
        %shift_left3A_2369 = arith.constant 15 : i32
        %shift_left3A_2370 = vector.broadcast %shift_left3A_2369 : i32 to vector<16x512xi32>
        %shift_left3A_2371 = arith.shli %xor3A_2367, %shift_left3A_2370 : vector<16x512xi32>
        %shift_right_logical3A_2372 = arith.constant 17 : i32
        %shift_right_logical3A_2373 = vector.broadcast %shift_right_logical3A_2372 : i32 to vector<16x512xi32>
        %shift_right_logical3A_2374 = arith.shrui %xor3A_2367, %shift_right_logical3A_2373 : vector<16x512xi32>
        %or3A_2375 = arith.ori %shift_left3A_2371, %shift_right_logical3A_2374 : vector<16x512xi32>
        %xor3A_2376 = arith.xori %add3A_2368, %or3A_2375 : vector<16x512xi32>
        %add3A_2377 = arith.addi %add3A_2368, %xor3A_2376 : vector<16x512xi32>
        %shift_left3A_2378 = arith.constant 26 : i32
        %shift_left3A_2379 = vector.broadcast %shift_left3A_2378 : i32 to vector<16x512xi32>
        %shift_left3A_2380 = arith.shli %xor3A_2376, %shift_left3A_2379 : vector<16x512xi32>
        %shift_right_logical3A_2381 = arith.constant 6 : i32
        %shift_right_logical3A_2382 = vector.broadcast %shift_right_logical3A_2381 : i32 to vector<16x512xi32>
        %shift_right_logical3A_2383 = arith.shrui %xor3A_2376, %shift_right_logical3A_2382 : vector<16x512xi32>
        %or3A_2384 = arith.ori %shift_left3A_2380, %shift_right_logical3A_2383 : vector<16x512xi32>
        %xor3A_2385 = arith.xori %add3A_2377, %or3A_2384 : vector<16x512xi32>
        %add3A_2386 = arith.addi %add3A_2377, %xor3A_2385 : vector<16x512xi32>
        %shift_left3A_2387 = arith.constant 6 : i32
        %shift_left3A_2388 = vector.broadcast %shift_left3A_2387 : i32 to vector<16x512xi32>
        %shift_left3A_2389 = arith.shli %xor3A_2385, %shift_left3A_2388 : vector<16x512xi32>
        %shift_right_logical3A_2390 = arith.constant 26 : i32
        %shift_right_logical3A_2391 = vector.broadcast %shift_right_logical3A_2390 : i32 to vector<16x512xi32>
        %shift_right_logical3A_2392 = arith.shrui %xor3A_2385, %shift_right_logical3A_2391 : vector<16x512xi32>
        %or3A_2393 = arith.ori %shift_left3A_2389, %shift_right_logical3A_2392 : vector<16x512xi32>
        %xor3A_2394 = arith.xori %add3A_2386, %or3A_2393 : vector<16x512xi32>
        %add3A_2395 = vector.broadcast %get3A_4 : i32 to vector<16x512xi32>
        %add3A_2396 = arith.addi %add3A_2386, %add3A_2395 : vector<16x512xi32>
        %add3A_2397 = arith.constant 1 : i32
        %add3A_2398 = arith.addi %xor3A_2358, %add3A_2397 : i32
        %add3A_2399 = vector.broadcast %add3A_2398 : i32 to vector<16x512xi32>
        %add3A_2400 = arith.addi %xor3A_2394, %add3A_2399 : vector<16x512xi32>
        %add3A_2401 = arith.addi %add3A_2396, %add3A_2400 : vector<16x512xi32>
        %shift_left3A_2402 = arith.constant 17 : i32
        %shift_left3A_2403 = vector.broadcast %shift_left3A_2402 : i32 to vector<16x512xi32>
        %shift_left3A_2404 = arith.shli %add3A_2400, %shift_left3A_2403 : vector<16x512xi32>
        %shift_right_logical3A_2405 = arith.constant 15 : i32
        %shift_right_logical3A_2406 = vector.broadcast %shift_right_logical3A_2405 : i32 to vector<16x512xi32>
        %shift_right_logical3A_2407 = arith.shrui %add3A_2400, %shift_right_logical3A_2406 : vector<16x512xi32>
        %or3A_2408 = arith.ori %shift_left3A_2404, %shift_right_logical3A_2407 : vector<16x512xi32>
        %xor3A_2409 = arith.xori %add3A_2401, %or3A_2408 : vector<16x512xi32>
        %add3A_2410 = arith.addi %add3A_2401, %xor3A_2409 : vector<16x512xi32>
        %shift_left3A_2411 = arith.constant 29 : i32
        %shift_left3A_2412 = vector.broadcast %shift_left3A_2411 : i32 to vector<16x512xi32>
        %shift_left3A_2413 = arith.shli %xor3A_2409, %shift_left3A_2412 : vector<16x512xi32>
        %shift_right_logical3A_2414 = arith.constant 3 : i32
        %shift_right_logical3A_2415 = vector.broadcast %shift_right_logical3A_2414 : i32 to vector<16x512xi32>
        %shift_right_logical3A_2416 = arith.shrui %xor3A_2409, %shift_right_logical3A_2415 : vector<16x512xi32>
        %or3A_2417 = arith.ori %shift_left3A_2413, %shift_right_logical3A_2416 : vector<16x512xi32>
        %xor3A_2418 = arith.xori %add3A_2410, %or3A_2417 : vector<16x512xi32>
        %add3A_2419 = arith.addi %add3A_2410, %xor3A_2418 : vector<16x512xi32>
        %shift_left3A_2420 = arith.constant 16 : i32
        %shift_left3A_2421 = vector.broadcast %shift_left3A_2420 : i32 to vector<16x512xi32>
        %shift_left3A_2422 = arith.shli %xor3A_2418, %shift_left3A_2421 : vector<16x512xi32>
        %shift_right_logical3A_2423 = arith.constant 16 : i32
        %shift_right_logical3A_2424 = vector.broadcast %shift_right_logical3A_2423 : i32 to vector<16x512xi32>
        %shift_right_logical3A_2425 = arith.shrui %xor3A_2418, %shift_right_logical3A_2424 : vector<16x512xi32>
        %or3A_2426 = arith.ori %shift_left3A_2422, %shift_right_logical3A_2425 : vector<16x512xi32>
        %xor3A_2427 = arith.xori %add3A_2419, %or3A_2426 : vector<16x512xi32>
        %add3A_2428 = arith.addi %add3A_2419, %xor3A_2427 : vector<16x512xi32>
        %shift_left3A_2429 = arith.constant 24 : i32
        %shift_left3A_2430 = vector.broadcast %shift_left3A_2429 : i32 to vector<16x512xi32>
        %shift_left3A_2431 = arith.shli %xor3A_2427, %shift_left3A_2430 : vector<16x512xi32>
        %shift_right_logical3A_2432 = arith.constant 8 : i32
        %shift_right_logical3A_2433 = vector.broadcast %shift_right_logical3A_2432 : i32 to vector<16x512xi32>
        %shift_right_logical3A_2434 = arith.shrui %xor3A_2427, %shift_right_logical3A_2433 : vector<16x512xi32>
        %or3A_2435 = arith.ori %shift_left3A_2431, %shift_right_logical3A_2434 : vector<16x512xi32>
        %xor3A_2436 = arith.xori %add3A_2428, %or3A_2435 : vector<16x512xi32>
        %add3A_2437 = vector.broadcast %xor3A_2358 : i32 to vector<16x512xi32>
        %add3A_2438 = arith.addi %add3A_2428, %add3A_2437 : vector<16x512xi32>
        %add3A_2439 = arith.constant 2 : i32
        %add3A_2440 = arith.addi %get3A_1, %add3A_2439 : i32
        %add3A_2441 = vector.broadcast %add3A_2440 : i32 to vector<16x512xi32>
        %add3A_2442 = arith.addi %xor3A_2436, %add3A_2441 : vector<16x512xi32>
        %add3A_2443 = arith.addi %add3A_2438, %add3A_2442 : vector<16x512xi32>
        %shift_left3A_2444 = arith.constant 13 : i32
        %shift_left3A_2445 = vector.broadcast %shift_left3A_2444 : i32 to vector<16x512xi32>
        %shift_left3A_2446 = arith.shli %add3A_2442, %shift_left3A_2445 : vector<16x512xi32>
        %shift_right_logical3A_2447 = arith.constant 19 : i32
        %shift_right_logical3A_2448 = vector.broadcast %shift_right_logical3A_2447 : i32 to vector<16x512xi32>
        %shift_right_logical3A_2449 = arith.shrui %add3A_2442, %shift_right_logical3A_2448 : vector<16x512xi32>
        %or3A_2450 = arith.ori %shift_left3A_2446, %shift_right_logical3A_2449 : vector<16x512xi32>
        %xor3A_2451 = arith.xori %add3A_2443, %or3A_2450 : vector<16x512xi32>
        %add3A_2452 = arith.addi %add3A_2443, %xor3A_2451 : vector<16x512xi32>
        %shift_left3A_2453 = arith.constant 15 : i32
        %shift_left3A_2454 = vector.broadcast %shift_left3A_2453 : i32 to vector<16x512xi32>
        %shift_left3A_2455 = arith.shli %xor3A_2451, %shift_left3A_2454 : vector<16x512xi32>
        %shift_right_logical3A_2456 = arith.constant 17 : i32
        %shift_right_logical3A_2457 = vector.broadcast %shift_right_logical3A_2456 : i32 to vector<16x512xi32>
        %shift_right_logical3A_2458 = arith.shrui %xor3A_2451, %shift_right_logical3A_2457 : vector<16x512xi32>
        %or3A_2459 = arith.ori %shift_left3A_2455, %shift_right_logical3A_2458 : vector<16x512xi32>
        %xor3A_2460 = arith.xori %add3A_2452, %or3A_2459 : vector<16x512xi32>
        %add3A_2461 = arith.addi %add3A_2452, %xor3A_2460 : vector<16x512xi32>
        %shift_left3A_2462 = arith.constant 26 : i32
        %shift_left3A_2463 = vector.broadcast %shift_left3A_2462 : i32 to vector<16x512xi32>
        %shift_left3A_2464 = arith.shli %xor3A_2460, %shift_left3A_2463 : vector<16x512xi32>
        %shift_right_logical3A_2465 = arith.constant 6 : i32
        %shift_right_logical3A_2466 = vector.broadcast %shift_right_logical3A_2465 : i32 to vector<16x512xi32>
        %shift_right_logical3A_2467 = arith.shrui %xor3A_2460, %shift_right_logical3A_2466 : vector<16x512xi32>
        %or3A_2468 = arith.ori %shift_left3A_2464, %shift_right_logical3A_2467 : vector<16x512xi32>
        %xor3A_2469 = arith.xori %add3A_2461, %or3A_2468 : vector<16x512xi32>
        %add3A_2470 = arith.addi %add3A_2461, %xor3A_2469 : vector<16x512xi32>
        %shift_left3A_2471 = arith.constant 6 : i32
        %shift_left3A_2472 = vector.broadcast %shift_left3A_2471 : i32 to vector<16x512xi32>
        %shift_left3A_2473 = arith.shli %xor3A_2469, %shift_left3A_2472 : vector<16x512xi32>
        %shift_right_logical3A_2474 = arith.constant 26 : i32
        %shift_right_logical3A_2475 = vector.broadcast %shift_right_logical3A_2474 : i32 to vector<16x512xi32>
        %shift_right_logical3A_2476 = arith.shrui %xor3A_2469, %shift_right_logical3A_2475 : vector<16x512xi32>
        %or3A_2477 = arith.ori %shift_left3A_2473, %shift_right_logical3A_2476 : vector<16x512xi32>
        %xor3A_2478 = arith.xori %add3A_2470, %or3A_2477 : vector<16x512xi32>
        %add3A_2479 = vector.broadcast %get3A_1 : i32 to vector<16x512xi32>
        %add3A_2480 = arith.addi %add3A_2470, %add3A_2479 : vector<16x512xi32>
        %add3A_2481 = arith.constant 3 : i32
        %add3A_2482 = arith.addi %get3A_4, %add3A_2481 : i32
        %add3A_2483 = vector.broadcast %add3A_2482 : i32 to vector<16x512xi32>
        %add3A_2484 = arith.addi %xor3A_2478, %add3A_2483 : vector<16x512xi32>
        %add3A_2485 = arith.addi %add3A_2480, %add3A_2484 : vector<16x512xi32>
        %shift_left3A_2486 = arith.constant 17 : i32
        %shift_left3A_2487 = vector.broadcast %shift_left3A_2486 : i32 to vector<16x512xi32>
        %shift_left3A_2488 = arith.shli %add3A_2484, %shift_left3A_2487 : vector<16x512xi32>
        %shift_right_logical3A_2489 = arith.constant 15 : i32
        %shift_right_logical3A_2490 = vector.broadcast %shift_right_logical3A_2489 : i32 to vector<16x512xi32>
        %shift_right_logical3A_2491 = arith.shrui %add3A_2484, %shift_right_logical3A_2490 : vector<16x512xi32>
        %or3A_2492 = arith.ori %shift_left3A_2488, %shift_right_logical3A_2491 : vector<16x512xi32>
        %xor3A_2493 = arith.xori %add3A_2485, %or3A_2492 : vector<16x512xi32>
        %add3A_2494 = arith.addi %add3A_2485, %xor3A_2493 : vector<16x512xi32>
        %shift_left3A_2495 = arith.constant 29 : i32
        %shift_left3A_2496 = vector.broadcast %shift_left3A_2495 : i32 to vector<16x512xi32>
        %shift_left3A_2497 = arith.shli %xor3A_2493, %shift_left3A_2496 : vector<16x512xi32>
        %shift_right_logical3A_2498 = arith.constant 3 : i32
        %shift_right_logical3A_2499 = vector.broadcast %shift_right_logical3A_2498 : i32 to vector<16x512xi32>
        %shift_right_logical3A_2500 = arith.shrui %xor3A_2493, %shift_right_logical3A_2499 : vector<16x512xi32>
        %or3A_2501 = arith.ori %shift_left3A_2497, %shift_right_logical3A_2500 : vector<16x512xi32>
        %xor3A_2502 = arith.xori %add3A_2494, %or3A_2501 : vector<16x512xi32>
        %add3A_2503 = arith.addi %add3A_2494, %xor3A_2502 : vector<16x512xi32>
        %shift_left3A_2504 = arith.constant 16 : i32
        %shift_left3A_2505 = vector.broadcast %shift_left3A_2504 : i32 to vector<16x512xi32>
        %shift_left3A_2506 = arith.shli %xor3A_2502, %shift_left3A_2505 : vector<16x512xi32>
        %shift_right_logical3A_2507 = arith.constant 16 : i32
        %shift_right_logical3A_2508 = vector.broadcast %shift_right_logical3A_2507 : i32 to vector<16x512xi32>
        %shift_right_logical3A_2509 = arith.shrui %xor3A_2502, %shift_right_logical3A_2508 : vector<16x512xi32>
        %or3A_2510 = arith.ori %shift_left3A_2506, %shift_right_logical3A_2509 : vector<16x512xi32>
        %xor3A_2511 = arith.xori %add3A_2503, %or3A_2510 : vector<16x512xi32>
        %add3A_2512 = arith.addi %add3A_2503, %xor3A_2511 : vector<16x512xi32>
        %shift_left3A_2513 = arith.constant 24 : i32
        %shift_left3A_2514 = vector.broadcast %shift_left3A_2513 : i32 to vector<16x512xi32>
        %shift_left3A_2515 = arith.shli %xor3A_2511, %shift_left3A_2514 : vector<16x512xi32>
        %shift_right_logical3A_2516 = arith.constant 8 : i32
        %shift_right_logical3A_2517 = vector.broadcast %shift_right_logical3A_2516 : i32 to vector<16x512xi32>
        %shift_right_logical3A_2518 = arith.shrui %xor3A_2511, %shift_right_logical3A_2517 : vector<16x512xi32>
        %or3A_2519 = arith.ori %shift_left3A_2515, %shift_right_logical3A_2518 : vector<16x512xi32>
        %xor3A_2520 = arith.xori %add3A_2512, %or3A_2519 : vector<16x512xi32>
        %add3A_2521 = vector.broadcast %get3A_4 : i32 to vector<16x512xi32>
        %add3A_2522 = arith.addi %add3A_2512, %add3A_2521 : vector<16x512xi32>
        %add3A_2523 = arith.constant 4 : i32
        %add3A_2524 = arith.addi %xor3A_2358, %add3A_2523 : i32
        %add3A_2525 = vector.broadcast %add3A_2524 : i32 to vector<16x512xi32>
        %add3A_2526 = arith.addi %xor3A_2520, %add3A_2525 : vector<16x512xi32>
        %add3A_2527 = arith.addi %add3A_2522, %add3A_2526 : vector<16x512xi32>
        %shift_left3A_2528 = arith.constant 13 : i32
        %shift_left3A_2529 = vector.broadcast %shift_left3A_2528 : i32 to vector<16x512xi32>
        %shift_left3A_2530 = arith.shli %add3A_2526, %shift_left3A_2529 : vector<16x512xi32>
        %shift_right_logical3A_2531 = arith.constant 19 : i32
        %shift_right_logical3A_2532 = vector.broadcast %shift_right_logical3A_2531 : i32 to vector<16x512xi32>
        %shift_right_logical3A_2533 = arith.shrui %add3A_2526, %shift_right_logical3A_2532 : vector<16x512xi32>
        %or3A_2534 = arith.ori %shift_left3A_2530, %shift_right_logical3A_2533 : vector<16x512xi32>
        %xor3A_2535 = arith.xori %add3A_2527, %or3A_2534 : vector<16x512xi32>
        %add3A_2536 = arith.addi %add3A_2527, %xor3A_2535 : vector<16x512xi32>
        %shift_left3A_2537 = arith.constant 15 : i32
        %shift_left3A_2538 = vector.broadcast %shift_left3A_2537 : i32 to vector<16x512xi32>
        %shift_left3A_2539 = arith.shli %xor3A_2535, %shift_left3A_2538 : vector<16x512xi32>
        %shift_right_logical3A_2540 = arith.constant 17 : i32
        %shift_right_logical3A_2541 = vector.broadcast %shift_right_logical3A_2540 : i32 to vector<16x512xi32>
        %shift_right_logical3A_2542 = arith.shrui %xor3A_2535, %shift_right_logical3A_2541 : vector<16x512xi32>
        %or3A_2543 = arith.ori %shift_left3A_2539, %shift_right_logical3A_2542 : vector<16x512xi32>
        %xor3A_2544 = arith.xori %add3A_2536, %or3A_2543 : vector<16x512xi32>
        %add3A_2545 = arith.addi %add3A_2536, %xor3A_2544 : vector<16x512xi32>
        %shift_left3A_2546 = arith.constant 26 : i32
        %shift_left3A_2547 = vector.broadcast %shift_left3A_2546 : i32 to vector<16x512xi32>
        %shift_left3A_2548 = arith.shli %xor3A_2544, %shift_left3A_2547 : vector<16x512xi32>
        %shift_right_logical3A_2549 = arith.constant 6 : i32
        %shift_right_logical3A_2550 = vector.broadcast %shift_right_logical3A_2549 : i32 to vector<16x512xi32>
        %shift_right_logical3A_2551 = arith.shrui %xor3A_2544, %shift_right_logical3A_2550 : vector<16x512xi32>
        %or3A_2552 = arith.ori %shift_left3A_2548, %shift_right_logical3A_2551 : vector<16x512xi32>
        %xor3A_2553 = arith.xori %add3A_2545, %or3A_2552 : vector<16x512xi32>
        %add3A_2554 = arith.addi %add3A_2545, %xor3A_2553 : vector<16x512xi32>
        %shift_left3A_2555 = arith.constant 6 : i32
        %shift_left3A_2556 = vector.broadcast %shift_left3A_2555 : i32 to vector<16x512xi32>
        %shift_left3A_2557 = arith.shli %xor3A_2553, %shift_left3A_2556 : vector<16x512xi32>
        %shift_right_logical3A_2558 = arith.constant 26 : i32
        %shift_right_logical3A_2559 = vector.broadcast %shift_right_logical3A_2558 : i32 to vector<16x512xi32>
        %shift_right_logical3A_2560 = arith.shrui %xor3A_2553, %shift_right_logical3A_2559 : vector<16x512xi32>
        %or3A_2561 = arith.ori %shift_left3A_2557, %shift_right_logical3A_2560 : vector<16x512xi32>
        %xor3A_2562 = arith.xori %add3A_2554, %or3A_2561 : vector<16x512xi32>
        %add3A_2563 = vector.broadcast %xor3A_2358 : i32 to vector<16x512xi32>
        %add3A_2564 = arith.addi %add3A_2554, %add3A_2563 : vector<16x512xi32>
        %add3A_2565 = arith.constant 5 : i32
        %add3A_2566 = arith.addi %get3A_1, %add3A_2565 : i32
        %add3A_2567 = vector.broadcast %add3A_2566 : i32 to vector<16x512xi32>
        %add3A_2568 = arith.addi %xor3A_2562, %add3A_2567 : vector<16x512xi32>
        %xor3A_2569 = arith.xori %add3A_2564, %add3A_2568 : vector<16x512xi32>
        %shift_right_logical3A_2570 = arith.constant 9 : i32
        %shift_right_logical3A_2571 = vector.broadcast %shift_right_logical3A_2570 : i32 to vector<16x512xi32>
        %shift_right_logical3A_2572 = arith.shrui %xor3A_2569, %shift_right_logical3A_2571 : vector<16x512xi32>
        %or3A_2573 = arith.constant 1065353216 : i32
        %or3A_2574 = vector.broadcast %or3A_2573 : i32 to vector<16x512xi32>
        %or3A_2575 = arith.ori %shift_right_logical3A_2572, %or3A_2574 : vector<16x512xi32>
        %bitcast_convert_type3A_2576 = tpu.bitcast %or3A_2575 : vector<16x512xi32> -> vector<16x512xf32>
        %sub3A_2577 = arith.constant 1.000000e+00 : f32
        %sub3A_2578 = vector.broadcast %sub3A_2577 : f32 to vector<16x512xf32>
        %sub3A_2579 = arith.subf %bitcast_convert_type3A_2576, %sub3A_2578 : vector<16x512xf32>
        %max3A_2580 = arith.constant 1.17549435E-38 : f32
        %max3A_2581 = vector.broadcast %max3A_2580 : f32 to vector<16x512xf32>
        %max3A_2582 = arith.maximumf %sub3A_2579, %max3A_2581 : vector<16x512xf32>
        %mul3A_2583 = arith.constant 512 : i32
        %mul3A_2584 = arith.muli %scan3A_2347, %mul3A_2583 : i32
        %get3A_2585 = arith.constant 0 : index
        %get3A_2586 = arith.constant 0 : index
        %get3A_2587 = arith.index_cast %mul3A_2584 : i32 to index
        %get3A_2588 = vector.load %arg3[%get3A_2585, %get3A_2586, %get3A_2587] : memref<1x1x200192xf32, #tpu.memory_space<vmem>>, vector<1x1x512xf32>
        %get3A_2589 = vector.shape_cast %get3A_2588 : vector<1x1x512xf32> to vector<512xf32>
        %reshape3A_2590 = vector.shape_cast %get3A_2589 : vector<512xf32> to vector<1x512xf32>
        %log3A_2591 = math.log %max3A_2582 : vector<16x512xf32>
        %neg3A_2592 = arith.constant 0.000000e+00 : f32
        %neg3A_2593 = vector.broadcast %neg3A_2592 : f32 to vector<16x512xf32>
        %neg3A_2594 = arith.subf %neg3A_2593, %log3A_2591 : vector<16x512xf32>
        %log3A_2595 = math.log %neg3A_2594 : vector<16x512xf32>
        %sub3A_2596 = vector.broadcast %reshape3A_2590 : vector<1x512xf32> to vector<16x512xf32>
        %sub3A_2597 = arith.subf %sub3A_2596, %log3A_2595 : vector<16x512xf32>
        %gt3A_2598 = arith.cmpf ogt, %sub3A_2597, %select_n3A_2343 : vector<16x512xf32>
        %select_n3A_2599 = arith.select %gt3A_2598, %sub3A_2597, %select_n3A_2343 : vector<16x512xi1>, vector<16x512xf32>
        %broadcast_in_dim3A_2600 = vector.broadcast %scan3A_2347 : i32 to vector<16x512xi32>
        %select_n3A_2601 = arith.select %gt3A_2598, %broadcast_in_dim3A_2600, %select_n3A_2345 : vector<16x512xi1>, vector<16x512xi32>
        %scan3A_2602 = arith.constant 10 : i32
        %scan3A_2603 = arith.addi %scan3A_53, %scan3A_2602 : i32
        %mul3A_2604 = arith.constant 512 : i32
        %mul3A_2605 = arith.muli %mul3A_2604, %scan3A_2603 : i32
        %add3A_2606 = vector.broadcast %mul3A_2605 : i32 to vector<16x512xi32>
        %add3A_2607 = arith.addi %add3A_26, %add3A_2606 : vector<16x512xi32>
        %lt3A_2608 = arith.cmpi ult, %add3A_2607, %mul3A_18 : vector<16x512xi32>
        %select_n3A_2609 = arith.select %lt3A_2608, %add3A_25, %add3A_22 : vector<16x512xi1>, vector<16x512xi32>
        %add3A_2610 = vector.broadcast %get3A_4 : i32 to vector<16x512xi32>
        %add3A_2611 = arith.addi %add3A_2607, %add3A_2610 : vector<16x512xi32>
        %xor3A_2612 = arith.xori %get3A_1, %get3A_4 : i32
        %xor3A_2613 = arith.constant 466688986 : i32
        %xor3A_2614 = arith.xori %xor3A_2612, %xor3A_2613 : i32
        %add3A_2615 = arith.addi %select_n3A_2609, %add3A_2611 : vector<16x512xi32>
        %shift_left3A_2616 = arith.constant 13 : i32
        %shift_left3A_2617 = vector.broadcast %shift_left3A_2616 : i32 to vector<16x512xi32>
        %shift_left3A_2618 = arith.shli %add3A_2611, %shift_left3A_2617 : vector<16x512xi32>
        %shift_right_logical3A_2619 = arith.constant 19 : i32
        %shift_right_logical3A_2620 = vector.broadcast %shift_right_logical3A_2619 : i32 to vector<16x512xi32>
        %shift_right_logical3A_2621 = arith.shrui %add3A_2611, %shift_right_logical3A_2620 : vector<16x512xi32>
        %or3A_2622 = arith.ori %shift_left3A_2618, %shift_right_logical3A_2621 : vector<16x512xi32>
        %xor3A_2623 = arith.xori %add3A_2615, %or3A_2622 : vector<16x512xi32>
        %add3A_2624 = arith.addi %add3A_2615, %xor3A_2623 : vector<16x512xi32>
        %shift_left3A_2625 = arith.constant 15 : i32
        %shift_left3A_2626 = vector.broadcast %shift_left3A_2625 : i32 to vector<16x512xi32>
        %shift_left3A_2627 = arith.shli %xor3A_2623, %shift_left3A_2626 : vector<16x512xi32>
        %shift_right_logical3A_2628 = arith.constant 17 : i32
        %shift_right_logical3A_2629 = vector.broadcast %shift_right_logical3A_2628 : i32 to vector<16x512xi32>
        %shift_right_logical3A_2630 = arith.shrui %xor3A_2623, %shift_right_logical3A_2629 : vector<16x512xi32>
        %or3A_2631 = arith.ori %shift_left3A_2627, %shift_right_logical3A_2630 : vector<16x512xi32>
        %xor3A_2632 = arith.xori %add3A_2624, %or3A_2631 : vector<16x512xi32>
        %add3A_2633 = arith.addi %add3A_2624, %xor3A_2632 : vector<16x512xi32>
        %shift_left3A_2634 = arith.constant 26 : i32
        %shift_left3A_2635 = vector.broadcast %shift_left3A_2634 : i32 to vector<16x512xi32>
        %shift_left3A_2636 = arith.shli %xor3A_2632, %shift_left3A_2635 : vector<16x512xi32>
        %shift_right_logical3A_2637 = arith.constant 6 : i32
        %shift_right_logical3A_2638 = vector.broadcast %shift_right_logical3A_2637 : i32 to vector<16x512xi32>
        %shift_right_logical3A_2639 = arith.shrui %xor3A_2632, %shift_right_logical3A_2638 : vector<16x512xi32>
        %or3A_2640 = arith.ori %shift_left3A_2636, %shift_right_logical3A_2639 : vector<16x512xi32>
        %xor3A_2641 = arith.xori %add3A_2633, %or3A_2640 : vector<16x512xi32>
        %add3A_2642 = arith.addi %add3A_2633, %xor3A_2641 : vector<16x512xi32>
        %shift_left3A_2643 = arith.constant 6 : i32
        %shift_left3A_2644 = vector.broadcast %shift_left3A_2643 : i32 to vector<16x512xi32>
        %shift_left3A_2645 = arith.shli %xor3A_2641, %shift_left3A_2644 : vector<16x512xi32>
        %shift_right_logical3A_2646 = arith.constant 26 : i32
        %shift_right_logical3A_2647 = vector.broadcast %shift_right_logical3A_2646 : i32 to vector<16x512xi32>
        %shift_right_logical3A_2648 = arith.shrui %xor3A_2641, %shift_right_logical3A_2647 : vector<16x512xi32>
        %or3A_2649 = arith.ori %shift_left3A_2645, %shift_right_logical3A_2648 : vector<16x512xi32>
        %xor3A_2650 = arith.xori %add3A_2642, %or3A_2649 : vector<16x512xi32>
        %add3A_2651 = vector.broadcast %get3A_4 : i32 to vector<16x512xi32>
        %add3A_2652 = arith.addi %add3A_2642, %add3A_2651 : vector<16x512xi32>
        %add3A_2653 = arith.constant 1 : i32
        %add3A_2654 = arith.addi %xor3A_2614, %add3A_2653 : i32
        %add3A_2655 = vector.broadcast %add3A_2654 : i32 to vector<16x512xi32>
        %add3A_2656 = arith.addi %xor3A_2650, %add3A_2655 : vector<16x512xi32>
        %add3A_2657 = arith.addi %add3A_2652, %add3A_2656 : vector<16x512xi32>
        %shift_left3A_2658 = arith.constant 17 : i32
        %shift_left3A_2659 = vector.broadcast %shift_left3A_2658 : i32 to vector<16x512xi32>
        %shift_left3A_2660 = arith.shli %add3A_2656, %shift_left3A_2659 : vector<16x512xi32>
        %shift_right_logical3A_2661 = arith.constant 15 : i32
        %shift_right_logical3A_2662 = vector.broadcast %shift_right_logical3A_2661 : i32 to vector<16x512xi32>
        %shift_right_logical3A_2663 = arith.shrui %add3A_2656, %shift_right_logical3A_2662 : vector<16x512xi32>
        %or3A_2664 = arith.ori %shift_left3A_2660, %shift_right_logical3A_2663 : vector<16x512xi32>
        %xor3A_2665 = arith.xori %add3A_2657, %or3A_2664 : vector<16x512xi32>
        %add3A_2666 = arith.addi %add3A_2657, %xor3A_2665 : vector<16x512xi32>
        %shift_left3A_2667 = arith.constant 29 : i32
        %shift_left3A_2668 = vector.broadcast %shift_left3A_2667 : i32 to vector<16x512xi32>
        %shift_left3A_2669 = arith.shli %xor3A_2665, %shift_left3A_2668 : vector<16x512xi32>
        %shift_right_logical3A_2670 = arith.constant 3 : i32
        %shift_right_logical3A_2671 = vector.broadcast %shift_right_logical3A_2670 : i32 to vector<16x512xi32>
        %shift_right_logical3A_2672 = arith.shrui %xor3A_2665, %shift_right_logical3A_2671 : vector<16x512xi32>
        %or3A_2673 = arith.ori %shift_left3A_2669, %shift_right_logical3A_2672 : vector<16x512xi32>
        %xor3A_2674 = arith.xori %add3A_2666, %or3A_2673 : vector<16x512xi32>
        %add3A_2675 = arith.addi %add3A_2666, %xor3A_2674 : vector<16x512xi32>
        %shift_left3A_2676 = arith.constant 16 : i32
        %shift_left3A_2677 = vector.broadcast %shift_left3A_2676 : i32 to vector<16x512xi32>
        %shift_left3A_2678 = arith.shli %xor3A_2674, %shift_left3A_2677 : vector<16x512xi32>
        %shift_right_logical3A_2679 = arith.constant 16 : i32
        %shift_right_logical3A_2680 = vector.broadcast %shift_right_logical3A_2679 : i32 to vector<16x512xi32>
        %shift_right_logical3A_2681 = arith.shrui %xor3A_2674, %shift_right_logical3A_2680 : vector<16x512xi32>
        %or3A_2682 = arith.ori %shift_left3A_2678, %shift_right_logical3A_2681 : vector<16x512xi32>
        %xor3A_2683 = arith.xori %add3A_2675, %or3A_2682 : vector<16x512xi32>
        %add3A_2684 = arith.addi %add3A_2675, %xor3A_2683 : vector<16x512xi32>
        %shift_left3A_2685 = arith.constant 24 : i32
        %shift_left3A_2686 = vector.broadcast %shift_left3A_2685 : i32 to vector<16x512xi32>
        %shift_left3A_2687 = arith.shli %xor3A_2683, %shift_left3A_2686 : vector<16x512xi32>
        %shift_right_logical3A_2688 = arith.constant 8 : i32
        %shift_right_logical3A_2689 = vector.broadcast %shift_right_logical3A_2688 : i32 to vector<16x512xi32>
        %shift_right_logical3A_2690 = arith.shrui %xor3A_2683, %shift_right_logical3A_2689 : vector<16x512xi32>
        %or3A_2691 = arith.ori %shift_left3A_2687, %shift_right_logical3A_2690 : vector<16x512xi32>
        %xor3A_2692 = arith.xori %add3A_2684, %or3A_2691 : vector<16x512xi32>
        %add3A_2693 = vector.broadcast %xor3A_2614 : i32 to vector<16x512xi32>
        %add3A_2694 = arith.addi %add3A_2684, %add3A_2693 : vector<16x512xi32>
        %add3A_2695 = arith.constant 2 : i32
        %add3A_2696 = arith.addi %get3A_1, %add3A_2695 : i32
        %add3A_2697 = vector.broadcast %add3A_2696 : i32 to vector<16x512xi32>
        %add3A_2698 = arith.addi %xor3A_2692, %add3A_2697 : vector<16x512xi32>
        %add3A_2699 = arith.addi %add3A_2694, %add3A_2698 : vector<16x512xi32>
        %shift_left3A_2700 = arith.constant 13 : i32
        %shift_left3A_2701 = vector.broadcast %shift_left3A_2700 : i32 to vector<16x512xi32>
        %shift_left3A_2702 = arith.shli %add3A_2698, %shift_left3A_2701 : vector<16x512xi32>
        %shift_right_logical3A_2703 = arith.constant 19 : i32
        %shift_right_logical3A_2704 = vector.broadcast %shift_right_logical3A_2703 : i32 to vector<16x512xi32>
        %shift_right_logical3A_2705 = arith.shrui %add3A_2698, %shift_right_logical3A_2704 : vector<16x512xi32>
        %or3A_2706 = arith.ori %shift_left3A_2702, %shift_right_logical3A_2705 : vector<16x512xi32>
        %xor3A_2707 = arith.xori %add3A_2699, %or3A_2706 : vector<16x512xi32>
        %add3A_2708 = arith.addi %add3A_2699, %xor3A_2707 : vector<16x512xi32>
        %shift_left3A_2709 = arith.constant 15 : i32
        %shift_left3A_2710 = vector.broadcast %shift_left3A_2709 : i32 to vector<16x512xi32>
        %shift_left3A_2711 = arith.shli %xor3A_2707, %shift_left3A_2710 : vector<16x512xi32>
        %shift_right_logical3A_2712 = arith.constant 17 : i32
        %shift_right_logical3A_2713 = vector.broadcast %shift_right_logical3A_2712 : i32 to vector<16x512xi32>
        %shift_right_logical3A_2714 = arith.shrui %xor3A_2707, %shift_right_logical3A_2713 : vector<16x512xi32>
        %or3A_2715 = arith.ori %shift_left3A_2711, %shift_right_logical3A_2714 : vector<16x512xi32>
        %xor3A_2716 = arith.xori %add3A_2708, %or3A_2715 : vector<16x512xi32>
        %add3A_2717 = arith.addi %add3A_2708, %xor3A_2716 : vector<16x512xi32>
        %shift_left3A_2718 = arith.constant 26 : i32
        %shift_left3A_2719 = vector.broadcast %shift_left3A_2718 : i32 to vector<16x512xi32>
        %shift_left3A_2720 = arith.shli %xor3A_2716, %shift_left3A_2719 : vector<16x512xi32>
        %shift_right_logical3A_2721 = arith.constant 6 : i32
        %shift_right_logical3A_2722 = vector.broadcast %shift_right_logical3A_2721 : i32 to vector<16x512xi32>
        %shift_right_logical3A_2723 = arith.shrui %xor3A_2716, %shift_right_logical3A_2722 : vector<16x512xi32>
        %or3A_2724 = arith.ori %shift_left3A_2720, %shift_right_logical3A_2723 : vector<16x512xi32>
        %xor3A_2725 = arith.xori %add3A_2717, %or3A_2724 : vector<16x512xi32>
        %add3A_2726 = arith.addi %add3A_2717, %xor3A_2725 : vector<16x512xi32>
        %shift_left3A_2727 = arith.constant 6 : i32
        %shift_left3A_2728 = vector.broadcast %shift_left3A_2727 : i32 to vector<16x512xi32>
        %shift_left3A_2729 = arith.shli %xor3A_2725, %shift_left3A_2728 : vector<16x512xi32>
        %shift_right_logical3A_2730 = arith.constant 26 : i32
        %shift_right_logical3A_2731 = vector.broadcast %shift_right_logical3A_2730 : i32 to vector<16x512xi32>
        %shift_right_logical3A_2732 = arith.shrui %xor3A_2725, %shift_right_logical3A_2731 : vector<16x512xi32>
        %or3A_2733 = arith.ori %shift_left3A_2729, %shift_right_logical3A_2732 : vector<16x512xi32>
        %xor3A_2734 = arith.xori %add3A_2726, %or3A_2733 : vector<16x512xi32>
        %add3A_2735 = vector.broadcast %get3A_1 : i32 to vector<16x512xi32>
        %add3A_2736 = arith.addi %add3A_2726, %add3A_2735 : vector<16x512xi32>
        %add3A_2737 = arith.constant 3 : i32
        %add3A_2738 = arith.addi %get3A_4, %add3A_2737 : i32
        %add3A_2739 = vector.broadcast %add3A_2738 : i32 to vector<16x512xi32>
        %add3A_2740 = arith.addi %xor3A_2734, %add3A_2739 : vector<16x512xi32>
        %add3A_2741 = arith.addi %add3A_2736, %add3A_2740 : vector<16x512xi32>
        %shift_left3A_2742 = arith.constant 17 : i32
        %shift_left3A_2743 = vector.broadcast %shift_left3A_2742 : i32 to vector<16x512xi32>
        %shift_left3A_2744 = arith.shli %add3A_2740, %shift_left3A_2743 : vector<16x512xi32>
        %shift_right_logical3A_2745 = arith.constant 15 : i32
        %shift_right_logical3A_2746 = vector.broadcast %shift_right_logical3A_2745 : i32 to vector<16x512xi32>
        %shift_right_logical3A_2747 = arith.shrui %add3A_2740, %shift_right_logical3A_2746 : vector<16x512xi32>
        %or3A_2748 = arith.ori %shift_left3A_2744, %shift_right_logical3A_2747 : vector<16x512xi32>
        %xor3A_2749 = arith.xori %add3A_2741, %or3A_2748 : vector<16x512xi32>
        %add3A_2750 = arith.addi %add3A_2741, %xor3A_2749 : vector<16x512xi32>
        %shift_left3A_2751 = arith.constant 29 : i32
        %shift_left3A_2752 = vector.broadcast %shift_left3A_2751 : i32 to vector<16x512xi32>
        %shift_left3A_2753 = arith.shli %xor3A_2749, %shift_left3A_2752 : vector<16x512xi32>
        %shift_right_logical3A_2754 = arith.constant 3 : i32
        %shift_right_logical3A_2755 = vector.broadcast %shift_right_logical3A_2754 : i32 to vector<16x512xi32>
        %shift_right_logical3A_2756 = arith.shrui %xor3A_2749, %shift_right_logical3A_2755 : vector<16x512xi32>
        %or3A_2757 = arith.ori %shift_left3A_2753, %shift_right_logical3A_2756 : vector<16x512xi32>
        %xor3A_2758 = arith.xori %add3A_2750, %or3A_2757 : vector<16x512xi32>
        %add3A_2759 = arith.addi %add3A_2750, %xor3A_2758 : vector<16x512xi32>
        %shift_left3A_2760 = arith.constant 16 : i32
        %shift_left3A_2761 = vector.broadcast %shift_left3A_2760 : i32 to vector<16x512xi32>
        %shift_left3A_2762 = arith.shli %xor3A_2758, %shift_left3A_2761 : vector<16x512xi32>
        %shift_right_logical3A_2763 = arith.constant 16 : i32
        %shift_right_logical3A_2764 = vector.broadcast %shift_right_logical3A_2763 : i32 to vector<16x512xi32>
        %shift_right_logical3A_2765 = arith.shrui %xor3A_2758, %shift_right_logical3A_2764 : vector<16x512xi32>
        %or3A_2766 = arith.ori %shift_left3A_2762, %shift_right_logical3A_2765 : vector<16x512xi32>
        %xor3A_2767 = arith.xori %add3A_2759, %or3A_2766 : vector<16x512xi32>
        %add3A_2768 = arith.addi %add3A_2759, %xor3A_2767 : vector<16x512xi32>
        %shift_left3A_2769 = arith.constant 24 : i32
        %shift_left3A_2770 = vector.broadcast %shift_left3A_2769 : i32 to vector<16x512xi32>
        %shift_left3A_2771 = arith.shli %xor3A_2767, %shift_left3A_2770 : vector<16x512xi32>
        %shift_right_logical3A_2772 = arith.constant 8 : i32
        %shift_right_logical3A_2773 = vector.broadcast %shift_right_logical3A_2772 : i32 to vector<16x512xi32>
        %shift_right_logical3A_2774 = arith.shrui %xor3A_2767, %shift_right_logical3A_2773 : vector<16x512xi32>
        %or3A_2775 = arith.ori %shift_left3A_2771, %shift_right_logical3A_2774 : vector<16x512xi32>
        %xor3A_2776 = arith.xori %add3A_2768, %or3A_2775 : vector<16x512xi32>
        %add3A_2777 = vector.broadcast %get3A_4 : i32 to vector<16x512xi32>
        %add3A_2778 = arith.addi %add3A_2768, %add3A_2777 : vector<16x512xi32>
        %add3A_2779 = arith.constant 4 : i32
        %add3A_2780 = arith.addi %xor3A_2614, %add3A_2779 : i32
        %add3A_2781 = vector.broadcast %add3A_2780 : i32 to vector<16x512xi32>
        %add3A_2782 = arith.addi %xor3A_2776, %add3A_2781 : vector<16x512xi32>
        %add3A_2783 = arith.addi %add3A_2778, %add3A_2782 : vector<16x512xi32>
        %shift_left3A_2784 = arith.constant 13 : i32
        %shift_left3A_2785 = vector.broadcast %shift_left3A_2784 : i32 to vector<16x512xi32>
        %shift_left3A_2786 = arith.shli %add3A_2782, %shift_left3A_2785 : vector<16x512xi32>
        %shift_right_logical3A_2787 = arith.constant 19 : i32
        %shift_right_logical3A_2788 = vector.broadcast %shift_right_logical3A_2787 : i32 to vector<16x512xi32>
        %shift_right_logical3A_2789 = arith.shrui %add3A_2782, %shift_right_logical3A_2788 : vector<16x512xi32>
        %or3A_2790 = arith.ori %shift_left3A_2786, %shift_right_logical3A_2789 : vector<16x512xi32>
        %xor3A_2791 = arith.xori %add3A_2783, %or3A_2790 : vector<16x512xi32>
        %add3A_2792 = arith.addi %add3A_2783, %xor3A_2791 : vector<16x512xi32>
        %shift_left3A_2793 = arith.constant 15 : i32
        %shift_left3A_2794 = vector.broadcast %shift_left3A_2793 : i32 to vector<16x512xi32>
        %shift_left3A_2795 = arith.shli %xor3A_2791, %shift_left3A_2794 : vector<16x512xi32>
        %shift_right_logical3A_2796 = arith.constant 17 : i32
        %shift_right_logical3A_2797 = vector.broadcast %shift_right_logical3A_2796 : i32 to vector<16x512xi32>
        %shift_right_logical3A_2798 = arith.shrui %xor3A_2791, %shift_right_logical3A_2797 : vector<16x512xi32>
        %or3A_2799 = arith.ori %shift_left3A_2795, %shift_right_logical3A_2798 : vector<16x512xi32>
        %xor3A_2800 = arith.xori %add3A_2792, %or3A_2799 : vector<16x512xi32>
        %add3A_2801 = arith.addi %add3A_2792, %xor3A_2800 : vector<16x512xi32>
        %shift_left3A_2802 = arith.constant 26 : i32
        %shift_left3A_2803 = vector.broadcast %shift_left3A_2802 : i32 to vector<16x512xi32>
        %shift_left3A_2804 = arith.shli %xor3A_2800, %shift_left3A_2803 : vector<16x512xi32>
        %shift_right_logical3A_2805 = arith.constant 6 : i32
        %shift_right_logical3A_2806 = vector.broadcast %shift_right_logical3A_2805 : i32 to vector<16x512xi32>
        %shift_right_logical3A_2807 = arith.shrui %xor3A_2800, %shift_right_logical3A_2806 : vector<16x512xi32>
        %or3A_2808 = arith.ori %shift_left3A_2804, %shift_right_logical3A_2807 : vector<16x512xi32>
        %xor3A_2809 = arith.xori %add3A_2801, %or3A_2808 : vector<16x512xi32>
        %add3A_2810 = arith.addi %add3A_2801, %xor3A_2809 : vector<16x512xi32>
        %shift_left3A_2811 = arith.constant 6 : i32
        %shift_left3A_2812 = vector.broadcast %shift_left3A_2811 : i32 to vector<16x512xi32>
        %shift_left3A_2813 = arith.shli %xor3A_2809, %shift_left3A_2812 : vector<16x512xi32>
        %shift_right_logical3A_2814 = arith.constant 26 : i32
        %shift_right_logical3A_2815 = vector.broadcast %shift_right_logical3A_2814 : i32 to vector<16x512xi32>
        %shift_right_logical3A_2816 = arith.shrui %xor3A_2809, %shift_right_logical3A_2815 : vector<16x512xi32>
        %or3A_2817 = arith.ori %shift_left3A_2813, %shift_right_logical3A_2816 : vector<16x512xi32>
        %xor3A_2818 = arith.xori %add3A_2810, %or3A_2817 : vector<16x512xi32>
        %add3A_2819 = vector.broadcast %xor3A_2614 : i32 to vector<16x512xi32>
        %add3A_2820 = arith.addi %add3A_2810, %add3A_2819 : vector<16x512xi32>
        %add3A_2821 = arith.constant 5 : i32
        %add3A_2822 = arith.addi %get3A_1, %add3A_2821 : i32
        %add3A_2823 = vector.broadcast %add3A_2822 : i32 to vector<16x512xi32>
        %add3A_2824 = arith.addi %xor3A_2818, %add3A_2823 : vector<16x512xi32>
        %xor3A_2825 = arith.xori %add3A_2820, %add3A_2824 : vector<16x512xi32>
        %shift_right_logical3A_2826 = arith.constant 9 : i32
        %shift_right_logical3A_2827 = vector.broadcast %shift_right_logical3A_2826 : i32 to vector<16x512xi32>
        %shift_right_logical3A_2828 = arith.shrui %xor3A_2825, %shift_right_logical3A_2827 : vector<16x512xi32>
        %or3A_2829 = arith.constant 1065353216 : i32
        %or3A_2830 = vector.broadcast %or3A_2829 : i32 to vector<16x512xi32>
        %or3A_2831 = arith.ori %shift_right_logical3A_2828, %or3A_2830 : vector<16x512xi32>
        %bitcast_convert_type3A_2832 = tpu.bitcast %or3A_2831 : vector<16x512xi32> -> vector<16x512xf32>
        %sub3A_2833 = arith.constant 1.000000e+00 : f32
        %sub3A_2834 = vector.broadcast %sub3A_2833 : f32 to vector<16x512xf32>
        %sub3A_2835 = arith.subf %bitcast_convert_type3A_2832, %sub3A_2834 : vector<16x512xf32>
        %max3A_2836 = arith.constant 1.17549435E-38 : f32
        %max3A_2837 = vector.broadcast %max3A_2836 : f32 to vector<16x512xf32>
        %max3A_2838 = arith.maximumf %sub3A_2835, %max3A_2837 : vector<16x512xf32>
        %mul3A_2839 = arith.constant 512 : i32
        %mul3A_2840 = arith.muli %scan3A_2603, %mul3A_2839 : i32
        %get3A_2841 = arith.constant 0 : index
        %get3A_2842 = arith.constant 0 : index
        %get3A_2843 = arith.index_cast %mul3A_2840 : i32 to index
        %get3A_2844 = vector.load %arg3[%get3A_2841, %get3A_2842, %get3A_2843] : memref<1x1x200192xf32, #tpu.memory_space<vmem>>, vector<1x1x512xf32>
        %get3A_2845 = vector.shape_cast %get3A_2844 : vector<1x1x512xf32> to vector<512xf32>
        %reshape3A_2846 = vector.shape_cast %get3A_2845 : vector<512xf32> to vector<1x512xf32>
        %log3A_2847 = math.log %max3A_2838 : vector<16x512xf32>
        %neg3A_2848 = arith.constant 0.000000e+00 : f32
        %neg3A_2849 = vector.broadcast %neg3A_2848 : f32 to vector<16x512xf32>
        %neg3A_2850 = arith.subf %neg3A_2849, %log3A_2847 : vector<16x512xf32>
        %log3A_2851 = math.log %neg3A_2850 : vector<16x512xf32>
        %sub3A_2852 = vector.broadcast %reshape3A_2846 : vector<1x512xf32> to vector<16x512xf32>
        %sub3A_2853 = arith.subf %sub3A_2852, %log3A_2851 : vector<16x512xf32>
        %gt3A_2854 = arith.cmpf ogt, %sub3A_2853, %select_n3A_2599 : vector<16x512xf32>
        %select_n3A_2855 = arith.select %gt3A_2854, %sub3A_2853, %select_n3A_2599 : vector<16x512xi1>, vector<16x512xf32>
        %broadcast_in_dim3A_2856 = vector.broadcast %scan3A_2603 : i32 to vector<16x512xi32>
        %select_n3A_2857 = arith.select %gt3A_2854, %broadcast_in_dim3A_2856, %select_n3A_2601 : vector<16x512xi1>, vector<16x512xi32>
        %scan3A_2858 = arith.constant 11 : i32
        %scan3A_2859 = arith.addi %scan3A_53, %scan3A_2858 : i32
        %mul3A_2860 = arith.constant 512 : i32
        %mul3A_2861 = arith.muli %mul3A_2860, %scan3A_2859 : i32
        %add3A_2862 = vector.broadcast %mul3A_2861 : i32 to vector<16x512xi32>
        %add3A_2863 = arith.addi %add3A_26, %add3A_2862 : vector<16x512xi32>
        %lt3A_2864 = arith.cmpi ult, %add3A_2863, %mul3A_18 : vector<16x512xi32>
        %select_n3A_2865 = arith.select %lt3A_2864, %add3A_25, %add3A_22 : vector<16x512xi1>, vector<16x512xi32>
        %add3A_2866 = vector.broadcast %get3A_4 : i32 to vector<16x512xi32>
        %add3A_2867 = arith.addi %add3A_2863, %add3A_2866 : vector<16x512xi32>
        %xor3A_2868 = arith.xori %get3A_1, %get3A_4 : i32
        %xor3A_2869 = arith.constant 466688986 : i32
        %xor3A_2870 = arith.xori %xor3A_2868, %xor3A_2869 : i32
        %add3A_2871 = arith.addi %select_n3A_2865, %add3A_2867 : vector<16x512xi32>
        %shift_left3A_2872 = arith.constant 13 : i32
        %shift_left3A_2873 = vector.broadcast %shift_left3A_2872 : i32 to vector<16x512xi32>
        %shift_left3A_2874 = arith.shli %add3A_2867, %shift_left3A_2873 : vector<16x512xi32>
        %shift_right_logical3A_2875 = arith.constant 19 : i32
        %shift_right_logical3A_2876 = vector.broadcast %shift_right_logical3A_2875 : i32 to vector<16x512xi32>
        %shift_right_logical3A_2877 = arith.shrui %add3A_2867, %shift_right_logical3A_2876 : vector<16x512xi32>
        %or3A_2878 = arith.ori %shift_left3A_2874, %shift_right_logical3A_2877 : vector<16x512xi32>
        %xor3A_2879 = arith.xori %add3A_2871, %or3A_2878 : vector<16x512xi32>
        %add3A_2880 = arith.addi %add3A_2871, %xor3A_2879 : vector<16x512xi32>
        %shift_left3A_2881 = arith.constant 15 : i32
        %shift_left3A_2882 = vector.broadcast %shift_left3A_2881 : i32 to vector<16x512xi32>
        %shift_left3A_2883 = arith.shli %xor3A_2879, %shift_left3A_2882 : vector<16x512xi32>
        %shift_right_logical3A_2884 = arith.constant 17 : i32
        %shift_right_logical3A_2885 = vector.broadcast %shift_right_logical3A_2884 : i32 to vector<16x512xi32>
        %shift_right_logical3A_2886 = arith.shrui %xor3A_2879, %shift_right_logical3A_2885 : vector<16x512xi32>
        %or3A_2887 = arith.ori %shift_left3A_2883, %shift_right_logical3A_2886 : vector<16x512xi32>
        %xor3A_2888 = arith.xori %add3A_2880, %or3A_2887 : vector<16x512xi32>
        %add3A_2889 = arith.addi %add3A_2880, %xor3A_2888 : vector<16x512xi32>
        %shift_left3A_2890 = arith.constant 26 : i32
        %shift_left3A_2891 = vector.broadcast %shift_left3A_2890 : i32 to vector<16x512xi32>
        %shift_left3A_2892 = arith.shli %xor3A_2888, %shift_left3A_2891 : vector<16x512xi32>
        %shift_right_logical3A_2893 = arith.constant 6 : i32
        %shift_right_logical3A_2894 = vector.broadcast %shift_right_logical3A_2893 : i32 to vector<16x512xi32>
        %shift_right_logical3A_2895 = arith.shrui %xor3A_2888, %shift_right_logical3A_2894 : vector<16x512xi32>
        %or3A_2896 = arith.ori %shift_left3A_2892, %shift_right_logical3A_2895 : vector<16x512xi32>
        %xor3A_2897 = arith.xori %add3A_2889, %or3A_2896 : vector<16x512xi32>
        %add3A_2898 = arith.addi %add3A_2889, %xor3A_2897 : vector<16x512xi32>
        %shift_left3A_2899 = arith.constant 6 : i32
        %shift_left3A_2900 = vector.broadcast %shift_left3A_2899 : i32 to vector<16x512xi32>
        %shift_left3A_2901 = arith.shli %xor3A_2897, %shift_left3A_2900 : vector<16x512xi32>
        %shift_right_logical3A_2902 = arith.constant 26 : i32
        %shift_right_logical3A_2903 = vector.broadcast %shift_right_logical3A_2902 : i32 to vector<16x512xi32>
        %shift_right_logical3A_2904 = arith.shrui %xor3A_2897, %shift_right_logical3A_2903 : vector<16x512xi32>
        %or3A_2905 = arith.ori %shift_left3A_2901, %shift_right_logical3A_2904 : vector<16x512xi32>
        %xor3A_2906 = arith.xori %add3A_2898, %or3A_2905 : vector<16x512xi32>
        %add3A_2907 = vector.broadcast %get3A_4 : i32 to vector<16x512xi32>
        %add3A_2908 = arith.addi %add3A_2898, %add3A_2907 : vector<16x512xi32>
        %add3A_2909 = arith.constant 1 : i32
        %add3A_2910 = arith.addi %xor3A_2870, %add3A_2909 : i32
        %add3A_2911 = vector.broadcast %add3A_2910 : i32 to vector<16x512xi32>
        %add3A_2912 = arith.addi %xor3A_2906, %add3A_2911 : vector<16x512xi32>
        %add3A_2913 = arith.addi %add3A_2908, %add3A_2912 : vector<16x512xi32>
        %shift_left3A_2914 = arith.constant 17 : i32
        %shift_left3A_2915 = vector.broadcast %shift_left3A_2914 : i32 to vector<16x512xi32>
        %shift_left3A_2916 = arith.shli %add3A_2912, %shift_left3A_2915 : vector<16x512xi32>
        %shift_right_logical3A_2917 = arith.constant 15 : i32
        %shift_right_logical3A_2918 = vector.broadcast %shift_right_logical3A_2917 : i32 to vector<16x512xi32>
        %shift_right_logical3A_2919 = arith.shrui %add3A_2912, %shift_right_logical3A_2918 : vector<16x512xi32>
        %or3A_2920 = arith.ori %shift_left3A_2916, %shift_right_logical3A_2919 : vector<16x512xi32>
        %xor3A_2921 = arith.xori %add3A_2913, %or3A_2920 : vector<16x512xi32>
        %add3A_2922 = arith.addi %add3A_2913, %xor3A_2921 : vector<16x512xi32>
        %shift_left3A_2923 = arith.constant 29 : i32
        %shift_left3A_2924 = vector.broadcast %shift_left3A_2923 : i32 to vector<16x512xi32>
        %shift_left3A_2925 = arith.shli %xor3A_2921, %shift_left3A_2924 : vector<16x512xi32>
        %shift_right_logical3A_2926 = arith.constant 3 : i32
        %shift_right_logical3A_2927 = vector.broadcast %shift_right_logical3A_2926 : i32 to vector<16x512xi32>
        %shift_right_logical3A_2928 = arith.shrui %xor3A_2921, %shift_right_logical3A_2927 : vector<16x512xi32>
        %or3A_2929 = arith.ori %shift_left3A_2925, %shift_right_logical3A_2928 : vector<16x512xi32>
        %xor3A_2930 = arith.xori %add3A_2922, %or3A_2929 : vector<16x512xi32>
        %add3A_2931 = arith.addi %add3A_2922, %xor3A_2930 : vector<16x512xi32>
        %shift_left3A_2932 = arith.constant 16 : i32
        %shift_left3A_2933 = vector.broadcast %shift_left3A_2932 : i32 to vector<16x512xi32>
        %shift_left3A_2934 = arith.shli %xor3A_2930, %shift_left3A_2933 : vector<16x512xi32>
        %shift_right_logical3A_2935 = arith.constant 16 : i32
        %shift_right_logical3A_2936 = vector.broadcast %shift_right_logical3A_2935 : i32 to vector<16x512xi32>
        %shift_right_logical3A_2937 = arith.shrui %xor3A_2930, %shift_right_logical3A_2936 : vector<16x512xi32>
        %or3A_2938 = arith.ori %shift_left3A_2934, %shift_right_logical3A_2937 : vector<16x512xi32>
        %xor3A_2939 = arith.xori %add3A_2931, %or3A_2938 : vector<16x512xi32>
        %add3A_2940 = arith.addi %add3A_2931, %xor3A_2939 : vector<16x512xi32>
        %shift_left3A_2941 = arith.constant 24 : i32
        %shift_left3A_2942 = vector.broadcast %shift_left3A_2941 : i32 to vector<16x512xi32>
        %shift_left3A_2943 = arith.shli %xor3A_2939, %shift_left3A_2942 : vector<16x512xi32>
        %shift_right_logical3A_2944 = arith.constant 8 : i32
        %shift_right_logical3A_2945 = vector.broadcast %shift_right_logical3A_2944 : i32 to vector<16x512xi32>
        %shift_right_logical3A_2946 = arith.shrui %xor3A_2939, %shift_right_logical3A_2945 : vector<16x512xi32>
        %or3A_2947 = arith.ori %shift_left3A_2943, %shift_right_logical3A_2946 : vector<16x512xi32>
        %xor3A_2948 = arith.xori %add3A_2940, %or3A_2947 : vector<16x512xi32>
        %add3A_2949 = vector.broadcast %xor3A_2870 : i32 to vector<16x512xi32>
        %add3A_2950 = arith.addi %add3A_2940, %add3A_2949 : vector<16x512xi32>
        %add3A_2951 = arith.constant 2 : i32
        %add3A_2952 = arith.addi %get3A_1, %add3A_2951 : i32
        %add3A_2953 = vector.broadcast %add3A_2952 : i32 to vector<16x512xi32>
        %add3A_2954 = arith.addi %xor3A_2948, %add3A_2953 : vector<16x512xi32>
        %add3A_2955 = arith.addi %add3A_2950, %add3A_2954 : vector<16x512xi32>
        %shift_left3A_2956 = arith.constant 13 : i32
        %shift_left3A_2957 = vector.broadcast %shift_left3A_2956 : i32 to vector<16x512xi32>
        %shift_left3A_2958 = arith.shli %add3A_2954, %shift_left3A_2957 : vector<16x512xi32>
        %shift_right_logical3A_2959 = arith.constant 19 : i32
        %shift_right_logical3A_2960 = vector.broadcast %shift_right_logical3A_2959 : i32 to vector<16x512xi32>
        %shift_right_logical3A_2961 = arith.shrui %add3A_2954, %shift_right_logical3A_2960 : vector<16x512xi32>
        %or3A_2962 = arith.ori %shift_left3A_2958, %shift_right_logical3A_2961 : vector<16x512xi32>
        %xor3A_2963 = arith.xori %add3A_2955, %or3A_2962 : vector<16x512xi32>
        %add3A_2964 = arith.addi %add3A_2955, %xor3A_2963 : vector<16x512xi32>
        %shift_left3A_2965 = arith.constant 15 : i32
        %shift_left3A_2966 = vector.broadcast %shift_left3A_2965 : i32 to vector<16x512xi32>
        %shift_left3A_2967 = arith.shli %xor3A_2963, %shift_left3A_2966 : vector<16x512xi32>
        %shift_right_logical3A_2968 = arith.constant 17 : i32
        %shift_right_logical3A_2969 = vector.broadcast %shift_right_logical3A_2968 : i32 to vector<16x512xi32>
        %shift_right_logical3A_2970 = arith.shrui %xor3A_2963, %shift_right_logical3A_2969 : vector<16x512xi32>
        %or3A_2971 = arith.ori %shift_left3A_2967, %shift_right_logical3A_2970 : vector<16x512xi32>
        %xor3A_2972 = arith.xori %add3A_2964, %or3A_2971 : vector<16x512xi32>
        %add3A_2973 = arith.addi %add3A_2964, %xor3A_2972 : vector<16x512xi32>
        %shift_left3A_2974 = arith.constant 26 : i32
        %shift_left3A_2975 = vector.broadcast %shift_left3A_2974 : i32 to vector<16x512xi32>
        %shift_left3A_2976 = arith.shli %xor3A_2972, %shift_left3A_2975 : vector<16x512xi32>
        %shift_right_logical3A_2977 = arith.constant 6 : i32
        %shift_right_logical3A_2978 = vector.broadcast %shift_right_logical3A_2977 : i32 to vector<16x512xi32>
        %shift_right_logical3A_2979 = arith.shrui %xor3A_2972, %shift_right_logical3A_2978 : vector<16x512xi32>
        %or3A_2980 = arith.ori %shift_left3A_2976, %shift_right_logical3A_2979 : vector<16x512xi32>
        %xor3A_2981 = arith.xori %add3A_2973, %or3A_2980 : vector<16x512xi32>
        %add3A_2982 = arith.addi %add3A_2973, %xor3A_2981 : vector<16x512xi32>
        %shift_left3A_2983 = arith.constant 6 : i32
        %shift_left3A_2984 = vector.broadcast %shift_left3A_2983 : i32 to vector<16x512xi32>
        %shift_left3A_2985 = arith.shli %xor3A_2981, %shift_left3A_2984 : vector<16x512xi32>
        %shift_right_logical3A_2986 = arith.constant 26 : i32
        %shift_right_logical3A_2987 = vector.broadcast %shift_right_logical3A_2986 : i32 to vector<16x512xi32>
        %shift_right_logical3A_2988 = arith.shrui %xor3A_2981, %shift_right_logical3A_2987 : vector<16x512xi32>
        %or3A_2989 = arith.ori %shift_left3A_2985, %shift_right_logical3A_2988 : vector<16x512xi32>
        %xor3A_2990 = arith.xori %add3A_2982, %or3A_2989 : vector<16x512xi32>
        %add3A_2991 = vector.broadcast %get3A_1 : i32 to vector<16x512xi32>
        %add3A_2992 = arith.addi %add3A_2982, %add3A_2991 : vector<16x512xi32>
        %add3A_2993 = arith.constant 3 : i32
        %add3A_2994 = arith.addi %get3A_4, %add3A_2993 : i32
        %add3A_2995 = vector.broadcast %add3A_2994 : i32 to vector<16x512xi32>
        %add3A_2996 = arith.addi %xor3A_2990, %add3A_2995 : vector<16x512xi32>
        %add3A_2997 = arith.addi %add3A_2992, %add3A_2996 : vector<16x512xi32>
        %shift_left3A_2998 = arith.constant 17 : i32
        %shift_left3A_2999 = vector.broadcast %shift_left3A_2998 : i32 to vector<16x512xi32>
        %shift_left3A_3000 = arith.shli %add3A_2996, %shift_left3A_2999 : vector<16x512xi32>
        %shift_right_logical3A_3001 = arith.constant 15 : i32
        %shift_right_logical3A_3002 = vector.broadcast %shift_right_logical3A_3001 : i32 to vector<16x512xi32>
        %shift_right_logical3A_3003 = arith.shrui %add3A_2996, %shift_right_logical3A_3002 : vector<16x512xi32>
        %or3A_3004 = arith.ori %shift_left3A_3000, %shift_right_logical3A_3003 : vector<16x512xi32>
        %xor3A_3005 = arith.xori %add3A_2997, %or3A_3004 : vector<16x512xi32>
        %add3A_3006 = arith.addi %add3A_2997, %xor3A_3005 : vector<16x512xi32>
        %shift_left3A_3007 = arith.constant 29 : i32
        %shift_left3A_3008 = vector.broadcast %shift_left3A_3007 : i32 to vector<16x512xi32>
        %shift_left3A_3009 = arith.shli %xor3A_3005, %shift_left3A_3008 : vector<16x512xi32>
        %shift_right_logical3A_3010 = arith.constant 3 : i32
        %shift_right_logical3A_3011 = vector.broadcast %shift_right_logical3A_3010 : i32 to vector<16x512xi32>
        %shift_right_logical3A_3012 = arith.shrui %xor3A_3005, %shift_right_logical3A_3011 : vector<16x512xi32>
        %or3A_3013 = arith.ori %shift_left3A_3009, %shift_right_logical3A_3012 : vector<16x512xi32>
        %xor3A_3014 = arith.xori %add3A_3006, %or3A_3013 : vector<16x512xi32>
        %add3A_3015 = arith.addi %add3A_3006, %xor3A_3014 : vector<16x512xi32>
        %shift_left3A_3016 = arith.constant 16 : i32
        %shift_left3A_3017 = vector.broadcast %shift_left3A_3016 : i32 to vector<16x512xi32>
        %shift_left3A_3018 = arith.shli %xor3A_3014, %shift_left3A_3017 : vector<16x512xi32>
        %shift_right_logical3A_3019 = arith.constant 16 : i32
        %shift_right_logical3A_3020 = vector.broadcast %shift_right_logical3A_3019 : i32 to vector<16x512xi32>
        %shift_right_logical3A_3021 = arith.shrui %xor3A_3014, %shift_right_logical3A_3020 : vector<16x512xi32>
        %or3A_3022 = arith.ori %shift_left3A_3018, %shift_right_logical3A_3021 : vector<16x512xi32>
        %xor3A_3023 = arith.xori %add3A_3015, %or3A_3022 : vector<16x512xi32>
        %add3A_3024 = arith.addi %add3A_3015, %xor3A_3023 : vector<16x512xi32>
        %shift_left3A_3025 = arith.constant 24 : i32
        %shift_left3A_3026 = vector.broadcast %shift_left3A_3025 : i32 to vector<16x512xi32>
        %shift_left3A_3027 = arith.shli %xor3A_3023, %shift_left3A_3026 : vector<16x512xi32>
        %shift_right_logical3A_3028 = arith.constant 8 : i32
        %shift_right_logical3A_3029 = vector.broadcast %shift_right_logical3A_3028 : i32 to vector<16x512xi32>
        %shift_right_logical3A_3030 = arith.shrui %xor3A_3023, %shift_right_logical3A_3029 : vector<16x512xi32>
        %or3A_3031 = arith.ori %shift_left3A_3027, %shift_right_logical3A_3030 : vector<16x512xi32>
        %xor3A_3032 = arith.xori %add3A_3024, %or3A_3031 : vector<16x512xi32>
        %add3A_3033 = vector.broadcast %get3A_4 : i32 to vector<16x512xi32>
        %add3A_3034 = arith.addi %add3A_3024, %add3A_3033 : vector<16x512xi32>
        %add3A_3035 = arith.constant 4 : i32
        %add3A_3036 = arith.addi %xor3A_2870, %add3A_3035 : i32
        %add3A_3037 = vector.broadcast %add3A_3036 : i32 to vector<16x512xi32>
        %add3A_3038 = arith.addi %xor3A_3032, %add3A_3037 : vector<16x512xi32>
        %add3A_3039 = arith.addi %add3A_3034, %add3A_3038 : vector<16x512xi32>
        %shift_left3A_3040 = arith.constant 13 : i32
        %shift_left3A_3041 = vector.broadcast %shift_left3A_3040 : i32 to vector<16x512xi32>
        %shift_left3A_3042 = arith.shli %add3A_3038, %shift_left3A_3041 : vector<16x512xi32>
        %shift_right_logical3A_3043 = arith.constant 19 : i32
        %shift_right_logical3A_3044 = vector.broadcast %shift_right_logical3A_3043 : i32 to vector<16x512xi32>
        %shift_right_logical3A_3045 = arith.shrui %add3A_3038, %shift_right_logical3A_3044 : vector<16x512xi32>
        %or3A_3046 = arith.ori %shift_left3A_3042, %shift_right_logical3A_3045 : vector<16x512xi32>
        %xor3A_3047 = arith.xori %add3A_3039, %or3A_3046 : vector<16x512xi32>
        %add3A_3048 = arith.addi %add3A_3039, %xor3A_3047 : vector<16x512xi32>
        %shift_left3A_3049 = arith.constant 15 : i32
        %shift_left3A_3050 = vector.broadcast %shift_left3A_3049 : i32 to vector<16x512xi32>
        %shift_left3A_3051 = arith.shli %xor3A_3047, %shift_left3A_3050 : vector<16x512xi32>
        %shift_right_logical3A_3052 = arith.constant 17 : i32
        %shift_right_logical3A_3053 = vector.broadcast %shift_right_logical3A_3052 : i32 to vector<16x512xi32>
        %shift_right_logical3A_3054 = arith.shrui %xor3A_3047, %shift_right_logical3A_3053 : vector<16x512xi32>
        %or3A_3055 = arith.ori %shift_left3A_3051, %shift_right_logical3A_3054 : vector<16x512xi32>
        %xor3A_3056 = arith.xori %add3A_3048, %or3A_3055 : vector<16x512xi32>
        %add3A_3057 = arith.addi %add3A_3048, %xor3A_3056 : vector<16x512xi32>
        %shift_left3A_3058 = arith.constant 26 : i32
        %shift_left3A_3059 = vector.broadcast %shift_left3A_3058 : i32 to vector<16x512xi32>
        %shift_left3A_3060 = arith.shli %xor3A_3056, %shift_left3A_3059 : vector<16x512xi32>
        %shift_right_logical3A_3061 = arith.constant 6 : i32
        %shift_right_logical3A_3062 = vector.broadcast %shift_right_logical3A_3061 : i32 to vector<16x512xi32>
        %shift_right_logical3A_3063 = arith.shrui %xor3A_3056, %shift_right_logical3A_3062 : vector<16x512xi32>
        %or3A_3064 = arith.ori %shift_left3A_3060, %shift_right_logical3A_3063 : vector<16x512xi32>
        %xor3A_3065 = arith.xori %add3A_3057, %or3A_3064 : vector<16x512xi32>
        %add3A_3066 = arith.addi %add3A_3057, %xor3A_3065 : vector<16x512xi32>
        %shift_left3A_3067 = arith.constant 6 : i32
        %shift_left3A_3068 = vector.broadcast %shift_left3A_3067 : i32 to vector<16x512xi32>
        %shift_left3A_3069 = arith.shli %xor3A_3065, %shift_left3A_3068 : vector<16x512xi32>
        %shift_right_logical3A_3070 = arith.constant 26 : i32
        %shift_right_logical3A_3071 = vector.broadcast %shift_right_logical3A_3070 : i32 to vector<16x512xi32>
        %shift_right_logical3A_3072 = arith.shrui %xor3A_3065, %shift_right_logical3A_3071 : vector<16x512xi32>
        %or3A_3073 = arith.ori %shift_left3A_3069, %shift_right_logical3A_3072 : vector<16x512xi32>
        %xor3A_3074 = arith.xori %add3A_3066, %or3A_3073 : vector<16x512xi32>
        %add3A_3075 = vector.broadcast %xor3A_2870 : i32 to vector<16x512xi32>
        %add3A_3076 = arith.addi %add3A_3066, %add3A_3075 : vector<16x512xi32>
        %add3A_3077 = arith.constant 5 : i32
        %add3A_3078 = arith.addi %get3A_1, %add3A_3077 : i32
        %add3A_3079 = vector.broadcast %add3A_3078 : i32 to vector<16x512xi32>
        %add3A_3080 = arith.addi %xor3A_3074, %add3A_3079 : vector<16x512xi32>
        %xor3A_3081 = arith.xori %add3A_3076, %add3A_3080 : vector<16x512xi32>
        %shift_right_logical3A_3082 = arith.constant 9 : i32
        %shift_right_logical3A_3083 = vector.broadcast %shift_right_logical3A_3082 : i32 to vector<16x512xi32>
        %shift_right_logical3A_3084 = arith.shrui %xor3A_3081, %shift_right_logical3A_3083 : vector<16x512xi32>
        %or3A_3085 = arith.constant 1065353216 : i32
        %or3A_3086 = vector.broadcast %or3A_3085 : i32 to vector<16x512xi32>
        %or3A_3087 = arith.ori %shift_right_logical3A_3084, %or3A_3086 : vector<16x512xi32>
        %bitcast_convert_type3A_3088 = tpu.bitcast %or3A_3087 : vector<16x512xi32> -> vector<16x512xf32>
        %sub3A_3089 = arith.constant 1.000000e+00 : f32
        %sub3A_3090 = vector.broadcast %sub3A_3089 : f32 to vector<16x512xf32>
        %sub3A_3091 = arith.subf %bitcast_convert_type3A_3088, %sub3A_3090 : vector<16x512xf32>
        %max3A_3092 = arith.constant 1.17549435E-38 : f32
        %max3A_3093 = vector.broadcast %max3A_3092 : f32 to vector<16x512xf32>
        %max3A_3094 = arith.maximumf %sub3A_3091, %max3A_3093 : vector<16x512xf32>
        %mul3A_3095 = arith.constant 512 : i32
        %mul3A_3096 = arith.muli %scan3A_2859, %mul3A_3095 : i32
        %get3A_3097 = arith.constant 0 : index
        %get3A_3098 = arith.constant 0 : index
        %get3A_3099 = arith.index_cast %mul3A_3096 : i32 to index
        %get3A_3100 = vector.load %arg3[%get3A_3097, %get3A_3098, %get3A_3099] : memref<1x1x200192xf32, #tpu.memory_space<vmem>>, vector<1x1x512xf32>
        %get3A_3101 = vector.shape_cast %get3A_3100 : vector<1x1x512xf32> to vector<512xf32>
        %reshape3A_3102 = vector.shape_cast %get3A_3101 : vector<512xf32> to vector<1x512xf32>
        %log3A_3103 = math.log %max3A_3094 : vector<16x512xf32>
        %neg3A_3104 = arith.constant 0.000000e+00 : f32
        %neg3A_3105 = vector.broadcast %neg3A_3104 : f32 to vector<16x512xf32>
        %neg3A_3106 = arith.subf %neg3A_3105, %log3A_3103 : vector<16x512xf32>
        %log3A_3107 = math.log %neg3A_3106 : vector<16x512xf32>
        %sub3A_3108 = vector.broadcast %reshape3A_3102 : vector<1x512xf32> to vector<16x512xf32>
        %sub3A_3109 = arith.subf %sub3A_3108, %log3A_3107 : vector<16x512xf32>
        %gt3A_3110 = arith.cmpf ogt, %sub3A_3109, %select_n3A_2855 : vector<16x512xf32>
        %select_n3A_3111 = arith.select %gt3A_3110, %sub3A_3109, %select_n3A_2855 : vector<16x512xi1>, vector<16x512xf32>
        %broadcast_in_dim3A_3112 = vector.broadcast %scan3A_2859 : i32 to vector<16x512xi32>
        %select_n3A_3113 = arith.select %gt3A_3110, %broadcast_in_dim3A_3112, %select_n3A_2857 : vector<16x512xi1>, vector<16x512xi32>
        %scan3A_3114 = arith.constant 12 : i32
        %scan3A_3115 = arith.addi %scan3A_53, %scan3A_3114 : i32
        %mul3A_3116 = arith.constant 512 : i32
        %mul3A_3117 = arith.muli %mul3A_3116, %scan3A_3115 : i32
        %add3A_3118 = vector.broadcast %mul3A_3117 : i32 to vector<16x512xi32>
        %add3A_3119 = arith.addi %add3A_26, %add3A_3118 : vector<16x512xi32>
        %lt3A_3120 = arith.cmpi ult, %add3A_3119, %mul3A_18 : vector<16x512xi32>
        %select_n3A_3121 = arith.select %lt3A_3120, %add3A_25, %add3A_22 : vector<16x512xi1>, vector<16x512xi32>
        %add3A_3122 = vector.broadcast %get3A_4 : i32 to vector<16x512xi32>
        %add3A_3123 = arith.addi %add3A_3119, %add3A_3122 : vector<16x512xi32>
        %xor3A_3124 = arith.xori %get3A_1, %get3A_4 : i32
        %xor3A_3125 = arith.constant 466688986 : i32
        %xor3A_3126 = arith.xori %xor3A_3124, %xor3A_3125 : i32
        %add3A_3127 = arith.addi %select_n3A_3121, %add3A_3123 : vector<16x512xi32>
        %shift_left3A_3128 = arith.constant 13 : i32
        %shift_left3A_3129 = vector.broadcast %shift_left3A_3128 : i32 to vector<16x512xi32>
        %shift_left3A_3130 = arith.shli %add3A_3123, %shift_left3A_3129 : vector<16x512xi32>
        %shift_right_logical3A_3131 = arith.constant 19 : i32
        %shift_right_logical3A_3132 = vector.broadcast %shift_right_logical3A_3131 : i32 to vector<16x512xi32>
        %shift_right_logical3A_3133 = arith.shrui %add3A_3123, %shift_right_logical3A_3132 : vector<16x512xi32>
        %or3A_3134 = arith.ori %shift_left3A_3130, %shift_right_logical3A_3133 : vector<16x512xi32>
        %xor3A_3135 = arith.xori %add3A_3127, %or3A_3134 : vector<16x512xi32>
        %add3A_3136 = arith.addi %add3A_3127, %xor3A_3135 : vector<16x512xi32>
        %shift_left3A_3137 = arith.constant 15 : i32
        %shift_left3A_3138 = vector.broadcast %shift_left3A_3137 : i32 to vector<16x512xi32>
        %shift_left3A_3139 = arith.shli %xor3A_3135, %shift_left3A_3138 : vector<16x512xi32>
        %shift_right_logical3A_3140 = arith.constant 17 : i32
        %shift_right_logical3A_3141 = vector.broadcast %shift_right_logical3A_3140 : i32 to vector<16x512xi32>
        %shift_right_logical3A_3142 = arith.shrui %xor3A_3135, %shift_right_logical3A_3141 : vector<16x512xi32>
        %or3A_3143 = arith.ori %shift_left3A_3139, %shift_right_logical3A_3142 : vector<16x512xi32>
        %xor3A_3144 = arith.xori %add3A_3136, %or3A_3143 : vector<16x512xi32>
        %add3A_3145 = arith.addi %add3A_3136, %xor3A_3144 : vector<16x512xi32>
        %shift_left3A_3146 = arith.constant 26 : i32
        %shift_left3A_3147 = vector.broadcast %shift_left3A_3146 : i32 to vector<16x512xi32>
        %shift_left3A_3148 = arith.shli %xor3A_3144, %shift_left3A_3147 : vector<16x512xi32>
        %shift_right_logical3A_3149 = arith.constant 6 : i32
        %shift_right_logical3A_3150 = vector.broadcast %shift_right_logical3A_3149 : i32 to vector<16x512xi32>
        %shift_right_logical3A_3151 = arith.shrui %xor3A_3144, %shift_right_logical3A_3150 : vector<16x512xi32>
        %or3A_3152 = arith.ori %shift_left3A_3148, %shift_right_logical3A_3151 : vector<16x512xi32>
        %xor3A_3153 = arith.xori %add3A_3145, %or3A_3152 : vector<16x512xi32>
        %add3A_3154 = arith.addi %add3A_3145, %xor3A_3153 : vector<16x512xi32>
        %shift_left3A_3155 = arith.constant 6 : i32
        %shift_left3A_3156 = vector.broadcast %shift_left3A_3155 : i32 to vector<16x512xi32>
        %shift_left3A_3157 = arith.shli %xor3A_3153, %shift_left3A_3156 : vector<16x512xi32>
        %shift_right_logical3A_3158 = arith.constant 26 : i32
        %shift_right_logical3A_3159 = vector.broadcast %shift_right_logical3A_3158 : i32 to vector<16x512xi32>
        %shift_right_logical3A_3160 = arith.shrui %xor3A_3153, %shift_right_logical3A_3159 : vector<16x512xi32>
        %or3A_3161 = arith.ori %shift_left3A_3157, %shift_right_logical3A_3160 : vector<16x512xi32>
        %xor3A_3162 = arith.xori %add3A_3154, %or3A_3161 : vector<16x512xi32>
        %add3A_3163 = vector.broadcast %get3A_4 : i32 to vector<16x512xi32>
        %add3A_3164 = arith.addi %add3A_3154, %add3A_3163 : vector<16x512xi32>
        %add3A_3165 = arith.constant 1 : i32
        %add3A_3166 = arith.addi %xor3A_3126, %add3A_3165 : i32
        %add3A_3167 = vector.broadcast %add3A_3166 : i32 to vector<16x512xi32>
        %add3A_3168 = arith.addi %xor3A_3162, %add3A_3167 : vector<16x512xi32>
        %add3A_3169 = arith.addi %add3A_3164, %add3A_3168 : vector<16x512xi32>
        %shift_left3A_3170 = arith.constant 17 : i32
        %shift_left3A_3171 = vector.broadcast %shift_left3A_3170 : i32 to vector<16x512xi32>
        %shift_left3A_3172 = arith.shli %add3A_3168, %shift_left3A_3171 : vector<16x512xi32>
        %shift_right_logical3A_3173 = arith.constant 15 : i32
        %shift_right_logical3A_3174 = vector.broadcast %shift_right_logical3A_3173 : i32 to vector<16x512xi32>
        %shift_right_logical3A_3175 = arith.shrui %add3A_3168, %shift_right_logical3A_3174 : vector<16x512xi32>
        %or3A_3176 = arith.ori %shift_left3A_3172, %shift_right_logical3A_3175 : vector<16x512xi32>
        %xor3A_3177 = arith.xori %add3A_3169, %or3A_3176 : vector<16x512xi32>
        %add3A_3178 = arith.addi %add3A_3169, %xor3A_3177 : vector<16x512xi32>
        %shift_left3A_3179 = arith.constant 29 : i32
        %shift_left3A_3180 = vector.broadcast %shift_left3A_3179 : i32 to vector<16x512xi32>
        %shift_left3A_3181 = arith.shli %xor3A_3177, %shift_left3A_3180 : vector<16x512xi32>
        %shift_right_logical3A_3182 = arith.constant 3 : i32
        %shift_right_logical3A_3183 = vector.broadcast %shift_right_logical3A_3182 : i32 to vector<16x512xi32>
        %shift_right_logical3A_3184 = arith.shrui %xor3A_3177, %shift_right_logical3A_3183 : vector<16x512xi32>
        %or3A_3185 = arith.ori %shift_left3A_3181, %shift_right_logical3A_3184 : vector<16x512xi32>
        %xor3A_3186 = arith.xori %add3A_3178, %or3A_3185 : vector<16x512xi32>
        %add3A_3187 = arith.addi %add3A_3178, %xor3A_3186 : vector<16x512xi32>
        %shift_left3A_3188 = arith.constant 16 : i32
        %shift_left3A_3189 = vector.broadcast %shift_left3A_3188 : i32 to vector<16x512xi32>
        %shift_left3A_3190 = arith.shli %xor3A_3186, %shift_left3A_3189 : vector<16x512xi32>
        %shift_right_logical3A_3191 = arith.constant 16 : i32
        %shift_right_logical3A_3192 = vector.broadcast %shift_right_logical3A_3191 : i32 to vector<16x512xi32>
        %shift_right_logical3A_3193 = arith.shrui %xor3A_3186, %shift_right_logical3A_3192 : vector<16x512xi32>
        %or3A_3194 = arith.ori %shift_left3A_3190, %shift_right_logical3A_3193 : vector<16x512xi32>
        %xor3A_3195 = arith.xori %add3A_3187, %or3A_3194 : vector<16x512xi32>
        %add3A_3196 = arith.addi %add3A_3187, %xor3A_3195 : vector<16x512xi32>
        %shift_left3A_3197 = arith.constant 24 : i32
        %shift_left3A_3198 = vector.broadcast %shift_left3A_3197 : i32 to vector<16x512xi32>
        %shift_left3A_3199 = arith.shli %xor3A_3195, %shift_left3A_3198 : vector<16x512xi32>
        %shift_right_logical3A_3200 = arith.constant 8 : i32
        %shift_right_logical3A_3201 = vector.broadcast %shift_right_logical3A_3200 : i32 to vector<16x512xi32>
        %shift_right_logical3A_3202 = arith.shrui %xor3A_3195, %shift_right_logical3A_3201 : vector<16x512xi32>
        %or3A_3203 = arith.ori %shift_left3A_3199, %shift_right_logical3A_3202 : vector<16x512xi32>
        %xor3A_3204 = arith.xori %add3A_3196, %or3A_3203 : vector<16x512xi32>
        %add3A_3205 = vector.broadcast %xor3A_3126 : i32 to vector<16x512xi32>
        %add3A_3206 = arith.addi %add3A_3196, %add3A_3205 : vector<16x512xi32>
        %add3A_3207 = arith.constant 2 : i32
        %add3A_3208 = arith.addi %get3A_1, %add3A_3207 : i32
        %add3A_3209 = vector.broadcast %add3A_3208 : i32 to vector<16x512xi32>
        %add3A_3210 = arith.addi %xor3A_3204, %add3A_3209 : vector<16x512xi32>
        %add3A_3211 = arith.addi %add3A_3206, %add3A_3210 : vector<16x512xi32>
        %shift_left3A_3212 = arith.constant 13 : i32
        %shift_left3A_3213 = vector.broadcast %shift_left3A_3212 : i32 to vector<16x512xi32>
        %shift_left3A_3214 = arith.shli %add3A_3210, %shift_left3A_3213 : vector<16x512xi32>
        %shift_right_logical3A_3215 = arith.constant 19 : i32
        %shift_right_logical3A_3216 = vector.broadcast %shift_right_logical3A_3215 : i32 to vector<16x512xi32>
        %shift_right_logical3A_3217 = arith.shrui %add3A_3210, %shift_right_logical3A_3216 : vector<16x512xi32>
        %or3A_3218 = arith.ori %shift_left3A_3214, %shift_right_logical3A_3217 : vector<16x512xi32>
        %xor3A_3219 = arith.xori %add3A_3211, %or3A_3218 : vector<16x512xi32>
        %add3A_3220 = arith.addi %add3A_3211, %xor3A_3219 : vector<16x512xi32>
        %shift_left3A_3221 = arith.constant 15 : i32
        %shift_left3A_3222 = vector.broadcast %shift_left3A_3221 : i32 to vector<16x512xi32>
        %shift_left3A_3223 = arith.shli %xor3A_3219, %shift_left3A_3222 : vector<16x512xi32>
        %shift_right_logical3A_3224 = arith.constant 17 : i32
        %shift_right_logical3A_3225 = vector.broadcast %shift_right_logical3A_3224 : i32 to vector<16x512xi32>
        %shift_right_logical3A_3226 = arith.shrui %xor3A_3219, %shift_right_logical3A_3225 : vector<16x512xi32>
        %or3A_3227 = arith.ori %shift_left3A_3223, %shift_right_logical3A_3226 : vector<16x512xi32>
        %xor3A_3228 = arith.xori %add3A_3220, %or3A_3227 : vector<16x512xi32>
        %add3A_3229 = arith.addi %add3A_3220, %xor3A_3228 : vector<16x512xi32>
        %shift_left3A_3230 = arith.constant 26 : i32
        %shift_left3A_3231 = vector.broadcast %shift_left3A_3230 : i32 to vector<16x512xi32>
        %shift_left3A_3232 = arith.shli %xor3A_3228, %shift_left3A_3231 : vector<16x512xi32>
        %shift_right_logical3A_3233 = arith.constant 6 : i32
        %shift_right_logical3A_3234 = vector.broadcast %shift_right_logical3A_3233 : i32 to vector<16x512xi32>
        %shift_right_logical3A_3235 = arith.shrui %xor3A_3228, %shift_right_logical3A_3234 : vector<16x512xi32>
        %or3A_3236 = arith.ori %shift_left3A_3232, %shift_right_logical3A_3235 : vector<16x512xi32>
        %xor3A_3237 = arith.xori %add3A_3229, %or3A_3236 : vector<16x512xi32>
        %add3A_3238 = arith.addi %add3A_3229, %xor3A_3237 : vector<16x512xi32>
        %shift_left3A_3239 = arith.constant 6 : i32
        %shift_left3A_3240 = vector.broadcast %shift_left3A_3239 : i32 to vector<16x512xi32>
        %shift_left3A_3241 = arith.shli %xor3A_3237, %shift_left3A_3240 : vector<16x512xi32>
        %shift_right_logical3A_3242 = arith.constant 26 : i32
        %shift_right_logical3A_3243 = vector.broadcast %shift_right_logical3A_3242 : i32 to vector<16x512xi32>
        %shift_right_logical3A_3244 = arith.shrui %xor3A_3237, %shift_right_logical3A_3243 : vector<16x512xi32>
        %or3A_3245 = arith.ori %shift_left3A_3241, %shift_right_logical3A_3244 : vector<16x512xi32>
        %xor3A_3246 = arith.xori %add3A_3238, %or3A_3245 : vector<16x512xi32>
        %add3A_3247 = vector.broadcast %get3A_1 : i32 to vector<16x512xi32>
        %add3A_3248 = arith.addi %add3A_3238, %add3A_3247 : vector<16x512xi32>
        %add3A_3249 = arith.constant 3 : i32
        %add3A_3250 = arith.addi %get3A_4, %add3A_3249 : i32
        %add3A_3251 = vector.broadcast %add3A_3250 : i32 to vector<16x512xi32>
        %add3A_3252 = arith.addi %xor3A_3246, %add3A_3251 : vector<16x512xi32>
        %add3A_3253 = arith.addi %add3A_3248, %add3A_3252 : vector<16x512xi32>
        %shift_left3A_3254 = arith.constant 17 : i32
        %shift_left3A_3255 = vector.broadcast %shift_left3A_3254 : i32 to vector<16x512xi32>
        %shift_left3A_3256 = arith.shli %add3A_3252, %shift_left3A_3255 : vector<16x512xi32>
        %shift_right_logical3A_3257 = arith.constant 15 : i32
        %shift_right_logical3A_3258 = vector.broadcast %shift_right_logical3A_3257 : i32 to vector<16x512xi32>
        %shift_right_logical3A_3259 = arith.shrui %add3A_3252, %shift_right_logical3A_3258 : vector<16x512xi32>
        %or3A_3260 = arith.ori %shift_left3A_3256, %shift_right_logical3A_3259 : vector<16x512xi32>
        %xor3A_3261 = arith.xori %add3A_3253, %or3A_3260 : vector<16x512xi32>
        %add3A_3262 = arith.addi %add3A_3253, %xor3A_3261 : vector<16x512xi32>
        %shift_left3A_3263 = arith.constant 29 : i32
        %shift_left3A_3264 = vector.broadcast %shift_left3A_3263 : i32 to vector<16x512xi32>
        %shift_left3A_3265 = arith.shli %xor3A_3261, %shift_left3A_3264 : vector<16x512xi32>
        %shift_right_logical3A_3266 = arith.constant 3 : i32
        %shift_right_logical3A_3267 = vector.broadcast %shift_right_logical3A_3266 : i32 to vector<16x512xi32>
        %shift_right_logical3A_3268 = arith.shrui %xor3A_3261, %shift_right_logical3A_3267 : vector<16x512xi32>
        %or3A_3269 = arith.ori %shift_left3A_3265, %shift_right_logical3A_3268 : vector<16x512xi32>
        %xor3A_3270 = arith.xori %add3A_3262, %or3A_3269 : vector<16x512xi32>
        %add3A_3271 = arith.addi %add3A_3262, %xor3A_3270 : vector<16x512xi32>
        %shift_left3A_3272 = arith.constant 16 : i32
        %shift_left3A_3273 = vector.broadcast %shift_left3A_3272 : i32 to vector<16x512xi32>
        %shift_left3A_3274 = arith.shli %xor3A_3270, %shift_left3A_3273 : vector<16x512xi32>
        %shift_right_logical3A_3275 = arith.constant 16 : i32
        %shift_right_logical3A_3276 = vector.broadcast %shift_right_logical3A_3275 : i32 to vector<16x512xi32>
        %shift_right_logical3A_3277 = arith.shrui %xor3A_3270, %shift_right_logical3A_3276 : vector<16x512xi32>
        %or3A_3278 = arith.ori %shift_left3A_3274, %shift_right_logical3A_3277 : vector<16x512xi32>
        %xor3A_3279 = arith.xori %add3A_3271, %or3A_3278 : vector<16x512xi32>
        %add3A_3280 = arith.addi %add3A_3271, %xor3A_3279 : vector<16x512xi32>
        %shift_left3A_3281 = arith.constant 24 : i32
        %shift_left3A_3282 = vector.broadcast %shift_left3A_3281 : i32 to vector<16x512xi32>
        %shift_left3A_3283 = arith.shli %xor3A_3279, %shift_left3A_3282 : vector<16x512xi32>
        %shift_right_logical3A_3284 = arith.constant 8 : i32
        %shift_right_logical3A_3285 = vector.broadcast %shift_right_logical3A_3284 : i32 to vector<16x512xi32>
        %shift_right_logical3A_3286 = arith.shrui %xor3A_3279, %shift_right_logical3A_3285 : vector<16x512xi32>
        %or3A_3287 = arith.ori %shift_left3A_3283, %shift_right_logical3A_3286 : vector<16x512xi32>
        %xor3A_3288 = arith.xori %add3A_3280, %or3A_3287 : vector<16x512xi32>
        %add3A_3289 = vector.broadcast %get3A_4 : i32 to vector<16x512xi32>
        %add3A_3290 = arith.addi %add3A_3280, %add3A_3289 : vector<16x512xi32>
        %add3A_3291 = arith.constant 4 : i32
        %add3A_3292 = arith.addi %xor3A_3126, %add3A_3291 : i32
        %add3A_3293 = vector.broadcast %add3A_3292 : i32 to vector<16x512xi32>
        %add3A_3294 = arith.addi %xor3A_3288, %add3A_3293 : vector<16x512xi32>
        %add3A_3295 = arith.addi %add3A_3290, %add3A_3294 : vector<16x512xi32>
        %shift_left3A_3296 = arith.constant 13 : i32
        %shift_left3A_3297 = vector.broadcast %shift_left3A_3296 : i32 to vector<16x512xi32>
        %shift_left3A_3298 = arith.shli %add3A_3294, %shift_left3A_3297 : vector<16x512xi32>
        %shift_right_logical3A_3299 = arith.constant 19 : i32
        %shift_right_logical3A_3300 = vector.broadcast %shift_right_logical3A_3299 : i32 to vector<16x512xi32>
        %shift_right_logical3A_3301 = arith.shrui %add3A_3294, %shift_right_logical3A_3300 : vector<16x512xi32>
        %or3A_3302 = arith.ori %shift_left3A_3298, %shift_right_logical3A_3301 : vector<16x512xi32>
        %xor3A_3303 = arith.xori %add3A_3295, %or3A_3302 : vector<16x512xi32>
        %add3A_3304 = arith.addi %add3A_3295, %xor3A_3303 : vector<16x512xi32>
        %shift_left3A_3305 = arith.constant 15 : i32
        %shift_left3A_3306 = vector.broadcast %shift_left3A_3305 : i32 to vector<16x512xi32>
        %shift_left3A_3307 = arith.shli %xor3A_3303, %shift_left3A_3306 : vector<16x512xi32>
        %shift_right_logical3A_3308 = arith.constant 17 : i32
        %shift_right_logical3A_3309 = vector.broadcast %shift_right_logical3A_3308 : i32 to vector<16x512xi32>
        %shift_right_logical3A_3310 = arith.shrui %xor3A_3303, %shift_right_logical3A_3309 : vector<16x512xi32>
        %or3A_3311 = arith.ori %shift_left3A_3307, %shift_right_logical3A_3310 : vector<16x512xi32>
        %xor3A_3312 = arith.xori %add3A_3304, %or3A_3311 : vector<16x512xi32>
        %add3A_3313 = arith.addi %add3A_3304, %xor3A_3312 : vector<16x512xi32>
        %shift_left3A_3314 = arith.constant 26 : i32
        %shift_left3A_3315 = vector.broadcast %shift_left3A_3314 : i32 to vector<16x512xi32>
        %shift_left3A_3316 = arith.shli %xor3A_3312, %shift_left3A_3315 : vector<16x512xi32>
        %shift_right_logical3A_3317 = arith.constant 6 : i32
        %shift_right_logical3A_3318 = vector.broadcast %shift_right_logical3A_3317 : i32 to vector<16x512xi32>
        %shift_right_logical3A_3319 = arith.shrui %xor3A_3312, %shift_right_logical3A_3318 : vector<16x512xi32>
        %or3A_3320 = arith.ori %shift_left3A_3316, %shift_right_logical3A_3319 : vector<16x512xi32>
        %xor3A_3321 = arith.xori %add3A_3313, %or3A_3320 : vector<16x512xi32>
        %add3A_3322 = arith.addi %add3A_3313, %xor3A_3321 : vector<16x512xi32>
        %shift_left3A_3323 = arith.constant 6 : i32
        %shift_left3A_3324 = vector.broadcast %shift_left3A_3323 : i32 to vector<16x512xi32>
        %shift_left3A_3325 = arith.shli %xor3A_3321, %shift_left3A_3324 : vector<16x512xi32>
        %shift_right_logical3A_3326 = arith.constant 26 : i32
        %shift_right_logical3A_3327 = vector.broadcast %shift_right_logical3A_3326 : i32 to vector<16x512xi32>
        %shift_right_logical3A_3328 = arith.shrui %xor3A_3321, %shift_right_logical3A_3327 : vector<16x512xi32>
        %or3A_3329 = arith.ori %shift_left3A_3325, %shift_right_logical3A_3328 : vector<16x512xi32>
        %xor3A_3330 = arith.xori %add3A_3322, %or3A_3329 : vector<16x512xi32>
        %add3A_3331 = vector.broadcast %xor3A_3126 : i32 to vector<16x512xi32>
        %add3A_3332 = arith.addi %add3A_3322, %add3A_3331 : vector<16x512xi32>
        %add3A_3333 = arith.constant 5 : i32
        %add3A_3334 = arith.addi %get3A_1, %add3A_3333 : i32
        %add3A_3335 = vector.broadcast %add3A_3334 : i32 to vector<16x512xi32>
        %add3A_3336 = arith.addi %xor3A_3330, %add3A_3335 : vector<16x512xi32>
        %xor3A_3337 = arith.xori %add3A_3332, %add3A_3336 : vector<16x512xi32>
        %shift_right_logical3A_3338 = arith.constant 9 : i32
        %shift_right_logical3A_3339 = vector.broadcast %shift_right_logical3A_3338 : i32 to vector<16x512xi32>
        %shift_right_logical3A_3340 = arith.shrui %xor3A_3337, %shift_right_logical3A_3339 : vector<16x512xi32>
        %or3A_3341 = arith.constant 1065353216 : i32
        %or3A_3342 = vector.broadcast %or3A_3341 : i32 to vector<16x512xi32>
        %or3A_3343 = arith.ori %shift_right_logical3A_3340, %or3A_3342 : vector<16x512xi32>
        %bitcast_convert_type3A_3344 = tpu.bitcast %or3A_3343 : vector<16x512xi32> -> vector<16x512xf32>
        %sub3A_3345 = arith.constant 1.000000e+00 : f32
        %sub3A_3346 = vector.broadcast %sub3A_3345 : f32 to vector<16x512xf32>
        %sub3A_3347 = arith.subf %bitcast_convert_type3A_3344, %sub3A_3346 : vector<16x512xf32>
        %max3A_3348 = arith.constant 1.17549435E-38 : f32
        %max3A_3349 = vector.broadcast %max3A_3348 : f32 to vector<16x512xf32>
        %max3A_3350 = arith.maximumf %sub3A_3347, %max3A_3349 : vector<16x512xf32>
        %mul3A_3351 = arith.constant 512 : i32
        %mul3A_3352 = arith.muli %scan3A_3115, %mul3A_3351 : i32
        %get3A_3353 = arith.constant 0 : index
        %get3A_3354 = arith.constant 0 : index
        %get3A_3355 = arith.index_cast %mul3A_3352 : i32 to index
        %get3A_3356 = vector.load %arg3[%get3A_3353, %get3A_3354, %get3A_3355] : memref<1x1x200192xf32, #tpu.memory_space<vmem>>, vector<1x1x512xf32>
        %get3A_3357 = vector.shape_cast %get3A_3356 : vector<1x1x512xf32> to vector<512xf32>
        %reshape3A_3358 = vector.shape_cast %get3A_3357 : vector<512xf32> to vector<1x512xf32>
        %log3A_3359 = math.log %max3A_3350 : vector<16x512xf32>
        %neg3A_3360 = arith.constant 0.000000e+00 : f32
        %neg3A_3361 = vector.broadcast %neg3A_3360 : f32 to vector<16x512xf32>
        %neg3A_3362 = arith.subf %neg3A_3361, %log3A_3359 : vector<16x512xf32>
        %log3A_3363 = math.log %neg3A_3362 : vector<16x512xf32>
        %sub3A_3364 = vector.broadcast %reshape3A_3358 : vector<1x512xf32> to vector<16x512xf32>
        %sub3A_3365 = arith.subf %sub3A_3364, %log3A_3363 : vector<16x512xf32>
        %gt3A_3366 = arith.cmpf ogt, %sub3A_3365, %select_n3A_3111 : vector<16x512xf32>
        %select_n3A_3367 = arith.select %gt3A_3366, %sub3A_3365, %select_n3A_3111 : vector<16x512xi1>, vector<16x512xf32>
        %broadcast_in_dim3A_3368 = vector.broadcast %scan3A_3115 : i32 to vector<16x512xi32>
        %select_n3A_3369 = arith.select %gt3A_3366, %broadcast_in_dim3A_3368, %select_n3A_3113 : vector<16x512xi1>, vector<16x512xi32>
        %scan3A_3370 = arith.constant 13 : i32
        %scan3A_3371 = arith.addi %scan3A_53, %scan3A_3370 : i32
        %mul3A_3372 = arith.constant 512 : i32
        %mul3A_3373 = arith.muli %mul3A_3372, %scan3A_3371 : i32
        %add3A_3374 = vector.broadcast %mul3A_3373 : i32 to vector<16x512xi32>
        %add3A_3375 = arith.addi %add3A_26, %add3A_3374 : vector<16x512xi32>
        %lt3A_3376 = arith.cmpi ult, %add3A_3375, %mul3A_18 : vector<16x512xi32>
        %select_n3A_3377 = arith.select %lt3A_3376, %add3A_25, %add3A_22 : vector<16x512xi1>, vector<16x512xi32>
        %add3A_3378 = vector.broadcast %get3A_4 : i32 to vector<16x512xi32>
        %add3A_3379 = arith.addi %add3A_3375, %add3A_3378 : vector<16x512xi32>
        %xor3A_3380 = arith.xori %get3A_1, %get3A_4 : i32
        %xor3A_3381 = arith.constant 466688986 : i32
        %xor3A_3382 = arith.xori %xor3A_3380, %xor3A_3381 : i32
        %add3A_3383 = arith.addi %select_n3A_3377, %add3A_3379 : vector<16x512xi32>
        %shift_left3A_3384 = arith.constant 13 : i32
        %shift_left3A_3385 = vector.broadcast %shift_left3A_3384 : i32 to vector<16x512xi32>
        %shift_left3A_3386 = arith.shli %add3A_3379, %shift_left3A_3385 : vector<16x512xi32>
        %shift_right_logical3A_3387 = arith.constant 19 : i32
        %shift_right_logical3A_3388 = vector.broadcast %shift_right_logical3A_3387 : i32 to vector<16x512xi32>
        %shift_right_logical3A_3389 = arith.shrui %add3A_3379, %shift_right_logical3A_3388 : vector<16x512xi32>
        %or3A_3390 = arith.ori %shift_left3A_3386, %shift_right_logical3A_3389 : vector<16x512xi32>
        %xor3A_3391 = arith.xori %add3A_3383, %or3A_3390 : vector<16x512xi32>
        %add3A_3392 = arith.addi %add3A_3383, %xor3A_3391 : vector<16x512xi32>
        %shift_left3A_3393 = arith.constant 15 : i32
        %shift_left3A_3394 = vector.broadcast %shift_left3A_3393 : i32 to vector<16x512xi32>
        %shift_left3A_3395 = arith.shli %xor3A_3391, %shift_left3A_3394 : vector<16x512xi32>
        %shift_right_logical3A_3396 = arith.constant 17 : i32
        %shift_right_logical3A_3397 = vector.broadcast %shift_right_logical3A_3396 : i32 to vector<16x512xi32>
        %shift_right_logical3A_3398 = arith.shrui %xor3A_3391, %shift_right_logical3A_3397 : vector<16x512xi32>
        %or3A_3399 = arith.ori %shift_left3A_3395, %shift_right_logical3A_3398 : vector<16x512xi32>
        %xor3A_3400 = arith.xori %add3A_3392, %or3A_3399 : vector<16x512xi32>
        %add3A_3401 = arith.addi %add3A_3392, %xor3A_3400 : vector<16x512xi32>
        %shift_left3A_3402 = arith.constant 26 : i32
        %shift_left3A_3403 = vector.broadcast %shift_left3A_3402 : i32 to vector<16x512xi32>
        %shift_left3A_3404 = arith.shli %xor3A_3400, %shift_left3A_3403 : vector<16x512xi32>
        %shift_right_logical3A_3405 = arith.constant 6 : i32
        %shift_right_logical3A_3406 = vector.broadcast %shift_right_logical3A_3405 : i32 to vector<16x512xi32>
        %shift_right_logical3A_3407 = arith.shrui %xor3A_3400, %shift_right_logical3A_3406 : vector<16x512xi32>
        %or3A_3408 = arith.ori %shift_left3A_3404, %shift_right_logical3A_3407 : vector<16x512xi32>
        %xor3A_3409 = arith.xori %add3A_3401, %or3A_3408 : vector<16x512xi32>
        %add3A_3410 = arith.addi %add3A_3401, %xor3A_3409 : vector<16x512xi32>
        %shift_left3A_3411 = arith.constant 6 : i32
        %shift_left3A_3412 = vector.broadcast %shift_left3A_3411 : i32 to vector<16x512xi32>
        %shift_left3A_3413 = arith.shli %xor3A_3409, %shift_left3A_3412 : vector<16x512xi32>
        %shift_right_logical3A_3414 = arith.constant 26 : i32
        %shift_right_logical3A_3415 = vector.broadcast %shift_right_logical3A_3414 : i32 to vector<16x512xi32>
        %shift_right_logical3A_3416 = arith.shrui %xor3A_3409, %shift_right_logical3A_3415 : vector<16x512xi32>
        %or3A_3417 = arith.ori %shift_left3A_3413, %shift_right_logical3A_3416 : vector<16x512xi32>
        %xor3A_3418 = arith.xori %add3A_3410, %or3A_3417 : vector<16x512xi32>
        %add3A_3419 = vector.broadcast %get3A_4 : i32 to vector<16x512xi32>
        %add3A_3420 = arith.addi %add3A_3410, %add3A_3419 : vector<16x512xi32>
        %add3A_3421 = arith.constant 1 : i32
        %add3A_3422 = arith.addi %xor3A_3382, %add3A_3421 : i32
        %add3A_3423 = vector.broadcast %add3A_3422 : i32 to vector<16x512xi32>
        %add3A_3424 = arith.addi %xor3A_3418, %add3A_3423 : vector<16x512xi32>
        %add3A_3425 = arith.addi %add3A_3420, %add3A_3424 : vector<16x512xi32>
        %shift_left3A_3426 = arith.constant 17 : i32
        %shift_left3A_3427 = vector.broadcast %shift_left3A_3426 : i32 to vector<16x512xi32>
        %shift_left3A_3428 = arith.shli %add3A_3424, %shift_left3A_3427 : vector<16x512xi32>
        %shift_right_logical3A_3429 = arith.constant 15 : i32
        %shift_right_logical3A_3430 = vector.broadcast %shift_right_logical3A_3429 : i32 to vector<16x512xi32>
        %shift_right_logical3A_3431 = arith.shrui %add3A_3424, %shift_right_logical3A_3430 : vector<16x512xi32>
        %or3A_3432 = arith.ori %shift_left3A_3428, %shift_right_logical3A_3431 : vector<16x512xi32>
        %xor3A_3433 = arith.xori %add3A_3425, %or3A_3432 : vector<16x512xi32>
        %add3A_3434 = arith.addi %add3A_3425, %xor3A_3433 : vector<16x512xi32>
        %shift_left3A_3435 = arith.constant 29 : i32
        %shift_left3A_3436 = vector.broadcast %shift_left3A_3435 : i32 to vector<16x512xi32>
        %shift_left3A_3437 = arith.shli %xor3A_3433, %shift_left3A_3436 : vector<16x512xi32>
        %shift_right_logical3A_3438 = arith.constant 3 : i32
        %shift_right_logical3A_3439 = vector.broadcast %shift_right_logical3A_3438 : i32 to vector<16x512xi32>
        %shift_right_logical3A_3440 = arith.shrui %xor3A_3433, %shift_right_logical3A_3439 : vector<16x512xi32>
        %or3A_3441 = arith.ori %shift_left3A_3437, %shift_right_logical3A_3440 : vector<16x512xi32>
        %xor3A_3442 = arith.xori %add3A_3434, %or3A_3441 : vector<16x512xi32>
        %add3A_3443 = arith.addi %add3A_3434, %xor3A_3442 : vector<16x512xi32>
        %shift_left3A_3444 = arith.constant 16 : i32
        %shift_left3A_3445 = vector.broadcast %shift_left3A_3444 : i32 to vector<16x512xi32>
        %shift_left3A_3446 = arith.shli %xor3A_3442, %shift_left3A_3445 : vector<16x512xi32>
        %shift_right_logical3A_3447 = arith.constant 16 : i32
        %shift_right_logical3A_3448 = vector.broadcast %shift_right_logical3A_3447 : i32 to vector<16x512xi32>
        %shift_right_logical3A_3449 = arith.shrui %xor3A_3442, %shift_right_logical3A_3448 : vector<16x512xi32>
        %or3A_3450 = arith.ori %shift_left3A_3446, %shift_right_logical3A_3449 : vector<16x512xi32>
        %xor3A_3451 = arith.xori %add3A_3443, %or3A_3450 : vector<16x512xi32>
        %add3A_3452 = arith.addi %add3A_3443, %xor3A_3451 : vector<16x512xi32>
        %shift_left3A_3453 = arith.constant 24 : i32
        %shift_left3A_3454 = vector.broadcast %shift_left3A_3453 : i32 to vector<16x512xi32>
        %shift_left3A_3455 = arith.shli %xor3A_3451, %shift_left3A_3454 : vector<16x512xi32>
        %shift_right_logical3A_3456 = arith.constant 8 : i32
        %shift_right_logical3A_3457 = vector.broadcast %shift_right_logical3A_3456 : i32 to vector<16x512xi32>
        %shift_right_logical3A_3458 = arith.shrui %xor3A_3451, %shift_right_logical3A_3457 : vector<16x512xi32>
        %or3A_3459 = arith.ori %shift_left3A_3455, %shift_right_logical3A_3458 : vector<16x512xi32>
        %xor3A_3460 = arith.xori %add3A_3452, %or3A_3459 : vector<16x512xi32>
        %add3A_3461 = vector.broadcast %xor3A_3382 : i32 to vector<16x512xi32>
        %add3A_3462 = arith.addi %add3A_3452, %add3A_3461 : vector<16x512xi32>
        %add3A_3463 = arith.constant 2 : i32
        %add3A_3464 = arith.addi %get3A_1, %add3A_3463 : i32
        %add3A_3465 = vector.broadcast %add3A_3464 : i32 to vector<16x512xi32>
        %add3A_3466 = arith.addi %xor3A_3460, %add3A_3465 : vector<16x512xi32>
        %add3A_3467 = arith.addi %add3A_3462, %add3A_3466 : vector<16x512xi32>
        %shift_left3A_3468 = arith.constant 13 : i32
        %shift_left3A_3469 = vector.broadcast %shift_left3A_3468 : i32 to vector<16x512xi32>
        %shift_left3A_3470 = arith.shli %add3A_3466, %shift_left3A_3469 : vector<16x512xi32>
        %shift_right_logical3A_3471 = arith.constant 19 : i32
        %shift_right_logical3A_3472 = vector.broadcast %shift_right_logical3A_3471 : i32 to vector<16x512xi32>
        %shift_right_logical3A_3473 = arith.shrui %add3A_3466, %shift_right_logical3A_3472 : vector<16x512xi32>
        %or3A_3474 = arith.ori %shift_left3A_3470, %shift_right_logical3A_3473 : vector<16x512xi32>
        %xor3A_3475 = arith.xori %add3A_3467, %or3A_3474 : vector<16x512xi32>
        %add3A_3476 = arith.addi %add3A_3467, %xor3A_3475 : vector<16x512xi32>
        %shift_left3A_3477 = arith.constant 15 : i32
        %shift_left3A_3478 = vector.broadcast %shift_left3A_3477 : i32 to vector<16x512xi32>
        %shift_left3A_3479 = arith.shli %xor3A_3475, %shift_left3A_3478 : vector<16x512xi32>
        %shift_right_logical3A_3480 = arith.constant 17 : i32
        %shift_right_logical3A_3481 = vector.broadcast %shift_right_logical3A_3480 : i32 to vector<16x512xi32>
        %shift_right_logical3A_3482 = arith.shrui %xor3A_3475, %shift_right_logical3A_3481 : vector<16x512xi32>
        %or3A_3483 = arith.ori %shift_left3A_3479, %shift_right_logical3A_3482 : vector<16x512xi32>
        %xor3A_3484 = arith.xori %add3A_3476, %or3A_3483 : vector<16x512xi32>
        %add3A_3485 = arith.addi %add3A_3476, %xor3A_3484 : vector<16x512xi32>
        %shift_left3A_3486 = arith.constant 26 : i32
        %shift_left3A_3487 = vector.broadcast %shift_left3A_3486 : i32 to vector<16x512xi32>
        %shift_left3A_3488 = arith.shli %xor3A_3484, %shift_left3A_3487 : vector<16x512xi32>
        %shift_right_logical3A_3489 = arith.constant 6 : i32
        %shift_right_logical3A_3490 = vector.broadcast %shift_right_logical3A_3489 : i32 to vector<16x512xi32>
        %shift_right_logical3A_3491 = arith.shrui %xor3A_3484, %shift_right_logical3A_3490 : vector<16x512xi32>
        %or3A_3492 = arith.ori %shift_left3A_3488, %shift_right_logical3A_3491 : vector<16x512xi32>
        %xor3A_3493 = arith.xori %add3A_3485, %or3A_3492 : vector<16x512xi32>
        %add3A_3494 = arith.addi %add3A_3485, %xor3A_3493 : vector<16x512xi32>
        %shift_left3A_3495 = arith.constant 6 : i32
        %shift_left3A_3496 = vector.broadcast %shift_left3A_3495 : i32 to vector<16x512xi32>
        %shift_left3A_3497 = arith.shli %xor3A_3493, %shift_left3A_3496 : vector<16x512xi32>
        %shift_right_logical3A_3498 = arith.constant 26 : i32
        %shift_right_logical3A_3499 = vector.broadcast %shift_right_logical3A_3498 : i32 to vector<16x512xi32>
        %shift_right_logical3A_3500 = arith.shrui %xor3A_3493, %shift_right_logical3A_3499 : vector<16x512xi32>
        %or3A_3501 = arith.ori %shift_left3A_3497, %shift_right_logical3A_3500 : vector<16x512xi32>
        %xor3A_3502 = arith.xori %add3A_3494, %or3A_3501 : vector<16x512xi32>
        %add3A_3503 = vector.broadcast %get3A_1 : i32 to vector<16x512xi32>
        %add3A_3504 = arith.addi %add3A_3494, %add3A_3503 : vector<16x512xi32>
        %add3A_3505 = arith.constant 3 : i32
        %add3A_3506 = arith.addi %get3A_4, %add3A_3505 : i32
        %add3A_3507 = vector.broadcast %add3A_3506 : i32 to vector<16x512xi32>
        %add3A_3508 = arith.addi %xor3A_3502, %add3A_3507 : vector<16x512xi32>
        %add3A_3509 = arith.addi %add3A_3504, %add3A_3508 : vector<16x512xi32>
        %shift_left3A_3510 = arith.constant 17 : i32
        %shift_left3A_3511 = vector.broadcast %shift_left3A_3510 : i32 to vector<16x512xi32>
        %shift_left3A_3512 = arith.shli %add3A_3508, %shift_left3A_3511 : vector<16x512xi32>
        %shift_right_logical3A_3513 = arith.constant 15 : i32
        %shift_right_logical3A_3514 = vector.broadcast %shift_right_logical3A_3513 : i32 to vector<16x512xi32>
        %shift_right_logical3A_3515 = arith.shrui %add3A_3508, %shift_right_logical3A_3514 : vector<16x512xi32>
        %or3A_3516 = arith.ori %shift_left3A_3512, %shift_right_logical3A_3515 : vector<16x512xi32>
        %xor3A_3517 = arith.xori %add3A_3509, %or3A_3516 : vector<16x512xi32>
        %add3A_3518 = arith.addi %add3A_3509, %xor3A_3517 : vector<16x512xi32>
        %shift_left3A_3519 = arith.constant 29 : i32
        %shift_left3A_3520 = vector.broadcast %shift_left3A_3519 : i32 to vector<16x512xi32>
        %shift_left3A_3521 = arith.shli %xor3A_3517, %shift_left3A_3520 : vector<16x512xi32>
        %shift_right_logical3A_3522 = arith.constant 3 : i32
        %shift_right_logical3A_3523 = vector.broadcast %shift_right_logical3A_3522 : i32 to vector<16x512xi32>
        %shift_right_logical3A_3524 = arith.shrui %xor3A_3517, %shift_right_logical3A_3523 : vector<16x512xi32>
        %or3A_3525 = arith.ori %shift_left3A_3521, %shift_right_logical3A_3524 : vector<16x512xi32>
        %xor3A_3526 = arith.xori %add3A_3518, %or3A_3525 : vector<16x512xi32>
        %add3A_3527 = arith.addi %add3A_3518, %xor3A_3526 : vector<16x512xi32>
        %shift_left3A_3528 = arith.constant 16 : i32
        %shift_left3A_3529 = vector.broadcast %shift_left3A_3528 : i32 to vector<16x512xi32>
        %shift_left3A_3530 = arith.shli %xor3A_3526, %shift_left3A_3529 : vector<16x512xi32>
        %shift_right_logical3A_3531 = arith.constant 16 : i32
        %shift_right_logical3A_3532 = vector.broadcast %shift_right_logical3A_3531 : i32 to vector<16x512xi32>
        %shift_right_logical3A_3533 = arith.shrui %xor3A_3526, %shift_right_logical3A_3532 : vector<16x512xi32>
        %or3A_3534 = arith.ori %shift_left3A_3530, %shift_right_logical3A_3533 : vector<16x512xi32>
        %xor3A_3535 = arith.xori %add3A_3527, %or3A_3534 : vector<16x512xi32>
        %add3A_3536 = arith.addi %add3A_3527, %xor3A_3535 : vector<16x512xi32>
        %shift_left3A_3537 = arith.constant 24 : i32
        %shift_left3A_3538 = vector.broadcast %shift_left3A_3537 : i32 to vector<16x512xi32>
        %shift_left3A_3539 = arith.shli %xor3A_3535, %shift_left3A_3538 : vector<16x512xi32>
        %shift_right_logical3A_3540 = arith.constant 8 : i32
        %shift_right_logical3A_3541 = vector.broadcast %shift_right_logical3A_3540 : i32 to vector<16x512xi32>
        %shift_right_logical3A_3542 = arith.shrui %xor3A_3535, %shift_right_logical3A_3541 : vector<16x512xi32>
        %or3A_3543 = arith.ori %shift_left3A_3539, %shift_right_logical3A_3542 : vector<16x512xi32>
        %xor3A_3544 = arith.xori %add3A_3536, %or3A_3543 : vector<16x512xi32>
        %add3A_3545 = vector.broadcast %get3A_4 : i32 to vector<16x512xi32>
        %add3A_3546 = arith.addi %add3A_3536, %add3A_3545 : vector<16x512xi32>
        %add3A_3547 = arith.constant 4 : i32
        %add3A_3548 = arith.addi %xor3A_3382, %add3A_3547 : i32
        %add3A_3549 = vector.broadcast %add3A_3548 : i32 to vector<16x512xi32>
        %add3A_3550 = arith.addi %xor3A_3544, %add3A_3549 : vector<16x512xi32>
        %add3A_3551 = arith.addi %add3A_3546, %add3A_3550 : vector<16x512xi32>
        %shift_left3A_3552 = arith.constant 13 : i32
        %shift_left3A_3553 = vector.broadcast %shift_left3A_3552 : i32 to vector<16x512xi32>
        %shift_left3A_3554 = arith.shli %add3A_3550, %shift_left3A_3553 : vector<16x512xi32>
        %shift_right_logical3A_3555 = arith.constant 19 : i32
        %shift_right_logical3A_3556 = vector.broadcast %shift_right_logical3A_3555 : i32 to vector<16x512xi32>
        %shift_right_logical3A_3557 = arith.shrui %add3A_3550, %shift_right_logical3A_3556 : vector<16x512xi32>
        %or3A_3558 = arith.ori %shift_left3A_3554, %shift_right_logical3A_3557 : vector<16x512xi32>
        %xor3A_3559 = arith.xori %add3A_3551, %or3A_3558 : vector<16x512xi32>
        %add3A_3560 = arith.addi %add3A_3551, %xor3A_3559 : vector<16x512xi32>
        %shift_left3A_3561 = arith.constant 15 : i32
        %shift_left3A_3562 = vector.broadcast %shift_left3A_3561 : i32 to vector<16x512xi32>
        %shift_left3A_3563 = arith.shli %xor3A_3559, %shift_left3A_3562 : vector<16x512xi32>
        %shift_right_logical3A_3564 = arith.constant 17 : i32
        %shift_right_logical3A_3565 = vector.broadcast %shift_right_logical3A_3564 : i32 to vector<16x512xi32>
        %shift_right_logical3A_3566 = arith.shrui %xor3A_3559, %shift_right_logical3A_3565 : vector<16x512xi32>
        %or3A_3567 = arith.ori %shift_left3A_3563, %shift_right_logical3A_3566 : vector<16x512xi32>
        %xor3A_3568 = arith.xori %add3A_3560, %or3A_3567 : vector<16x512xi32>
        %add3A_3569 = arith.addi %add3A_3560, %xor3A_3568 : vector<16x512xi32>
        %shift_left3A_3570 = arith.constant 26 : i32
        %shift_left3A_3571 = vector.broadcast %shift_left3A_3570 : i32 to vector<16x512xi32>
        %shift_left3A_3572 = arith.shli %xor3A_3568, %shift_left3A_3571 : vector<16x512xi32>
        %shift_right_logical3A_3573 = arith.constant 6 : i32
        %shift_right_logical3A_3574 = vector.broadcast %shift_right_logical3A_3573 : i32 to vector<16x512xi32>
        %shift_right_logical3A_3575 = arith.shrui %xor3A_3568, %shift_right_logical3A_3574 : vector<16x512xi32>
        %or3A_3576 = arith.ori %shift_left3A_3572, %shift_right_logical3A_3575 : vector<16x512xi32>
        %xor3A_3577 = arith.xori %add3A_3569, %or3A_3576 : vector<16x512xi32>
        %add3A_3578 = arith.addi %add3A_3569, %xor3A_3577 : vector<16x512xi32>
        %shift_left3A_3579 = arith.constant 6 : i32
        %shift_left3A_3580 = vector.broadcast %shift_left3A_3579 : i32 to vector<16x512xi32>
        %shift_left3A_3581 = arith.shli %xor3A_3577, %shift_left3A_3580 : vector<16x512xi32>
        %shift_right_logical3A_3582 = arith.constant 26 : i32
        %shift_right_logical3A_3583 = vector.broadcast %shift_right_logical3A_3582 : i32 to vector<16x512xi32>
        %shift_right_logical3A_3584 = arith.shrui %xor3A_3577, %shift_right_logical3A_3583 : vector<16x512xi32>
        %or3A_3585 = arith.ori %shift_left3A_3581, %shift_right_logical3A_3584 : vector<16x512xi32>
        %xor3A_3586 = arith.xori %add3A_3578, %or3A_3585 : vector<16x512xi32>
        %add3A_3587 = vector.broadcast %xor3A_3382 : i32 to vector<16x512xi32>
        %add3A_3588 = arith.addi %add3A_3578, %add3A_3587 : vector<16x512xi32>
        %add3A_3589 = arith.constant 5 : i32
        %add3A_3590 = arith.addi %get3A_1, %add3A_3589 : i32
        %add3A_3591 = vector.broadcast %add3A_3590 : i32 to vector<16x512xi32>
        %add3A_3592 = arith.addi %xor3A_3586, %add3A_3591 : vector<16x512xi32>
        %xor3A_3593 = arith.xori %add3A_3588, %add3A_3592 : vector<16x512xi32>
        %shift_right_logical3A_3594 = arith.constant 9 : i32
        %shift_right_logical3A_3595 = vector.broadcast %shift_right_logical3A_3594 : i32 to vector<16x512xi32>
        %shift_right_logical3A_3596 = arith.shrui %xor3A_3593, %shift_right_logical3A_3595 : vector<16x512xi32>
        %or3A_3597 = arith.constant 1065353216 : i32
        %or3A_3598 = vector.broadcast %or3A_3597 : i32 to vector<16x512xi32>
        %or3A_3599 = arith.ori %shift_right_logical3A_3596, %or3A_3598 : vector<16x512xi32>
        %bitcast_convert_type3A_3600 = tpu.bitcast %or3A_3599 : vector<16x512xi32> -> vector<16x512xf32>
        %sub3A_3601 = arith.constant 1.000000e+00 : f32
        %sub3A_3602 = vector.broadcast %sub3A_3601 : f32 to vector<16x512xf32>
        %sub3A_3603 = arith.subf %bitcast_convert_type3A_3600, %sub3A_3602 : vector<16x512xf32>
        %max3A_3604 = arith.constant 1.17549435E-38 : f32
        %max3A_3605 = vector.broadcast %max3A_3604 : f32 to vector<16x512xf32>
        %max3A_3606 = arith.maximumf %sub3A_3603, %max3A_3605 : vector<16x512xf32>
        %mul3A_3607 = arith.constant 512 : i32
        %mul3A_3608 = arith.muli %scan3A_3371, %mul3A_3607 : i32
        %get3A_3609 = arith.constant 0 : index
        %get3A_3610 = arith.constant 0 : index
        %get3A_3611 = arith.index_cast %mul3A_3608 : i32 to index
        %get3A_3612 = vector.load %arg3[%get3A_3609, %get3A_3610, %get3A_3611] : memref<1x1x200192xf32, #tpu.memory_space<vmem>>, vector<1x1x512xf32>
        %get3A_3613 = vector.shape_cast %get3A_3612 : vector<1x1x512xf32> to vector<512xf32>
        %reshape3A_3614 = vector.shape_cast %get3A_3613 : vector<512xf32> to vector<1x512xf32>
        %log3A_3615 = math.log %max3A_3606 : vector<16x512xf32>
        %neg3A_3616 = arith.constant 0.000000e+00 : f32
        %neg3A_3617 = vector.broadcast %neg3A_3616 : f32 to vector<16x512xf32>
        %neg3A_3618 = arith.subf %neg3A_3617, %log3A_3615 : vector<16x512xf32>
        %log3A_3619 = math.log %neg3A_3618 : vector<16x512xf32>
        %sub3A_3620 = vector.broadcast %reshape3A_3614 : vector<1x512xf32> to vector<16x512xf32>
        %sub3A_3621 = arith.subf %sub3A_3620, %log3A_3619 : vector<16x512xf32>
        %gt3A_3622 = arith.cmpf ogt, %sub3A_3621, %select_n3A_3367 : vector<16x512xf32>
        %select_n3A_3623 = arith.select %gt3A_3622, %sub3A_3621, %select_n3A_3367 : vector<16x512xi1>, vector<16x512xf32>
        %broadcast_in_dim3A_3624 = vector.broadcast %scan3A_3371 : i32 to vector<16x512xi32>
        %select_n3A_3625 = arith.select %gt3A_3622, %broadcast_in_dim3A_3624, %select_n3A_3369 : vector<16x512xi1>, vector<16x512xi32>
        %scan3A_3626 = arith.constant 14 : i32
        %scan3A_3627 = arith.addi %scan3A_53, %scan3A_3626 : i32
        %mul3A_3628 = arith.constant 512 : i32
        %mul3A_3629 = arith.muli %mul3A_3628, %scan3A_3627 : i32
        %add3A_3630 = vector.broadcast %mul3A_3629 : i32 to vector<16x512xi32>
        %add3A_3631 = arith.addi %add3A_26, %add3A_3630 : vector<16x512xi32>
        %lt3A_3632 = arith.cmpi ult, %add3A_3631, %mul3A_18 : vector<16x512xi32>
        %select_n3A_3633 = arith.select %lt3A_3632, %add3A_25, %add3A_22 : vector<16x512xi1>, vector<16x512xi32>
        %add3A_3634 = vector.broadcast %get3A_4 : i32 to vector<16x512xi32>
        %add3A_3635 = arith.addi %add3A_3631, %add3A_3634 : vector<16x512xi32>
        %xor3A_3636 = arith.xori %get3A_1, %get3A_4 : i32
        %xor3A_3637 = arith.constant 466688986 : i32
        %xor3A_3638 = arith.xori %xor3A_3636, %xor3A_3637 : i32
        %add3A_3639 = arith.addi %select_n3A_3633, %add3A_3635 : vector<16x512xi32>
        %shift_left3A_3640 = arith.constant 13 : i32
        %shift_left3A_3641 = vector.broadcast %shift_left3A_3640 : i32 to vector<16x512xi32>
        %shift_left3A_3642 = arith.shli %add3A_3635, %shift_left3A_3641 : vector<16x512xi32>
        %shift_right_logical3A_3643 = arith.constant 19 : i32
        %shift_right_logical3A_3644 = vector.broadcast %shift_right_logical3A_3643 : i32 to vector<16x512xi32>
        %shift_right_logical3A_3645 = arith.shrui %add3A_3635, %shift_right_logical3A_3644 : vector<16x512xi32>
        %or3A_3646 = arith.ori %shift_left3A_3642, %shift_right_logical3A_3645 : vector<16x512xi32>
        %xor3A_3647 = arith.xori %add3A_3639, %or3A_3646 : vector<16x512xi32>
        %add3A_3648 = arith.addi %add3A_3639, %xor3A_3647 : vector<16x512xi32>
        %shift_left3A_3649 = arith.constant 15 : i32
        %shift_left3A_3650 = vector.broadcast %shift_left3A_3649 : i32 to vector<16x512xi32>
        %shift_left3A_3651 = arith.shli %xor3A_3647, %shift_left3A_3650 : vector<16x512xi32>
        %shift_right_logical3A_3652 = arith.constant 17 : i32
        %shift_right_logical3A_3653 = vector.broadcast %shift_right_logical3A_3652 : i32 to vector<16x512xi32>
        %shift_right_logical3A_3654 = arith.shrui %xor3A_3647, %shift_right_logical3A_3653 : vector<16x512xi32>
        %or3A_3655 = arith.ori %shift_left3A_3651, %shift_right_logical3A_3654 : vector<16x512xi32>
        %xor3A_3656 = arith.xori %add3A_3648, %or3A_3655 : vector<16x512xi32>
        %add3A_3657 = arith.addi %add3A_3648, %xor3A_3656 : vector<16x512xi32>
        %shift_left3A_3658 = arith.constant 26 : i32
        %shift_left3A_3659 = vector.broadcast %shift_left3A_3658 : i32 to vector<16x512xi32>
        %shift_left3A_3660 = arith.shli %xor3A_3656, %shift_left3A_3659 : vector<16x512xi32>
        %shift_right_logical3A_3661 = arith.constant 6 : i32
        %shift_right_logical3A_3662 = vector.broadcast %shift_right_logical3A_3661 : i32 to vector<16x512xi32>
        %shift_right_logical3A_3663 = arith.shrui %xor3A_3656, %shift_right_logical3A_3662 : vector<16x512xi32>
        %or3A_3664 = arith.ori %shift_left3A_3660, %shift_right_logical3A_3663 : vector<16x512xi32>
        %xor3A_3665 = arith.xori %add3A_3657, %or3A_3664 : vector<16x512xi32>
        %add3A_3666 = arith.addi %add3A_3657, %xor3A_3665 : vector<16x512xi32>
        %shift_left3A_3667 = arith.constant 6 : i32
        %shift_left3A_3668 = vector.broadcast %shift_left3A_3667 : i32 to vector<16x512xi32>
        %shift_left3A_3669 = arith.shli %xor3A_3665, %shift_left3A_3668 : vector<16x512xi32>
        %shift_right_logical3A_3670 = arith.constant 26 : i32
        %shift_right_logical3A_3671 = vector.broadcast %shift_right_logical3A_3670 : i32 to vector<16x512xi32>
        %shift_right_logical3A_3672 = arith.shrui %xor3A_3665, %shift_right_logical3A_3671 : vector<16x512xi32>
        %or3A_3673 = arith.ori %shift_left3A_3669, %shift_right_logical3A_3672 : vector<16x512xi32>
        %xor3A_3674 = arith.xori %add3A_3666, %or3A_3673 : vector<16x512xi32>
        %add3A_3675 = vector.broadcast %get3A_4 : i32 to vector<16x512xi32>
        %add3A_3676 = arith.addi %add3A_3666, %add3A_3675 : vector<16x512xi32>
        %add3A_3677 = arith.constant 1 : i32
        %add3A_3678 = arith.addi %xor3A_3638, %add3A_3677 : i32
        %add3A_3679 = vector.broadcast %add3A_3678 : i32 to vector<16x512xi32>
        %add3A_3680 = arith.addi %xor3A_3674, %add3A_3679 : vector<16x512xi32>
        %add3A_3681 = arith.addi %add3A_3676, %add3A_3680 : vector<16x512xi32>
        %shift_left3A_3682 = arith.constant 17 : i32
        %shift_left3A_3683 = vector.broadcast %shift_left3A_3682 : i32 to vector<16x512xi32>
        %shift_left3A_3684 = arith.shli %add3A_3680, %shift_left3A_3683 : vector<16x512xi32>
        %shift_right_logical3A_3685 = arith.constant 15 : i32
        %shift_right_logical3A_3686 = vector.broadcast %shift_right_logical3A_3685 : i32 to vector<16x512xi32>
        %shift_right_logical3A_3687 = arith.shrui %add3A_3680, %shift_right_logical3A_3686 : vector<16x512xi32>
        %or3A_3688 = arith.ori %shift_left3A_3684, %shift_right_logical3A_3687 : vector<16x512xi32>
        %xor3A_3689 = arith.xori %add3A_3681, %or3A_3688 : vector<16x512xi32>
        %add3A_3690 = arith.addi %add3A_3681, %xor3A_3689 : vector<16x512xi32>
        %shift_left3A_3691 = arith.constant 29 : i32
        %shift_left3A_3692 = vector.broadcast %shift_left3A_3691 : i32 to vector<16x512xi32>
        %shift_left3A_3693 = arith.shli %xor3A_3689, %shift_left3A_3692 : vector<16x512xi32>
        %shift_right_logical3A_3694 = arith.constant 3 : i32
        %shift_right_logical3A_3695 = vector.broadcast %shift_right_logical3A_3694 : i32 to vector<16x512xi32>
        %shift_right_logical3A_3696 = arith.shrui %xor3A_3689, %shift_right_logical3A_3695 : vector<16x512xi32>
        %or3A_3697 = arith.ori %shift_left3A_3693, %shift_right_logical3A_3696 : vector<16x512xi32>
        %xor3A_3698 = arith.xori %add3A_3690, %or3A_3697 : vector<16x512xi32>
        %add3A_3699 = arith.addi %add3A_3690, %xor3A_3698 : vector<16x512xi32>
        %shift_left3A_3700 = arith.constant 16 : i32
        %shift_left3A_3701 = vector.broadcast %shift_left3A_3700 : i32 to vector<16x512xi32>
        %shift_left3A_3702 = arith.shli %xor3A_3698, %shift_left3A_3701 : vector<16x512xi32>
        %shift_right_logical3A_3703 = arith.constant 16 : i32
        %shift_right_logical3A_3704 = vector.broadcast %shift_right_logical3A_3703 : i32 to vector<16x512xi32>
        %shift_right_logical3A_3705 = arith.shrui %xor3A_3698, %shift_right_logical3A_3704 : vector<16x512xi32>
        %or3A_3706 = arith.ori %shift_left3A_3702, %shift_right_logical3A_3705 : vector<16x512xi32>
        %xor3A_3707 = arith.xori %add3A_3699, %or3A_3706 : vector<16x512xi32>
        %add3A_3708 = arith.addi %add3A_3699, %xor3A_3707 : vector<16x512xi32>
        %shift_left3A_3709 = arith.constant 24 : i32
        %shift_left3A_3710 = vector.broadcast %shift_left3A_3709 : i32 to vector<16x512xi32>
        %shift_left3A_3711 = arith.shli %xor3A_3707, %shift_left3A_3710 : vector<16x512xi32>
        %shift_right_logical3A_3712 = arith.constant 8 : i32
        %shift_right_logical3A_3713 = vector.broadcast %shift_right_logical3A_3712 : i32 to vector<16x512xi32>
        %shift_right_logical3A_3714 = arith.shrui %xor3A_3707, %shift_right_logical3A_3713 : vector<16x512xi32>
        %or3A_3715 = arith.ori %shift_left3A_3711, %shift_right_logical3A_3714 : vector<16x512xi32>
        %xor3A_3716 = arith.xori %add3A_3708, %or3A_3715 : vector<16x512xi32>
        %add3A_3717 = vector.broadcast %xor3A_3638 : i32 to vector<16x512xi32>
        %add3A_3718 = arith.addi %add3A_3708, %add3A_3717 : vector<16x512xi32>
        %add3A_3719 = arith.constant 2 : i32
        %add3A_3720 = arith.addi %get3A_1, %add3A_3719 : i32
        %add3A_3721 = vector.broadcast %add3A_3720 : i32 to vector<16x512xi32>
        %add3A_3722 = arith.addi %xor3A_3716, %add3A_3721 : vector<16x512xi32>
        %add3A_3723 = arith.addi %add3A_3718, %add3A_3722 : vector<16x512xi32>
        %shift_left3A_3724 = arith.constant 13 : i32
        %shift_left3A_3725 = vector.broadcast %shift_left3A_3724 : i32 to vector<16x512xi32>
        %shift_left3A_3726 = arith.shli %add3A_3722, %shift_left3A_3725 : vector<16x512xi32>
        %shift_right_logical3A_3727 = arith.constant 19 : i32
        %shift_right_logical3A_3728 = vector.broadcast %shift_right_logical3A_3727 : i32 to vector<16x512xi32>
        %shift_right_logical3A_3729 = arith.shrui %add3A_3722, %shift_right_logical3A_3728 : vector<16x512xi32>
        %or3A_3730 = arith.ori %shift_left3A_3726, %shift_right_logical3A_3729 : vector<16x512xi32>
        %xor3A_3731 = arith.xori %add3A_3723, %or3A_3730 : vector<16x512xi32>
        %add3A_3732 = arith.addi %add3A_3723, %xor3A_3731 : vector<16x512xi32>
        %shift_left3A_3733 = arith.constant 15 : i32
        %shift_left3A_3734 = vector.broadcast %shift_left3A_3733 : i32 to vector<16x512xi32>
        %shift_left3A_3735 = arith.shli %xor3A_3731, %shift_left3A_3734 : vector<16x512xi32>
        %shift_right_logical3A_3736 = arith.constant 17 : i32
        %shift_right_logical3A_3737 = vector.broadcast %shift_right_logical3A_3736 : i32 to vector<16x512xi32>
        %shift_right_logical3A_3738 = arith.shrui %xor3A_3731, %shift_right_logical3A_3737 : vector<16x512xi32>
        %or3A_3739 = arith.ori %shift_left3A_3735, %shift_right_logical3A_3738 : vector<16x512xi32>
        %xor3A_3740 = arith.xori %add3A_3732, %or3A_3739 : vector<16x512xi32>
        %add3A_3741 = arith.addi %add3A_3732, %xor3A_3740 : vector<16x512xi32>
        %shift_left3A_3742 = arith.constant 26 : i32
        %shift_left3A_3743 = vector.broadcast %shift_left3A_3742 : i32 to vector<16x512xi32>
        %shift_left3A_3744 = arith.shli %xor3A_3740, %shift_left3A_3743 : vector<16x512xi32>
        %shift_right_logical3A_3745 = arith.constant 6 : i32
        %shift_right_logical3A_3746 = vector.broadcast %shift_right_logical3A_3745 : i32 to vector<16x512xi32>
        %shift_right_logical3A_3747 = arith.shrui %xor3A_3740, %shift_right_logical3A_3746 : vector<16x512xi32>
        %or3A_3748 = arith.ori %shift_left3A_3744, %shift_right_logical3A_3747 : vector<16x512xi32>
        %xor3A_3749 = arith.xori %add3A_3741, %or3A_3748 : vector<16x512xi32>
        %add3A_3750 = arith.addi %add3A_3741, %xor3A_3749 : vector<16x512xi32>
        %shift_left3A_3751 = arith.constant 6 : i32
        %shift_left3A_3752 = vector.broadcast %shift_left3A_3751 : i32 to vector<16x512xi32>
        %shift_left3A_3753 = arith.shli %xor3A_3749, %shift_left3A_3752 : vector<16x512xi32>
        %shift_right_logical3A_3754 = arith.constant 26 : i32
        %shift_right_logical3A_3755 = vector.broadcast %shift_right_logical3A_3754 : i32 to vector<16x512xi32>
        %shift_right_logical3A_3756 = arith.shrui %xor3A_3749, %shift_right_logical3A_3755 : vector<16x512xi32>
        %or3A_3757 = arith.ori %shift_left3A_3753, %shift_right_logical3A_3756 : vector<16x512xi32>
        %xor3A_3758 = arith.xori %add3A_3750, %or3A_3757 : vector<16x512xi32>
        %add3A_3759 = vector.broadcast %get3A_1 : i32 to vector<16x512xi32>
        %add3A_3760 = arith.addi %add3A_3750, %add3A_3759 : vector<16x512xi32>
        %add3A_3761 = arith.constant 3 : i32
        %add3A_3762 = arith.addi %get3A_4, %add3A_3761 : i32
        %add3A_3763 = vector.broadcast %add3A_3762 : i32 to vector<16x512xi32>
        %add3A_3764 = arith.addi %xor3A_3758, %add3A_3763 : vector<16x512xi32>
        %add3A_3765 = arith.addi %add3A_3760, %add3A_3764 : vector<16x512xi32>
        %shift_left3A_3766 = arith.constant 17 : i32
        %shift_left3A_3767 = vector.broadcast %shift_left3A_3766 : i32 to vector<16x512xi32>
        %shift_left3A_3768 = arith.shli %add3A_3764, %shift_left3A_3767 : vector<16x512xi32>
        %shift_right_logical3A_3769 = arith.constant 15 : i32
        %shift_right_logical3A_3770 = vector.broadcast %shift_right_logical3A_3769 : i32 to vector<16x512xi32>
        %shift_right_logical3A_3771 = arith.shrui %add3A_3764, %shift_right_logical3A_3770 : vector<16x512xi32>
        %or3A_3772 = arith.ori %shift_left3A_3768, %shift_right_logical3A_3771 : vector<16x512xi32>
        %xor3A_3773 = arith.xori %add3A_3765, %or3A_3772 : vector<16x512xi32>
        %add3A_3774 = arith.addi %add3A_3765, %xor3A_3773 : vector<16x512xi32>
        %shift_left3A_3775 = arith.constant 29 : i32
        %shift_left3A_3776 = vector.broadcast %shift_left3A_3775 : i32 to vector<16x512xi32>
        %shift_left3A_3777 = arith.shli %xor3A_3773, %shift_left3A_3776 : vector<16x512xi32>
        %shift_right_logical3A_3778 = arith.constant 3 : i32
        %shift_right_logical3A_3779 = vector.broadcast %shift_right_logical3A_3778 : i32 to vector<16x512xi32>
        %shift_right_logical3A_3780 = arith.shrui %xor3A_3773, %shift_right_logical3A_3779 : vector<16x512xi32>
        %or3A_3781 = arith.ori %shift_left3A_3777, %shift_right_logical3A_3780 : vector<16x512xi32>
        %xor3A_3782 = arith.xori %add3A_3774, %or3A_3781 : vector<16x512xi32>
        %add3A_3783 = arith.addi %add3A_3774, %xor3A_3782 : vector<16x512xi32>
        %shift_left3A_3784 = arith.constant 16 : i32
        %shift_left3A_3785 = vector.broadcast %shift_left3A_3784 : i32 to vector<16x512xi32>
        %shift_left3A_3786 = arith.shli %xor3A_3782, %shift_left3A_3785 : vector<16x512xi32>
        %shift_right_logical3A_3787 = arith.constant 16 : i32
        %shift_right_logical3A_3788 = vector.broadcast %shift_right_logical3A_3787 : i32 to vector<16x512xi32>
        %shift_right_logical3A_3789 = arith.shrui %xor3A_3782, %shift_right_logical3A_3788 : vector<16x512xi32>
        %or3A_3790 = arith.ori %shift_left3A_3786, %shift_right_logical3A_3789 : vector<16x512xi32>
        %xor3A_3791 = arith.xori %add3A_3783, %or3A_3790 : vector<16x512xi32>
        %add3A_3792 = arith.addi %add3A_3783, %xor3A_3791 : vector<16x512xi32>
        %shift_left3A_3793 = arith.constant 24 : i32
        %shift_left3A_3794 = vector.broadcast %shift_left3A_3793 : i32 to vector<16x512xi32>
        %shift_left3A_3795 = arith.shli %xor3A_3791, %shift_left3A_3794 : vector<16x512xi32>
        %shift_right_logical3A_3796 = arith.constant 8 : i32
        %shift_right_logical3A_3797 = vector.broadcast %shift_right_logical3A_3796 : i32 to vector<16x512xi32>
        %shift_right_logical3A_3798 = arith.shrui %xor3A_3791, %shift_right_logical3A_3797 : vector<16x512xi32>
        %or3A_3799 = arith.ori %shift_left3A_3795, %shift_right_logical3A_3798 : vector<16x512xi32>
        %xor3A_3800 = arith.xori %add3A_3792, %or3A_3799 : vector<16x512xi32>
        %add3A_3801 = vector.broadcast %get3A_4 : i32 to vector<16x512xi32>
        %add3A_3802 = arith.addi %add3A_3792, %add3A_3801 : vector<16x512xi32>
        %add3A_3803 = arith.constant 4 : i32
        %add3A_3804 = arith.addi %xor3A_3638, %add3A_3803 : i32
        %add3A_3805 = vector.broadcast %add3A_3804 : i32 to vector<16x512xi32>
        %add3A_3806 = arith.addi %xor3A_3800, %add3A_3805 : vector<16x512xi32>
        %add3A_3807 = arith.addi %add3A_3802, %add3A_3806 : vector<16x512xi32>
        %shift_left3A_3808 = arith.constant 13 : i32
        %shift_left3A_3809 = vector.broadcast %shift_left3A_3808 : i32 to vector<16x512xi32>
        %shift_left3A_3810 = arith.shli %add3A_3806, %shift_left3A_3809 : vector<16x512xi32>
        %shift_right_logical3A_3811 = arith.constant 19 : i32
        %shift_right_logical3A_3812 = vector.broadcast %shift_right_logical3A_3811 : i32 to vector<16x512xi32>
        %shift_right_logical3A_3813 = arith.shrui %add3A_3806, %shift_right_logical3A_3812 : vector<16x512xi32>
        %or3A_3814 = arith.ori %shift_left3A_3810, %shift_right_logical3A_3813 : vector<16x512xi32>
        %xor3A_3815 = arith.xori %add3A_3807, %or3A_3814 : vector<16x512xi32>
        %add3A_3816 = arith.addi %add3A_3807, %xor3A_3815 : vector<16x512xi32>
        %shift_left3A_3817 = arith.constant 15 : i32
        %shift_left3A_3818 = vector.broadcast %shift_left3A_3817 : i32 to vector<16x512xi32>
        %shift_left3A_3819 = arith.shli %xor3A_3815, %shift_left3A_3818 : vector<16x512xi32>
        %shift_right_logical3A_3820 = arith.constant 17 : i32
        %shift_right_logical3A_3821 = vector.broadcast %shift_right_logical3A_3820 : i32 to vector<16x512xi32>
        %shift_right_logical3A_3822 = arith.shrui %xor3A_3815, %shift_right_logical3A_3821 : vector<16x512xi32>
        %or3A_3823 = arith.ori %shift_left3A_3819, %shift_right_logical3A_3822 : vector<16x512xi32>
        %xor3A_3824 = arith.xori %add3A_3816, %or3A_3823 : vector<16x512xi32>
        %add3A_3825 = arith.addi %add3A_3816, %xor3A_3824 : vector<16x512xi32>
        %shift_left3A_3826 = arith.constant 26 : i32
        %shift_left3A_3827 = vector.broadcast %shift_left3A_3826 : i32 to vector<16x512xi32>
        %shift_left3A_3828 = arith.shli %xor3A_3824, %shift_left3A_3827 : vector<16x512xi32>
        %shift_right_logical3A_3829 = arith.constant 6 : i32
        %shift_right_logical3A_3830 = vector.broadcast %shift_right_logical3A_3829 : i32 to vector<16x512xi32>
        %shift_right_logical3A_3831 = arith.shrui %xor3A_3824, %shift_right_logical3A_3830 : vector<16x512xi32>
        %or3A_3832 = arith.ori %shift_left3A_3828, %shift_right_logical3A_3831 : vector<16x512xi32>
        %xor3A_3833 = arith.xori %add3A_3825, %or3A_3832 : vector<16x512xi32>
        %add3A_3834 = arith.addi %add3A_3825, %xor3A_3833 : vector<16x512xi32>
        %shift_left3A_3835 = arith.constant 6 : i32
        %shift_left3A_3836 = vector.broadcast %shift_left3A_3835 : i32 to vector<16x512xi32>
        %shift_left3A_3837 = arith.shli %xor3A_3833, %shift_left3A_3836 : vector<16x512xi32>
        %shift_right_logical3A_3838 = arith.constant 26 : i32
        %shift_right_logical3A_3839 = vector.broadcast %shift_right_logical3A_3838 : i32 to vector<16x512xi32>
        %shift_right_logical3A_3840 = arith.shrui %xor3A_3833, %shift_right_logical3A_3839 : vector<16x512xi32>
        %or3A_3841 = arith.ori %shift_left3A_3837, %shift_right_logical3A_3840 : vector<16x512xi32>
        %xor3A_3842 = arith.xori %add3A_3834, %or3A_3841 : vector<16x512xi32>
        %add3A_3843 = vector.broadcast %xor3A_3638 : i32 to vector<16x512xi32>
        %add3A_3844 = arith.addi %add3A_3834, %add3A_3843 : vector<16x512xi32>
        %add3A_3845 = arith.constant 5 : i32
        %add3A_3846 = arith.addi %get3A_1, %add3A_3845 : i32
        %add3A_3847 = vector.broadcast %add3A_3846 : i32 to vector<16x512xi32>
        %add3A_3848 = arith.addi %xor3A_3842, %add3A_3847 : vector<16x512xi32>
        %xor3A_3849 = arith.xori %add3A_3844, %add3A_3848 : vector<16x512xi32>
        %shift_right_logical3A_3850 = arith.constant 9 : i32
        %shift_right_logical3A_3851 = vector.broadcast %shift_right_logical3A_3850 : i32 to vector<16x512xi32>
        %shift_right_logical3A_3852 = arith.shrui %xor3A_3849, %shift_right_logical3A_3851 : vector<16x512xi32>
        %or3A_3853 = arith.constant 1065353216 : i32
        %or3A_3854 = vector.broadcast %or3A_3853 : i32 to vector<16x512xi32>
        %or3A_3855 = arith.ori %shift_right_logical3A_3852, %or3A_3854 : vector<16x512xi32>
        %bitcast_convert_type3A_3856 = tpu.bitcast %or3A_3855 : vector<16x512xi32> -> vector<16x512xf32>
        %sub3A_3857 = arith.constant 1.000000e+00 : f32
        %sub3A_3858 = vector.broadcast %sub3A_3857 : f32 to vector<16x512xf32>
        %sub3A_3859 = arith.subf %bitcast_convert_type3A_3856, %sub3A_3858 : vector<16x512xf32>
        %max3A_3860 = arith.constant 1.17549435E-38 : f32
        %max3A_3861 = vector.broadcast %max3A_3860 : f32 to vector<16x512xf32>
        %max3A_3862 = arith.maximumf %sub3A_3859, %max3A_3861 : vector<16x512xf32>
        %mul3A_3863 = arith.constant 512 : i32
        %mul3A_3864 = arith.muli %scan3A_3627, %mul3A_3863 : i32
        %get3A_3865 = arith.constant 0 : index
        %get3A_3866 = arith.constant 0 : index
        %get3A_3867 = arith.index_cast %mul3A_3864 : i32 to index
        %get3A_3868 = vector.load %arg3[%get3A_3865, %get3A_3866, %get3A_3867] : memref<1x1x200192xf32, #tpu.memory_space<vmem>>, vector<1x1x512xf32>
        %get3A_3869 = vector.shape_cast %get3A_3868 : vector<1x1x512xf32> to vector<512xf32>
        %reshape3A_3870 = vector.shape_cast %get3A_3869 : vector<512xf32> to vector<1x512xf32>
        %log3A_3871 = math.log %max3A_3862 : vector<16x512xf32>
        %neg3A_3872 = arith.constant 0.000000e+00 : f32
        %neg3A_3873 = vector.broadcast %neg3A_3872 : f32 to vector<16x512xf32>
        %neg3A_3874 = arith.subf %neg3A_3873, %log3A_3871 : vector<16x512xf32>
        %log3A_3875 = math.log %neg3A_3874 : vector<16x512xf32>
        %sub3A_3876 = vector.broadcast %reshape3A_3870 : vector<1x512xf32> to vector<16x512xf32>
        %sub3A_3877 = arith.subf %sub3A_3876, %log3A_3875 : vector<16x512xf32>
        %gt3A_3878 = arith.cmpf ogt, %sub3A_3877, %select_n3A_3623 : vector<16x512xf32>
        %select_n3A_3879 = arith.select %gt3A_3878, %sub3A_3877, %select_n3A_3623 : vector<16x512xi1>, vector<16x512xf32>
        %broadcast_in_dim3A_3880 = vector.broadcast %scan3A_3627 : i32 to vector<16x512xi32>
        %select_n3A_3881 = arith.select %gt3A_3878, %broadcast_in_dim3A_3880, %select_n3A_3625 : vector<16x512xi1>, vector<16x512xi32>
        %scan3A_3882 = arith.constant 15 : i32
        %scan3A_3883 = arith.addi %scan3A_53, %scan3A_3882 : i32
        %mul3A_3884 = arith.constant 512 : i32
        %mul3A_3885 = arith.muli %mul3A_3884, %scan3A_3883 : i32
        %add3A_3886 = vector.broadcast %mul3A_3885 : i32 to vector<16x512xi32>
        %add3A_3887 = arith.addi %add3A_26, %add3A_3886 : vector<16x512xi32>
        %lt3A_3888 = arith.cmpi ult, %add3A_3887, %mul3A_18 : vector<16x512xi32>
        %select_n3A_3889 = arith.select %lt3A_3888, %add3A_25, %add3A_22 : vector<16x512xi1>, vector<16x512xi32>
        %add3A_3890 = vector.broadcast %get3A_4 : i32 to vector<16x512xi32>
        %add3A_3891 = arith.addi %add3A_3887, %add3A_3890 : vector<16x512xi32>
        %xor3A_3892 = arith.xori %get3A_1, %get3A_4 : i32
        %xor3A_3893 = arith.constant 466688986 : i32
        %xor3A_3894 = arith.xori %xor3A_3892, %xor3A_3893 : i32
        %add3A_3895 = arith.addi %select_n3A_3889, %add3A_3891 : vector<16x512xi32>
        %shift_left3A_3896 = arith.constant 13 : i32
        %shift_left3A_3897 = vector.broadcast %shift_left3A_3896 : i32 to vector<16x512xi32>
        %shift_left3A_3898 = arith.shli %add3A_3891, %shift_left3A_3897 : vector<16x512xi32>
        %shift_right_logical3A_3899 = arith.constant 19 : i32
        %shift_right_logical3A_3900 = vector.broadcast %shift_right_logical3A_3899 : i32 to vector<16x512xi32>
        %shift_right_logical3A_3901 = arith.shrui %add3A_3891, %shift_right_logical3A_3900 : vector<16x512xi32>
        %or3A_3902 = arith.ori %shift_left3A_3898, %shift_right_logical3A_3901 : vector<16x512xi32>
        %xor3A_3903 = arith.xori %add3A_3895, %or3A_3902 : vector<16x512xi32>
        %add3A_3904 = arith.addi %add3A_3895, %xor3A_3903 : vector<16x512xi32>
        %shift_left3A_3905 = arith.constant 15 : i32
        %shift_left3A_3906 = vector.broadcast %shift_left3A_3905 : i32 to vector<16x512xi32>
        %shift_left3A_3907 = arith.shli %xor3A_3903, %shift_left3A_3906 : vector<16x512xi32>
        %shift_right_logical3A_3908 = arith.constant 17 : i32
        %shift_right_logical3A_3909 = vector.broadcast %shift_right_logical3A_3908 : i32 to vector<16x512xi32>
        %shift_right_logical3A_3910 = arith.shrui %xor3A_3903, %shift_right_logical3A_3909 : vector<16x512xi32>
        %or3A_3911 = arith.ori %shift_left3A_3907, %shift_right_logical3A_3910 : vector<16x512xi32>
        %xor3A_3912 = arith.xori %add3A_3904, %or3A_3911 : vector<16x512xi32>
        %add3A_3913 = arith.addi %add3A_3904, %xor3A_3912 : vector<16x512xi32>
        %shift_left3A_3914 = arith.constant 26 : i32
        %shift_left3A_3915 = vector.broadcast %shift_left3A_3914 : i32 to vector<16x512xi32>
        %shift_left3A_3916 = arith.shli %xor3A_3912, %shift_left3A_3915 : vector<16x512xi32>
        %shift_right_logical3A_3917 = arith.constant 6 : i32
        %shift_right_logical3A_3918 = vector.broadcast %shift_right_logical3A_3917 : i32 to vector<16x512xi32>
        %shift_right_logical3A_3919 = arith.shrui %xor3A_3912, %shift_right_logical3A_3918 : vector<16x512xi32>
        %or3A_3920 = arith.ori %shift_left3A_3916, %shift_right_logical3A_3919 : vector<16x512xi32>
        %xor3A_3921 = arith.xori %add3A_3913, %or3A_3920 : vector<16x512xi32>
        %add3A_3922 = arith.addi %add3A_3913, %xor3A_3921 : vector<16x512xi32>
        %shift_left3A_3923 = arith.constant 6 : i32
        %shift_left3A_3924 = vector.broadcast %shift_left3A_3923 : i32 to vector<16x512xi32>
        %shift_left3A_3925 = arith.shli %xor3A_3921, %shift_left3A_3924 : vector<16x512xi32>
        %shift_right_logical3A_3926 = arith.constant 26 : i32
        %shift_right_logical3A_3927 = vector.broadcast %shift_right_logical3A_3926 : i32 to vector<16x512xi32>
        %shift_right_logical3A_3928 = arith.shrui %xor3A_3921, %shift_right_logical3A_3927 : vector<16x512xi32>
        %or3A_3929 = arith.ori %shift_left3A_3925, %shift_right_logical3A_3928 : vector<16x512xi32>
        %xor3A_3930 = arith.xori %add3A_3922, %or3A_3929 : vector<16x512xi32>
        %add3A_3931 = vector.broadcast %get3A_4 : i32 to vector<16x512xi32>
        %add3A_3932 = arith.addi %add3A_3922, %add3A_3931 : vector<16x512xi32>
        %add3A_3933 = arith.constant 1 : i32
        %add3A_3934 = arith.addi %xor3A_3894, %add3A_3933 : i32
        %add3A_3935 = vector.broadcast %add3A_3934 : i32 to vector<16x512xi32>
        %add3A_3936 = arith.addi %xor3A_3930, %add3A_3935 : vector<16x512xi32>
        %add3A_3937 = arith.addi %add3A_3932, %add3A_3936 : vector<16x512xi32>
        %shift_left3A_3938 = arith.constant 17 : i32
        %shift_left3A_3939 = vector.broadcast %shift_left3A_3938 : i32 to vector<16x512xi32>
        %shift_left3A_3940 = arith.shli %add3A_3936, %shift_left3A_3939 : vector<16x512xi32>
        %shift_right_logical3A_3941 = arith.constant 15 : i32
        %shift_right_logical3A_3942 = vector.broadcast %shift_right_logical3A_3941 : i32 to vector<16x512xi32>
        %shift_right_logical3A_3943 = arith.shrui %add3A_3936, %shift_right_logical3A_3942 : vector<16x512xi32>
        %or3A_3944 = arith.ori %shift_left3A_3940, %shift_right_logical3A_3943 : vector<16x512xi32>
        %xor3A_3945 = arith.xori %add3A_3937, %or3A_3944 : vector<16x512xi32>
        %add3A_3946 = arith.addi %add3A_3937, %xor3A_3945 : vector<16x512xi32>
        %shift_left3A_3947 = arith.constant 29 : i32
        %shift_left3A_3948 = vector.broadcast %shift_left3A_3947 : i32 to vector<16x512xi32>
        %shift_left3A_3949 = arith.shli %xor3A_3945, %shift_left3A_3948 : vector<16x512xi32>
        %shift_right_logical3A_3950 = arith.constant 3 : i32
        %shift_right_logical3A_3951 = vector.broadcast %shift_right_logical3A_3950 : i32 to vector<16x512xi32>
        %shift_right_logical3A_3952 = arith.shrui %xor3A_3945, %shift_right_logical3A_3951 : vector<16x512xi32>
        %or3A_3953 = arith.ori %shift_left3A_3949, %shift_right_logical3A_3952 : vector<16x512xi32>
        %xor3A_3954 = arith.xori %add3A_3946, %or3A_3953 : vector<16x512xi32>
        %add3A_3955 = arith.addi %add3A_3946, %xor3A_3954 : vector<16x512xi32>
        %shift_left3A_3956 = arith.constant 16 : i32
        %shift_left3A_3957 = vector.broadcast %shift_left3A_3956 : i32 to vector<16x512xi32>
        %shift_left3A_3958 = arith.shli %xor3A_3954, %shift_left3A_3957 : vector<16x512xi32>
        %shift_right_logical3A_3959 = arith.constant 16 : i32
        %shift_right_logical3A_3960 = vector.broadcast %shift_right_logical3A_3959 : i32 to vector<16x512xi32>
        %shift_right_logical3A_3961 = arith.shrui %xor3A_3954, %shift_right_logical3A_3960 : vector<16x512xi32>
        %or3A_3962 = arith.ori %shift_left3A_3958, %shift_right_logical3A_3961 : vector<16x512xi32>
        %xor3A_3963 = arith.xori %add3A_3955, %or3A_3962 : vector<16x512xi32>
        %add3A_3964 = arith.addi %add3A_3955, %xor3A_3963 : vector<16x512xi32>
        %shift_left3A_3965 = arith.constant 24 : i32
        %shift_left3A_3966 = vector.broadcast %shift_left3A_3965 : i32 to vector<16x512xi32>
        %shift_left3A_3967 = arith.shli %xor3A_3963, %shift_left3A_3966 : vector<16x512xi32>
        %shift_right_logical3A_3968 = arith.constant 8 : i32
        %shift_right_logical3A_3969 = vector.broadcast %shift_right_logical3A_3968 : i32 to vector<16x512xi32>
        %shift_right_logical3A_3970 = arith.shrui %xor3A_3963, %shift_right_logical3A_3969 : vector<16x512xi32>
        %or3A_3971 = arith.ori %shift_left3A_3967, %shift_right_logical3A_3970 : vector<16x512xi32>
        %xor3A_3972 = arith.xori %add3A_3964, %or3A_3971 : vector<16x512xi32>
        %add3A_3973 = vector.broadcast %xor3A_3894 : i32 to vector<16x512xi32>
        %add3A_3974 = arith.addi %add3A_3964, %add3A_3973 : vector<16x512xi32>
        %add3A_3975 = arith.constant 2 : i32
        %add3A_3976 = arith.addi %get3A_1, %add3A_3975 : i32
        %add3A_3977 = vector.broadcast %add3A_3976 : i32 to vector<16x512xi32>
        %add3A_3978 = arith.addi %xor3A_3972, %add3A_3977 : vector<16x512xi32>
        %add3A_3979 = arith.addi %add3A_3974, %add3A_3978 : vector<16x512xi32>
        %shift_left3A_3980 = arith.constant 13 : i32
        %shift_left3A_3981 = vector.broadcast %shift_left3A_3980 : i32 to vector<16x512xi32>
        %shift_left3A_3982 = arith.shli %add3A_3978, %shift_left3A_3981 : vector<16x512xi32>
        %shift_right_logical3A_3983 = arith.constant 19 : i32
        %shift_right_logical3A_3984 = vector.broadcast %shift_right_logical3A_3983 : i32 to vector<16x512xi32>
        %shift_right_logical3A_3985 = arith.shrui %add3A_3978, %shift_right_logical3A_3984 : vector<16x512xi32>
        %or3A_3986 = arith.ori %shift_left3A_3982, %shift_right_logical3A_3985 : vector<16x512xi32>
        %xor3A_3987 = arith.xori %add3A_3979, %or3A_3986 : vector<16x512xi32>
        %add3A_3988 = arith.addi %add3A_3979, %xor3A_3987 : vector<16x512xi32>
        %shift_left3A_3989 = arith.constant 15 : i32
        %shift_left3A_3990 = vector.broadcast %shift_left3A_3989 : i32 to vector<16x512xi32>
        %shift_left3A_3991 = arith.shli %xor3A_3987, %shift_left3A_3990 : vector<16x512xi32>
        %shift_right_logical3A_3992 = arith.constant 17 : i32
        %shift_right_logical3A_3993 = vector.broadcast %shift_right_logical3A_3992 : i32 to vector<16x512xi32>
        %shift_right_logical3A_3994 = arith.shrui %xor3A_3987, %shift_right_logical3A_3993 : vector<16x512xi32>
        %or3A_3995 = arith.ori %shift_left3A_3991, %shift_right_logical3A_3994 : vector<16x512xi32>
        %xor3A_3996 = arith.xori %add3A_3988, %or3A_3995 : vector<16x512xi32>
        %add3A_3997 = arith.addi %add3A_3988, %xor3A_3996 : vector<16x512xi32>
        %shift_left3A_3998 = arith.constant 26 : i32
        %shift_left3A_3999 = vector.broadcast %shift_left3A_3998 : i32 to vector<16x512xi32>
        %shift_left3A_4000 = arith.shli %xor3A_3996, %shift_left3A_3999 : vector<16x512xi32>
        %shift_right_logical3A_4001 = arith.constant 6 : i32
        %shift_right_logical3A_4002 = vector.broadcast %shift_right_logical3A_4001 : i32 to vector<16x512xi32>
        %shift_right_logical3A_4003 = arith.shrui %xor3A_3996, %shift_right_logical3A_4002 : vector<16x512xi32>
        %or3A_4004 = arith.ori %shift_left3A_4000, %shift_right_logical3A_4003 : vector<16x512xi32>
        %xor3A_4005 = arith.xori %add3A_3997, %or3A_4004 : vector<16x512xi32>
        %add3A_4006 = arith.addi %add3A_3997, %xor3A_4005 : vector<16x512xi32>
        %shift_left3A_4007 = arith.constant 6 : i32
        %shift_left3A_4008 = vector.broadcast %shift_left3A_4007 : i32 to vector<16x512xi32>
        %shift_left3A_4009 = arith.shli %xor3A_4005, %shift_left3A_4008 : vector<16x512xi32>
        %shift_right_logical3A_4010 = arith.constant 26 : i32
        %shift_right_logical3A_4011 = vector.broadcast %shift_right_logical3A_4010 : i32 to vector<16x512xi32>
        %shift_right_logical3A_4012 = arith.shrui %xor3A_4005, %shift_right_logical3A_4011 : vector<16x512xi32>
        %or3A_4013 = arith.ori %shift_left3A_4009, %shift_right_logical3A_4012 : vector<16x512xi32>
        %xor3A_4014 = arith.xori %add3A_4006, %or3A_4013 : vector<16x512xi32>
        %add3A_4015 = vector.broadcast %get3A_1 : i32 to vector<16x512xi32>
        %add3A_4016 = arith.addi %add3A_4006, %add3A_4015 : vector<16x512xi32>
        %add3A_4017 = arith.constant 3 : i32
        %add3A_4018 = arith.addi %get3A_4, %add3A_4017 : i32
        %add3A_4019 = vector.broadcast %add3A_4018 : i32 to vector<16x512xi32>
        %add3A_4020 = arith.addi %xor3A_4014, %add3A_4019 : vector<16x512xi32>
        %add3A_4021 = arith.addi %add3A_4016, %add3A_4020 : vector<16x512xi32>
        %shift_left3A_4022 = arith.constant 17 : i32
        %shift_left3A_4023 = vector.broadcast %shift_left3A_4022 : i32 to vector<16x512xi32>
        %shift_left3A_4024 = arith.shli %add3A_4020, %shift_left3A_4023 : vector<16x512xi32>
        %shift_right_logical3A_4025 = arith.constant 15 : i32
        %shift_right_logical3A_4026 = vector.broadcast %shift_right_logical3A_4025 : i32 to vector<16x512xi32>
        %shift_right_logical3A_4027 = arith.shrui %add3A_4020, %shift_right_logical3A_4026 : vector<16x512xi32>
        %or3A_4028 = arith.ori %shift_left3A_4024, %shift_right_logical3A_4027 : vector<16x512xi32>
        %xor3A_4029 = arith.xori %add3A_4021, %or3A_4028 : vector<16x512xi32>
        %add3A_4030 = arith.addi %add3A_4021, %xor3A_4029 : vector<16x512xi32>
        %shift_left3A_4031 = arith.constant 29 : i32
        %shift_left3A_4032 = vector.broadcast %shift_left3A_4031 : i32 to vector<16x512xi32>
        %shift_left3A_4033 = arith.shli %xor3A_4029, %shift_left3A_4032 : vector<16x512xi32>
        %shift_right_logical3A_4034 = arith.constant 3 : i32
        %shift_right_logical3A_4035 = vector.broadcast %shift_right_logical3A_4034 : i32 to vector<16x512xi32>
        %shift_right_logical3A_4036 = arith.shrui %xor3A_4029, %shift_right_logical3A_4035 : vector<16x512xi32>
        %or3A_4037 = arith.ori %shift_left3A_4033, %shift_right_logical3A_4036 : vector<16x512xi32>
        %xor3A_4038 = arith.xori %add3A_4030, %or3A_4037 : vector<16x512xi32>
        %add3A_4039 = arith.addi %add3A_4030, %xor3A_4038 : vector<16x512xi32>
        %shift_left3A_4040 = arith.constant 16 : i32
        %shift_left3A_4041 = vector.broadcast %shift_left3A_4040 : i32 to vector<16x512xi32>
        %shift_left3A_4042 = arith.shli %xor3A_4038, %shift_left3A_4041 : vector<16x512xi32>
        %shift_right_logical3A_4043 = arith.constant 16 : i32
        %shift_right_logical3A_4044 = vector.broadcast %shift_right_logical3A_4043 : i32 to vector<16x512xi32>
        %shift_right_logical3A_4045 = arith.shrui %xor3A_4038, %shift_right_logical3A_4044 : vector<16x512xi32>
        %or3A_4046 = arith.ori %shift_left3A_4042, %shift_right_logical3A_4045 : vector<16x512xi32>
        %xor3A_4047 = arith.xori %add3A_4039, %or3A_4046 : vector<16x512xi32>
        %add3A_4048 = arith.addi %add3A_4039, %xor3A_4047 : vector<16x512xi32>
        %shift_left3A_4049 = arith.constant 24 : i32
        %shift_left3A_4050 = vector.broadcast %shift_left3A_4049 : i32 to vector<16x512xi32>
        %shift_left3A_4051 = arith.shli %xor3A_4047, %shift_left3A_4050 : vector<16x512xi32>
        %shift_right_logical3A_4052 = arith.constant 8 : i32
        %shift_right_logical3A_4053 = vector.broadcast %shift_right_logical3A_4052 : i32 to vector<16x512xi32>
        %shift_right_logical3A_4054 = arith.shrui %xor3A_4047, %shift_right_logical3A_4053 : vector<16x512xi32>
        %or3A_4055 = arith.ori %shift_left3A_4051, %shift_right_logical3A_4054 : vector<16x512xi32>
        %xor3A_4056 = arith.xori %add3A_4048, %or3A_4055 : vector<16x512xi32>
        %add3A_4057 = vector.broadcast %get3A_4 : i32 to vector<16x512xi32>
        %add3A_4058 = arith.addi %add3A_4048, %add3A_4057 : vector<16x512xi32>
        %add3A_4059 = arith.constant 4 : i32
        %add3A_4060 = arith.addi %xor3A_3894, %add3A_4059 : i32
        %add3A_4061 = vector.broadcast %add3A_4060 : i32 to vector<16x512xi32>
        %add3A_4062 = arith.addi %xor3A_4056, %add3A_4061 : vector<16x512xi32>
        %add3A_4063 = arith.addi %add3A_4058, %add3A_4062 : vector<16x512xi32>
        %shift_left3A_4064 = arith.constant 13 : i32
        %shift_left3A_4065 = vector.broadcast %shift_left3A_4064 : i32 to vector<16x512xi32>
        %shift_left3A_4066 = arith.shli %add3A_4062, %shift_left3A_4065 : vector<16x512xi32>
        %shift_right_logical3A_4067 = arith.constant 19 : i32
        %shift_right_logical3A_4068 = vector.broadcast %shift_right_logical3A_4067 : i32 to vector<16x512xi32>
        %shift_right_logical3A_4069 = arith.shrui %add3A_4062, %shift_right_logical3A_4068 : vector<16x512xi32>
        %or3A_4070 = arith.ori %shift_left3A_4066, %shift_right_logical3A_4069 : vector<16x512xi32>
        %xor3A_4071 = arith.xori %add3A_4063, %or3A_4070 : vector<16x512xi32>
        %add3A_4072 = arith.addi %add3A_4063, %xor3A_4071 : vector<16x512xi32>
        %shift_left3A_4073 = arith.constant 15 : i32
        %shift_left3A_4074 = vector.broadcast %shift_left3A_4073 : i32 to vector<16x512xi32>
        %shift_left3A_4075 = arith.shli %xor3A_4071, %shift_left3A_4074 : vector<16x512xi32>
        %shift_right_logical3A_4076 = arith.constant 17 : i32
        %shift_right_logical3A_4077 = vector.broadcast %shift_right_logical3A_4076 : i32 to vector<16x512xi32>
        %shift_right_logical3A_4078 = arith.shrui %xor3A_4071, %shift_right_logical3A_4077 : vector<16x512xi32>
        %or3A_4079 = arith.ori %shift_left3A_4075, %shift_right_logical3A_4078 : vector<16x512xi32>
        %xor3A_4080 = arith.xori %add3A_4072, %or3A_4079 : vector<16x512xi32>
        %add3A_4081 = arith.addi %add3A_4072, %xor3A_4080 : vector<16x512xi32>
        %shift_left3A_4082 = arith.constant 26 : i32
        %shift_left3A_4083 = vector.broadcast %shift_left3A_4082 : i32 to vector<16x512xi32>
        %shift_left3A_4084 = arith.shli %xor3A_4080, %shift_left3A_4083 : vector<16x512xi32>
        %shift_right_logical3A_4085 = arith.constant 6 : i32
        %shift_right_logical3A_4086 = vector.broadcast %shift_right_logical3A_4085 : i32 to vector<16x512xi32>
        %shift_right_logical3A_4087 = arith.shrui %xor3A_4080, %shift_right_logical3A_4086 : vector<16x512xi32>
        %or3A_4088 = arith.ori %shift_left3A_4084, %shift_right_logical3A_4087 : vector<16x512xi32>
        %xor3A_4089 = arith.xori %add3A_4081, %or3A_4088 : vector<16x512xi32>
        %add3A_4090 = arith.addi %add3A_4081, %xor3A_4089 : vector<16x512xi32>
        %shift_left3A_4091 = arith.constant 6 : i32
        %shift_left3A_4092 = vector.broadcast %shift_left3A_4091 : i32 to vector<16x512xi32>
        %shift_left3A_4093 = arith.shli %xor3A_4089, %shift_left3A_4092 : vector<16x512xi32>
        %shift_right_logical3A_4094 = arith.constant 26 : i32
        %shift_right_logical3A_4095 = vector.broadcast %shift_right_logical3A_4094 : i32 to vector<16x512xi32>
        %shift_right_logical3A_4096 = arith.shrui %xor3A_4089, %shift_right_logical3A_4095 : vector<16x512xi32>
        %or3A_4097 = arith.ori %shift_left3A_4093, %shift_right_logical3A_4096 : vector<16x512xi32>
        %xor3A_4098 = arith.xori %add3A_4090, %or3A_4097 : vector<16x512xi32>
        %add3A_4099 = vector.broadcast %xor3A_3894 : i32 to vector<16x512xi32>
        %add3A_4100 = arith.addi %add3A_4090, %add3A_4099 : vector<16x512xi32>
        %add3A_4101 = arith.constant 5 : i32
        %add3A_4102 = arith.addi %get3A_1, %add3A_4101 : i32
        %add3A_4103 = vector.broadcast %add3A_4102 : i32 to vector<16x512xi32>
        %add3A_4104 = arith.addi %xor3A_4098, %add3A_4103 : vector<16x512xi32>
        %xor3A_4105 = arith.xori %add3A_4100, %add3A_4104 : vector<16x512xi32>
        %shift_right_logical3A_4106 = arith.constant 9 : i32
        %shift_right_logical3A_4107 = vector.broadcast %shift_right_logical3A_4106 : i32 to vector<16x512xi32>
        %shift_right_logical3A_4108 = arith.shrui %xor3A_4105, %shift_right_logical3A_4107 : vector<16x512xi32>
        %or3A_4109 = arith.constant 1065353216 : i32
        %or3A_4110 = vector.broadcast %or3A_4109 : i32 to vector<16x512xi32>
        %or3A_4111 = arith.ori %shift_right_logical3A_4108, %or3A_4110 : vector<16x512xi32>
        %bitcast_convert_type3A_4112 = tpu.bitcast %or3A_4111 : vector<16x512xi32> -> vector<16x512xf32>
        %sub3A_4113 = arith.constant 1.000000e+00 : f32
        %sub3A_4114 = vector.broadcast %sub3A_4113 : f32 to vector<16x512xf32>
        %sub3A_4115 = arith.subf %bitcast_convert_type3A_4112, %sub3A_4114 : vector<16x512xf32>
        %max3A_4116 = arith.constant 1.17549435E-38 : f32
        %max3A_4117 = vector.broadcast %max3A_4116 : f32 to vector<16x512xf32>
        %max3A_4118 = arith.maximumf %sub3A_4115, %max3A_4117 : vector<16x512xf32>
        %mul3A_4119 = arith.constant 512 : i32
        %mul3A_4120 = arith.muli %scan3A_3883, %mul3A_4119 : i32
        %get3A_4121 = arith.constant 0 : index
        %get3A_4122 = arith.constant 0 : index
        %get3A_4123 = arith.index_cast %mul3A_4120 : i32 to index
        %get3A_4124 = vector.load %arg3[%get3A_4121, %get3A_4122, %get3A_4123] : memref<1x1x200192xf32, #tpu.memory_space<vmem>>, vector<1x1x512xf32>
        %get3A_4125 = vector.shape_cast %get3A_4124 : vector<1x1x512xf32> to vector<512xf32>
        %reshape3A_4126 = vector.shape_cast %get3A_4125 : vector<512xf32> to vector<1x512xf32>
        %log3A_4127 = math.log %max3A_4118 : vector<16x512xf32>
        %neg3A_4128 = arith.constant 0.000000e+00 : f32
        %neg3A_4129 = vector.broadcast %neg3A_4128 : f32 to vector<16x512xf32>
        %neg3A_4130 = arith.subf %neg3A_4129, %log3A_4127 : vector<16x512xf32>
        %log3A_4131 = math.log %neg3A_4130 : vector<16x512xf32>
        %sub3A_4132 = vector.broadcast %reshape3A_4126 : vector<1x512xf32> to vector<16x512xf32>
        %sub3A_4133 = arith.subf %sub3A_4132, %log3A_4131 : vector<16x512xf32>
        %gt3A_4134 = arith.cmpf ogt, %sub3A_4133, %select_n3A_3879 : vector<16x512xf32>
        %select_n3A_4135 = arith.select %gt3A_4134, %sub3A_4133, %select_n3A_3879 : vector<16x512xi1>, vector<16x512xf32>
        %broadcast_in_dim3A_4136 = vector.broadcast %scan3A_3883 : i32 to vector<16x512xi32>
        %select_n3A_4137 = arith.select %gt3A_4134, %broadcast_in_dim3A_4136, %select_n3A_3881 : vector<16x512xi1>, vector<16x512xi32>
        %scan3A_4138 = arith.constant 16 : i32
        %scan3A_4139 = arith.addi %scan3A_53, %scan3A_4138 : i32
        %mul3A_4140 = arith.constant 512 : i32
        %mul3A_4141 = arith.muli %mul3A_4140, %scan3A_4139 : i32
        %add3A_4142 = vector.broadcast %mul3A_4141 : i32 to vector<16x512xi32>
        %add3A_4143 = arith.addi %add3A_26, %add3A_4142 : vector<16x512xi32>
        %lt3A_4144 = arith.cmpi ult, %add3A_4143, %mul3A_18 : vector<16x512xi32>
        %select_n3A_4145 = arith.select %lt3A_4144, %add3A_25, %add3A_22 : vector<16x512xi1>, vector<16x512xi32>
        %add3A_4146 = vector.broadcast %get3A_4 : i32 to vector<16x512xi32>
        %add3A_4147 = arith.addi %add3A_4143, %add3A_4146 : vector<16x512xi32>
        %xor3A_4148 = arith.xori %get3A_1, %get3A_4 : i32
        %xor3A_4149 = arith.constant 466688986 : i32
        %xor3A_4150 = arith.xori %xor3A_4148, %xor3A_4149 : i32
        %add3A_4151 = arith.addi %select_n3A_4145, %add3A_4147 : vector<16x512xi32>
        %shift_left3A_4152 = arith.constant 13 : i32
        %shift_left3A_4153 = vector.broadcast %shift_left3A_4152 : i32 to vector<16x512xi32>
        %shift_left3A_4154 = arith.shli %add3A_4147, %shift_left3A_4153 : vector<16x512xi32>
        %shift_right_logical3A_4155 = arith.constant 19 : i32
        %shift_right_logical3A_4156 = vector.broadcast %shift_right_logical3A_4155 : i32 to vector<16x512xi32>
        %shift_right_logical3A_4157 = arith.shrui %add3A_4147, %shift_right_logical3A_4156 : vector<16x512xi32>
        %or3A_4158 = arith.ori %shift_left3A_4154, %shift_right_logical3A_4157 : vector<16x512xi32>
        %xor3A_4159 = arith.xori %add3A_4151, %or3A_4158 : vector<16x512xi32>
        %add3A_4160 = arith.addi %add3A_4151, %xor3A_4159 : vector<16x512xi32>
        %shift_left3A_4161 = arith.constant 15 : i32
        %shift_left3A_4162 = vector.broadcast %shift_left3A_4161 : i32 to vector<16x512xi32>
        %shift_left3A_4163 = arith.shli %xor3A_4159, %shift_left3A_4162 : vector<16x512xi32>
        %shift_right_logical3A_4164 = arith.constant 17 : i32
        %shift_right_logical3A_4165 = vector.broadcast %shift_right_logical3A_4164 : i32 to vector<16x512xi32>
        %shift_right_logical3A_4166 = arith.shrui %xor3A_4159, %shift_right_logical3A_4165 : vector<16x512xi32>
        %or3A_4167 = arith.ori %shift_left3A_4163, %shift_right_logical3A_4166 : vector<16x512xi32>
        %xor3A_4168 = arith.xori %add3A_4160, %or3A_4167 : vector<16x512xi32>
        %add3A_4169 = arith.addi %add3A_4160, %xor3A_4168 : vector<16x512xi32>
        %shift_left3A_4170 = arith.constant 26 : i32
        %shift_left3A_4171 = vector.broadcast %shift_left3A_4170 : i32 to vector<16x512xi32>
        %shift_left3A_4172 = arith.shli %xor3A_4168, %shift_left3A_4171 : vector<16x512xi32>
        %shift_right_logical3A_4173 = arith.constant 6 : i32
        %shift_right_logical3A_4174 = vector.broadcast %shift_right_logical3A_4173 : i32 to vector<16x512xi32>
        %shift_right_logical3A_4175 = arith.shrui %xor3A_4168, %shift_right_logical3A_4174 : vector<16x512xi32>
        %or3A_4176 = arith.ori %shift_left3A_4172, %shift_right_logical3A_4175 : vector<16x512xi32>
        %xor3A_4177 = arith.xori %add3A_4169, %or3A_4176 : vector<16x512xi32>
        %add3A_4178 = arith.addi %add3A_4169, %xor3A_4177 : vector<16x512xi32>
        %shift_left3A_4179 = arith.constant 6 : i32
        %shift_left3A_4180 = vector.broadcast %shift_left3A_4179 : i32 to vector<16x512xi32>
        %shift_left3A_4181 = arith.shli %xor3A_4177, %shift_left3A_4180 : vector<16x512xi32>
        %shift_right_logical3A_4182 = arith.constant 26 : i32
        %shift_right_logical3A_4183 = vector.broadcast %shift_right_logical3A_4182 : i32 to vector<16x512xi32>
        %shift_right_logical3A_4184 = arith.shrui %xor3A_4177, %shift_right_logical3A_4183 : vector<16x512xi32>
        %or3A_4185 = arith.ori %shift_left3A_4181, %shift_right_logical3A_4184 : vector<16x512xi32>
        %xor3A_4186 = arith.xori %add3A_4178, %or3A_4185 : vector<16x512xi32>
        %add3A_4187 = vector.broadcast %get3A_4 : i32 to vector<16x512xi32>
        %add3A_4188 = arith.addi %add3A_4178, %add3A_4187 : vector<16x512xi32>
        %add3A_4189 = arith.constant 1 : i32
        %add3A_4190 = arith.addi %xor3A_4150, %add3A_4189 : i32
        %add3A_4191 = vector.broadcast %add3A_4190 : i32 to vector<16x512xi32>
        %add3A_4192 = arith.addi %xor3A_4186, %add3A_4191 : vector<16x512xi32>
        %add3A_4193 = arith.addi %add3A_4188, %add3A_4192 : vector<16x512xi32>
        %shift_left3A_4194 = arith.constant 17 : i32
        %shift_left3A_4195 = vector.broadcast %shift_left3A_4194 : i32 to vector<16x512xi32>
        %shift_left3A_4196 = arith.shli %add3A_4192, %shift_left3A_4195 : vector<16x512xi32>
        %shift_right_logical3A_4197 = arith.constant 15 : i32
        %shift_right_logical3A_4198 = vector.broadcast %shift_right_logical3A_4197 : i32 to vector<16x512xi32>
        %shift_right_logical3A_4199 = arith.shrui %add3A_4192, %shift_right_logical3A_4198 : vector<16x512xi32>
        %or3A_4200 = arith.ori %shift_left3A_4196, %shift_right_logical3A_4199 : vector<16x512xi32>
        %xor3A_4201 = arith.xori %add3A_4193, %or3A_4200 : vector<16x512xi32>
        %add3A_4202 = arith.addi %add3A_4193, %xor3A_4201 : vector<16x512xi32>
        %shift_left3A_4203 = arith.constant 29 : i32
        %shift_left3A_4204 = vector.broadcast %shift_left3A_4203 : i32 to vector<16x512xi32>
        %shift_left3A_4205 = arith.shli %xor3A_4201, %shift_left3A_4204 : vector<16x512xi32>
        %shift_right_logical3A_4206 = arith.constant 3 : i32
        %shift_right_logical3A_4207 = vector.broadcast %shift_right_logical3A_4206 : i32 to vector<16x512xi32>
        %shift_right_logical3A_4208 = arith.shrui %xor3A_4201, %shift_right_logical3A_4207 : vector<16x512xi32>
        %or3A_4209 = arith.ori %shift_left3A_4205, %shift_right_logical3A_4208 : vector<16x512xi32>
        %xor3A_4210 = arith.xori %add3A_4202, %or3A_4209 : vector<16x512xi32>
        %add3A_4211 = arith.addi %add3A_4202, %xor3A_4210 : vector<16x512xi32>
        %shift_left3A_4212 = arith.constant 16 : i32
        %shift_left3A_4213 = vector.broadcast %shift_left3A_4212 : i32 to vector<16x512xi32>
        %shift_left3A_4214 = arith.shli %xor3A_4210, %shift_left3A_4213 : vector<16x512xi32>
        %shift_right_logical3A_4215 = arith.constant 16 : i32
        %shift_right_logical3A_4216 = vector.broadcast %shift_right_logical3A_4215 : i32 to vector<16x512xi32>
        %shift_right_logical3A_4217 = arith.shrui %xor3A_4210, %shift_right_logical3A_4216 : vector<16x512xi32>
        %or3A_4218 = arith.ori %shift_left3A_4214, %shift_right_logical3A_4217 : vector<16x512xi32>
        %xor3A_4219 = arith.xori %add3A_4211, %or3A_4218 : vector<16x512xi32>
        %add3A_4220 = arith.addi %add3A_4211, %xor3A_4219 : vector<16x512xi32>
        %shift_left3A_4221 = arith.constant 24 : i32
        %shift_left3A_4222 = vector.broadcast %shift_left3A_4221 : i32 to vector<16x512xi32>
        %shift_left3A_4223 = arith.shli %xor3A_4219, %shift_left3A_4222 : vector<16x512xi32>
        %shift_right_logical3A_4224 = arith.constant 8 : i32
        %shift_right_logical3A_4225 = vector.broadcast %shift_right_logical3A_4224 : i32 to vector<16x512xi32>
        %shift_right_logical3A_4226 = arith.shrui %xor3A_4219, %shift_right_logical3A_4225 : vector<16x512xi32>
        %or3A_4227 = arith.ori %shift_left3A_4223, %shift_right_logical3A_4226 : vector<16x512xi32>
        %xor3A_4228 = arith.xori %add3A_4220, %or3A_4227 : vector<16x512xi32>
        %add3A_4229 = vector.broadcast %xor3A_4150 : i32 to vector<16x512xi32>
        %add3A_4230 = arith.addi %add3A_4220, %add3A_4229 : vector<16x512xi32>
        %add3A_4231 = arith.constant 2 : i32
        %add3A_4232 = arith.addi %get3A_1, %add3A_4231 : i32
        %add3A_4233 = vector.broadcast %add3A_4232 : i32 to vector<16x512xi32>
        %add3A_4234 = arith.addi %xor3A_4228, %add3A_4233 : vector<16x512xi32>
        %add3A_4235 = arith.addi %add3A_4230, %add3A_4234 : vector<16x512xi32>
        %shift_left3A_4236 = arith.constant 13 : i32
        %shift_left3A_4237 = vector.broadcast %shift_left3A_4236 : i32 to vector<16x512xi32>
        %shift_left3A_4238 = arith.shli %add3A_4234, %shift_left3A_4237 : vector<16x512xi32>
        %shift_right_logical3A_4239 = arith.constant 19 : i32
        %shift_right_logical3A_4240 = vector.broadcast %shift_right_logical3A_4239 : i32 to vector<16x512xi32>
        %shift_right_logical3A_4241 = arith.shrui %add3A_4234, %shift_right_logical3A_4240 : vector<16x512xi32>
        %or3A_4242 = arith.ori %shift_left3A_4238, %shift_right_logical3A_4241 : vector<16x512xi32>
        %xor3A_4243 = arith.xori %add3A_4235, %or3A_4242 : vector<16x512xi32>
        %add3A_4244 = arith.addi %add3A_4235, %xor3A_4243 : vector<16x512xi32>
        %shift_left3A_4245 = arith.constant 15 : i32
        %shift_left3A_4246 = vector.broadcast %shift_left3A_4245 : i32 to vector<16x512xi32>
        %shift_left3A_4247 = arith.shli %xor3A_4243, %shift_left3A_4246 : vector<16x512xi32>
        %shift_right_logical3A_4248 = arith.constant 17 : i32
        %shift_right_logical3A_4249 = vector.broadcast %shift_right_logical3A_4248 : i32 to vector<16x512xi32>
        %shift_right_logical3A_4250 = arith.shrui %xor3A_4243, %shift_right_logical3A_4249 : vector<16x512xi32>
        %or3A_4251 = arith.ori %shift_left3A_4247, %shift_right_logical3A_4250 : vector<16x512xi32>
        %xor3A_4252 = arith.xori %add3A_4244, %or3A_4251 : vector<16x512xi32>
        %add3A_4253 = arith.addi %add3A_4244, %xor3A_4252 : vector<16x512xi32>
        %shift_left3A_4254 = arith.constant 26 : i32
        %shift_left3A_4255 = vector.broadcast %shift_left3A_4254 : i32 to vector<16x512xi32>
        %shift_left3A_4256 = arith.shli %xor3A_4252, %shift_left3A_4255 : vector<16x512xi32>
        %shift_right_logical3A_4257 = arith.constant 6 : i32
        %shift_right_logical3A_4258 = vector.broadcast %shift_right_logical3A_4257 : i32 to vector<16x512xi32>
        %shift_right_logical3A_4259 = arith.shrui %xor3A_4252, %shift_right_logical3A_4258 : vector<16x512xi32>
        %or3A_4260 = arith.ori %shift_left3A_4256, %shift_right_logical3A_4259 : vector<16x512xi32>
        %xor3A_4261 = arith.xori %add3A_4253, %or3A_4260 : vector<16x512xi32>
        %add3A_4262 = arith.addi %add3A_4253, %xor3A_4261 : vector<16x512xi32>
        %shift_left3A_4263 = arith.constant 6 : i32
        %shift_left3A_4264 = vector.broadcast %shift_left3A_4263 : i32 to vector<16x512xi32>
        %shift_left3A_4265 = arith.shli %xor3A_4261, %shift_left3A_4264 : vector<16x512xi32>
        %shift_right_logical3A_4266 = arith.constant 26 : i32
        %shift_right_logical3A_4267 = vector.broadcast %shift_right_logical3A_4266 : i32 to vector<16x512xi32>
        %shift_right_logical3A_4268 = arith.shrui %xor3A_4261, %shift_right_logical3A_4267 : vector<16x512xi32>
        %or3A_4269 = arith.ori %shift_left3A_4265, %shift_right_logical3A_4268 : vector<16x512xi32>
        %xor3A_4270 = arith.xori %add3A_4262, %or3A_4269 : vector<16x512xi32>
        %add3A_4271 = vector.broadcast %get3A_1 : i32 to vector<16x512xi32>
        %add3A_4272 = arith.addi %add3A_4262, %add3A_4271 : vector<16x512xi32>
        %add3A_4273 = arith.constant 3 : i32
        %add3A_4274 = arith.addi %get3A_4, %add3A_4273 : i32
        %add3A_4275 = vector.broadcast %add3A_4274 : i32 to vector<16x512xi32>
        %add3A_4276 = arith.addi %xor3A_4270, %add3A_4275 : vector<16x512xi32>
        %add3A_4277 = arith.addi %add3A_4272, %add3A_4276 : vector<16x512xi32>
        %shift_left3A_4278 = arith.constant 17 : i32
        %shift_left3A_4279 = vector.broadcast %shift_left3A_4278 : i32 to vector<16x512xi32>
        %shift_left3A_4280 = arith.shli %add3A_4276, %shift_left3A_4279 : vector<16x512xi32>
        %shift_right_logical3A_4281 = arith.constant 15 : i32
        %shift_right_logical3A_4282 = vector.broadcast %shift_right_logical3A_4281 : i32 to vector<16x512xi32>
        %shift_right_logical3A_4283 = arith.shrui %add3A_4276, %shift_right_logical3A_4282 : vector<16x512xi32>
        %or3A_4284 = arith.ori %shift_left3A_4280, %shift_right_logical3A_4283 : vector<16x512xi32>
        %xor3A_4285 = arith.xori %add3A_4277, %or3A_4284 : vector<16x512xi32>
        %add3A_4286 = arith.addi %add3A_4277, %xor3A_4285 : vector<16x512xi32>
        %shift_left3A_4287 = arith.constant 29 : i32
        %shift_left3A_4288 = vector.broadcast %shift_left3A_4287 : i32 to vector<16x512xi32>
        %shift_left3A_4289 = arith.shli %xor3A_4285, %shift_left3A_4288 : vector<16x512xi32>
        %shift_right_logical3A_4290 = arith.constant 3 : i32
        %shift_right_logical3A_4291 = vector.broadcast %shift_right_logical3A_4290 : i32 to vector<16x512xi32>
        %shift_right_logical3A_4292 = arith.shrui %xor3A_4285, %shift_right_logical3A_4291 : vector<16x512xi32>
        %or3A_4293 = arith.ori %shift_left3A_4289, %shift_right_logical3A_4292 : vector<16x512xi32>
        %xor3A_4294 = arith.xori %add3A_4286, %or3A_4293 : vector<16x512xi32>
        %add3A_4295 = arith.addi %add3A_4286, %xor3A_4294 : vector<16x512xi32>
        %shift_left3A_4296 = arith.constant 16 : i32
        %shift_left3A_4297 = vector.broadcast %shift_left3A_4296 : i32 to vector<16x512xi32>
        %shift_left3A_4298 = arith.shli %xor3A_4294, %shift_left3A_4297 : vector<16x512xi32>
        %shift_right_logical3A_4299 = arith.constant 16 : i32
        %shift_right_logical3A_4300 = vector.broadcast %shift_right_logical3A_4299 : i32 to vector<16x512xi32>
        %shift_right_logical3A_4301 = arith.shrui %xor3A_4294, %shift_right_logical3A_4300 : vector<16x512xi32>
        %or3A_4302 = arith.ori %shift_left3A_4298, %shift_right_logical3A_4301 : vector<16x512xi32>
        %xor3A_4303 = arith.xori %add3A_4295, %or3A_4302 : vector<16x512xi32>
        %add3A_4304 = arith.addi %add3A_4295, %xor3A_4303 : vector<16x512xi32>
        %shift_left3A_4305 = arith.constant 24 : i32
        %shift_left3A_4306 = vector.broadcast %shift_left3A_4305 : i32 to vector<16x512xi32>
        %shift_left3A_4307 = arith.shli %xor3A_4303, %shift_left3A_4306 : vector<16x512xi32>
        %shift_right_logical3A_4308 = arith.constant 8 : i32
        %shift_right_logical3A_4309 = vector.broadcast %shift_right_logical3A_4308 : i32 to vector<16x512xi32>
        %shift_right_logical3A_4310 = arith.shrui %xor3A_4303, %shift_right_logical3A_4309 : vector<16x512xi32>
        %or3A_4311 = arith.ori %shift_left3A_4307, %shift_right_logical3A_4310 : vector<16x512xi32>
        %xor3A_4312 = arith.xori %add3A_4304, %or3A_4311 : vector<16x512xi32>
        %add3A_4313 = vector.broadcast %get3A_4 : i32 to vector<16x512xi32>
        %add3A_4314 = arith.addi %add3A_4304, %add3A_4313 : vector<16x512xi32>
        %add3A_4315 = arith.constant 4 : i32
        %add3A_4316 = arith.addi %xor3A_4150, %add3A_4315 : i32
        %add3A_4317 = vector.broadcast %add3A_4316 : i32 to vector<16x512xi32>
        %add3A_4318 = arith.addi %xor3A_4312, %add3A_4317 : vector<16x512xi32>
        %add3A_4319 = arith.addi %add3A_4314, %add3A_4318 : vector<16x512xi32>
        %shift_left3A_4320 = arith.constant 13 : i32
        %shift_left3A_4321 = vector.broadcast %shift_left3A_4320 : i32 to vector<16x512xi32>
        %shift_left3A_4322 = arith.shli %add3A_4318, %shift_left3A_4321 : vector<16x512xi32>
        %shift_right_logical3A_4323 = arith.constant 19 : i32
        %shift_right_logical3A_4324 = vector.broadcast %shift_right_logical3A_4323 : i32 to vector<16x512xi32>
        %shift_right_logical3A_4325 = arith.shrui %add3A_4318, %shift_right_logical3A_4324 : vector<16x512xi32>
        %or3A_4326 = arith.ori %shift_left3A_4322, %shift_right_logical3A_4325 : vector<16x512xi32>
        %xor3A_4327 = arith.xori %add3A_4319, %or3A_4326 : vector<16x512xi32>
        %add3A_4328 = arith.addi %add3A_4319, %xor3A_4327 : vector<16x512xi32>
        %shift_left3A_4329 = arith.constant 15 : i32
        %shift_left3A_4330 = vector.broadcast %shift_left3A_4329 : i32 to vector<16x512xi32>
        %shift_left3A_4331 = arith.shli %xor3A_4327, %shift_left3A_4330 : vector<16x512xi32>
        %shift_right_logical3A_4332 = arith.constant 17 : i32
        %shift_right_logical3A_4333 = vector.broadcast %shift_right_logical3A_4332 : i32 to vector<16x512xi32>
        %shift_right_logical3A_4334 = arith.shrui %xor3A_4327, %shift_right_logical3A_4333 : vector<16x512xi32>
        %or3A_4335 = arith.ori %shift_left3A_4331, %shift_right_logical3A_4334 : vector<16x512xi32>
        %xor3A_4336 = arith.xori %add3A_4328, %or3A_4335 : vector<16x512xi32>
        %add3A_4337 = arith.addi %add3A_4328, %xor3A_4336 : vector<16x512xi32>
        %shift_left3A_4338 = arith.constant 26 : i32
        %shift_left3A_4339 = vector.broadcast %shift_left3A_4338 : i32 to vector<16x512xi32>
        %shift_left3A_4340 = arith.shli %xor3A_4336, %shift_left3A_4339 : vector<16x512xi32>
        %shift_right_logical3A_4341 = arith.constant 6 : i32
        %shift_right_logical3A_4342 = vector.broadcast %shift_right_logical3A_4341 : i32 to vector<16x512xi32>
        %shift_right_logical3A_4343 = arith.shrui %xor3A_4336, %shift_right_logical3A_4342 : vector<16x512xi32>
        %or3A_4344 = arith.ori %shift_left3A_4340, %shift_right_logical3A_4343 : vector<16x512xi32>
        %xor3A_4345 = arith.xori %add3A_4337, %or3A_4344 : vector<16x512xi32>
        %add3A_4346 = arith.addi %add3A_4337, %xor3A_4345 : vector<16x512xi32>
        %shift_left3A_4347 = arith.constant 6 : i32
        %shift_left3A_4348 = vector.broadcast %shift_left3A_4347 : i32 to vector<16x512xi32>
        %shift_left3A_4349 = arith.shli %xor3A_4345, %shift_left3A_4348 : vector<16x512xi32>
        %shift_right_logical3A_4350 = arith.constant 26 : i32
        %shift_right_logical3A_4351 = vector.broadcast %shift_right_logical3A_4350 : i32 to vector<16x512xi32>
        %shift_right_logical3A_4352 = arith.shrui %xor3A_4345, %shift_right_logical3A_4351 : vector<16x512xi32>
        %or3A_4353 = arith.ori %shift_left3A_4349, %shift_right_logical3A_4352 : vector<16x512xi32>
        %xor3A_4354 = arith.xori %add3A_4346, %or3A_4353 : vector<16x512xi32>
        %add3A_4355 = vector.broadcast %xor3A_4150 : i32 to vector<16x512xi32>
        %add3A_4356 = arith.addi %add3A_4346, %add3A_4355 : vector<16x512xi32>
        %add3A_4357 = arith.constant 5 : i32
        %add3A_4358 = arith.addi %get3A_1, %add3A_4357 : i32
        %add3A_4359 = vector.broadcast %add3A_4358 : i32 to vector<16x512xi32>
        %add3A_4360 = arith.addi %xor3A_4354, %add3A_4359 : vector<16x512xi32>
        %xor3A_4361 = arith.xori %add3A_4356, %add3A_4360 : vector<16x512xi32>
        %shift_right_logical3A_4362 = arith.constant 9 : i32
        %shift_right_logical3A_4363 = vector.broadcast %shift_right_logical3A_4362 : i32 to vector<16x512xi32>
        %shift_right_logical3A_4364 = arith.shrui %xor3A_4361, %shift_right_logical3A_4363 : vector<16x512xi32>
        %or3A_4365 = arith.constant 1065353216 : i32
        %or3A_4366 = vector.broadcast %or3A_4365 : i32 to vector<16x512xi32>
        %or3A_4367 = arith.ori %shift_right_logical3A_4364, %or3A_4366 : vector<16x512xi32>
        %bitcast_convert_type3A_4368 = tpu.bitcast %or3A_4367 : vector<16x512xi32> -> vector<16x512xf32>
        %sub3A_4369 = arith.constant 1.000000e+00 : f32
        %sub3A_4370 = vector.broadcast %sub3A_4369 : f32 to vector<16x512xf32>
        %sub3A_4371 = arith.subf %bitcast_convert_type3A_4368, %sub3A_4370 : vector<16x512xf32>
        %max3A_4372 = arith.constant 1.17549435E-38 : f32
        %max3A_4373 = vector.broadcast %max3A_4372 : f32 to vector<16x512xf32>
        %max3A_4374 = arith.maximumf %sub3A_4371, %max3A_4373 : vector<16x512xf32>
        %mul3A_4375 = arith.constant 512 : i32
        %mul3A_4376 = arith.muli %scan3A_4139, %mul3A_4375 : i32
        %get3A_4377 = arith.constant 0 : index
        %get3A_4378 = arith.constant 0 : index
        %get3A_4379 = arith.index_cast %mul3A_4376 : i32 to index
        %get3A_4380 = vector.load %arg3[%get3A_4377, %get3A_4378, %get3A_4379] : memref<1x1x200192xf32, #tpu.memory_space<vmem>>, vector<1x1x512xf32>
        %get3A_4381 = vector.shape_cast %get3A_4380 : vector<1x1x512xf32> to vector<512xf32>
        %reshape3A_4382 = vector.shape_cast %get3A_4381 : vector<512xf32> to vector<1x512xf32>
        %log3A_4383 = math.log %max3A_4374 : vector<16x512xf32>
        %neg3A_4384 = arith.constant 0.000000e+00 : f32
        %neg3A_4385 = vector.broadcast %neg3A_4384 : f32 to vector<16x512xf32>
        %neg3A_4386 = arith.subf %neg3A_4385, %log3A_4383 : vector<16x512xf32>
        %log3A_4387 = math.log %neg3A_4386 : vector<16x512xf32>
        %sub3A_4388 = vector.broadcast %reshape3A_4382 : vector<1x512xf32> to vector<16x512xf32>
        %sub3A_4389 = arith.subf %sub3A_4388, %log3A_4387 : vector<16x512xf32>
        %gt3A_4390 = arith.cmpf ogt, %sub3A_4389, %select_n3A_4135 : vector<16x512xf32>
        %select_n3A_4391 = arith.select %gt3A_4390, %sub3A_4389, %select_n3A_4135 : vector<16x512xi1>, vector<16x512xf32>
        %broadcast_in_dim3A_4392 = vector.broadcast %scan3A_4139 : i32 to vector<16x512xi32>
        %select_n3A_4393 = arith.select %gt3A_4390, %broadcast_in_dim3A_4392, %select_n3A_4137 : vector<16x512xi1>, vector<16x512xi32>
        scf.yield %select_n3A_4391, %select_n3A_4393 : vector<16x512xf32>, vector<16x512xi32>
      }
      %scan3A_35 = arith.constant 391 : i32
      %mul3A_36 = arith.constant 512 : i32
      %mul3A_37 = vector.broadcast %mul3A_36 : i32 to vector<16x512xi32>
      %mul3A_38 = arith.muli %scan3A_34#1, %mul3A_37 : vector<16x512xi32>
      %add3A_39 = arith.addi %mul3A_38, %iota3A : vector<16x512xi32>
      %reduce_max3A = arith.constant dense<0xFF800000> : vector<16xf32>
      %reduce_max3A_40 = vector.multi_reduction <maximumf>, %scan3A_34#0, %reduce_max3A [1] : vector<16x512xf32> to vector<16xf32>
      %broadcast_in_dim3A_41 = vector.shape_cast %reduce_max3A_40 : vector<16xf32> to vector<16x1xf32>
      %eq3A = vector.broadcast %broadcast_in_dim3A_41 : vector<16x1xf32> to vector<16x512xf32>
      %eq3A_42 = arith.cmpf oeq, %scan3A_34#0, %eq3A : vector<16x512xf32>
      %jit3A = arith.constant 2147483647 : i32
      %broadcast_in_dim3A_43 = vector.broadcast %jit3A : i32 to vector<16x512xi32>
      %select_n3A = arith.select %eq3A_42, %add3A_39, %broadcast_in_dim3A_43 : vector<16x512xi1>, vector<16x512xi32>
      %reduce_min3A = arith.constant dense<2147483647> : vector<16xi32>
      %reduce_min3A_44 = vector.multi_reduction <minsi>, %select_n3A, %reduce_min3A [1] : vector<16x512xi32> to vector<16xi32>
      %broadcast_in_dim3A_45 = vector.shape_cast %reduce_min3A_44 : vector<16xi32> to vector<16x1xi32>
      %mul3A_46 = arith.constant 16 : i32
      %mul3A_47 = arith.muli %scan3A_10, %mul3A_46 : i32
      %swap3A = arith.constant 0 : index
      %swap3A_48 = arith.index_cast %mul3A_47 : i32 to index
      %swap3A_49 = arith.constant 0 : index
      %swap3A_50 = vector.load %arg4[%swap3A, %swap3A_48, %swap3A_49] : memref<1x2048x1xi32, #tpu.memory_space<vmem>>, vector<1x16x1xi32>
      %swap3A_51 = vector.shape_cast %swap3A_50 : vector<1x16x1xi32> to vector<16x1xi32>
      %swap3A_52 = vector.shape_cast %broadcast_in_dim3A_45 : vector<16x1xi32> to vector<1x16x1xi32>
      tpu.vector_store %arg4[%swap3A, %swap3A_48, %swap3A_49], %swap3A_52 {strides = array<i32>} : memref<1x2048x1xi32, #tpu.memory_space<vmem>>, vector<1x16x1xi32>,
    }
    %scan3A_9 = arith.constant 128 : i32
    return
  }
  func.func @transform_0(%arg0: i32, %arg1: i32) -> (i32, i32) {
    %c0_i32 = arith.constant 0 : i32
    %c0_i32_0 = arith.constant 0 : i32
    %c0_i32_1 = arith.constant 0 : i32
    return %c0_i32, %c0_i32_0 : i32, i32
  }
  func.func @transform_1(%arg0: i32, %arg1: i32) -> (i32, i32, i32) {
    %c0_i32 = arith.constant 0 : i32
    %c0_i32_0 = arith.constant 0 : i32
    %c0_i32_1 = arith.constant 0 : i32
    return %arg0, %c0_i32, %c0_i32_0 : i32, i32, i32
  }
  func.func @transform_2(%arg0: i32, %arg1: i32) -> (i32, i32, i32) {
    %c0_i32 = arith.constant 0 : i32
    %c0_i32_0 = arith.constant 0 : i32
    return %arg0, %arg1, %c0_i32 : i32, i32, i32
  }
}

module attributes {stable_mosaic.version = 14 : i64} {
  func.func @_combine_kernel(%arg0: i32, %arg1: memref<3x8192xf32, #tpu.memory_space<vmem>>, %arg2: memref<3x8192xf32, #tpu.memory_space<vmem>>, %arg3: memref<3x8192xf32, #tpu.memory_space<vmem>>, %arg4: memref<1x8192xf32, #tpu.memory_space<vmem>>, %arg5: memref<1x8192xf32, #tpu.memory_space<vmem>>, %arg6: memref<1x8192xf32, #tpu.memory_space<vmem>>, %arg7: memref<3x8192xf32, #tpu.memory_space<vmem>>) attributes {dimension_semantics = [#tpu.dimension_semantics<arbitrary>], iteration_bounds = array<i64: 32>, scalar_prefetch = 0 : i64, scratch_operands = 0 : i64, tpu.core_type = #tpu.core_type<tc>, window_params = [{transform_indices = @transform_0, window_bounds = array<i64: 3, 8192>}, {transform_indices = @transform_1, window_bounds = array<i64: 3, 8192>}, {transform_indices = @transform_2, window_bounds = array<i64: 3, 8192>}, {transform_indices = @transform_3, window_bounds = array<i64: 1, 8192>}, {transform_indices = @transform_4, window_bounds = array<i64: 1, 8192>}, {transform_indices = @transform_5, window_bounds = array<i64: 1, 8192>}, {transform_indices = @transform_6, window_bounds = array<i64: 3, 8192>}]} {
    %get3A = arith.constant 0 : index
    %get3A_0 = arith.constant 0 : index
    %get3A_1 = vector.load %arg1[%get3A, %get3A_0] : memref<3x8192xf32, #tpu.memory_space<vmem>>, vector<3x8192xf32>
    %get3A_2 = arith.constant 0 : index
    %get3A_3 = arith.constant 0 : index
    %get3A_4 = vector.load %arg4[%get3A_2, %get3A_3] : memref<1x8192xf32, #tpu.memory_space<vmem>>, vector<1x8192xf32>
    %mul3A = vector.broadcast %get3A_4 : vector<1x8192xf32> to vector<3x8192xf32>
    %mul3A_5 = arith.mulf %get3A_1, %mul3A : vector<3x8192xf32>
    %get3A_6 = arith.constant 0 : index
    %get3A_7 = arith.constant 0 : index
    %get3A_8 = vector.load %arg2[%get3A_6, %get3A_7] : memref<3x8192xf32, #tpu.memory_space<vmem>>, vector<3x8192xf32>
    %get3A_9 = arith.constant 0 : index
    %get3A_10 = arith.constant 0 : index
    %get3A_11 = vector.load %arg5[%get3A_9, %get3A_10] : memref<1x8192xf32, #tpu.memory_space<vmem>>, vector<1x8192xf32>
    %mul3A_12 = vector.broadcast %get3A_11 : vector<1x8192xf32> to vector<3x8192xf32>
    %mul3A_13 = arith.mulf %get3A_8, %mul3A_12 : vector<3x8192xf32>
    %add3A = arith.addf %mul3A_5, %mul3A_13 : vector<3x8192xf32>
    %get3A_14 = arith.constant 0 : index
    %get3A_15 = arith.constant 0 : index
    %get3A_16 = vector.load %arg3[%get3A_14, %get3A_15] : memref<3x8192xf32, #tpu.memory_space<vmem>>, vector<3x8192xf32>
    %get3A_17 = arith.constant 0 : index
    %get3A_18 = arith.constant 0 : index
    %get3A_19 = vector.load %arg6[%get3A_17, %get3A_18] : memref<1x8192xf32, #tpu.memory_space<vmem>>, vector<1x8192xf32>
    %mul3A_20 = vector.broadcast %get3A_19 : vector<1x8192xf32> to vector<3x8192xf32>
    %mul3A_21 = arith.mulf %get3A_16, %mul3A_20 : vector<3x8192xf32>
    %add3A_22 = arith.addf %add3A, %mul3A_21 : vector<3x8192xf32>
    %swap3A = arith.constant 0 : index
    %swap3A_23 = arith.constant 0 : index
    %swap3A_24 = vector.load %arg7[%swap3A, %swap3A_23] : memref<3x8192xf32, #tpu.memory_space<vmem>>, vector<3x8192xf32>
    tpu.vector_store %arg7[%swap3A, %swap3A_23], %add3A_22 {strides = array<i32>} : memref<3x8192xf32, #tpu.memory_space<vmem>>, vector<3x8192xf32>,
    return
  }
  func.func @transform_0(%arg0: i32) -> (i32, i32) {
    %c0_i32 = arith.constant 0 : i32
    %c0_i32_0 = arith.constant 0 : i32
    return %c0_i32, %arg0 : i32, i32
  }
  func.func @transform_1(%arg0: i32) -> (i32, i32) {
    %c0_i32 = arith.constant 0 : i32
    %c0_i32_0 = arith.constant 0 : i32
    return %c0_i32, %arg0 : i32, i32
  }
  func.func @transform_2(%arg0: i32) -> (i32, i32) {
    %c0_i32 = arith.constant 0 : i32
    %c0_i32_0 = arith.constant 0 : i32
    return %c0_i32, %arg0 : i32, i32
  }
  func.func @transform_3(%arg0: i32) -> (i32, i32) {
    %c0_i32 = arith.constant 0 : i32
    %c0_i32_0 = arith.constant 0 : i32
    return %c0_i32, %arg0 : i32, i32
  }
  func.func @transform_4(%arg0: i32) -> (i32, i32) {
    %c0_i32 = arith.constant 0 : i32
    %c0_i32_0 = arith.constant 0 : i32
    return %c0_i32, %arg0 : i32, i32
  }
  func.func @transform_5(%arg0: i32) -> (i32, i32) {
    %c0_i32 = arith.constant 0 : i32
    %c0_i32_0 = arith.constant 0 : i32
    return %c0_i32, %arg0 : i32, i32
  }
  func.func @transform_6(%arg0: i32) -> (i32, i32) {
    %c0_i32 = arith.constant 0 : i32
    %c0_i32_0 = arith.constant 0 : i32
    return %c0_i32, %arg0 : i32, i32
  }
}

</mosaic_0001>

<sc_bundles>
// kernel: sparse-core-data-format-call.cloned.1.call-start
scs
called_computation_lowered:
.L_overlay_start_0:
0x0: {  	s1 =	sld [smem:$0x3FD9]  }
0x1: {  	s2 =	sld [smem:$0x3FFE];
	_ =	sdelay $0x1  }
0x2: {  	s3 =	srdreg.scid  }
0x3: {  	s0 =	sand.u32 $0x1, s3  }
0x4: {  	s17 =	sshll.u32 s0, $0xA;
	s1 =	sadd.s32 s2, s1  }
0x5: {  	s1 =	sadd.s32 s1, s17  }
0x6: {  	[smem:$0x3FC6] =	sst s1  }
0x7: {  	_ = 	snop  }
0x8: {  	(tm) =	ssettm $0x1  }
0x9: {  	s18 =	sld [smem:$0x3FFB];
	_ =	sdelay $0x3  }
0xa: {  	_ =	strace s18  }
0xb: {  	s1 =	sld [smem:$0x3FFC];
	_ =	sdelay $0x3  }
0xc: {  	_ =	strace s1  }
0xd: {  	s1 =	sld [smem:$0x3FFD];
	_ =	sdelay $0x3  }
0xe: {  	_ =	strace s1  }
0xf: {  	_ =	strace $0x8FFFFFFF  }
0x10: {  	s19 =	sld [smem:$0x3FDB];
	_ =	sdelay $0x1  }
0x11: {  	s20 =	simm.s32 $_scs_section_size  }
0x12: {  	s4 =	simm.s32 $_size__tile_overlayer_lowered;
	s5 =	simm.s32 $_tile_overlayer_lowered  }
0x13: {  	s23 =	simm.s32 $0x1BFF;
	s22 =	sshll.u32 s5, $0x1;
	s1 =	sadd.s32 s20, s19  }
0x14: {  	s6 =	simm.s32 $0x0;
	s21 =	sshll.u32 s4, $0x1;
	s4 =	sadd.s32 s22, s1  }
0x15: {  	[timem:s6], [sflag:s23] =	dma.local [hbm:s4], s21  }
0x16: {  	_ =	swait.ge [sflag:s23], s21  }
0x17: {  	s2 =	ssub.s32 $0x0, s21;
	[sflag:s23] =	ssyncset.done $0x0  }
0x18: {  	[sflag:s23] =	ssyncadd.s32 s2;
	_ =	sdelay $0x1  }
0x19: {  	s24 =	simm.s32 $0x1B8B  }
0x1a: {  	_ =	swait.ge [sflag:s24], $0x1  }
0x1b: {  	[sflag:s24] =	ssyncset.done $0x0  }
0x1c: {  	s26 =	simm.s32 $0x1B8E;
	s25 =	sld [smem:$0x3FFE];
	[sflag:s24] =	ssyncadd.s32 $0xFFFFFFFF  }
0x1d: {  	s27 =	simm.s32 $execute0_lowered;
	[smem:$0x3FD2] =	sst s26  }
0x1e: {  	s4 =	sshll.u32 s27, $0x1;
	_ =	strace $0x80000046;
	[dreg:$0x1] =	wrdreg $0xFFFFFFFF  }
0x1f: {  	s28 =	simm.s32 $_size_execute0_lowered;
	s1 =	sadd.s32 s1, s4;
	[dreg:$0x0] =	wrdreg $0x0  }
0x20: {  	s4 =	sshll.u32 s28, $0x1;
	[dreg:$0x2] =	wrdreg s1  }
0x21: {  	[dreg:$0x3] =	wrdreg s4  }
0x22: {  	[dreg:$0x4] =	wrdreg $0xC0  }
0x23: {  	_ =	task [dreg:s6], $0x5FFFF  }
0x24: {  	[dreg:$0x1] =	wrdreg $0xFFFFFFFF  }
0x25: {  	[dreg:$0x0] =	wrdreg $0x60  }
0x26: {  	[dreg:$0x2] =	wrdreg s25  }
0x27: {  	[dreg:$0x3] =	wrdreg $0x9  }
0x28: {  	_ =	task.clear_ibuf [dreg:s6], $0x4FFFF;
	_ =	strace $0x90000046  }
0x29: {  	s29 =	simm.s32 $0x9;
	_ =	strace $0x80000048  }
0x2a: {  	_ =	swait.ge [sflag:s29], $0x1  }
0x2b: {  	[sflag:s29] =	ssyncadd.s32 $0xFFFFFFFF  }
0x2c: {  	_ =	strace $0x90000048  }
0x2d: {  	_ =	sfence  }
0x2e: {  	s30 =	sld [smem:$0x0];
	_ =	sdelay $0x2  }
0x2f: {  	s31 =	sshll.u32 s3, $0xD;
	s3 =	sshrl.u32 s3, $0x2  }
0x30: {  	s2 =	sand.u32 $0x4000, s31;
	s1 =	sadd.s32 s3, s30  }
0x31: {  	s0 =	sor.u32 s2, s0;
	s1 =	sshll.u32 s1, $0x11  }
0x32: {  	s0 =	sor.u32 s1, s0  }
0x33: {  	s0 =	sadd.s32 $0x8F2B, s0  }
0x34: {  	[sflag:s0] =	ssyncadd.remote.s32 $0x1  }
0x35: {  	_ =	sfence.sel $0xFFFF  }
0x36: {  	[dreg:$0x0] =	wrdreg $0xFFFFFFFF;
	(pc) =	sbr.abs _section_cstart, $3  }
0x37: {  	[dreg:$0x1] =	wrdreg $0xFFFFFFFF  }
0x38: {  	_ =	task.clear_ibuf [dreg:s6], $0x2FFFF;
	_ =	strace $0x9FFFFFFF  }
0x39: {  	(tm) =	ssettm $0x7FFFFFFF  }
tec
execute0_lowered:
.L_overlay_start_1:
0x0: {  	(tag) =	ssettag $0x1  }
0x1: {  	s4 =	stileid.u32  }
0x2: {  	s0 =	srdreg.scid;
	s3 =	rddreg [dreg:$0x0]  }
0x3: {  	_ =	strace $0x80000047;
	s30 =	simm.s32 $0x1;
	s31 =	simm.s32 $0x2  }
0x4: {  	s17 =	simm.s32 $0x0;
	s19 =	simm.s32 $0x0;
	s18 =	simm.s32 $0x0  }
0x5: {  	s10 =	simm.s32 $0x0;
	s1 =	sshll.u32 s4, $0x4;
	s0 =	sshll.u32 s0, $0x8  }
0x6: {  	s11 =	simm.s32 $0x0;
	s13 =	simm.s32 $0x0;
	s0 =	sor.u32 s1, s0  }
0x7: {  	s15 =	simm.s32 $0x0;
	s16 =	simm.s32 $0x0;
	s2 =	sand.u32 $0x180, s0  }
.Ltmp0:
0x8: {  	s28 =	sadd.s32 $0x1B8600, s3;
	s0 =	ssub.s32 $0x30D00, s2;
	(pc) =	sbr.rel .LBB1_1-.Ltmp0, $4  }
0x9: {  	s29 =	sadd.s32 $0x4AF6600, s3;
	s6 =	sand.u32 $0x7, s4;
	s0 =	sshrl.u32 s0, $0x9  }
0xa: {  	[sflag:s30] =	ssyncpa.u1 $0x0;
	[dreg:$0x2] =	wrdreg s28;
	s0 =	smul.u32 $0x3, s0  }
0xb: {  	[dreg:$0x3] =	wrdreg s29;
	[sflag:s31] =	ssyncpa.u1 $0x0;
	s14 =	smov.u32 s6  }
0xc: {  	s12 =	smov.u32 s2;
	s7 =	sadd.s32 $0x3, s0;
	s8 =	sadd.s32 $0x4, s0  }
.LBB1_13:
0xd: {  	s0 =	sshrl.u32 s13, $0x2;
	s1 =	sshll.u32 s10, $0x2;
	s3 =	sshll.u32 s13, $0x7  }
0xe: {  	p0 =	sgt.s32 s13, $0x3;
	s5 =	smov.u32 s10;
	s25 =	smul.u32 $0x49440, s11  }
0xf: {  	s26 =	rddreg [dreg:$0x3];
	s29 =	sor.u32 $0x2000, s23;
	s0 =	smul.u32 $0xC3600, s0  }
0x10: {  	s1 =	sand.u32 $0xFFFFFE00, s1;
	s9 =	sand.u32 $0x180, s3;
	s3 =	smov.u32 s13  }
0x11: {  	s31 =	simm.s32 $0xC3600;
	s3 =	simm.s32 @!p0 $0x3;
	s0 =	sadd.s32 s0, s1  }
0x12: {  	p0 =	sgt.s32 s10, $0x30D00;
	s3 =	sadd.s32 s20, s3;
	s0 =	sor.u32 s9, s0  }
0x13: {  	s5 =	simm.s32 @!p0 $0x30D00;
	s4 =	ssub.s32 $0x4, s3;
	s1 =	sshrl.u32 s0, $0x7  }
0x14: {  	s3 =	sadd.s32 $0xFFFFFFFD, s3;
	s22 =	sadd.s32 s22, s5;
	s1 =	smulhi.u32 $0xA7B7EF, s1  }
0x15: {  	s9 =	sand.u32 $0x7F, s10;
	s4 =	smul.u32 $0x3, s4;
	p0 =	sgt.s32 s3, $0x0  }
0x16: {  	s5 =	sadd.s32 $0xFFFCF300, s22;
	s3 =	ssub.s32 $0x30D80, s22;
	s1 =	sshrl.u32 s1, $0x2  }
0x17: {  	s0 =	sor.u32 s9, s0;
	s4 =	simm.s32 @p0 $0x0;
	s24 =	smul.u32 $0x30D80, s1  }
0x18: {  	p0 =	sgt.s32 s5, $0x7F;
	s4 =	smul.u32 s21, s4;
	s1 =	sand.u32 $0x3, s1  }
0x19: {  	s3 =	simm.s32 @p0 $0x0;
	s1 =	smul.u32 $0x61B0, s1;
	s0 =	ssub.s32 s0, s24  }
0x1a: {  	s3 =	smul.u32 s3, s4;
	s4 =	sadd.s32 s26, s25;
	s27 =	sand.u32 $0x7, s0  }
0x1b: {  	s0 =	sshrl.u32 s0, $0x3;
	s1 =	sadd.s32 s1, s4;
	s28 =	sshll.u32 s27, $0x12  }
0x1c: {  	s3 =	sand.u32 $0x3FFFFFFF, s3;
	s0 =	sadd.s32 s0, s1;
	s30 =	sor.u32 $0x80, s28  }
0x1d: {  	[hbm4b:s0+s30] =	stream.strided.scatter [tilespmem:s29], [sflag:$0x2], s3, s31, s30, $0x20;
	[tilespmem:$0x4040] =	vst v63  }
.LBB1_14:
0x1e: {  	p0 =	slt.u32 s16, $0x2  }
0x1f: {  	s0 =	smov.u32 s19;
	p1 =	sgt.s32 @!p0 s19, $0x7;
	s1 =	sshra.s32 @!p0 s19, $0x1F  }
0x20: {  	s3 =	sshra.s32 @!p0 s18, $0x1F;
	p2 =	sgt.s32 @!p0 s17, $0x30D00;
	p1 =	por !p1, p0  }
0x21: {  	s1 =	sand.u32 @!p0 s1, s19;
	s0 =	simm.s32 @p1 $0x7;
	p1 =	sgt.s32 @!p0 s18, $0x3  }
0x22: {  	s0 =	ssub.s32 @!p0 s0, s1;
	p1 =	por !p1, p0;
	s1 =	smov.u32 s18  }
0x23: {  	s3 =	sand.u32 @!p0 s3, s18;
	p2 =	por !p2, p0;
	s1 =	simm.s32 @p1 $0x3  }
0x24: {  	s4 =	sadd.s32 @!p0 $0xFFFFFFF9, s0;
	s0 =	ssub.s32 @!p0 $0x8, s0;
	s1 =	ssub.s32 @!p0 s1, s3  }
0x25: {  	p1 =	sgt.s32 @!p0 s4, $0x0;
	s4 =	smov.u32 s17;
	s3 =	sadd.s32 @!p0 $0xFFFFFFFD, s1  }
0x26: {  	s4 =	simm.s32 @p2 $0x30D00;
	p2 =	sgt.s32 @!p0 s3, $0x0;
	s3 =	sshra.s32 @!p0 s17, $0x1F  }
0x27: {  	s0 =	smul.u32 @!p0 $0x3, s0;
	p1 =	por !p1, p0;
	s3 =	sand.u32 @!p0 s3, s17  }
0x28: {  	s1 =	ssub.s32 @!p0 $0x4, s1;
	p2 =	por !p2, p0;
	s3 =	ssub.s32 @!p0 s4, s3  }
0x29: {  	s0 =	simm.s32 @!p1 $0x0;
	s1 =	simm.s32 @!p2 $0x0;
	s4 =	sadd.s32 @!p0 $0xFFFCF300, s3  }
0x2a: {  	s5 =	smov.u32 s14;
	s0 =	smul.u32 @!p0 s1, s0;
	p1 =	sgt.s32 @!p0 s4, $0x7F  }
0x2b: {  	s1 =	ssub.s32 @!p0 $0x30D80, s3;
	s3 =	sadd.s32 $0x200, s12;
	p1 =	por !p1, p0  }
0x2c: {  	s4 =	sadd.s32 $0x8, s14;
	s1 =	simm.s32 @!p1 $0x0;
	p1 =	sgt.s32 s3, $0x30D3F  }
0x2d: {  	s0 =	smul.u32 @!p0 s1, s0;
	s5 =	smov.u32 @p1 s4  }
0x2e: {  	s3 =	smov.u32 @p1 s2;
	s1 =	simm.s32 $0x1;
	p1 =	sgt.s32 s5, $0x7  }
0x2f: {  	s1 =	simm.s32 @!p1 $0x0  }
0x30: {  	s1 =	sadd.s32 s1, s15  }
0x31: {  	s19 =	smov.u32 s11;
	s5 =	smov.u32 @p1 s6;
	p1 =	sgt.s32 s1, $0x2  }
0x32: {  	s11 =	smov.u32 s14;
	s1 =	simm.s32 @p1 $0x0;
	p1 =	sne.s32 s16, s8  }
.Ltmp1:
0x33: {  	s18 =	smov.u32 s13;
	s13 =	smov.u32 s15;
	(pc) =	sbr.rel @!p1 .LBB1_15-.Ltmp1, $4  }
0x34: {  	s17 =	smov.u32 s10;
	s4 =	simm.s32 @!p0 $0x2;
	s0 =	sand.u32 @!p0 $0x3FFFFFFF, s0  }
0x35: {  	s10 =	smov.u32 s12;
	s12 =	smov.u32 s3;
	_ =	swait.ge @!p0 [sflag:s4], s0  }
0x36: {  	s0 =	ssub.s32 @!p0 $0x0, s0;
	s14 =	smov.u32 s5;
	[sflag:s4] =	ssyncset.done @!p0 $0x0  }
0x37: {  	s16 =	sadd.s32 $0x1, s16;
	[sflag:s4] =	ssyncadd.s32 @!p0 s0;
	s15 =	smov.u32 s1  }
.LBB1_1:
0x38: {  	p0 =	sge.u32 s16, s7;
	s3 =	smov.u32 s15  }
0x39: {  	s5 =	smov.u32 s14;
	s0 =	sand.u32 @!p0 $0x1FFFFFF, s12;
	p1 =	sgt.s32 @!p0 s15, $0x2  }
0x3a: {  	s4 =	sshra.s32 @!p0 s15, $0x1F;
	s9 =	sshra.s32 @!p0 s14, $0x1F;
	p1 =	por !p1, p0  }
0x3b: {  	s1 =	smulhi.u32 @!p0 $0x14F8B59, s0;
	s3 =	simm.s32 @p1 $0x2;
	p1 =	sgt.s32 @!p0 s14, $0x7  }
0x3c: {  	s4 =	sand.u32 @!p0 s4, s15;
	s9 =	sand.u32 @!p0 s9, s14;
	p1 =	por !p1, p0  }
0x3d: {  	s1 =	sshrl.u32 @!p0 s1, $0xA;
	s3 =	ssub.s32 @!p0 s3, s4;
	s5 =	simm.s32 @p1 $0x7  }
0x3e: {  	p1 =	sgt.s32 @!p0 s12, $0x30CC0;
	s3 =	sadd.s32 @!p0 $0xFFFFFFFE, s3;
	s4 =	ssub.s32 @!p0 s5, s9  }
0x3f: {  	p1 =	por !p1, p0;
	s9 =	smov.u32 s12;
	s5 =	sadd.s32 @!p0 $0xFFFFFFF9, s4  }
0x40: {  	s9 =	simm.s32 @p1 $0x30CC0;
	p2 =	sgt.s32 @!p0 s5, $0x0;
	s5 =	sshra.s32 @!p0 s12, $0x1F  }
0x41: {  	p1 =	sgt.s32 @!p0 s3, $0x0;
	s3 =	sshll.u32 @!p0 s3, $0x5;
	s5 =	sand.u32 @!p0 s5, s12  }
0x42: {  	s4 =	ssub.s32 @!p0 $0x8, s4;
	s3 =	ssub.s32 @!p0 $0x20, s3;
	s5 =	ssub.s32 @!p0 s9, s5  }
0x43: {  	p1 =	por !p1, p0;
	p2 =	por !p2, p0;
	s9 =	sadd.s32 @!p0 $0xFFFCF340, s5  }
0x44: {  	s3 =	simm.s32 @!p1 $0x0;
	s4 =	simm.s32 @!p2 $0x0;
	p2 =	sgt.s32 @!p0 s9, $0x7F  }
0x45: {  	s5 =	ssub.s32 @!p0 $0x30D40, s5;
	s3 =	smul.u32 @!p0 s4, s3;
	p1 =	por !p2, p0  }
0x46: {  	s1 =	smul.u32 @!p0 $0x30D40, s1;
	s5 =	simm.s32 @!p1 $0x0  }
0x47: {  	s3 =	smul.u32 @!p0 s5, s3  }
0x48: {  	s0 =	ssub.s32 @!p0 s0, s1;
	s5 =	smul.u32 @!p0 $0x186A000, s15  }
0x49: {  	s1 =	rddreg [dreg:$0x2];
	s4 =	sxor.u32 @!p0 $0xFFFFFFFF, s16;
	s9 =	smul.u32 @!p0 $0x30D400, s14  }
0x4a: {  	s0 =	sshll.u32 @!p0 s0, $0x4;
	s4 =	sshll.u32 @!p0 s4, $0xC;
	s1 =	sadd.s32 @!p0 s1, s5  }
0x4b: {  	s4 =	sand.u32 @!p0 $0x1000, s4;
	s3 =	sand.u32 @!p0 $0x3FFFFFE0, s3;
	s1 =	sadd.s32 @!p0 s9, s1  }
0x4c: {  	s5 =	simm.s32 @!p0 $0x80;
	s0 =	sadd.s32 @!p0 s0, s1;
	s1 =	simm.s32 @!p0 $0x20  }
0x4d: {  	[tilespmem:s4], [sflag:$0x1] =	stream.strided.gather @!p0 [hbm4b:s0+s1], s3, s5, s1, $0x38;
	[tilespmem:$0x4040] =	vst v63  }
0x4e: {  	p0 =	seq.s32 s16, $0x0  }
0x4f: {  	p1 =	sge.u32 @!p0 s16, s8  }
0x50: {  	p0 =	por p0, p1  }
.Ltmp2:
0x51: {  	_ = 	snop;
	(pc) =	sbr.rel @p0 .LBB1_14-.Ltmp2, $1  }
0x52: {  	_ =	sdelay $0x3  }
0x53: {  	s0 =	ssub.s32 $0x0, s13  }
0x54: {  	s1 =	sshra.s32 s13, $0x1F;
	p0 =	sgt.s32 s13, $0x2;
	s3 =	smov.u32 s13  }
0x55: {  	s26 =	sshra.s32 s11, $0x1F;
	s27 =	ssub.s32 $0x0, s10;
	s4 =	sshra.s32 s10, $0x1F  }
0x56: {  	p1 =	sgt.s32 s10, $0x30CC0;
	s5 =	smov.u32 s10;
	s20 =	sand.u32 s0, s1  }
0x57: {  	s3 =	simm.s32 @!p0 $0x2;
	p0 =	sgt.s32 s11, $0x7;
	s1 =	smov.u32 s11  }
0x58: {  	s22 =	sand.u32 s27, s4;
	s5 =	simm.s32 @!p1 $0x30CC0;
	s4 =	sadd.s32 $0x1, s11  }
0x59: {  	s0 =	sadd.s32 s20, s3;
	s1 =	simm.s32 @!p0 $0x7;
	s3 =	sand.u32 s26, s11  }
0x5a: {  	s0 =	sadd.s32 $0xFFFFFFFE, s0;
	s1 =	ssub.s32 s1, s3;
	s3 =	sadd.s32 s22, s5  }
0x5b: {  	p0 =	sgt.s32 s0, $0x0;
	s9 =	sadd.s32 $0xFFFFFFF9, s1;
	s0 =	sshll.u32 s0, $0x5  }
0x5c: {  	s21 =	ssub.s32 $0x8, s1;
	s28 =	sadd.s32 $0xFFFCF340, s3;
	s1 =	ssub.s32 $0x30D40, s3  }
0x5d: {  	s3 =	sadd.s32 $0x1, s13;
	p1 =	sgt.s32 s9, $0x0;
	s0 =	ssub.s32 $0x20, s0  }
0x5e: {  	s21 =	simm.s32 @p1 $0x0;
	s0 =	simm.s32 @p0 $0x0;
	p0 =	slt.s32 s3, $0x3  }
0x5f: {  	p1 =	sgt.s32 s28, $0x7F;
	s0 =	smul.u32 s21, s0;
	s3 =	simm.s32 @!p0 $0x3  }
0x60: {  	s1 =	simm.s32 @p1 $0x0;
	p0 =	slt.s32 s4, $0x8;
	s24 =	ssub.s32 s3, s13  }
0x61: {  	s4 =	simm.s32 @!p0 $0x8;
	s0 =	smul.u32 s1, s0;
	s1 =	sadd.s32 $0x80, s10  }
0x62: {  	s25 =	ssub.s32 s4, s11;
	p0 =	slt.s32 s24, $0x1;
	p1 =	slt.s32 s1, $0x30D40  }
0x63: {  	s1 =	simm.s32 @!p1 $0x30D40;
	p1 =	slt.s32 @!p0 s25, $0x1  }
0x64: {  	s26 =	ssub.s32 s1, s10;
	p1 =	por p0, p1  }
0x65: {  	p2 =	slt.s32 @!p1 s26, $0x1  }
0x66: {  	p1 =	por p1, p2  }
.Ltmp3:
0x67: {  	_ = 	snop;
	(pc) =	sbr.rel @p1 .LBB1_13-.Ltmp3, $4  }
0x68: {  	s30 =	simm.s32 $0x1;
	s29 =	sand.u32 $0x3FFFFFE0, s0  }
0x69: {  	_ =	swait.ge [sflag:s30], s29  }
0x6a: {  	s0 =	sand.u32 $0x1, s16;
	s31 =	ssub.s32 $0x0, s29;
	[sflag:s30] =	ssyncset.done $0x0  }
0x6b: {  	s23 =	smul.u32 $0x1020, s0;
	[sflag:s30] =	ssyncadd.s32 s31  }
.Ltmp4:
0x6c: {  	(pc) =	sbr.rel .LBB1_4-.Ltmp4, $2  }
0x6d: {  	_ =	sdelay $0x2  }
0x6e: {  	s27 =	sshll.u32 @!p0 s0, $0xC;
	s29 =	simm.s32 $0x0;
	s28 =	sor.u32 @!p0 $0x2000, s23  }
.LBB1_12:
0x6f: {  	s29 =	sadd.s32 $0x1, s29  }
0x70: {  	p0 =	sne.s32 s29, s24  }
.Ltmp5:
0x71: {  	_ = 	snop;
	(pc) =	sbr.rel @!p0 .LBB1_13-.Ltmp5, $1  }
0x72: {  	_ =	sdelay $0x3  }
.LBB1_4:
0x73: {  	s0 =	sand.u32 $0x3, s29  }
0x74: {  	s0 =	smul.u32 $0x204, s0;
	_ =	sdelay $0x1  }
0x75: {  	s0 =	sshrl.u32 s0, $0x2  }
0x76: {  	s31 =	simm.s32 $0x0;
	s30 =	sadd.s32 s0, s28  }
.LBB1_5:
0x77: {  	s0 =	sadd.s32 s29, s31  }
0x78: {  	s0 =	sshll.u32 s0, $0xE  }
0x79: {  	s0 =	sshra.s32 s0, $0x2  }
0x7a: {  	p1 =	sne.s32 s26, $0x1;
	s0 =	sadd.s32 s0, s27  }
.Ltmp6:
0x7b: {  	v0 =	vmov s0;
	(pc) =	sbr.rel @!p1 .LBB1_6-.Ltmp6, $3  }
0x7c: {  	s1 =	smul.u32 $0x4080, s31;
	_ =	sdelay $0x1  }
0x7d: {  	s3 =	simm.s32 $0x0;
	p0 =	por $0x0, $0x0;
	s1 =	sshra.s32 s1, $0x2  }
0x7e: {  	s4 =	sand.u32 $0xFE0, s3;
	s1 =	sadd.s32 s1, s30;
	s0 =	simm.s32 $0x1  }
0x7f: {  	_ =	sdelay $0x2  }
0x80: {  	p1 =	sne.s32 s26, $0x2  }
.Ltmp7:
0x81: {  	v1 =	vld.idx.msk [tilespmem:v0+s4+$0x0 ss:$0x1], $0xffff;
	(pc) =	sbr.rel @!p1 .LBB1_8-.Ltmp7, $3  }
0x82: {  	_ =	sdelay $0x1  }
0x83: {  	s9 =	simm.s32 $0x2;
	s5 =	sand.u32 $0x7F, s3;
	s3 =	simm.s32 $0x20  }
0x84: {  	p0 =	por $0x1, $0x1;
	s4 =	sand.u32 $0xFE0, s3;
	s5 =	sadd.s32 s5, s1  }
.LBB1_9:
0x85: {  	[tilespmem:s5+$0x0 ss:$0x81] =	vst.msk $0xffff, v1;
	v1 =	vld.idx.msk [tilespmem:v0+s4+$0x0 ss:$0x1], $0xffff;
	s4 =	smov.u32 s9;
	s9 =	sadd.s32 $0x1, s9  }
0x86: {  	p1 =	sne.s32 s26, s9  }
.Ltmp8:
0x87: {  	(pc) =	sbr.rel @p1 .LBB1_9-.Ltmp8, $3  }
0x88: {  	_ =	sdelay $0x1  }
0x89: {  	s5 =	sand.u32 $0x7F, s0;
	s3 =	sadd.s32 $0x20, s3;
	s0 =	smov.u32 s4  }
0x8a: {  	s4 =	sand.u32 $0xFE0, s3;
	s5 =	sadd.s32 s5, s1  }
0x8b: {  	s3 =	smov.u32 s0  }
.LBB1_11:
0x8c: {  	_ =	sdelay $0x2  }
0x8d: {  	s31 =	sadd.s32 $0x1, s31  }
0x8e: {  	v0 =	vld.idx.msk [tilespmem:v0+s4+$0x0 ss:$0x1], $0xffff;
	[tilespmem:s5+$0x0 ss:$0x81] =	vst.msk @p0 $0xffff, v1;
	p0 =	sne.s32 s31, s25  }
.Ltmp9:
0x8f: {  	_ = 	snop;
	(pc) =	sbr.rel @p0 .LBB1_5-.Ltmp9, $4  }
.Ltmp10:
0x90: {  	_ = 	snop;
	(pc) =	sbr.rel @!p0 .LBB1_12-.Ltmp10, $4  }
0x91: {  	s0 =	sand.u32 $0x7F, s3  }
0x92: {  	s0 =	sadd.s32 s0, s1  }
0x93: {  	[tilespmem:s0+$0x0 ss:$0x81] =	vst.msk $0xffff, v0  }
0x94: {  	_ = 	snop  }
.LBB1_6:
.Ltmp11:
0x95: {  	(pc) =	sbr.rel .LBB1_11-.Ltmp11, $2  }
0x96: {  	_ =	sdelay $0x2  }
0x97: {  	_ = 	snop  }
.LBB1_8:
.Ltmp12:
0x98: {  	(pc) =	sbr.rel .LBB1_11-.Ltmp12, $2  }
0x99: {  	_ =	sdelay $0x2  }
0x9a: {  	s3 =	simm.s32 $0x1  }
.LBB1_15:
0x9b: {  	_ =	sfence.sel $0x180000  }
0x9c: {  	s0 =	simm.s32 $0x1;
	[bflag:$0x0] =	sbarrier.arrive $0xFFFF  }
0x9d: {  	s30 =	simm.s32 $0x2;
	[sflag:s0] =	ssyncpa.u1 $0x1  }
0x9e: {  	[sflag:s30] =	ssyncpa.u1 $0x1  }
0x9f: {  	_ =	strace $0x90000047  }
0xa0: {  	s31 =	stileid.u32;
	[bflag:$0x2] =	sbarrier.arrive $0xFFFF  }
0xa1: {  	p0 =	sne.s32 s31, $0x0;
	s0 =	rddreg [dreg:$0x1]  }
0xa2: {  	s0 =	sadd.s32 @!p0 $0x100000, s0  }
0xa3: {  	[sflag:s0] =	ssyncadd.tile.s32 @!p0 $0x1;
	_ =	shalt  }
.Lfunc_end1:
_tile_overlayer_lowered:
.L_overlay_start_2:
0xa4: {  	(tag) =	ssettag $0x2  }
0xa5: {  	s0 =	rddreg [dreg:$0x0];
	s2 =	stileid.u32  }
0xa6: {  	s1 =	rddreg [dreg:$0x1];
	p0 =	sne.s32 s2, $0x0  }
0xa7: {  	s3 =	rddreg [dreg:$0x2];
	[bflag:$0x3] =	sbarrier.arrive $0xFFFF;
	s2 =	simm.s32 @!p0 $0x1C01  }
0xa8: {  	[timem:s3], [sflag:s2] =	dma.local @!p0 [hbm:s0], s1  }
0xa9: {  	s0 =	simm.s32 @!p0 $0x1  }
0xaa: {  	_ =	swait.ge @!p0 [sflag:s0], s1  }
0xab: {  	s1 =	ssub.s32 @!p0 $0x0, s1;
	[sflag:s0] =	ssyncset.done @!p0 $0x0  }
0xac: {  	[sflag:s0] =	ssyncadd.s32 @!p0 s1  }
0xad: {  	[bflag:$0x3] =	sbarrier.arrive $0xFFFF  }
0xae: {  	_ =	shalt  }

</sc_bundles>
